<compile_context>
chip_gen: v7x
topology: tpu7x:2x2x1
jax: 0.10.2.dev20260603
libtpu: 0.0.44.dev20260713+nightly
codegen_flags: <defaults>
</compile_context>

<pallas_src>
import functools

import jax
import jax.numpy as jnp
from jax import lax
from jax.experimental import pallas as pl
from jax.experimental.pallas import tpu as pltpu
from jax.experimental.pallas import tpu_sc as plsc

N_NODES = 10000
D = 128
N_EDGES = 320000
N_LABEL = 100000

NC = 2
NS = 16
NW = NC * NS
L = 16

C = 128

N_PAD = 10112
TRASH_ROW = 10048
ROWS_PER_TILE = N_PAD // NS

CH_E = 79
E_PAD = NW * CH_E * C
CH_L = 25
NL_PAD = NW * CH_L * C
NP_ROWS = NL_PAD // 8

_MESH = plsc.VectorSubcoreMesh(
    core_axis_name="c", subcore_axis_name="s", num_cores=NC, num_subcores=NS
)

_CHUNKS_632 = ((0, 128), (128, 128), (256, 128), (384, 128), (512, 120))


def _fill_rows(buf, val16):
  @pl.loop(0, C)
  def _row(r):
    for j in range(D // L):
      buf[r, pl.ds(j * L, L)] = val16


def _zero_shared_slice(rbase, zsrc_v, dst_sh):
  for off, sz in _CHUNKS_632:
    pltpu.sync_copy(zsrc_v.at[pl.ds(0, sz)], dst_sh.at[pl.ds(rbase + off, sz)])


def _copy_out_slice(c, rbase, src_sh, bounce_v, out_hbm):
  for off, sz in _CHUNKS_632:
    pltpu.sync_copy(src_sh.at[pl.ds(rbase + off, sz)],
                    bounce_v.at[pl.ds(0, sz)])
    pltpu.sync_copy(bounce_v.at[pl.ds(0, sz)],
                    out_hbm.at[c, pl.ds(rbase + off, sz)])


def _sc_agg_body(x_hbm, src_hbm, dst_hbm, agg_out,
                 src_v, src_vb, dst_all, rows_v, acc_sh, sem, sem_ia, sem_ib):
  c = lax.axis_index("c")
  s = lax.axis_index("s")
  wid = c * NS + s
  rbase = s * ROWS_PER_TILE

  pltpu.sync_copy(dst_hbm.at[wid], dst_all)

  _fill_rows(rows_v, jnp.zeros((L,), jnp.float32))
  _zero_shared_slice(rbase, rows_v, acc_sh)
  plsc.subcore_barrier()

  ebase0 = wid * (CH_E * C)

  pltpu.async_copy(src_hbm.at[pl.ds(ebase0, C)], src_v, sem_ia)

  @pl.loop(0, CH_E // 2)
  def _edge_pair(i):
    pltpu.async_copy(
        src_hbm.at[pl.ds(ebase0 + (2 * i + 1) * C, C)], src_vb, sem_ib)
    pltpu.make_async_copy(src_hbm, src_v, sem_ia).wait()
    pltpu.async_copy(x_hbm.at[src_v], rows_v, sem).wait()
    pltpu.sync_copy(rows_v, acc_sh.at[dst_all.at[2 * i]], add=True)
    pltpu.async_copy(
        src_hbm.at[pl.ds(ebase0 + (2 * i + 2) * C, C)], src_v, sem_ia)
    pltpu.make_async_copy(src_hbm, src_vb, sem_ib).wait()
    pltpu.async_copy(x_hbm.at[src_vb], rows_v, sem).wait()
    pltpu.sync_copy(rows_v, acc_sh.at[dst_all.at[2 * i + 1]], add=True)

  pltpu.make_async_copy(src_hbm, src_v, sem_ia).wait()
  pltpu.async_copy(x_hbm.at[src_v], rows_v, sem).wait()
  pltpu.sync_copy(rows_v, acc_sh.at[dst_all.at[CH_E - 1]], add=True)

  plsc.subcore_barrier()
  _copy_out_slice(c, rbase, acc_sh, rows_v, agg_out)


_sc_agg = pl.kernel(
    _sc_agg_body,
    out_type=jax.ShapeDtypeStruct((NC, N_PAD, D), jnp.float32),
    mesh=_MESH,
    scratch_types=[
        pltpu.VMEM((C,), jnp.int32),
        pltpu.VMEM((C,), jnp.int32),
        pltpu.VMEM((CH_E, C), jnp.int32),
        pltpu.VMEM((C, D), jnp.float32),
        pltpu.VMEM_SHARED((N_PAD, D), jnp.float32),
        pltpu.SemaphoreType.DMA,
        pltpu.SemaphoreType.DMA,
        pltpu.SemaphoreType.DMA,
    ],
)


def _sc_cnt_body(dst_hbm, cnt_out, dst_all, ones_v, cnt_sh, sem):
  c = lax.axis_index("c")
  s = lax.axis_index("s")
  wid = c * NS + s
  rbase = s * ROWS_PER_TILE

  pltpu.sync_copy(dst_hbm.at[wid], dst_all)

  _fill_rows(ones_v, jnp.zeros((L,), jnp.float32))
  _zero_shared_slice(rbase, ones_v, cnt_sh)
  _fill_rows(ones_v, jnp.ones((L,), jnp.float32))
  plsc.subcore_barrier()

  @pl.loop(0, CH_E)
  def _edge_chunk(i):
    pltpu.sync_copy(ones_v, cnt_sh.at[dst_all.at[i]], add=True)

  plsc.subcore_barrier()
  _copy_out_slice(c, rbase, cnt_sh, ones_v, cnt_out)


_sc_cnt = pl.kernel(
    _sc_cnt_body,
    out_type=jax.ShapeDtypeStruct((NC, N_PAD, D), jnp.float32),
    mesh=_MESH,
    scratch_types=[
        pltpu.VMEM((CH_E, C), jnp.int32),
        pltpu.VMEM((C, D), jnp.float32),
        pltpu.VMEM_SHARED((N_PAD, D), jnp.float32),
        pltpu.SemaphoreType.DMA,
    ],
)


def _sc_score_body(h_hbm, ia_hbm, ib_hbm, part_out,
                   ia_all, ib_all, rows_a, rows_b, pack_v, sem):
  c = lax.axis_index("c")
  s = lax.axis_index("s")
  wid = c * NS + s

  pltpu.sync_copy(ia_hbm.at[wid], ia_all)
  pltpu.sync_copy(ib_hbm.at[wid], ib_all)

  @pl.loop(0, CH_L)
  def _label_chunk(i):
    da = pltpu.async_copy(h_hbm.at[ia_all.at[i]], rows_a, sem)
    db = pltpu.async_copy(h_hbm.at[ib_all.at[i]], rows_b, sem)
    da.wait()
    db.wait()

    @pl.loop(0, C // L)
    def _group(g):
      for r16 in range(L):
        r = g * L + r16
        acc = rows_a[r, pl.ds(0, L)] * rows_b[r, pl.ds(0, L)]
        for j in range(1, D // L):
          acc += rows_a[r, pl.ds(j * L, L)] * rows_b[r, pl.ds(j * L, L)]
        pack_v[2 * g + r16 // 8, pl.ds((r16 % 8) * L, L)] = acc

    pbase = wid * (CH_L * C // 8) + i * (C // 8)
    pltpu.sync_copy(pack_v, part_out.at[pl.ds(pbase, C // 8)])


_sc_score = pl.kernel(
    _sc_score_body,
    out_type=jax.ShapeDtypeStruct((NP_ROWS, D), jnp.float32),
    mesh=_MESH,
    scratch_types=[
        pltpu.VMEM((CH_L, C), jnp.int32),
        pltpu.VMEM((CH_L, C), jnp.int32),
        pltpu.VMEM((C, D), jnp.float32),
        pltpu.VMEM((C, D), jnp.float32),
        pltpu.VMEM((C // 8, D), jnp.float32),
        pltpu.SemaphoreType.DMA,
    ],
)


def _tc_dense_body(relu, agg_ref, cnt_ref, x_ref, wl_ref, wr_ref, b_ref, out_ref):
  agg = agg_ref[0] + agg_ref[1]
  cnt = cnt_ref[0, :, 0:1] + cnt_ref[1, :, 0:1]
  mean = agg / jnp.maximum(cnt, 1.0)
  h = (jnp.dot(mean, wl_ref[:], preferred_element_type=jnp.float32)
       + jnp.dot(x_ref[:], wr_ref[:], preferred_element_type=jnp.float32)
       + b_ref[:])
  if relu:
    h = jnp.maximum(h, 0.0)
  out_ref[:] = h


def _tc_dense(agg, cnt, x, w_l, w_r, b, relu):
  grid = 4
  r = N_PAD // grid
  return pl.pallas_call(
      functools.partial(_tc_dense_body, relu),
      grid=(grid,),
      in_specs=[
          pl.BlockSpec((NC, r, D), lambda i: (0, i, 0)),
          pl.BlockSpec((NC, r, D), lambda i: (0, i, 0)),
          pl.BlockSpec((r, D), lambda i: (i, 0)),
          pl.BlockSpec((D, D), lambda i: (0, 0)),
          pl.BlockSpec((D, D), lambda i: (0, 0)),
          pl.BlockSpec((1, D), lambda i: (0, 0)),
      ],
      out_specs=pl.BlockSpec((r, D), lambda i: (i, 0)),
      out_shape=jax.ShapeDtypeStruct((N_PAD, D), jnp.float32),
  )(agg, cnt, x, w_l, w_r, b)


def _tc_reduce_body(part_ref, out_ref):
  cols = [jnp.sum(part_ref[:, q * L:(q + 1) * L], axis=1, keepdims=True)
          for q in range(8)]
  out_ref[:] = jnp.concatenate(cols, axis=1)


def _tc_reduce(part):
  grid = 8
  r = NP_ROWS // grid
  return pl.pallas_call(
      _tc_reduce_body,
      grid=(grid,),
      in_specs=[pl.BlockSpec((r, D), lambda i: (i, 0))],
      out_specs=pl.BlockSpec((r, 8), lambda i: (i, 0)),
      out_shape=jax.ShapeDtypeStruct((NP_ROWS, 8), jnp.float32),
  )(part)


def kernel(node_feature, edge_index, edge_label_index, W1_l, W1_r, b1, W2_l, W2_r, b2):
  ei = edge_index.astype(jnp.int32)
  src = jnp.concatenate(
      [ei[0], jnp.zeros((E_PAD - N_EDGES,), jnp.int32)])
  dst = jnp.concatenate(
      [ei[1], jnp.full((E_PAD - N_EDGES,), TRASH_ROW, jnp.int32)]
  ).reshape(NW, CH_E, C)
  eli = edge_label_index.astype(jnp.int32)
  ia = jnp.concatenate(
      [eli[0], jnp.zeros((NL_PAD - N_LABEL,), jnp.int32)]).reshape(NW, CH_L, C)
  ib = jnp.concatenate(
      [eli[1], jnp.zeros((NL_PAD - N_LABEL,), jnp.int32)]).reshape(NW, CH_L, C)

  x = jnp.concatenate(
      [node_feature, jnp.zeros((N_PAD - N_NODES, D), jnp.float32)])

  cnt = _sc_cnt(dst)
  agg1 = _sc_agg(x, src, dst)
  h1 = _tc_dense(agg1, cnt, x, W1_l, W1_r, b1.reshape(1, D), relu=True)
  agg2 = _sc_agg(h1, src, dst)
  h2 = _tc_dense(agg2, cnt, h1, W2_l, W2_r, b2.reshape(1, D), relu=False)
  part = _sc_score(h2, ia, ib)
  pred = _tc_reduce(part)
  return pred.reshape(NL_PAD)[:N_LABEL]

# --- scband reference (transcript-rebuilt; emitter-appended) ---
"""Pipeline reference for scband-link-pred-model-49297634623738 (READ-ONLY COPY).

The authoritative reference and input builder live on the scoring server;
editing this copy changes nothing except your own understanding.
"""

import jax, jax.numpy as jnp
import numpy as np

N_NODES = 10000
D_IN = 128
D_HID = 128
D_OUT = 128
N_EDGES = 320000
N_LABEL = 100000


def _sage_conv(x, src, dst, W_l, W_r, b, num_nodes):
    # PyG SAGEConv with mean aggregation:
    # out = lin_l(mean_{j in N(i)} x_j) + lin_r(x_i)
    msgs = x[src]
    agg = jax.ops.segment_sum(msgs, dst, num_segments=num_nodes)
    cnt = jax.ops.segment_sum(jnp.ones((src.shape[0],), dtype=x.dtype), dst, num_segments=num_nodes)
    mean = agg / jnp.clip(cnt, 1.0)[:, None]
    return mean @ W_l + x @ W_r + b


def setup_inputs(seed: int = 0) -> dict:
    key = jax.random.key(seed)
    k1, k2, k3, k4, k5, k6, k7 = jax.random.split(key, 7)
    node_feature = jax.random.normal(k1, (N_NODES, D_IN), dtype=jnp.float32)
    edge_index = jax.random.randint(k2, (2, N_EDGES), 0, N_NODES, dtype=jnp.int64)
    edge_label_index = jax.random.randint(k3, (2, N_LABEL), 0, N_NODES, dtype=jnp.int64)
    s1 = 1.0 / np.sqrt(D_IN)
    s2 = 1.0 / np.sqrt(D_HID)
    W1_l = jax.random.uniform(k4, (D_IN, D_HID), dtype=jnp.float32, minval=-s1, maxval=s1)
    W1_r = jax.random.uniform(k5, (D_IN, D_HID), dtype=jnp.float32, minval=-s1, maxval=s1)
    b1 = jnp.zeros((D_HID,), dtype=jnp.float32)
    W2_l = jax.random.uniform(k6, (D_HID, D_OUT), dtype=jnp.float32, minval=-s2, maxval=s2)
    W2_r = jax.random.uniform(k7, (D_HID, D_OUT), dtype=jnp.float32, minval=-s2, maxval=s2)
    b2 = jnp.zeros((D_OUT,), dtype=jnp.float32)
    return {
        "node_feature": node_feature,
        "edge_index": edge_index,
        "edge_label_index": edge_label_index,
        "W1_l": W1_l, "W1_r": W1_r, "b1": b1,
        "W2_l": W2_l, "W2_r": W2_r, "b2": b2,
    }


def reference(node_feature, edge_index, edge_label_index, W1_l, W1_r, b1, W2_l, W2_r, b2):
    src = edge_index[0]
    dst = edge_index[1]
    h = _sage_conv(node_feature, src, dst, W1_l, W1_r, b1, N_NODES)
    h = jax.nn.relu(h)
    # dropout is identity in eval mode
    h = _sage_conv(h, src, dst, W2_l, W2_r, b2, N_NODES)
    source_node = h[edge_label_index[0]]
    destination_node = h[edge_label_index[1]]
    pred = source_node * destination_node
    pred = jnp.sum(pred, -1)
    return pred

if __name__ == "__main__":
    import jax
    _d = setup_inputs()
    print(jax.jit(kernel)(*tuple(_d.values())))

</pallas_src>

<mosaic_0001>
#map = affine_map<(d0, d1) -> (0, 0)>
#map1 = affine_map<(d0, d1) -> (0, 0, 0)>
module attributes {stable_mosaic.version = 14 : i64} {
  func.func @_sc_score_body(%arg0: i32, %arg1: i32, %arg2: memref<10112x128xf32, #tpu.memory_space<hbm>>, %arg3: memref<32x25x128xi32, #tpu.memory_space<hbm>>, %arg4: memref<32x25x128xi32, #tpu.memory_space<hbm>>, %arg5: memref<12800x128xf32, #tpu.memory_space<hbm>>, %arg6: memref<25x128xi32, #tpu.memory_space<vmem>>, %arg7: memref<25x128xi32, #tpu.memory_space<vmem>>, %arg8: memref<128x128xf32, #tpu.memory_space<vmem>>, %arg9: memref<128x128xf32, #tpu.memory_space<vmem>>, %arg10: memref<16x128xf32, #tpu.memory_space<vmem>>, %arg11: memref<!tpu.dma_semaphore, #tpu.memory_space<semaphore_mem>>) attributes {dimension_semantics = [#tpu.dimension_semantics<core_parallel>, #tpu.dimension_semantics<subcore_parallel>], iteration_bounds = array<i64: 2, 16>, scalar_prefetch = 0 : i64, scratch_operands = 6 : i64, tpu.core_type = #tpu.core_type<sc_vector_subcore>, window_params = [{transform_indices = #map}, {transform_indices = #map1}, {transform_indices = #map1}, {transform_indices = #map}]} {
    %mul3A = arith.constant 16 : i32
    %mul3A_0 = arith.muli %arg0, %mul3A : i32
    %add3A = arith.addi %mul3A_0, %arg1 : i32
    "tpu.region"() ({
      %run_scoped3A = tpu.sem_alloc : memref<!tpu.dma_semaphore, #tpu.memory_space<semaphore_mem>>
      %dma_start3A = arith.constant 0 : i32
      %dma_start3A_5 = arith.constant 0 : i32
      %dma_start3A_6 = tpu.memref_slice %arg3[%add3A, %dma_start3A, %dma_start3A_5] : memref<32x25x128xi32, #tpu.memory_space<hbm>> -> memref<1x25x128xi32, #tpu.memory_space<hbm>>
      %dma_start3A_7 = tpu.memref_squeeze %dma_start3A_6 : memref<1x25x128xi32, #tpu.memory_space<hbm>> -> memref<25x128xi32, #tpu.memory_space<hbm>>
      %dma_start3A_8 = arith.constant 0 : i32
      %dma_start3A_9 = arith.constant 0 : i32
      %dma_start3A_10 = tpu.memref_slice %arg3[%add3A, %dma_start3A_8, %dma_start3A_9] : memref<32x25x128xi32, #tpu.memory_space<hbm>> -> memref<1x25x128xi32, #tpu.memory_space<hbm>>
      %dma_start3A_11 = tpu.memref_squeeze %dma_start3A_10 : memref<1x25x128xi32, #tpu.memory_space<hbm>> -> memref<25x128xi32, #tpu.memory_space<hbm>>
      tpu.enqueue_dma source(%dma_start3A_11 : memref<25x128xi32, #tpu.memory_space<hbm>>) target(%arg6 : memref<25x128xi32, #tpu.memory_space<vmem>>) target_semaphore(%run_scoped3A : memref<!tpu.dma_semaphore, #tpu.memory_space<semaphore_mem>>)
      %dma_wait3A = arith.constant 0 : i32
      %dma_wait3A_12 = arith.constant 0 : i32
      %dma_wait3A_13 = tpu.memref_slice %arg3[%add3A, %dma_wait3A, %dma_wait3A_12] : memref<32x25x128xi32, #tpu.memory_space<hbm>> -> memref<1x25x128xi32, #tpu.memory_space<hbm>>
      %dma_wait3A_14 = tpu.memref_squeeze %dma_wait3A_13 : memref<1x25x128xi32, #tpu.memory_space<hbm>> -> memref<25x128xi32, #tpu.memory_space<hbm>>
      %dma_wait3A_15 = arith.constant 0 : i32
      %dma_wait3A_16 = arith.constant 0 : i32
      %dma_wait3A_17 = tpu.memref_slice %arg3[%add3A, %dma_wait3A_15, %dma_wait3A_16] : memref<32x25x128xi32, #tpu.memory_space<hbm>> -> memref<1x25x128xi32, #tpu.memory_space<hbm>>
      %dma_wait3A_18 = tpu.memref_squeeze %dma_wait3A_17 : memref<1x25x128xi32, #tpu.memory_space<hbm>> -> memref<25x128xi32, #tpu.memory_space<hbm>>
      tpu.wait_dma2 semaphore(%run_scoped3A : memref<!tpu.dma_semaphore, #tpu.memory_space<semaphore_mem>>) src(%dma_wait3A_18 : memref<25x128xi32, #tpu.memory_space<hbm>>) dst(%arg6 : memref<25x128xi32, #tpu.memory_space<vmem>>)
      tpu.yield
    }) : () -> ()
    "tpu.region"() ({
      %run_scoped3A = tpu.sem_alloc : memref<!tpu.dma_semaphore, #tpu.memory_space<semaphore_mem>>
      %dma_start3A = arith.constant 0 : i32
      %dma_start3A_5 = arith.constant 0 : i32
      %dma_start3A_6 = tpu.memref_slice %arg4[%add3A, %dma_start3A, %dma_start3A_5] : memref<32x25x128xi32, #tpu.memory_space<hbm>> -> memref<1x25x128xi32, #tpu.memory_space<hbm>>
      %dma_start3A_7 = tpu.memref_squeeze %dma_start3A_6 : memref<1x25x128xi32, #tpu.memory_space<hbm>> -> memref<25x128xi32, #tpu.memory_space<hbm>>
      %dma_start3A_8 = arith.constant 0 : i32
      %dma_start3A_9 = arith.constant 0 : i32
      %dma_start3A_10 = tpu.memref_slice %arg4[%add3A, %dma_start3A_8, %dma_start3A_9] : memref<32x25x128xi32, #tpu.memory_space<hbm>> -> memref<1x25x128xi32, #tpu.memory_space<hbm>>
      %dma_start3A_11 = tpu.memref_squeeze %dma_start3A_10 : memref<1x25x128xi32, #tpu.memory_space<hbm>> -> memref<25x128xi32, #tpu.memory_space<hbm>>
      tpu.enqueue_dma source(%dma_start3A_11 : memref<25x128xi32, #tpu.memory_space<hbm>>) target(%arg7 : memref<25x128xi32, #tpu.memory_space<vmem>>) target_semaphore(%run_scoped3A : memref<!tpu.dma_semaphore, #tpu.memory_space<semaphore_mem>>)
      %dma_wait3A = arith.constant 0 : i32
      %dma_wait3A_12 = arith.constant 0 : i32
      %dma_wait3A_13 = tpu.memref_slice %arg4[%add3A, %dma_wait3A, %dma_wait3A_12] : memref<32x25x128xi32, #tpu.memory_space<hbm>> -> memref<1x25x128xi32, #tpu.memory_space<hbm>>
      %dma_wait3A_14 = tpu.memref_squeeze %dma_wait3A_13 : memref<1x25x128xi32, #tpu.memory_space<hbm>> -> memref<25x128xi32, #tpu.memory_space<hbm>>
      %dma_wait3A_15 = arith.constant 0 : i32
      %dma_wait3A_16 = arith.constant 0 : i32
      %dma_wait3A_17 = tpu.memref_slice %arg4[%add3A, %dma_wait3A_15, %dma_wait3A_16] : memref<32x25x128xi32, #tpu.memory_space<hbm>> -> memref<1x25x128xi32, #tpu.memory_space<hbm>>
      %dma_wait3A_18 = tpu.memref_squeeze %dma_wait3A_17 : memref<1x25x128xi32, #tpu.memory_space<hbm>> -> memref<25x128xi32, #tpu.memory_space<hbm>>
      tpu.wait_dma2 semaphore(%run_scoped3A : memref<!tpu.dma_semaphore, #tpu.memory_space<semaphore_mem>>) src(%dma_wait3A_18 : memref<25x128xi32, #tpu.memory_space<hbm>>) dst(%arg7 : memref<25x128xi32, #tpu.memory_space<vmem>>)
      tpu.yield
    }) : () -> ()
    %scan3A = arith.constant 0 : i32
    %scan3A_1 = arith.constant 25 : i32
    %scan3A_2 = arith.addi %scan3A, %scan3A_1 : i32
    %scan3A_3 = arith.constant 1 : i32
    scf.for %scan3A_5 = %scan3A to %scan3A_2 step %scan3A_3  : i32 {
      %mul3A_6 = arith.constant 1 : i32
      %mul3A_7 = arith.muli %scan3A_5, %mul3A_6 : i32
      %add3A_8 = arith.constant 0 : i32
      %add3A_9 = arith.addi %add3A_8, %mul3A_7 : i32
      %dma_start3A = arith.constant 0 : i32
      %dma_start3A_10 = tpu.memref_slice %arg6[%add3A_9, %dma_start3A] : memref<25x128xi32, #tpu.memory_space<vmem>> -> memref<1x128xi32, #tpu.memory_space<vmem>>
      %dma_start3A_11 = tpu.memref_squeeze %dma_start3A_10 : memref<1x128xi32, #tpu.memory_space<vmem>> -> memref<128xi32, #tpu.memory_space<vmem>>
      %dma_start3A_12 = arith.constant 0 : i32
      %dma_start3A_13 = arith.constant 0 : i32
      %dma_start3A_14 = tpu.memref_slice %arg2[%dma_start3A_12, %dma_start3A_13] : memref<10112x128xf32, #tpu.memory_space<hbm>> -> memref<10112x128xf32, #tpu.memory_space<hbm>>
      tpu.enqueue_indirect_dma source(%dma_start3A_14 : memref<10112x128xf32, #tpu.memory_space<hbm>>) target(%arg8 : memref<128x128xf32, #tpu.memory_space<vmem>>) offsets(%dma_start3A_11 : memref<128xi32, #tpu.memory_space<vmem>>) semaphore(%arg11 : memref<!tpu.dma_semaphore, #tpu.memory_space<semaphore_mem>>)
      %dma_start3A_15 = arith.constant 0 : i32
      %dma_start3A_16 = tpu.memref_slice %arg7[%add3A_9, %dma_start3A_15] : memref<25x128xi32, #tpu.memory_space<vmem>> -> memref<1x128xi32, #tpu.memory_space<vmem>>
      %dma_start3A_17 = tpu.memref_squeeze %dma_start3A_16 : memref<1x128xi32, #tpu.memory_space<vmem>> -> memref<128xi32, #tpu.memory_space<vmem>>
      %dma_start3A_18 = arith.constant 0 : i32
      %dma_start3A_19 = arith.constant 0 : i32
      %dma_start3A_20 = tpu.memref_slice %arg2[%dma_start3A_18, %dma_start3A_19] : memref<10112x128xf32, #tpu.memory_space<hbm>> -> memref<10112x128xf32, #tpu.memory_space<hbm>>
      tpu.enqueue_indirect_dma source(%dma_start3A_20 : memref<10112x128xf32, #tpu.memory_space<hbm>>) target(%arg9 : memref<128x128xf32, #tpu.memory_space<vmem>>) offsets(%dma_start3A_17 : memref<128xi32, #tpu.memory_space<vmem>>) semaphore(%arg11 : memref<!tpu.dma_semaphore, #tpu.memory_space<semaphore_mem>>)
      %dma_wait3A = arith.constant 0 : i32
      %dma_wait3A_21 = tpu.memref_slice %arg6[%add3A_9, %dma_wait3A] : memref<25x128xi32, #tpu.memory_space<vmem>> -> memref<1x128xi32, #tpu.memory_space<vmem>>
      %dma_wait3A_22 = tpu.memref_squeeze %dma_wait3A_21 : memref<1x128xi32, #tpu.memory_space<vmem>> -> memref<128xi32, #tpu.memory_space<vmem>>
      %dma_wait3A_23 = arith.constant 0 : i32
      %dma_wait3A_24 = arith.constant 0 : i32
      %dma_wait3A_25 = tpu.memref_slice %arg2[%dma_wait3A_23, %dma_wait3A_24] : memref<10112x128xf32, #tpu.memory_space<hbm>> -> memref<10112x128xf32, #tpu.memory_space<hbm>>
      tpu.wait_indirect_dma semaphore(%arg11 : memref<!tpu.dma_semaphore, #tpu.memory_space<semaphore_mem>>) src(%dma_wait3A_25 : memref<10112x128xf32, #tpu.memory_space<hbm>>) dst(%arg8 : memref<128x128xf32, #tpu.memory_space<vmem>>)
      %dma_wait3A_26 = arith.constant 0 : i32
      %dma_wait3A_27 = tpu.memref_slice %arg7[%add3A_9, %dma_wait3A_26] : memref<25x128xi32, #tpu.memory_space<vmem>> -> memref<1x128xi32, #tpu.memory_space<vmem>>
      %dma_wait3A_28 = tpu.memref_squeeze %dma_wait3A_27 : memref<1x128xi32, #tpu.memory_space<vmem>> -> memref<128xi32, #tpu.memory_space<vmem>>
      %dma_wait3A_29 = arith.constant 0 : i32
      %dma_wait3A_30 = arith.constant 0 : i32
      %dma_wait3A_31 = tpu.memref_slice %arg2[%dma_wait3A_29, %dma_wait3A_30] : memref<10112x128xf32, #tpu.memory_space<hbm>> -> memref<10112x128xf32, #tpu.memory_space<hbm>>
      tpu.wait_indirect_dma semaphore(%arg11 : memref<!tpu.dma_semaphore, #tpu.memory_space<semaphore_mem>>) src(%dma_wait3A_31 : memref<10112x128xf32, #tpu.memory_space<hbm>>) dst(%arg9 : memref<128x128xf32, #tpu.memory_space<vmem>>)
      %scan3A_32 = arith.constant 0 : i32
      %scan3A_33 = arith.constant 8 : i32
      %scan3A_34 = arith.addi %scan3A_32, %scan3A_33 : i32
      %scan3A_35 = arith.constant 1 : i32
      scf.for %scan3A_42 = %scan3A_32 to %scan3A_34 step %scan3A_35  : i32 {
        %mul3A_43 = arith.constant 1 : i32
        %mul3A_44 = arith.muli %scan3A_42, %mul3A_43 : i32
        %add3A_45 = arith.constant 0 : i32
        %add3A_46 = arith.addi %add3A_45, %mul3A_44 : i32
        %mul3A_47 = arith.constant 16 : i32
        %mul3A_48 = arith.muli %add3A_46, %mul3A_47 : i32
        %add3A_49 = arith.constant 0 : i32
        %add3A_50 = arith.addi %mul3A_48, %add3A_49 : i32
        %get3A = arith.index_cast %add3A_50 : i32 to index
        %get3A_51 = arith.constant 0 : index
        %get3A_52 = tpu.vector_load %arg8[%get3A, %get3A_51] {strides = array<i32>} : memref<128x128xf32, #tpu.memory_space<vmem>>, vector<1x16xf32>,
        %get3A_53 = vector.shape_cast %get3A_52 : vector<1x16xf32> to vector<16xf32>
        %get3A_54 = arith.index_cast %add3A_50 : i32 to index
        %get3A_55 = arith.constant 0 : index
        %get3A_56 = tpu.vector_load %arg9[%get3A_54, %get3A_55] {strides = array<i32>} : memref<128x128xf32, #tpu.memory_space<vmem>>, vector<1x16xf32>,
        %get3A_57 = vector.shape_cast %get3A_56 : vector<1x16xf32> to vector<16xf32>
        %mul3A_58 = arith.mulf %get3A_53, %get3A_57 : vector<16xf32>
        %get3A_59 = arith.index_cast %add3A_50 : i32 to index
        %get3A_60 = arith.constant 16 : index
        %get3A_61 = tpu.vector_load %arg8[%get3A_59, %get3A_60] {strides = array<i32>} : memref<128x128xf32, #tpu.memory_space<vmem>>, vector<1x16xf32>,
        %get3A_62 = vector.shape_cast %get3A_61 : vector<1x16xf32> to vector<16xf32>
        %get3A_63 = arith.index_cast %add3A_50 : i32 to index
        %get3A_64 = arith.constant 16 : index
        %get3A_65 = tpu.vector_load %arg9[%get3A_63, %get3A_64] {strides = array<i32>} : memref<128x128xf32, #tpu.memory_space<vmem>>, vector<1x16xf32>,
        %get3A_66 = vector.shape_cast %get3A_65 : vector<1x16xf32> to vector<16xf32>
        %mul3A_67 = arith.mulf %get3A_62, %get3A_66 : vector<16xf32>
        %add3A_68 = arith.addf %mul3A_58, %mul3A_67 : vector<16xf32>
        %get3A_69 = arith.index_cast %add3A_50 : i32 to index
        %get3A_70 = arith.constant 32 : index
        %get3A_71 = tpu.vector_load %arg8[%get3A_69, %get3A_70] {strides = array<i32>} : memref<128x128xf32, #tpu.memory_space<vmem>>, vector<1x16xf32>,
        %get3A_72 = vector.shape_cast %get3A_71 : vector<1x16xf32> to vector<16xf32>
        %get3A_73 = arith.index_cast %add3A_50 : i32 to index
        %get3A_74 = arith.constant 32 : index
        %get3A_75 = tpu.vector_load %arg9[%get3A_73, %get3A_74] {strides = array<i32>} : memref<128x128xf32, #tpu.memory_space<vmem>>, vector<1x16xf32>,
        %get3A_76 = vector.shape_cast %get3A_75 : vector<1x16xf32> to vector<16xf32>
        %mul3A_77 = arith.mulf %get3A_72, %get3A_76 : vector<16xf32>
        %add3A_78 = arith.addf %add3A_68, %mul3A_77 : vector<16xf32>
        %get3A_79 = arith.index_cast %add3A_50 : i32 to index
        %get3A_80 = arith.constant 48 : index
        %get3A_81 = tpu.vector_load %arg8[%get3A_79, %get3A_80] {strides = array<i32>} : memref<128x128xf32, #tpu.memory_space<vmem>>, vector<1x16xf32>,
        %get3A_82 = vector.shape_cast %get3A_81 : vector<1x16xf32> to vector<16xf32>
        %get3A_83 = arith.index_cast %add3A_50 : i32 to index
        %get3A_84 = arith.constant 48 : index
        %get3A_85 = tpu.vector_load %arg9[%get3A_83, %get3A_84] {strides = array<i32>} : memref<128x128xf32, #tpu.memory_space<vmem>>, vector<1x16xf32>,
        %get3A_86 = vector.shape_cast %get3A_85 : vector<1x16xf32> to vector<16xf32>
        %mul3A_87 = arith.mulf %get3A_82, %get3A_86 : vector<16xf32>
        %add3A_88 = arith.addf %add3A_78, %mul3A_87 : vector<16xf32>
        %get3A_89 = arith.index_cast %add3A_50 : i32 to index
        %get3A_90 = arith.constant 64 : index
        %get3A_91 = tpu.vector_load %arg8[%get3A_89, %get3A_90] {strides = array<i32>} : memref<128x128xf32, #tpu.memory_space<vmem>>, vector<1x16xf32>,
        %get3A_92 = vector.shape_cast %get3A_91 : vector<1x16xf32> to vector<16xf32>
        %get3A_93 = arith.index_cast %add3A_50 : i32 to index
        %get3A_94 = arith.constant 64 : index
        %get3A_95 = tpu.vector_load %arg9[%get3A_93, %get3A_94] {strides = array<i32>} : memref<128x128xf32, #tpu.memory_space<vmem>>, vector<1x16xf32>,
        %get3A_96 = vector.shape_cast %get3A_95 : vector<1x16xf32> to vector<16xf32>
        %mul3A_97 = arith.mulf %get3A_92, %get3A_96 : vector<16xf32>
        %add3A_98 = arith.addf %add3A_88, %mul3A_97 : vector<16xf32>
        %get3A_99 = arith.index_cast %add3A_50 : i32 to index
        %get3A_100 = arith.constant 80 : index
        %get3A_101 = tpu.vector_load %arg8[%get3A_99, %get3A_100] {strides = array<i32>} : memref<128x128xf32, #tpu.memory_space<vmem>>, vector<1x16xf32>,
        %get3A_102 = vector.shape_cast %get3A_101 : vector<1x16xf32> to vector<16xf32>
        %get3A_103 = arith.index_cast %add3A_50 : i32 to index
        %get3A_104 = arith.constant 80 : index
        %get3A_105 = tpu.vector_load %arg9[%get3A_103, %get3A_104] {strides = array<i32>} : memref<128x128xf32, #tpu.memory_space<vmem>>, vector<1x16xf32>,
        %get3A_106 = vector.shape_cast %get3A_105 : vector<1x16xf32> to vector<16xf32>
        %mul3A_107 = arith.mulf %get3A_102, %get3A_106 : vector<16xf32>
        %add3A_108 = arith.addf %add3A_98, %mul3A_107 : vector<16xf32>
        %get3A_109 = arith.index_cast %add3A_50 : i32 to index
        %get3A_110 = arith.constant 96 : index
        %get3A_111 = tpu.vector_load %arg8[%get3A_109, %get3A_110] {strides = array<i32>} : memref<128x128xf32, #tpu.memory_space<vmem>>, vector<1x16xf32>,
        %get3A_112 = vector.shape_cast %get3A_111 : vector<1x16xf32> to vector<16xf32>
        %get3A_113 = arith.index_cast %add3A_50 : i32 to index
        %get3A_114 = arith.constant 96 : index
        %get3A_115 = tpu.vector_load %arg9[%get3A_113, %get3A_114] {strides = array<i32>} : memref<128x128xf32, #tpu.memory_space<vmem>>, vector<1x16xf32>,
        %get3A_116 = vector.shape_cast %get3A_115 : vector<1x16xf32> to vector<16xf32>
        %mul3A_117 = arith.mulf %get3A_112, %get3A_116 : vector<16xf32>
        %add3A_118 = arith.addf %add3A_108, %mul3A_117 : vector<16xf32>
        %get3A_119 = arith.index_cast %add3A_50 : i32 to index
        %get3A_120 = arith.constant 112 : index
        %get3A_121 = tpu.vector_load %arg8[%get3A_119, %get3A_120] {strides = array<i32>} : memref<128x128xf32, #tpu.memory_space<vmem>>, vector<1x16xf32>,
        %get3A_122 = vector.shape_cast %get3A_121 : vector<1x16xf32> to vector<16xf32>
        %get3A_123 = arith.index_cast %add3A_50 : i32 to index
        %get3A_124 = arith.constant 112 : index
        %get3A_125 = tpu.vector_load %arg9[%get3A_123, %get3A_124] {strides = array<i32>} : memref<128x128xf32, #tpu.memory_space<vmem>>, vector<1x16xf32>,
        %get3A_126 = vector.shape_cast %get3A_125 : vector<1x16xf32> to vector<16xf32>
        %mul3A_127 = arith.mulf %get3A_122, %get3A_126 : vector<16xf32>
        %add3A_128 = arith.addf %add3A_118, %mul3A_127 : vector<16xf32>
        %mul3A_129 = arith.constant 2 : i32
        %mul3A_130 = arith.muli %mul3A_129, %add3A_46 : i32
        %add3A_131 = arith.constant 0 : i32
        %add3A_132 = arith.addi %mul3A_130, %add3A_131 : i32
        %swap3A = arith.index_cast %add3A_132 : i32 to index
        %swap3A_133 = arith.constant 0 : index
        %swap3A_134 = tpu.vector_load %arg10[%swap3A, %swap3A_133] {strides = array<i32>} : memref<16x128xf32, #tpu.memory_space<vmem>>, vector<1x16xf32>,
        %swap3A_135 = vector.shape_cast %swap3A_134 : vector<1x16xf32> to vector<16xf32>
        %swap3A_136 = vector.shape_cast %add3A_128 : vector<16xf32> to vector<1x16xf32>
        tpu.vector_store %arg10[%swap3A, %swap3A_133], %swap3A_136 {strides = array<i32>} : memref<16x128xf32, #tpu.memory_space<vmem>>, vector<1x16xf32>,
        %mul3A_137 = arith.constant 16 : i32
        %mul3A_138 = arith.muli %add3A_46, %mul3A_137 : i32
        %add3A_139 = arith.constant 1 : i32
        %add3A_140 = arith.addi %mul3A_138, %add3A_139 : i32
        %get3A_141 = arith.index_cast %add3A_140 : i32 to index
        %get3A_142 = arith.constant 0 : index
        %get3A_143 = tpu.vector_load %arg8[%get3A_141, %get3A_142] {strides = array<i32>} : memref<128x128xf32, #tpu.memory_space<vmem>>, vector<1x16xf32>,
        %get3A_144 = vector.shape_cast %get3A_143 : vector<1x16xf32> to vector<16xf32>
        %get3A_145 = arith.index_cast %add3A_140 : i32 to index
        %get3A_146 = arith.constant 0 : index
        %get3A_147 = tpu.vector_load %arg9[%get3A_145, %get3A_146] {strides = array<i32>} : memref<128x128xf32, #tpu.memory_space<vmem>>, vector<1x16xf32>,
        %get3A_148 = vector.shape_cast %get3A_147 : vector<1x16xf32> to vector<16xf32>
        %mul3A_149 = arith.mulf %get3A_144, %get3A_148 : vector<16xf32>
        %get3A_150 = arith.index_cast %add3A_140 : i32 to index
        %get3A_151 = arith.constant 16 : index
        %get3A_152 = tpu.vector_load %arg8[%get3A_150, %get3A_151] {strides = array<i32>} : memref<128x128xf32, #tpu.memory_space<vmem>>, vector<1x16xf32>,
        %get3A_153 = vector.shape_cast %get3A_152 : vector<1x16xf32> to vector<16xf32>
        %get3A_154 = arith.index_cast %add3A_140 : i32 to index
        %get3A_155 = arith.constant 16 : index
        %get3A_156 = tpu.vector_load %arg9[%get3A_154, %get3A_155] {strides = array<i32>} : memref<128x128xf32, #tpu.memory_space<vmem>>, vector<1x16xf32>,
        %get3A_157 = vector.shape_cast %get3A_156 : vector<1x16xf32> to vector<16xf32>
        %mul3A_158 = arith.mulf %get3A_153, %get3A_157 : vector<16xf32>
        %add3A_159 = arith.addf %mul3A_149, %mul3A_158 : vector<16xf32>
        %get3A_160 = arith.index_cast %add3A_140 : i32 to index
        %get3A_161 = arith.constant 32 : index
        %get3A_162 = tpu.vector_load %arg8[%get3A_160, %get3A_161] {strides = array<i32>} : memref<128x128xf32, #tpu.memory_space<vmem>>, vector<1x16xf32>,
        %get3A_163 = vector.shape_cast %get3A_162 : vector<1x16xf32> to vector<16xf32>
        %get3A_164 = arith.index_cast %add3A_140 : i32 to index
        %get3A_165 = arith.constant 32 : index
        %get3A_166 = tpu.vector_load %arg9[%get3A_164, %get3A_165] {strides = array<i32>} : memref<128x128xf32, #tpu.memory_space<vmem>>, vector<1x16xf32>,
        %get3A_167 = vector.shape_cast %get3A_166 : vector<1x16xf32> to vector<16xf32>
        %mul3A_168 = arith.mulf %get3A_163, %get3A_167 : vector<16xf32>
        %add3A_169 = arith.addf %add3A_159, %mul3A_168 : vector<16xf32>
        %get3A_170 = arith.index_cast %add3A_140 : i32 to index
        %get3A_171 = arith.constant 48 : index
        %get3A_172 = tpu.vector_load %arg8[%get3A_170, %get3A_171] {strides = array<i32>} : memref<128x128xf32, #tpu.memory_space<vmem>>, vector<1x16xf32>,
        %get3A_173 = vector.shape_cast %get3A_172 : vector<1x16xf32> to vector<16xf32>
        %get3A_174 = arith.index_cast %add3A_140 : i32 to index
        %get3A_175 = arith.constant 48 : index
        %get3A_176 = tpu.vector_load %arg9[%get3A_174, %get3A_175] {strides = array<i32>} : memref<128x128xf32, #tpu.memory_space<vmem>>, vector<1x16xf32>,
        %get3A_177 = vector.shape_cast %get3A_176 : vector<1x16xf32> to vector<16xf32>
        %mul3A_178 = arith.mulf %get3A_173, %get3A_177 : vector<16xf32>
        %add3A_179 = arith.addf %add3A_169, %mul3A_178 : vector<16xf32>
        %get3A_180 = arith.index_cast %add3A_140 : i32 to index
        %get3A_181 = arith.constant 64 : index
        %get3A_182 = tpu.vector_load %arg8[%get3A_180, %get3A_181] {strides = array<i32>} : memref<128x128xf32, #tpu.memory_space<vmem>>, vector<1x16xf32>,
        %get3A_183 = vector.shape_cast %get3A_182 : vector<1x16xf32> to vector<16xf32>
        %get3A_184 = arith.index_cast %add3A_140 : i32 to index
        %get3A_185 = arith.constant 64 : index
        %get3A_186 = tpu.vector_load %arg9[%get3A_184, %get3A_185] {strides = array<i32>} : memref<128x128xf32, #tpu.memory_space<vmem>>, vector<1x16xf32>,
        %get3A_187 = vector.shape_cast %get3A_186 : vector<1x16xf32> to vector<16xf32>
        %mul3A_188 = arith.mulf %get3A_183, %get3A_187 : vector<16xf32>
        %add3A_189 = arith.addf %add3A_179, %mul3A_188 : vector<16xf32>
        %get3A_190 = arith.index_cast %add3A_140 : i32 to index
        %get3A_191 = arith.constant 80 : index
        %get3A_192 = tpu.vector_load %arg8[%get3A_190, %get3A_191] {strides = array<i32>} : memref<128x128xf32, #tpu.memory_space<vmem>>, vector<1x16xf32>,
        %get3A_193 = vector.shape_cast %get3A_192 : vector<1x16xf32> to vector<16xf32>
        %get3A_194 = arith.index_cast %add3A_140 : i32 to index
        %get3A_195 = arith.constant 80 : index
        %get3A_196 = tpu.vector_load %arg9[%get3A_194, %get3A_195] {strides = array<i32>} : memref<128x128xf32, #tpu.memory_space<vmem>>, vector<1x16xf32>,
        %get3A_197 = vector.shape_cast %get3A_196 : vector<1x16xf32> to vector<16xf32>
        %mul3A_198 = arith.mulf %get3A_193, %get3A_197 : vector<16xf32>
        %add3A_199 = arith.addf %add3A_189, %mul3A_198 : vector<16xf32>
        %get3A_200 = arith.index_cast %add3A_140 : i32 to index
        %get3A_201 = arith.constant 96 : index
        %get3A_202 = tpu.vector_load %arg8[%get3A_200, %get3A_201] {strides = array<i32>} : memref<128x128xf32, #tpu.memory_space<vmem>>, vector<1x16xf32>,
        %get3A_203 = vector.shape_cast %get3A_202 : vector<1x16xf32> to vector<16xf32>
        %get3A_204 = arith.index_cast %add3A_140 : i32 to index
        %get3A_205 = arith.constant 96 : index
        %get3A_206 = tpu.vector_load %arg9[%get3A_204, %get3A_205] {strides = array<i32>} : memref<128x128xf32, #tpu.memory_space<vmem>>, vector<1x16xf32>,
        %get3A_207 = vector.shape_cast %get3A_206 : vector<1x16xf32> to vector<16xf32>
        %mul3A_208 = arith.mulf %get3A_203, %get3A_207 : vector<16xf32>
        %add3A_209 = arith.addf %add3A_199, %mul3A_208 : vector<16xf32>
        %get3A_210 = arith.index_cast %add3A_140 : i32 to index
        %get3A_211 = arith.constant 112 : index
        %get3A_212 = tpu.vector_load %arg8[%get3A_210, %get3A_211] {strides = array<i32>} : memref<128x128xf32, #tpu.memory_space<vmem>>, vector<1x16xf32>,
        %get3A_213 = vector.shape_cast %get3A_212 : vector<1x16xf32> to vector<16xf32>
        %get3A_214 = arith.index_cast %add3A_140 : i32 to index
        %get3A_215 = arith.constant 112 : index
        %get3A_216 = tpu.vector_load %arg9[%get3A_214, %get3A_215] {strides = array<i32>} : memref<128x128xf32, #tpu.memory_space<vmem>>, vector<1x16xf32>,
        %get3A_217 = vector.shape_cast %get3A_216 : vector<1x16xf32> to vector<16xf32>
        %mul3A_218 = arith.mulf %get3A_213, %get3A_217 : vector<16xf32>
        %add3A_219 = arith.addf %add3A_209, %mul3A_218 : vector<16xf32>
        %mul3A_220 = arith.constant 2 : i32
        %mul3A_221 = arith.muli %mul3A_220, %add3A_46 : i32
        %add3A_222 = arith.constant 0 : i32
        %add3A_223 = arith.addi %mul3A_221, %add3A_222 : i32
        %swap3A_224 = arith.index_cast %add3A_223 : i32 to index
        %swap3A_225 = arith.constant 16 : index
        %swap3A_226 = tpu.vector_load %arg10[%swap3A_224, %swap3A_225] {strides = array<i32>} : memref<16x128xf32, #tpu.memory_space<vmem>>, vector<1x16xf32>,
        %swap3A_227 = vector.shape_cast %swap3A_226 : vector<1x16xf32> to vector<16xf32>
        %swap3A_228 = vector.shape_cast %add3A_219 : vector<16xf32> to vector<1x16xf32>
        tpu.vector_store %arg10[%swap3A_224, %swap3A_225], %swap3A_228 {strides = array<i32>} : memref<16x128xf32, #tpu.memory_space<vmem>>, vector<1x16xf32>,
        %mul3A_229 = arith.constant 16 : i32
        %mul3A_230 = arith.muli %add3A_46, %mul3A_229 : i32
        %add3A_231 = arith.constant 2 : i32
        %add3A_232 = arith.addi %mul3A_230, %add3A_231 : i32
        %get3A_233 = arith.index_cast %add3A_232 : i32 to index
        %get3A_234 = arith.constant 0 : index
        %get3A_235 = tpu.vector_load %arg8[%get3A_233, %get3A_234] {strides = array<i32>} : memref<128x128xf32, #tpu.memory_space<vmem>>, vector<1x16xf32>,
        %get3A_236 = vector.shape_cast %get3A_235 : vector<1x16xf32> to vector<16xf32>
        %get3A_237 = arith.index_cast %add3A_232 : i32 to index
        %get3A_238 = arith.constant 0 : index
        %get3A_239 = tpu.vector_load %arg9[%get3A_237, %get3A_238] {strides = array<i32>} : memref<128x128xf32, #tpu.memory_space<vmem>>, vector<1x16xf32>,
        %get3A_240 = vector.shape_cast %get3A_239 : vector<1x16xf32> to vector<16xf32>
        %mul3A_241 = arith.mulf %get3A_236, %get3A_240 : vector<16xf32>
        %get3A_242 = arith.index_cast %add3A_232 : i32 to index
        %get3A_243 = arith.constant 16 : index
        %get3A_244 = tpu.vector_load %arg8[%get3A_242, %get3A_243] {strides = array<i32>} : memref<128x128xf32, #tpu.memory_space<vmem>>, vector<1x16xf32>,
        %get3A_245 = vector.shape_cast %get3A_244 : vector<1x16xf32> to vector<16xf32>
        %get3A_246 = arith.index_cast %add3A_232 : i32 to index
        %get3A_247 = arith.constant 16 : index
        %get3A_248 = tpu.vector_load %arg9[%get3A_246, %get3A_247] {strides = array<i32>} : memref<128x128xf32, #tpu.memory_space<vmem>>, vector<1x16xf32>,
        %get3A_249 = vector.shape_cast %get3A_248 : vector<1x16xf32> to vector<16xf32>
        %mul3A_250 = arith.mulf %get3A_245, %get3A_249 : vector<16xf32>
        %add3A_251 = arith.addf %mul3A_241, %mul3A_250 : vector<16xf32>
        %get3A_252 = arith.index_cast %add3A_232 : i32 to index
        %get3A_253 = arith.constant 32 : index
        %get3A_254 = tpu.vector_load %arg8[%get3A_252, %get3A_253] {strides = array<i32>} : memref<128x128xf32, #tpu.memory_space<vmem>>, vector<1x16xf32>,
        %get3A_255 = vector.shape_cast %get3A_254 : vector<1x16xf32> to vector<16xf32>
        %get3A_256 = arith.index_cast %add3A_232 : i32 to index
        %get3A_257 = arith.constant 32 : index
        %get3A_258 = tpu.vector_load %arg9[%get3A_256, %get3A_257] {strides = array<i32>} : memref<128x128xf32, #tpu.memory_space<vmem>>, vector<1x16xf32>,
        %get3A_259 = vector.shape_cast %get3A_258 : vector<1x16xf32> to vector<16xf32>
        %mul3A_260 = arith.mulf %get3A_255, %get3A_259 : vector<16xf32>
        %add3A_261 = arith.addf %add3A_251, %mul3A_260 : vector<16xf32>
        %get3A_262 = arith.index_cast %add3A_232 : i32 to index
        %get3A_263 = arith.constant 48 : index
        %get3A_264 = tpu.vector_load %arg8[%get3A_262, %get3A_263] {strides = array<i32>} : memref<128x128xf32, #tpu.memory_space<vmem>>, vector<1x16xf32>,
        %get3A_265 = vector.shape_cast %get3A_264 : vector<1x16xf32> to vector<16xf32>
        %get3A_266 = arith.index_cast %add3A_232 : i32 to index
        %get3A_267 = arith.constant 48 : index
        %get3A_268 = tpu.vector_load %arg9[%get3A_266, %get3A_267] {strides = array<i32>} : memref<128x128xf32, #tpu.memory_space<vmem>>, vector<1x16xf32>,
        %get3A_269 = vector.shape_cast %get3A_268 : vector<1x16xf32> to vector<16xf32>
        %mul3A_270 = arith.mulf %get3A_265, %get3A_269 : vector<16xf32>
        %add3A_271 = arith.addf %add3A_261, %mul3A_270 : vector<16xf32>
        %get3A_272 = arith.index_cast %add3A_232 : i32 to index
        %get3A_273 = arith.constant 64 : index
        %get3A_274 = tpu.vector_load %arg8[%get3A_272, %get3A_273] {strides = array<i32>} : memref<128x128xf32, #tpu.memory_space<vmem>>, vector<1x16xf32>,
        %get3A_275 = vector.shape_cast %get3A_274 : vector<1x16xf32> to vector<16xf32>
        %get3A_276 = arith.index_cast %add3A_232 : i32 to index
        %get3A_277 = arith.constant 64 : index
        %get3A_278 = tpu.vector_load %arg9[%get3A_276, %get3A_277] {strides = array<i32>} : memref<128x128xf32, #tpu.memory_space<vmem>>, vector<1x16xf32>,
        %get3A_279 = vector.shape_cast %get3A_278 : vector<1x16xf32> to vector<16xf32>
        %mul3A_280 = arith.mulf %get3A_275, %get3A_279 : vector<16xf32>
        %add3A_281 = arith.addf %add3A_271, %mul3A_280 : vector<16xf32>
        %get3A_282 = arith.index_cast %add3A_232 : i32 to index
        %get3A_283 = arith.constant 80 : index
        %get3A_284 = tpu.vector_load %arg8[%get3A_282, %get3A_283] {strides = array<i32>} : memref<128x128xf32, #tpu.memory_space<vmem>>, vector<1x16xf32>,
        %get3A_285 = vector.shape_cast %get3A_284 : vector<1x16xf32> to vector<16xf32>
        %get3A_286 = arith.index_cast %add3A_232 : i32 to index
        %get3A_287 = arith.constant 80 : index
        %get3A_288 = tpu.vector_load %arg9[%get3A_286, %get3A_287] {strides = array<i32>} : memref<128x128xf32, #tpu.memory_space<vmem>>, vector<1x16xf32>,
        %get3A_289 = vector.shape_cast %get3A_288 : vector<1x16xf32> to vector<16xf32>
        %mul3A_290 = arith.mulf %get3A_285, %get3A_289 : vector<16xf32>
        %add3A_291 = arith.addf %add3A_281, %mul3A_290 : vector<16xf32>
        %get3A_292 = arith.index_cast %add3A_232 : i32 to index
        %get3A_293 = arith.constant 96 : index
        %get3A_294 = tpu.vector_load %arg8[%get3A_292, %get3A_293] {strides = array<i32>} : memref<128x128xf32, #tpu.memory_space<vmem>>, vector<1x16xf32>,
        %get3A_295 = vector.shape_cast %get3A_294 : vector<1x16xf32> to vector<16xf32>
        %get3A_296 = arith.index_cast %add3A_232 : i32 to index
        %get3A_297 = arith.constant 96 : index
        %get3A_298 = tpu.vector_load %arg9[%get3A_296, %get3A_297] {strides = array<i32>} : memref<128x128xf32, #tpu.memory_space<vmem>>, vector<1x16xf32>,
        %get3A_299 = vector.shape_cast %get3A_298 : vector<1x16xf32> to vector<16xf32>
        %mul3A_300 = arith.mulf %get3A_295, %get3A_299 : vector<16xf32>
        %add3A_301 = arith.addf %add3A_291, %mul3A_300 : vector<16xf32>
        %get3A_302 = arith.index_cast %add3A_232 : i32 to index
        %get3A_303 = arith.constant 112 : index
        %get3A_304 = tpu.vector_load %arg8[%get3A_302, %get3A_303] {strides = array<i32>} : memref<128x128xf32, #tpu.memory_space<vmem>>, vector<1x16xf32>,
        %get3A_305 = vector.shape_cast %get3A_304 : vector<1x16xf32> to vector<16xf32>
        %get3A_306 = arith.index_cast %add3A_232 : i32 to index
        %get3A_307 = arith.constant 112 : index
        %get3A_308 = tpu.vector_load %arg9[%get3A_306, %get3A_307] {strides = array<i32>} : memref<128x128xf32, #tpu.memory_space<vmem>>, vector<1x16xf32>,
        %get3A_309 = vector.shape_cast %get3A_308 : vector<1x16xf32> to vector<16xf32>
        %mul3A_310 = arith.mulf %get3A_305, %get3A_309 : vector<16xf32>
        %add3A_311 = arith.addf %add3A_301, %mul3A_310 : vector<16xf32>
        %mul3A_312 = arith.constant 2 : i32
        %mul3A_313 = arith.muli %mul3A_312, %add3A_46 : i32
        %add3A_314 = arith.constant 0 : i32
        %add3A_315 = arith.addi %mul3A_313, %add3A_314 : i32
        %swap3A_316 = arith.index_cast %add3A_315 : i32 to index
        %swap3A_317 = arith.constant 32 : index
        %swap3A_318 = tpu.vector_load %arg10[%swap3A_316, %swap3A_317] {strides = array<i32>} : memref<16x128xf32, #tpu.memory_space<vmem>>, vector<1x16xf32>,
        %swap3A_319 = vector.shape_cast %swap3A_318 : vector<1x16xf32> to vector<16xf32>
        %swap3A_320 = vector.shape_cast %add3A_311 : vector<16xf32> to vector<1x16xf32>
        tpu.vector_store %arg10[%swap3A_316, %swap3A_317], %swap3A_320 {strides = array<i32>} : memref<16x128xf32, #tpu.memory_space<vmem>>, vector<1x16xf32>,
        %mul3A_321 = arith.constant 16 : i32
        %mul3A_322 = arith.muli %add3A_46, %mul3A_321 : i32
        %add3A_323 = arith.constant 3 : i32
        %add3A_324 = arith.addi %mul3A_322, %add3A_323 : i32
        %get3A_325 = arith.index_cast %add3A_324 : i32 to index
        %get3A_326 = arith.constant 0 : index
        %get3A_327 = tpu.vector_load %arg8[%get3A_325, %get3A_326] {strides = array<i32>} : memref<128x128xf32, #tpu.memory_space<vmem>>, vector<1x16xf32>,
        %get3A_328 = vector.shape_cast %get3A_327 : vector<1x16xf32> to vector<16xf32>
        %get3A_329 = arith.index_cast %add3A_324 : i32 to index
        %get3A_330 = arith.constant 0 : index
        %get3A_331 = tpu.vector_load %arg9[%get3A_329, %get3A_330] {strides = array<i32>} : memref<128x128xf32, #tpu.memory_space<vmem>>, vector<1x16xf32>,
        %get3A_332 = vector.shape_cast %get3A_331 : vector<1x16xf32> to vector<16xf32>
        %mul3A_333 = arith.mulf %get3A_328, %get3A_332 : vector<16xf32>
        %get3A_334 = arith.index_cast %add3A_324 : i32 to index
        %get3A_335 = arith.constant 16 : index
        %get3A_336 = tpu.vector_load %arg8[%get3A_334, %get3A_335] {strides = array<i32>} : memref<128x128xf32, #tpu.memory_space<vmem>>, vector<1x16xf32>,
        %get3A_337 = vector.shape_cast %get3A_336 : vector<1x16xf32> to vector<16xf32>
        %get3A_338 = arith.index_cast %add3A_324 : i32 to index
        %get3A_339 = arith.constant 16 : index
        %get3A_340 = tpu.vector_load %arg9[%get3A_338, %get3A_339] {strides = array<i32>} : memref<128x128xf32, #tpu.memory_space<vmem>>, vector<1x16xf32>,
        %get3A_341 = vector.shape_cast %get3A_340 : vector<1x16xf32> to vector<16xf32>
        %mul3A_342 = arith.mulf %get3A_337, %get3A_341 : vector<16xf32>
        %add3A_343 = arith.addf %mul3A_333, %mul3A_342 : vector<16xf32>
        %get3A_344 = arith.index_cast %add3A_324 : i32 to index
        %get3A_345 = arith.constant 32 : index
        %get3A_346 = tpu.vector_load %arg8[%get3A_344, %get3A_345] {strides = array<i32>} : memref<128x128xf32, #tpu.memory_space<vmem>>, vector<1x16xf32>,
        %get3A_347 = vector.shape_cast %get3A_346 : vector<1x16xf32> to vector<16xf32>
        %get3A_348 = arith.index_cast %add3A_324 : i32 to index
        %get3A_349 = arith.constant 32 : index
        %get3A_350 = tpu.vector_load %arg9[%get3A_348, %get3A_349] {strides = array<i32>} : memref<128x128xf32, #tpu.memory_space<vmem>>, vector<1x16xf32>,
        %get3A_351 = vector.shape_cast %get3A_350 : vector<1x16xf32> to vector<16xf32>
        %mul3A_352 = arith.mulf %get3A_347, %get3A_351 : vector<16xf32>
        %add3A_353 = arith.addf %add3A_343, %mul3A_352 : vector<16xf32>
        %get3A_354 = arith.index_cast %add3A_324 : i32 to index
        %get3A_355 = arith.constant 48 : index
        %get3A_356 = tpu.vector_load %arg8[%get3A_354, %get3A_355] {strides = array<i32>} : memref<128x128xf32, #tpu.memory_space<vmem>>, vector<1x16xf32>,
        %get3A_357 = vector.shape_cast %get3A_356 : vector<1x16xf32> to vector<16xf32>
        %get3A_358 = arith.index_cast %add3A_324 : i32 to index
        %get3A_359 = arith.constant 48 : index
        %get3A_360 = tpu.vector_load %arg9[%get3A_358, %get3A_359] {strides = array<i32>} : memref<128x128xf32, #tpu.memory_space<vmem>>, vector<1x16xf32>,
        %get3A_361 = vector.shape_cast %get3A_360 : vector<1x16xf32> to vector<16xf32>
        %mul3A_362 = arith.mulf %get3A_357, %get3A_361 : vector<16xf32>
        %add3A_363 = arith.addf %add3A_353, %mul3A_362 : vector<16xf32>
        %get3A_364 = arith.index_cast %add3A_324 : i32 to index
        %get3A_365 = arith.constant 64 : index
        %get3A_366 = tpu.vector_load %arg8[%get3A_364, %get3A_365] {strides = array<i32>} : memref<128x128xf32, #tpu.memory_space<vmem>>, vector<1x16xf32>,
        %get3A_367 = vector.shape_cast %get3A_366 : vector<1x16xf32> to vector<16xf32>
        %get3A_368 = arith.index_cast %add3A_324 : i32 to index
        %get3A_369 = arith.constant 64 : index
        %get3A_370 = tpu.vector_load %arg9[%get3A_368, %get3A_369] {strides = array<i32>} : memref<128x128xf32, #tpu.memory_space<vmem>>, vector<1x16xf32>,
        %get3A_371 = vector.shape_cast %get3A_370 : vector<1x16xf32> to vector<16xf32>
        %mul3A_372 = arith.mulf %get3A_367, %get3A_371 : vector<16xf32>
        %add3A_373 = arith.addf %add3A_363, %mul3A_372 : vector<16xf32>
        %get3A_374 = arith.index_cast %add3A_324 : i32 to index
        %get3A_375 = arith.constant 80 : index
        %get3A_376 = tpu.vector_load %arg8[%get3A_374, %get3A_375] {strides = array<i32>} : memref<128x128xf32, #tpu.memory_space<vmem>>, vector<1x16xf32>,
        %get3A_377 = vector.shape_cast %get3A_376 : vector<1x16xf32> to vector<16xf32>
        %get3A_378 = arith.index_cast %add3A_324 : i32 to index
        %get3A_379 = arith.constant 80 : index
        %get3A_380 = tpu.vector_load %arg9[%get3A_378, %get3A_379] {strides = array<i32>} : memref<128x128xf32, #tpu.memory_space<vmem>>, vector<1x16xf32>,
        %get3A_381 = vector.shape_cast %get3A_380 : vector<1x16xf32> to vector<16xf32>
        %mul3A_382 = arith.mulf %get3A_377, %get3A_381 : vector<16xf32>
        %add3A_383 = arith.addf %add3A_373, %mul3A_382 : vector<16xf32>
        %get3A_384 = arith.index_cast %add3A_324 : i32 to index
        %get3A_385 = arith.constant 96 : index
        %get3A_386 = tpu.vector_load %arg8[%get3A_384, %get3A_385] {strides = array<i32>} : memref<128x128xf32, #tpu.memory_space<vmem>>, vector<1x16xf32>,
        %get3A_387 = vector.shape_cast %get3A_386 : vector<1x16xf32> to vector<16xf32>
        %get3A_388 = arith.index_cast %add3A_324 : i32 to index
        %get3A_389 = arith.constant 96 : index
        %get3A_390 = tpu.vector_load %arg9[%get3A_388, %get3A_389] {strides = array<i32>} : memref<128x128xf32, #tpu.memory_space<vmem>>, vector<1x16xf32>,
        %get3A_391 = vector.shape_cast %get3A_390 : vector<1x16xf32> to vector<16xf32>
        %mul3A_392 = arith.mulf %get3A_387, %get3A_391 : vector<16xf32>
        %add3A_393 = arith.addf %add3A_383, %mul3A_392 : vector<16xf32>
        %get3A_394 = arith.index_cast %add3A_324 : i32 to index
        %get3A_395 = arith.constant 112 : index
        %get3A_396 = tpu.vector_load %arg8[%get3A_394, %get3A_395] {strides = array<i32>} : memref<128x128xf32, #tpu.memory_space<vmem>>, vector<1x16xf32>,
        %get3A_397 = vector.shape_cast %get3A_396 : vector<1x16xf32> to vector<16xf32>
        %get3A_398 = arith.index_cast %add3A_324 : i32 to index
        %get3A_399 = arith.constant 112 : index
        %get3A_400 = tpu.vector_load %arg9[%get3A_398, %get3A_399] {strides = array<i32>} : memref<128x128xf32, #tpu.memory_space<vmem>>, vector<1x16xf32>,
        %get3A_401 = vector.shape_cast %get3A_400 : vector<1x16xf32> to vector<16xf32>
        %mul3A_402 = arith.mulf %get3A_397, %get3A_401 : vector<16xf32>
        %add3A_403 = arith.addf %add3A_393, %mul3A_402 : vector<16xf32>
        %mul3A_404 = arith.constant 2 : i32
        %mul3A_405 = arith.muli %mul3A_404, %add3A_46 : i32
        %add3A_406 = arith.constant 0 : i32
        %add3A_407 = arith.addi %mul3A_405, %add3A_406 : i32
        %swap3A_408 = arith.index_cast %add3A_407 : i32 to index
        %swap3A_409 = arith.constant 48 : index
        %swap3A_410 = tpu.vector_load %arg10[%swap3A_408, %swap3A_409] {strides = array<i32>} : memref<16x128xf32, #tpu.memory_space<vmem>>, vector<1x16xf32>,
        %swap3A_411 = vector.shape_cast %swap3A_410 : vector<1x16xf32> to vector<16xf32>
        %swap3A_412 = vector.shape_cast %add3A_403 : vector<16xf32> to vector<1x16xf32>
        tpu.vector_store %arg10[%swap3A_408, %swap3A_409], %swap3A_412 {strides = array<i32>} : memref<16x128xf32, #tpu.memory_space<vmem>>, vector<1x16xf32>,
        %mul3A_413 = arith.constant 16 : i32
        %mul3A_414 = arith.muli %add3A_46, %mul3A_413 : i32
        %add3A_415 = arith.constant 4 : i32
        %add3A_416 = arith.addi %mul3A_414, %add3A_415 : i32
        %get3A_417 = arith.index_cast %add3A_416 : i32 to index
        %get3A_418 = arith.constant 0 : index
        %get3A_419 = tpu.vector_load %arg8[%get3A_417, %get3A_418] {strides = array<i32>} : memref<128x128xf32, #tpu.memory_space<vmem>>, vector<1x16xf32>,
        %get3A_420 = vector.shape_cast %get3A_419 : vector<1x16xf32> to vector<16xf32>
        %get3A_421 = arith.index_cast %add3A_416 : i32 to index
        %get3A_422 = arith.constant 0 : index
        %get3A_423 = tpu.vector_load %arg9[%get3A_421, %get3A_422] {strides = array<i32>} : memref<128x128xf32, #tpu.memory_space<vmem>>, vector<1x16xf32>,
        %get3A_424 = vector.shape_cast %get3A_423 : vector<1x16xf32> to vector<16xf32>
        %mul3A_425 = arith.mulf %get3A_420, %get3A_424 : vector<16xf32>
        %get3A_426 = arith.index_cast %add3A_416 : i32 to index
        %get3A_427 = arith.constant 16 : index
        %get3A_428 = tpu.vector_load %arg8[%get3A_426, %get3A_427] {strides = array<i32>} : memref<128x128xf32, #tpu.memory_space<vmem>>, vector<1x16xf32>,
        %get3A_429 = vector.shape_cast %get3A_428 : vector<1x16xf32> to vector<16xf32>
        %get3A_430 = arith.index_cast %add3A_416 : i32 to index
        %get3A_431 = arith.constant 16 : index
        %get3A_432 = tpu.vector_load %arg9[%get3A_430, %get3A_431] {strides = array<i32>} : memref<128x128xf32, #tpu.memory_space<vmem>>, vector<1x16xf32>,
        %get3A_433 = vector.shape_cast %get3A_432 : vector<1x16xf32> to vector<16xf32>
        %mul3A_434 = arith.mulf %get3A_429, %get3A_433 : vector<16xf32>
        %add3A_435 = arith.addf %mul3A_425, %mul3A_434 : vector<16xf32>
        %get3A_436 = arith.index_cast %add3A_416 : i32 to index
        %get3A_437 = arith.constant 32 : index
        %get3A_438 = tpu.vector_load %arg8[%get3A_436, %get3A_437] {strides = array<i32>} : memref<128x128xf32, #tpu.memory_space<vmem>>, vector<1x16xf32>,
        %get3A_439 = vector.shape_cast %get3A_438 : vector<1x16xf32> to vector<16xf32>
        %get3A_440 = arith.index_cast %add3A_416 : i32 to index
        %get3A_441 = arith.constant 32 : index
        %get3A_442 = tpu.vector_load %arg9[%get3A_440, %get3A_441] {strides = array<i32>} : memref<128x128xf32, #tpu.memory_space<vmem>>, vector<1x16xf32>,
        %get3A_443 = vector.shape_cast %get3A_442 : vector<1x16xf32> to vector<16xf32>
        %mul3A_444 = arith.mulf %get3A_439, %get3A_443 : vector<16xf32>
        %add3A_445 = arith.addf %add3A_435, %mul3A_444 : vector<16xf32>
        %get3A_446 = arith.index_cast %add3A_416 : i32 to index
        %get3A_447 = arith.constant 48 : index
        %get3A_448 = tpu.vector_load %arg8[%get3A_446, %get3A_447] {strides = array<i32>} : memref<128x128xf32, #tpu.memory_space<vmem>>, vector<1x16xf32>,
        %get3A_449 = vector.shape_cast %get3A_448 : vector<1x16xf32> to vector<16xf32>
        %get3A_450 = arith.index_cast %add3A_416 : i32 to index
        %get3A_451 = arith.constant 48 : index
        %get3A_452 = tpu.vector_load %arg9[%get3A_450, %get3A_451] {strides = array<i32>} : memref<128x128xf32, #tpu.memory_space<vmem>>, vector<1x16xf32>,
        %get3A_453 = vector.shape_cast %get3A_452 : vector<1x16xf32> to vector<16xf32>
        %mul3A_454 = arith.mulf %get3A_449, %get3A_453 : vector<16xf32>
        %add3A_455 = arith.addf %add3A_445, %mul3A_454 : vector<16xf32>
        %get3A_456 = arith.index_cast %add3A_416 : i32 to index
        %get3A_457 = arith.constant 64 : index
        %get3A_458 = tpu.vector_load %arg8[%get3A_456, %get3A_457] {strides = array<i32>} : memref<128x128xf32, #tpu.memory_space<vmem>>, vector<1x16xf32>,
        %get3A_459 = vector.shape_cast %get3A_458 : vector<1x16xf32> to vector<16xf32>
        %get3A_460 = arith.index_cast %add3A_416 : i32 to index
        %get3A_461 = arith.constant 64 : index
        %get3A_462 = tpu.vector_load %arg9[%get3A_460, %get3A_461] {strides = array<i32>} : memref<128x128xf32, #tpu.memory_space<vmem>>, vector<1x16xf32>,
        %get3A_463 = vector.shape_cast %get3A_462 : vector<1x16xf32> to vector<16xf32>
        %mul3A_464 = arith.mulf %get3A_459, %get3A_463 : vector<16xf32>
        %add3A_465 = arith.addf %add3A_455, %mul3A_464 : vector<16xf32>
        %get3A_466 = arith.index_cast %add3A_416 : i32 to index
        %get3A_467 = arith.constant 80 : index
        %get3A_468 = tpu.vector_load %arg8[%get3A_466, %get3A_467] {strides = array<i32>} : memref<128x128xf32, #tpu.memory_space<vmem>>, vector<1x16xf32>,
        %get3A_469 = vector.shape_cast %get3A_468 : vector<1x16xf32> to vector<16xf32>
        %get3A_470 = arith.index_cast %add3A_416 : i32 to index
        %get3A_471 = arith.constant 80 : index
        %get3A_472 = tpu.vector_load %arg9[%get3A_470, %get3A_471] {strides = array<i32>} : memref<128x128xf32, #tpu.memory_space<vmem>>, vector<1x16xf32>,
        %get3A_473 = vector.shape_cast %get3A_472 : vector<1x16xf32> to vector<16xf32>
        %mul3A_474 = arith.mulf %get3A_469, %get3A_473 : vector<16xf32>
        %add3A_475 = arith.addf %add3A_465, %mul3A_474 : vector<16xf32>
        %get3A_476 = arith.index_cast %add3A_416 : i32 to index
        %get3A_477 = arith.constant 96 : index
        %get3A_478 = tpu.vector_load %arg8[%get3A_476, %get3A_477] {strides = array<i32>} : memref<128x128xf32, #tpu.memory_space<vmem>>, vector<1x16xf32>,
        %get3A_479 = vector.shape_cast %get3A_478 : vector<1x16xf32> to vector<16xf32>
        %get3A_480 = arith.index_cast %add3A_416 : i32 to index
        %get3A_481 = arith.constant 96 : index
        %get3A_482 = tpu.vector_load %arg9[%get3A_480, %get3A_481] {strides = array<i32>} : memref<128x128xf32, #tpu.memory_space<vmem>>, vector<1x16xf32>,
        %get3A_483 = vector.shape_cast %get3A_482 : vector<1x16xf32> to vector<16xf32>
        %mul3A_484 = arith.mulf %get3A_479, %get3A_483 : vector<16xf32>
        %add3A_485 = arith.addf %add3A_475, %mul3A_484 : vector<16xf32>
        %get3A_486 = arith.index_cast %add3A_416 : i32 to index
        %get3A_487 = arith.constant 112 : index
        %get3A_488 = tpu.vector_load %arg8[%get3A_486, %get3A_487] {strides = array<i32>} : memref<128x128xf32, #tpu.memory_space<vmem>>, vector<1x16xf32>,
        %get3A_489 = vector.shape_cast %get3A_488 : vector<1x16xf32> to vector<16xf32>
        %get3A_490 = arith.index_cast %add3A_416 : i32 to index
        %get3A_491 = arith.constant 112 : index
        %get3A_492 = tpu.vector_load %arg9[%get3A_490, %get3A_491] {strides = array<i32>} : memref<128x128xf32, #tpu.memory_space<vmem>>, vector<1x16xf32>,
        %get3A_493 = vector.shape_cast %get3A_492 : vector<1x16xf32> to vector<16xf32>
        %mul3A_494 = arith.mulf %get3A_489, %get3A_493 : vector<16xf32>
        %add3A_495 = arith.addf %add3A_485, %mul3A_494 : vector<16xf32>
        %mul3A_496 = arith.constant 2 : i32
        %mul3A_497 = arith.muli %mul3A_496, %add3A_46 : i32
        %add3A_498 = arith.constant 0 : i32
        %add3A_499 = arith.addi %mul3A_497, %add3A_498 : i32
        %swap3A_500 = arith.index_cast %add3A_499 : i32 to index
        %swap3A_501 = arith.constant 64 : index
        %swap3A_502 = tpu.vector_load %arg10[%swap3A_500, %swap3A_501] {strides = array<i32>} : memref<16x128xf32, #tpu.memory_space<vmem>>, vector<1x16xf32>,
        %swap3A_503 = vector.shape_cast %swap3A_502 : vector<1x16xf32> to vector<16xf32>
        %swap3A_504 = vector.shape_cast %add3A_495 : vector<16xf32> to vector<1x16xf32>
        tpu.vector_store %arg10[%swap3A_500, %swap3A_501], %swap3A_504 {strides = array<i32>} : memref<16x128xf32, #tpu.memory_space<vmem>>, vector<1x16xf32>,
        %mul3A_505 = arith.constant 16 : i32
        %mul3A_506 = arith.muli %add3A_46, %mul3A_505 : i32
        %add3A_507 = arith.constant 5 : i32
        %add3A_508 = arith.addi %mul3A_506, %add3A_507 : i32
        %get3A_509 = arith.index_cast %add3A_508 : i32 to index
        %get3A_510 = arith.constant 0 : index
        %get3A_511 = tpu.vector_load %arg8[%get3A_509, %get3A_510] {strides = array<i32>} : memref<128x128xf32, #tpu.memory_space<vmem>>, vector<1x16xf32>,
        %get3A_512 = vector.shape_cast %get3A_511 : vector<1x16xf32> to vector<16xf32>
        %get3A_513 = arith.index_cast %add3A_508 : i32 to index
        %get3A_514 = arith.constant 0 : index
        %get3A_515 = tpu.vector_load %arg9[%get3A_513, %get3A_514] {strides = array<i32>} : memref<128x128xf32, #tpu.memory_space<vmem>>, vector<1x16xf32>,
        %get3A_516 = vector.shape_cast %get3A_515 : vector<1x16xf32> to vector<16xf32>
        %mul3A_517 = arith.mulf %get3A_512, %get3A_516 : vector<16xf32>
        %get3A_518 = arith.index_cast %add3A_508 : i32 to index
        %get3A_519 = arith.constant 16 : index
        %get3A_520 = tpu.vector_load %arg8[%get3A_518, %get3A_519] {strides = array<i32>} : memref<128x128xf32, #tpu.memory_space<vmem>>, vector<1x16xf32>,
        %get3A_521 = vector.shape_cast %get3A_520 : vector<1x16xf32> to vector<16xf32>
        %get3A_522 = arith.index_cast %add3A_508 : i32 to index
        %get3A_523 = arith.constant 16 : index
        %get3A_524 = tpu.vector_load %arg9[%get3A_522, %get3A_523] {strides = array<i32>} : memref<128x128xf32, #tpu.memory_space<vmem>>, vector<1x16xf32>,
        %get3A_525 = vector.shape_cast %get3A_524 : vector<1x16xf32> to vector<16xf32>
        %mul3A_526 = arith.mulf %get3A_521, %get3A_525 : vector<16xf32>
        %add3A_527 = arith.addf %mul3A_517, %mul3A_526 : vector<16xf32>
        %get3A_528 = arith.index_cast %add3A_508 : i32 to index
        %get3A_529 = arith.constant 32 : index
        %get3A_530 = tpu.vector_load %arg8[%get3A_528, %get3A_529] {strides = array<i32>} : memref<128x128xf32, #tpu.memory_space<vmem>>, vector<1x16xf32>,
        %get3A_531 = vector.shape_cast %get3A_530 : vector<1x16xf32> to vector<16xf32>
        %get3A_532 = arith.index_cast %add3A_508 : i32 to index
        %get3A_533 = arith.constant 32 : index
        %get3A_534 = tpu.vector_load %arg9[%get3A_532, %get3A_533] {strides = array<i32>} : memref<128x128xf32, #tpu.memory_space<vmem>>, vector<1x16xf32>,
        %get3A_535 = vector.shape_cast %get3A_534 : vector<1x16xf32> to vector<16xf32>
        %mul3A_536 = arith.mulf %get3A_531, %get3A_535 : vector<16xf32>
        %add3A_537 = arith.addf %add3A_527, %mul3A_536 : vector<16xf32>
        %get3A_538 = arith.index_cast %add3A_508 : i32 to index
        %get3A_539 = arith.constant 48 : index
        %get3A_540 = tpu.vector_load %arg8[%get3A_538, %get3A_539] {strides = array<i32>} : memref<128x128xf32, #tpu.memory_space<vmem>>, vector<1x16xf32>,
        %get3A_541 = vector.shape_cast %get3A_540 : vector<1x16xf32> to vector<16xf32>
        %get3A_542 = arith.index_cast %add3A_508 : i32 to index
        %get3A_543 = arith.constant 48 : index
        %get3A_544 = tpu.vector_load %arg9[%get3A_542, %get3A_543] {strides = array<i32>} : memref<128x128xf32, #tpu.memory_space<vmem>>, vector<1x16xf32>,
        %get3A_545 = vector.shape_cast %get3A_544 : vector<1x16xf32> to vector<16xf32>
        %mul3A_546 = arith.mulf %get3A_541, %get3A_545 : vector<16xf32>
        %add3A_547 = arith.addf %add3A_537, %mul3A_546 : vector<16xf32>
        %get3A_548 = arith.index_cast %add3A_508 : i32 to index
        %get3A_549 = arith.constant 64 : index
        %get3A_550 = tpu.vector_load %arg8[%get3A_548, %get3A_549] {strides = array<i32>} : memref<128x128xf32, #tpu.memory_space<vmem>>, vector<1x16xf32>,
        %get3A_551 = vector.shape_cast %get3A_550 : vector<1x16xf32> to vector<16xf32>
        %get3A_552 = arith.index_cast %add3A_508 : i32 to index
        %get3A_553 = arith.constant 64 : index
        %get3A_554 = tpu.vector_load %arg9[%get3A_552, %get3A_553] {strides = array<i32>} : memref<128x128xf32, #tpu.memory_space<vmem>>, vector<1x16xf32>,
        %get3A_555 = vector.shape_cast %get3A_554 : vector<1x16xf32> to vector<16xf32>
        %mul3A_556 = arith.mulf %get3A_551, %get3A_555 : vector<16xf32>
        %add3A_557 = arith.addf %add3A_547, %mul3A_556 : vector<16xf32>
        %get3A_558 = arith.index_cast %add3A_508 : i32 to index
        %get3A_559 = arith.constant 80 : index
        %get3A_560 = tpu.vector_load %arg8[%get3A_558, %get3A_559] {strides = array<i32>} : memref<128x128xf32, #tpu.memory_space<vmem>>, vector<1x16xf32>,
        %get3A_561 = vector.shape_cast %get3A_560 : vector<1x16xf32> to vector<16xf32>
        %get3A_562 = arith.index_cast %add3A_508 : i32 to index
        %get3A_563 = arith.constant 80 : index
        %get3A_564 = tpu.vector_load %arg9[%get3A_562, %get3A_563] {strides = array<i32>} : memref<128x128xf32, #tpu.memory_space<vmem>>, vector<1x16xf32>,
        %get3A_565 = vector.shape_cast %get3A_564 : vector<1x16xf32> to vector<16xf32>
        %mul3A_566 = arith.mulf %get3A_561, %get3A_565 : vector<16xf32>
        %add3A_567 = arith.addf %add3A_557, %mul3A_566 : vector<16xf32>
        %get3A_568 = arith.index_cast %add3A_508 : i32 to index
        %get3A_569 = arith.constant 96 : index
        %get3A_570 = tpu.vector_load %arg8[%get3A_568, %get3A_569] {strides = array<i32>} : memref<128x128xf32, #tpu.memory_space<vmem>>, vector<1x16xf32>,
        %get3A_571 = vector.shape_cast %get3A_570 : vector<1x16xf32> to vector<16xf32>
        %get3A_572 = arith.index_cast %add3A_508 : i32 to index
        %get3A_573 = arith.constant 96 : index
        %get3A_574 = tpu.vector_load %arg9[%get3A_572, %get3A_573] {strides = array<i32>} : memref<128x128xf32, #tpu.memory_space<vmem>>, vector<1x16xf32>,
        %get3A_575 = vector.shape_cast %get3A_574 : vector<1x16xf32> to vector<16xf32>
        %mul3A_576 = arith.mulf %get3A_571, %get3A_575 : vector<16xf32>
        %add3A_577 = arith.addf %add3A_567, %mul3A_576 : vector<16xf32>
        %get3A_578 = arith.index_cast %add3A_508 : i32 to index
        %get3A_579 = arith.constant 112 : index
        %get3A_580 = tpu.vector_load %arg8[%get3A_578, %get3A_579] {strides = array<i32>} : memref<128x128xf32, #tpu.memory_space<vmem>>, vector<1x16xf32>,
        %get3A_581 = vector.shape_cast %get3A_580 : vector<1x16xf32> to vector<16xf32>
        %get3A_582 = arith.index_cast %add3A_508 : i32 to index
        %get3A_583 = arith.constant 112 : index
        %get3A_584 = tpu.vector_load %arg9[%get3A_582, %get3A_583] {strides = array<i32>} : memref<128x128xf32, #tpu.memory_space<vmem>>, vector<1x16xf32>,
        %get3A_585 = vector.shape_cast %get3A_584 : vector<1x16xf32> to vector<16xf32>
        %mul3A_586 = arith.mulf %get3A_581, %get3A_585 : vector<16xf32>
        %add3A_587 = arith.addf %add3A_577, %mul3A_586 : vector<16xf32>
        %mul3A_588 = arith.constant 2 : i32
        %mul3A_589 = arith.muli %mul3A_588, %add3A_46 : i32
        %add3A_590 = arith.constant 0 : i32
        %add3A_591 = arith.addi %mul3A_589, %add3A_590 : i32
        %swap3A_592 = arith.index_cast %add3A_591 : i32 to index
        %swap3A_593 = arith.constant 80 : index
        %swap3A_594 = tpu.vector_load %arg10[%swap3A_592, %swap3A_593] {strides = array<i32>} : memref<16x128xf32, #tpu.memory_space<vmem>>, vector<1x16xf32>,
        %swap3A_595 = vector.shape_cast %swap3A_594 : vector<1x16xf32> to vector<16xf32>
        %swap3A_596 = vector.shape_cast %add3A_587 : vector<16xf32> to vector<1x16xf32>
        tpu.vector_store %arg10[%swap3A_592, %swap3A_593], %swap3A_596 {strides = array<i32>} : memref<16x128xf32, #tpu.memory_space<vmem>>, vector<1x16xf32>,
        %mul3A_597 = arith.constant 16 : i32
        %mul3A_598 = arith.muli %add3A_46, %mul3A_597 : i32
        %add3A_599 = arith.constant 6 : i32
        %add3A_600 = arith.addi %mul3A_598, %add3A_599 : i32
        %get3A_601 = arith.index_cast %add3A_600 : i32 to index
        %get3A_602 = arith.constant 0 : index
        %get3A_603 = tpu.vector_load %arg8[%get3A_601, %get3A_602] {strides = array<i32>} : memref<128x128xf32, #tpu.memory_space<vmem>>, vector<1x16xf32>,
        %get3A_604 = vector.shape_cast %get3A_603 : vector<1x16xf32> to vector<16xf32>
        %get3A_605 = arith.index_cast %add3A_600 : i32 to index
        %get3A_606 = arith.constant 0 : index
        %get3A_607 = tpu.vector_load %arg9[%get3A_605, %get3A_606] {strides = array<i32>} : memref<128x128xf32, #tpu.memory_space<vmem>>, vector<1x16xf32>,
        %get3A_608 = vector.shape_cast %get3A_607 : vector<1x16xf32> to vector<16xf32>
        %mul3A_609 = arith.mulf %get3A_604, %get3A_608 : vector<16xf32>
        %get3A_610 = arith.index_cast %add3A_600 : i32 to index
        %get3A_611 = arith.constant 16 : index
        %get3A_612 = tpu.vector_load %arg8[%get3A_610, %get3A_611] {strides = array<i32>} : memref<128x128xf32, #tpu.memory_space<vmem>>, vector<1x16xf32>,
        %get3A_613 = vector.shape_cast %get3A_612 : vector<1x16xf32> to vector<16xf32>
        %get3A_614 = arith.index_cast %add3A_600 : i32 to index
        %get3A_615 = arith.constant 16 : index
        %get3A_616 = tpu.vector_load %arg9[%get3A_614, %get3A_615] {strides = array<i32>} : memref<128x128xf32, #tpu.memory_space<vmem>>, vector<1x16xf32>,
        %get3A_617 = vector.shape_cast %get3A_616 : vector<1x16xf32> to vector<16xf32>
        %mul3A_618 = arith.mulf %get3A_613, %get3A_617 : vector<16xf32>
        %add3A_619 = arith.addf %mul3A_609, %mul3A_618 : vector<16xf32>
        %get3A_620 = arith.index_cast %add3A_600 : i32 to index
        %get3A_621 = arith.constant 32 : index
        %get3A_622 = tpu.vector_load %arg8[%get3A_620, %get3A_621] {strides = array<i32>} : memref<128x128xf32, #tpu.memory_space<vmem>>, vector<1x16xf32>,
        %get3A_623 = vector.shape_cast %get3A_622 : vector<1x16xf32> to vector<16xf32>
        %get3A_624 = arith.index_cast %add3A_600 : i32 to index
        %get3A_625 = arith.constant 32 : index
        %get3A_626 = tpu.vector_load %arg9[%get3A_624, %get3A_625] {strides = array<i32>} : memref<128x128xf32, #tpu.memory_space<vmem>>, vector<1x16xf32>,
        %get3A_627 = vector.shape_cast %get3A_626 : vector<1x16xf32> to vector<16xf32>
        %mul3A_628 = arith.mulf %get3A_623, %get3A_627 : vector<16xf32>
        %add3A_629 = arith.addf %add3A_619, %mul3A_628 : vector<16xf32>
        %get3A_630 = arith.index_cast %add3A_600 : i32 to index
        %get3A_631 = arith.constant 48 : index
        %get3A_632 = tpu.vector_load %arg8[%get3A_630, %get3A_631] {strides = array<i32>} : memref<128x128xf32, #tpu.memory_space<vmem>>, vector<1x16xf32>,
        %get3A_633 = vector.shape_cast %get3A_632 : vector<1x16xf32> to vector<16xf32>
        %get3A_634 = arith.index_cast %add3A_600 : i32 to index
        %get3A_635 = arith.constant 48 : index
        %get3A_636 = tpu.vector_load %arg9[%get3A_634, %get3A_635] {strides = array<i32>} : memref<128x128xf32, #tpu.memory_space<vmem>>, vector<1x16xf32>,
        %get3A_637 = vector.shape_cast %get3A_636 : vector<1x16xf32> to vector<16xf32>
        %mul3A_638 = arith.mulf %get3A_633, %get3A_637 : vector<16xf32>
        %add3A_639 = arith.addf %add3A_629, %mul3A_638 : vector<16xf32>
        %get3A_640 = arith.index_cast %add3A_600 : i32 to index
        %get3A_641 = arith.constant 64 : index
        %get3A_642 = tpu.vector_load %arg8[%get3A_640, %get3A_641] {strides = array<i32>} : memref<128x128xf32, #tpu.memory_space<vmem>>, vector<1x16xf32>,
        %get3A_643 = vector.shape_cast %get3A_642 : vector<1x16xf32> to vector<16xf32>
        %get3A_644 = arith.index_cast %add3A_600 : i32 to index
        %get3A_645 = arith.constant 64 : index
        %get3A_646 = tpu.vector_load %arg9[%get3A_644, %get3A_645] {strides = array<i32>} : memref<128x128xf32, #tpu.memory_space<vmem>>, vector<1x16xf32>,
        %get3A_647 = vector.shape_cast %get3A_646 : vector<1x16xf32> to vector<16xf32>
        %mul3A_648 = arith.mulf %get3A_643, %get3A_647 : vector<16xf32>
        %add3A_649 = arith.addf %add3A_639, %mul3A_648 : vector<16xf32>
        %get3A_650 = arith.index_cast %add3A_600 : i32 to index
        %get3A_651 = arith.constant 80 : index
        %get3A_652 = tpu.vector_load %arg8[%get3A_650, %get3A_651] {strides = array<i32>} : memref<128x128xf32, #tpu.memory_space<vmem>>, vector<1x16xf32>,
        %get3A_653 = vector.shape_cast %get3A_652 : vector<1x16xf32> to vector<16xf32>
        %get3A_654 = arith.index_cast %add3A_600 : i32 to index
        %get3A_655 = arith.constant 80 : index
        %get3A_656 = tpu.vector_load %arg9[%get3A_654, %get3A_655] {strides = array<i32>} : memref<128x128xf32, #tpu.memory_space<vmem>>, vector<1x16xf32>,
        %get3A_657 = vector.shape_cast %get3A_656 : vector<1x16xf32> to vector<16xf32>
        %mul3A_658 = arith.mulf %get3A_653, %get3A_657 : vector<16xf32>
        %add3A_659 = arith.addf %add3A_649, %mul3A_658 : vector<16xf32>
        %get3A_660 = arith.index_cast %add3A_600 : i32 to index
        %get3A_661 = arith.constant 96 : index
        %get3A_662 = tpu.vector_load %arg8[%get3A_660, %get3A_661] {strides = array<i32>} : memref<128x128xf32, #tpu.memory_space<vmem>>, vector<1x16xf32>,
        %get3A_663 = vector.shape_cast %get3A_662 : vector<1x16xf32> to vector<16xf32>
        %get3A_664 = arith.index_cast %add3A_600 : i32 to index
        %get3A_665 = arith.constant 96 : index
        %get3A_666 = tpu.vector_load %arg9[%get3A_664, %get3A_665] {strides = array<i32>} : memref<128x128xf32, #tpu.memory_space<vmem>>, vector<1x16xf32>,
        %get3A_667 = vector.shape_cast %get3A_666 : vector<1x16xf32> to vector<16xf32>
        %mul3A_668 = arith.mulf %get3A_663, %get3A_667 : vector<16xf32>
        %add3A_669 = arith.addf %add3A_659, %mul3A_668 : vector<16xf32>
        %get3A_670 = arith.index_cast %add3A_600 : i32 to index
        %get3A_671 = arith.constant 112 : index
        %get3A_672 = tpu.vector_load %arg8[%get3A_670, %get3A_671] {strides = array<i32>} : memref<128x128xf32, #tpu.memory_space<vmem>>, vector<1x16xf32>,
        %get3A_673 = vector.shape_cast %get3A_672 : vector<1x16xf32> to vector<16xf32>
        %get3A_674 = arith.index_cast %add3A_600 : i32 to index
        %get3A_675 = arith.constant 112 : index
        %get3A_676 = tpu.vector_load %arg9[%get3A_674, %get3A_675] {strides = array<i32>} : memref<128x128xf32, #tpu.memory_space<vmem>>, vector<1x16xf32>,
        %get3A_677 = vector.shape_cast %get3A_676 : vector<1x16xf32> to vector<16xf32>
        %mul3A_678 = arith.mulf %get3A_673, %get3A_677 : vector<16xf32>
        %add3A_679 = arith.addf %add3A_669, %mul3A_678 : vector<16xf32>
        %mul3A_680 = arith.constant 2 : i32
        %mul3A_681 = arith.muli %mul3A_680, %add3A_46 : i32
        %add3A_682 = arith.constant 0 : i32
        %add3A_683 = arith.addi %mul3A_681, %add3A_682 : i32
        %swap3A_684 = arith.index_cast %add3A_683 : i32 to index
        %swap3A_685 = arith.constant 96 : index
        %swap3A_686 = tpu.vector_load %arg10[%swap3A_684, %swap3A_685] {strides = array<i32>} : memref<16x128xf32, #tpu.memory_space<vmem>>, vector<1x16xf32>,
        %swap3A_687 = vector.shape_cast %swap3A_686 : vector<1x16xf32> to vector<16xf32>
        %swap3A_688 = vector.shape_cast %add3A_679 : vector<16xf32> to vector<1x16xf32>
        tpu.vector_store %arg10[%swap3A_684, %swap3A_685], %swap3A_688 {strides = array<i32>} : memref<16x128xf32, #tpu.memory_space<vmem>>, vector<1x16xf32>,
        %mul3A_689 = arith.constant 16 : i32
        %mul3A_690 = arith.muli %add3A_46, %mul3A_689 : i32
        %add3A_691 = arith.constant 7 : i32
        %add3A_692 = arith.addi %mul3A_690, %add3A_691 : i32
        %get3A_693 = arith.index_cast %add3A_692 : i32 to index
        %get3A_694 = arith.constant 0 : index
        %get3A_695 = tpu.vector_load %arg8[%get3A_693, %get3A_694] {strides = array<i32>} : memref<128x128xf32, #tpu.memory_space<vmem>>, vector<1x16xf32>,
        %get3A_696 = vector.shape_cast %get3A_695 : vector<1x16xf32> to vector<16xf32>
        %get3A_697 = arith.index_cast %add3A_692 : i32 to index
        %get3A_698 = arith.constant 0 : index
        %get3A_699 = tpu.vector_load %arg9[%get3A_697, %get3A_698] {strides = array<i32>} : memref<128x128xf32, #tpu.memory_space<vmem>>, vector<1x16xf32>,
        %get3A_700 = vector.shape_cast %get3A_699 : vector<1x16xf32> to vector<16xf32>
        %mul3A_701 = arith.mulf %get3A_696, %get3A_700 : vector<16xf32>
        %get3A_702 = arith.index_cast %add3A_692 : i32 to index
        %get3A_703 = arith.constant 16 : index
        %get3A_704 = tpu.vector_load %arg8[%get3A_702, %get3A_703] {strides = array<i32>} : memref<128x128xf32, #tpu.memory_space<vmem>>, vector<1x16xf32>,
        %get3A_705 = vector.shape_cast %get3A_704 : vector<1x16xf32> to vector<16xf32>
        %get3A_706 = arith.index_cast %add3A_692 : i32 to index
        %get3A_707 = arith.constant 16 : index
        %get3A_708 = tpu.vector_load %arg9[%get3A_706, %get3A_707] {strides = array<i32>} : memref<128x128xf32, #tpu.memory_space<vmem>>, vector<1x16xf32>,
        %get3A_709 = vector.shape_cast %get3A_708 : vector<1x16xf32> to vector<16xf32>
        %mul3A_710 = arith.mulf %get3A_705, %get3A_709 : vector<16xf32>
        %add3A_711 = arith.addf %mul3A_701, %mul3A_710 : vector<16xf32>
        %get3A_712 = arith.index_cast %add3A_692 : i32 to index
        %get3A_713 = arith.constant 32 : index
        %get3A_714 = tpu.vector_load %arg8[%get3A_712, %get3A_713] {strides = array<i32>} : memref<128x128xf32, #tpu.memory_space<vmem>>, vector<1x16xf32>,
        %get3A_715 = vector.shape_cast %get3A_714 : vector<1x16xf32> to vector<16xf32>
        %get3A_716 = arith.index_cast %add3A_692 : i32 to index
        %get3A_717 = arith.constant 32 : index
        %get3A_718 = tpu.vector_load %arg9[%get3A_716, %get3A_717] {strides = array<i32>} : memref<128x128xf32, #tpu.memory_space<vmem>>, vector<1x16xf32>,
        %get3A_719 = vector.shape_cast %get3A_718 : vector<1x16xf32> to vector<16xf32>
        %mul3A_720 = arith.mulf %get3A_715, %get3A_719 : vector<16xf32>
        %add3A_721 = arith.addf %add3A_711, %mul3A_720 : vector<16xf32>
        %get3A_722 = arith.index_cast %add3A_692 : i32 to index
        %get3A_723 = arith.constant 48 : index
        %get3A_724 = tpu.vector_load %arg8[%get3A_722, %get3A_723] {strides = array<i32>} : memref<128x128xf32, #tpu.memory_space<vmem>>, vector<1x16xf32>,
        %get3A_725 = vector.shape_cast %get3A_724 : vector<1x16xf32> to vector<16xf32>
        %get3A_726 = arith.index_cast %add3A_692 : i32 to index
        %get3A_727 = arith.constant 48 : index
        %get3A_728 = tpu.vector_load %arg9[%get3A_726, %get3A_727] {strides = array<i32>} : memref<128x128xf32, #tpu.memory_space<vmem>>, vector<1x16xf32>,
        %get3A_729 = vector.shape_cast %get3A_728 : vector<1x16xf32> to vector<16xf32>
        %mul3A_730 = arith.mulf %get3A_725, %get3A_729 : vector<16xf32>
        %add3A_731 = arith.addf %add3A_721, %mul3A_730 : vector<16xf32>
        %get3A_732 = arith.index_cast %add3A_692 : i32 to index
        %get3A_733 = arith.constant 64 : index
        %get3A_734 = tpu.vector_load %arg8[%get3A_732, %get3A_733] {strides = array<i32>} : memref<128x128xf32, #tpu.memory_space<vmem>>, vector<1x16xf32>,
        %get3A_735 = vector.shape_cast %get3A_734 : vector<1x16xf32> to vector<16xf32>
        %get3A_736 = arith.index_cast %add3A_692 : i32 to index
        %get3A_737 = arith.constant 64 : index
        %get3A_738 = tpu.vector_load %arg9[%get3A_736, %get3A_737] {strides = array<i32>} : memref<128x128xf32, #tpu.memory_space<vmem>>, vector<1x16xf32>,
        %get3A_739 = vector.shape_cast %get3A_738 : vector<1x16xf32> to vector<16xf32>
        %mul3A_740 = arith.mulf %get3A_735, %get3A_739 : vector<16xf32>
        %add3A_741 = arith.addf %add3A_731, %mul3A_740 : vector<16xf32>
        %get3A_742 = arith.index_cast %add3A_692 : i32 to index
        %get3A_743 = arith.constant 80 : index
        %get3A_744 = tpu.vector_load %arg8[%get3A_742, %get3A_743] {strides = array<i32>} : memref<128x128xf32, #tpu.memory_space<vmem>>, vector<1x16xf32>,
        %get3A_745 = vector.shape_cast %get3A_744 : vector<1x16xf32> to vector<16xf32>
        %get3A_746 = arith.index_cast %add3A_692 : i32 to index
        %get3A_747 = arith.constant 80 : index
        %get3A_748 = tpu.vector_load %arg9[%get3A_746, %get3A_747] {strides = array<i32>} : memref<128x128xf32, #tpu.memory_space<vmem>>, vector<1x16xf32>,
        %get3A_749 = vector.shape_cast %get3A_748 : vector<1x16xf32> to vector<16xf32>
        %mul3A_750 = arith.mulf %get3A_745, %get3A_749 : vector<16xf32>
        %add3A_751 = arith.addf %add3A_741, %mul3A_750 : vector<16xf32>
        %get3A_752 = arith.index_cast %add3A_692 : i32 to index
        %get3A_753 = arith.constant 96 : index
        %get3A_754 = tpu.vector_load %arg8[%get3A_752, %get3A_753] {strides = array<i32>} : memref<128x128xf32, #tpu.memory_space<vmem>>, vector<1x16xf32>,
        %get3A_755 = vector.shape_cast %get3A_754 : vector<1x16xf32> to vector<16xf32>
        %get3A_756 = arith.index_cast %add3A_692 : i32 to index
        %get3A_757 = arith.constant 96 : index
        %get3A_758 = tpu.vector_load %arg9[%get3A_756, %get3A_757] {strides = array<i32>} : memref<128x128xf32, #tpu.memory_space<vmem>>, vector<1x16xf32>,
        %get3A_759 = vector.shape_cast %get3A_758 : vector<1x16xf32> to vector<16xf32>
        %mul3A_760 = arith.mulf %get3A_755, %get3A_759 : vector<16xf32>
        %add3A_761 = arith.addf %add3A_751, %mul3A_760 : vector<16xf32>
        %get3A_762 = arith.index_cast %add3A_692 : i32 to index
        %get3A_763 = arith.constant 112 : index
        %get3A_764 = tpu.vector_load %arg8[%get3A_762, %get3A_763] {strides = array<i32>} : memref<128x128xf32, #tpu.memory_space<vmem>>, vector<1x16xf32>,
        %get3A_765 = vector.shape_cast %get3A_764 : vector<1x16xf32> to vector<16xf32>
        %get3A_766 = arith.index_cast %add3A_692 : i32 to index
        %get3A_767 = arith.constant 112 : index
        %get3A_768 = tpu.vector_load %arg9[%get3A_766, %get3A_767] {strides = array<i32>} : memref<128x128xf32, #tpu.memory_space<vmem>>, vector<1x16xf32>,
        %get3A_769 = vector.shape_cast %get3A_768 : vector<1x16xf32> to vector<16xf32>
        %mul3A_770 = arith.mulf %get3A_765, %get3A_769 : vector<16xf32>
        %add3A_771 = arith.addf %add3A_761, %mul3A_770 : vector<16xf32>
        %mul3A_772 = arith.constant 2 : i32
        %mul3A_773 = arith.muli %mul3A_772, %add3A_46 : i32
        %add3A_774 = arith.constant 0 : i32
        %add3A_775 = arith.addi %mul3A_773, %add3A_774 : i32
        %swap3A_776 = arith.index_cast %add3A_775 : i32 to index
        %swap3A_777 = arith.constant 112 : index
        %swap3A_778 = tpu.vector_load %arg10[%swap3A_776, %swap3A_777] {strides = array<i32>} : memref<16x128xf32, #tpu.memory_space<vmem>>, vector<1x16xf32>,
        %swap3A_779 = vector.shape_cast %swap3A_778 : vector<1x16xf32> to vector<16xf32>
        %swap3A_780 = vector.shape_cast %add3A_771 : vector<16xf32> to vector<1x16xf32>
        tpu.vector_store %arg10[%swap3A_776, %swap3A_777], %swap3A_780 {strides = array<i32>} : memref<16x128xf32, #tpu.memory_space<vmem>>, vector<1x16xf32>,
        %mul3A_781 = arith.constant 16 : i32
        %mul3A_782 = arith.muli %add3A_46, %mul3A_781 : i32
        %add3A_783 = arith.constant 8 : i32
        %add3A_784 = arith.addi %mul3A_782, %add3A_783 : i32
        %get3A_785 = arith.index_cast %add3A_784 : i32 to index
        %get3A_786 = arith.constant 0 : index
        %get3A_787 = tpu.vector_load %arg8[%get3A_785, %get3A_786] {strides = array<i32>} : memref<128x128xf32, #tpu.memory_space<vmem>>, vector<1x16xf32>,
        %get3A_788 = vector.shape_cast %get3A_787 : vector<1x16xf32> to vector<16xf32>
        %get3A_789 = arith.index_cast %add3A_784 : i32 to index
        %get3A_790 = arith.constant 0 : index
        %get3A_791 = tpu.vector_load %arg9[%get3A_789, %get3A_790] {strides = array<i32>} : memref<128x128xf32, #tpu.memory_space<vmem>>, vector<1x16xf32>,
        %get3A_792 = vector.shape_cast %get3A_791 : vector<1x16xf32> to vector<16xf32>
        %mul3A_793 = arith.mulf %get3A_788, %get3A_792 : vector<16xf32>
        %get3A_794 = arith.index_cast %add3A_784 : i32 to index
        %get3A_795 = arith.constant 16 : index
        %get3A_796 = tpu.vector_load %arg8[%get3A_794, %get3A_795] {strides = array<i32>} : memref<128x128xf32, #tpu.memory_space<vmem>>, vector<1x16xf32>,
        %get3A_797 = vector.shape_cast %get3A_796 : vector<1x16xf32> to vector<16xf32>
        %get3A_798 = arith.index_cast %add3A_784 : i32 to index
        %get3A_799 = arith.constant 16 : index
        %get3A_800 = tpu.vector_load %arg9[%get3A_798, %get3A_799] {strides = array<i32>} : memref<128x128xf32, #tpu.memory_space<vmem>>, vector<1x16xf32>,
        %get3A_801 = vector.shape_cast %get3A_800 : vector<1x16xf32> to vector<16xf32>
        %mul3A_802 = arith.mulf %get3A_797, %get3A_801 : vector<16xf32>
        %add3A_803 = arith.addf %mul3A_793, %mul3A_802 : vector<16xf32>
        %get3A_804 = arith.index_cast %add3A_784 : i32 to index
        %get3A_805 = arith.constant 32 : index
        %get3A_806 = tpu.vector_load %arg8[%get3A_804, %get3A_805] {strides = array<i32>} : memref<128x128xf32, #tpu.memory_space<vmem>>, vector<1x16xf32>,
        %get3A_807 = vector.shape_cast %get3A_806 : vector<1x16xf32> to vector<16xf32>
        %get3A_808 = arith.index_cast %add3A_784 : i32 to index
        %get3A_809 = arith.constant 32 : index
        %get3A_810 = tpu.vector_load %arg9[%get3A_808, %get3A_809] {strides = array<i32>} : memref<128x128xf32, #tpu.memory_space<vmem>>, vector<1x16xf32>,
        %get3A_811 = vector.shape_cast %get3A_810 : vector<1x16xf32> to vector<16xf32>
        %mul3A_812 = arith.mulf %get3A_807, %get3A_811 : vector<16xf32>
        %add3A_813 = arith.addf %add3A_803, %mul3A_812 : vector<16xf32>
        %get3A_814 = arith.index_cast %add3A_784 : i32 to index
        %get3A_815 = arith.constant 48 : index
        %get3A_816 = tpu.vector_load %arg8[%get3A_814, %get3A_815] {strides = array<i32>} : memref<128x128xf32, #tpu.memory_space<vmem>>, vector<1x16xf32>,
        %get3A_817 = vector.shape_cast %get3A_816 : vector<1x16xf32> to vector<16xf32>
        %get3A_818 = arith.index_cast %add3A_784 : i32 to index
        %get3A_819 = arith.constant 48 : index
        %get3A_820 = tpu.vector_load %arg9[%get3A_818, %get3A_819] {strides = array<i32>} : memref<128x128xf32, #tpu.memory_space<vmem>>, vector<1x16xf32>,
        %get3A_821 = vector.shape_cast %get3A_820 : vector<1x16xf32> to vector<16xf32>
        %mul3A_822 = arith.mulf %get3A_817, %get3A_821 : vector<16xf32>
        %add3A_823 = arith.addf %add3A_813, %mul3A_822 : vector<16xf32>
        %get3A_824 = arith.index_cast %add3A_784 : i32 to index
        %get3A_825 = arith.constant 64 : index
        %get3A_826 = tpu.vector_load %arg8[%get3A_824, %get3A_825] {strides = array<i32>} : memref<128x128xf32, #tpu.memory_space<vmem>>, vector<1x16xf32>,
        %get3A_827 = vector.shape_cast %get3A_826 : vector<1x16xf32> to vector<16xf32>
        %get3A_828 = arith.index_cast %add3A_784 : i32 to index
        %get3A_829 = arith.constant 64 : index
        %get3A_830 = tpu.vector_load %arg9[%get3A_828, %get3A_829] {strides = array<i32>} : memref<128x128xf32, #tpu.memory_space<vmem>>, vector<1x16xf32>,
        %get3A_831 = vector.shape_cast %get3A_830 : vector<1x16xf32> to vector<16xf32>
        %mul3A_832 = arith.mulf %get3A_827, %get3A_831 : vector<16xf32>
        %add3A_833 = arith.addf %add3A_823, %mul3A_832 : vector<16xf32>
        %get3A_834 = arith.index_cast %add3A_784 : i32 to index
        %get3A_835 = arith.constant 80 : index
        %get3A_836 = tpu.vector_load %arg8[%get3A_834, %get3A_835] {strides = array<i32>} : memref<128x128xf32, #tpu.memory_space<vmem>>, vector<1x16xf32>,
        %get3A_837 = vector.shape_cast %get3A_836 : vector<1x16xf32> to vector<16xf32>
        %get3A_838 = arith.index_cast %add3A_784 : i32 to index
        %get3A_839 = arith.constant 80 : index
        %get3A_840 = tpu.vector_load %arg9[%get3A_838, %get3A_839] {strides = array<i32>} : memref<128x128xf32, #tpu.memory_space<vmem>>, vector<1x16xf32>,
        %get3A_841 = vector.shape_cast %get3A_840 : vector<1x16xf32> to vector<16xf32>
        %mul3A_842 = arith.mulf %get3A_837, %get3A_841 : vector<16xf32>
        %add3A_843 = arith.addf %add3A_833, %mul3A_842 : vector<16xf32>
        %get3A_844 = arith.index_cast %add3A_784 : i32 to index
        %get3A_845 = arith.constant 96 : index
        %get3A_846 = tpu.vector_load %arg8[%get3A_844, %get3A_845] {strides = array<i32>} : memref<128x128xf32, #tpu.memory_space<vmem>>, vector<1x16xf32>,
        %get3A_847 = vector.shape_cast %get3A_846 : vector<1x16xf32> to vector<16xf32>
        %get3A_848 = arith.index_cast %add3A_784 : i32 to index
        %get3A_849 = arith.constant 96 : index
        %get3A_850 = tpu.vector_load %arg9[%get3A_848, %get3A_849] {strides = array<i32>} : memref<128x128xf32, #tpu.memory_space<vmem>>, vector<1x16xf32>,
        %get3A_851 = vector.shape_cast %get3A_850 : vector<1x16xf32> to vector<16xf32>
        %mul3A_852 = arith.mulf %get3A_847, %get3A_851 : vector<16xf32>
        %add3A_853 = arith.addf %add3A_843, %mul3A_852 : vector<16xf32>
        %get3A_854 = arith.index_cast %add3A_784 : i32 to index
        %get3A_855 = arith.constant 112 : index
        %get3A_856 = tpu.vector_load %arg8[%get3A_854, %get3A_855] {strides = array<i32>} : memref<128x128xf32, #tpu.memory_space<vmem>>, vector<1x16xf32>,
        %get3A_857 = vector.shape_cast %get3A_856 : vector<1x16xf32> to vector<16xf32>
        %get3A_858 = arith.index_cast %add3A_784 : i32 to index
        %get3A_859 = arith.constant 112 : index
        %get3A_860 = tpu.vector_load %arg9[%get3A_858, %get3A_859] {strides = array<i32>} : memref<128x128xf32, #tpu.memory_space<vmem>>, vector<1x16xf32>,
        %get3A_861 = vector.shape_cast %get3A_860 : vector<1x16xf32> to vector<16xf32>
        %mul3A_862 = arith.mulf %get3A_857, %get3A_861 : vector<16xf32>
        %add3A_863 = arith.addf %add3A_853, %mul3A_862 : vector<16xf32>
        %mul3A_864 = arith.constant 2 : i32
        %mul3A_865 = arith.muli %mul3A_864, %add3A_46 : i32
        %add3A_866 = arith.constant 1 : i32
        %add3A_867 = arith.addi %mul3A_865, %add3A_866 : i32
        %swap3A_868 = arith.index_cast %add3A_867 : i32 to index
        %swap3A_869 = arith.constant 0 : index
        %swap3A_870 = tpu.vector_load %arg10[%swap3A_868, %swap3A_869] {strides = array<i32>} : memref<16x128xf32, #tpu.memory_space<vmem>>, vector<1x16xf32>,
        %swap3A_871 = vector.shape_cast %swap3A_870 : vector<1x16xf32> to vector<16xf32>
        %swap3A_872 = vector.shape_cast %add3A_863 : vector<16xf32> to vector<1x16xf32>
        tpu.vector_store %arg10[%swap3A_868, %swap3A_869], %swap3A_872 {strides = array<i32>} : memref<16x128xf32, #tpu.memory_space<vmem>>, vector<1x16xf32>,
        %mul3A_873 = arith.constant 16 : i32
        %mul3A_874 = arith.muli %add3A_46, %mul3A_873 : i32
        %add3A_875 = arith.constant 9 : i32
        %add3A_876 = arith.addi %mul3A_874, %add3A_875 : i32
        %get3A_877 = arith.index_cast %add3A_876 : i32 to index
        %get3A_878 = arith.constant 0 : index
        %get3A_879 = tpu.vector_load %arg8[%get3A_877, %get3A_878] {strides = array<i32>} : memref<128x128xf32, #tpu.memory_space<vmem>>, vector<1x16xf32>,
        %get3A_880 = vector.shape_cast %get3A_879 : vector<1x16xf32> to vector<16xf32>
        %get3A_881 = arith.index_cast %add3A_876 : i32 to index
        %get3A_882 = arith.constant 0 : index
        %get3A_883 = tpu.vector_load %arg9[%get3A_881, %get3A_882] {strides = array<i32>} : memref<128x128xf32, #tpu.memory_space<vmem>>, vector<1x16xf32>,
        %get3A_884 = vector.shape_cast %get3A_883 : vector<1x16xf32> to vector<16xf32>
        %mul3A_885 = arith.mulf %get3A_880, %get3A_884 : vector<16xf32>
        %get3A_886 = arith.index_cast %add3A_876 : i32 to index
        %get3A_887 = arith.constant 16 : index
        %get3A_888 = tpu.vector_load %arg8[%get3A_886, %get3A_887] {strides = array<i32>} : memref<128x128xf32, #tpu.memory_space<vmem>>, vector<1x16xf32>,
        %get3A_889 = vector.shape_cast %get3A_888 : vector<1x16xf32> to vector<16xf32>
        %get3A_890 = arith.index_cast %add3A_876 : i32 to index
        %get3A_891 = arith.constant 16 : index
        %get3A_892 = tpu.vector_load %arg9[%get3A_890, %get3A_891] {strides = array<i32>} : memref<128x128xf32, #tpu.memory_space<vmem>>, vector<1x16xf32>,
        %get3A_893 = vector.shape_cast %get3A_892 : vector<1x16xf32> to vector<16xf32>
        %mul3A_894 = arith.mulf %get3A_889, %get3A_893 : vector<16xf32>
        %add3A_895 = arith.addf %mul3A_885, %mul3A_894 : vector<16xf32>
        %get3A_896 = arith.index_cast %add3A_876 : i32 to index
        %get3A_897 = arith.constant 32 : index
        %get3A_898 = tpu.vector_load %arg8[%get3A_896, %get3A_897] {strides = array<i32>} : memref<128x128xf32, #tpu.memory_space<vmem>>, vector<1x16xf32>,
        %get3A_899 = vector.shape_cast %get3A_898 : vector<1x16xf32> to vector<16xf32>
        %get3A_900 = arith.index_cast %add3A_876 : i32 to index
        %get3A_901 = arith.constant 32 : index
        %get3A_902 = tpu.vector_load %arg9[%get3A_900, %get3A_901] {strides = array<i32>} : memref<128x128xf32, #tpu.memory_space<vmem>>, vector<1x16xf32>,
        %get3A_903 = vector.shape_cast %get3A_902 : vector<1x16xf32> to vector<16xf32>
        %mul3A_904 = arith.mulf %get3A_899, %get3A_903 : vector<16xf32>
        %add3A_905 = arith.addf %add3A_895, %mul3A_904 : vector<16xf32>
        %get3A_906 = arith.index_cast %add3A_876 : i32 to index
        %get3A_907 = arith.constant 48 : index
        %get3A_908 = tpu.vector_load %arg8[%get3A_906, %get3A_907] {strides = array<i32>} : memref<128x128xf32, #tpu.memory_space<vmem>>, vector<1x16xf32>,
        %get3A_909 = vector.shape_cast %get3A_908 : vector<1x16xf32> to vector<16xf32>
        %get3A_910 = arith.index_cast %add3A_876 : i32 to index
        %get3A_911 = arith.constant 48 : index
        %get3A_912 = tpu.vector_load %arg9[%get3A_910, %get3A_911] {strides = array<i32>} : memref<128x128xf32, #tpu.memory_space<vmem>>, vector<1x16xf32>,
        %get3A_913 = vector.shape_cast %get3A_912 : vector<1x16xf32> to vector<16xf32>
        %mul3A_914 = arith.mulf %get3A_909, %get3A_913 : vector<16xf32>
        %add3A_915 = arith.addf %add3A_905, %mul3A_914 : vector<16xf32>
        %get3A_916 = arith.index_cast %add3A_876 : i32 to index
        %get3A_917 = arith.constant 64 : index
        %get3A_918 = tpu.vector_load %arg8[%get3A_916, %get3A_917] {strides = array<i32>} : memref<128x128xf32, #tpu.memory_space<vmem>>, vector<1x16xf32>,
        %get3A_919 = vector.shape_cast %get3A_918 : vector<1x16xf32> to vector<16xf32>
        %get3A_920 = arith.index_cast %add3A_876 : i32 to index
        %get3A_921 = arith.constant 64 : index
        %get3A_922 = tpu.vector_load %arg9[%get3A_920, %get3A_921] {strides = array<i32>} : memref<128x128xf32, #tpu.memory_space<vmem>>, vector<1x16xf32>,
        %get3A_923 = vector.shape_cast %get3A_922 : vector<1x16xf32> to vector<16xf32>
        %mul3A_924 = arith.mulf %get3A_919, %get3A_923 : vector<16xf32>
        %add3A_925 = arith.addf %add3A_915, %mul3A_924 : vector<16xf32>
        %get3A_926 = arith.index_cast %add3A_876 : i32 to index
        %get3A_927 = arith.constant 80 : index
        %get3A_928 = tpu.vector_load %arg8[%get3A_926, %get3A_927] {strides = array<i32>} : memref<128x128xf32, #tpu.memory_space<vmem>>, vector<1x16xf32>,
        %get3A_929 = vector.shape_cast %get3A_928 : vector<1x16xf32> to vector<16xf32>
        %get3A_930 = arith.index_cast %add3A_876 : i32 to index
        %get3A_931 = arith.constant 80 : index
        %get3A_932 = tpu.vector_load %arg9[%get3A_930, %get3A_931] {strides = array<i32>} : memref<128x128xf32, #tpu.memory_space<vmem>>, vector<1x16xf32>,
        %get3A_933 = vector.shape_cast %get3A_932 : vector<1x16xf32> to vector<16xf32>
        %mul3A_934 = arith.mulf %get3A_929, %get3A_933 : vector<16xf32>
        %add3A_935 = arith.addf %add3A_925, %mul3A_934 : vector<16xf32>
        %get3A_936 = arith.index_cast %add3A_876 : i32 to index
        %get3A_937 = arith.constant 96 : index
        %get3A_938 = tpu.vector_load %arg8[%get3A_936, %get3A_937] {strides = array<i32>} : memref<128x128xf32, #tpu.memory_space<vmem>>, vector<1x16xf32>,
        %get3A_939 = vector.shape_cast %get3A_938 : vector<1x16xf32> to vector<16xf32>
        %get3A_940 = arith.index_cast %add3A_876 : i32 to index
        %get3A_941 = arith.constant 96 : index
        %get3A_942 = tpu.vector_load %arg9[%get3A_940, %get3A_941] {strides = array<i32>} : memref<128x128xf32, #tpu.memory_space<vmem>>, vector<1x16xf32>,
        %get3A_943 = vector.shape_cast %get3A_942 : vector<1x16xf32> to vector<16xf32>
        %mul3A_944 = arith.mulf %get3A_939, %get3A_943 : vector<16xf32>
        %add3A_945 = arith.addf %add3A_935, %mul3A_944 : vector<16xf32>
        %get3A_946 = arith.index_cast %add3A_876 : i32 to index
        %get3A_947 = arith.constant 112 : index
        %get3A_948 = tpu.vector_load %arg8[%get3A_946, %get3A_947] {strides = array<i32>} : memref<128x128xf32, #tpu.memory_space<vmem>>, vector<1x16xf32>,
        %get3A_949 = vector.shape_cast %get3A_948 : vector<1x16xf32> to vector<16xf32>
        %get3A_950 = arith.index_cast %add3A_876 : i32 to index
        %get3A_951 = arith.constant 112 : index
        %get3A_952 = tpu.vector_load %arg9[%get3A_950, %get3A_951] {strides = array<i32>} : memref<128x128xf32, #tpu.memory_space<vmem>>, vector<1x16xf32>,
        %get3A_953 = vector.shape_cast %get3A_952 : vector<1x16xf32> to vector<16xf32>
        %mul3A_954 = arith.mulf %get3A_949, %get3A_953 : vector<16xf32>
        %add3A_955 = arith.addf %add3A_945, %mul3A_954 : vector<16xf32>
        %mul3A_956 = arith.constant 2 : i32
        %mul3A_957 = arith.muli %mul3A_956, %add3A_46 : i32
        %add3A_958 = arith.constant 1 : i32
        %add3A_959 = arith.addi %mul3A_957, %add3A_958 : i32
        %swap3A_960 = arith.index_cast %add3A_959 : i32 to index
        %swap3A_961 = arith.constant 16 : index
        %swap3A_962 = tpu.vector_load %arg10[%swap3A_960, %swap3A_961] {strides = array<i32>} : memref<16x128xf32, #tpu.memory_space<vmem>>, vector<1x16xf32>,
        %swap3A_963 = vector.shape_cast %swap3A_962 : vector<1x16xf32> to vector<16xf32>
        %swap3A_964 = vector.shape_cast %add3A_955 : vector<16xf32> to vector<1x16xf32>
        tpu.vector_store %arg10[%swap3A_960, %swap3A_961], %swap3A_964 {strides = array<i32>} : memref<16x128xf32, #tpu.memory_space<vmem>>, vector<1x16xf32>,
        %mul3A_965 = arith.constant 16 : i32
        %mul3A_966 = arith.muli %add3A_46, %mul3A_965 : i32
        %add3A_967 = arith.constant 10 : i32
        %add3A_968 = arith.addi %mul3A_966, %add3A_967 : i32
        %get3A_969 = arith.index_cast %add3A_968 : i32 to index
        %get3A_970 = arith.constant 0 : index
        %get3A_971 = tpu.vector_load %arg8[%get3A_969, %get3A_970] {strides = array<i32>} : memref<128x128xf32, #tpu.memory_space<vmem>>, vector<1x16xf32>,
        %get3A_972 = vector.shape_cast %get3A_971 : vector<1x16xf32> to vector<16xf32>
        %get3A_973 = arith.index_cast %add3A_968 : i32 to index
        %get3A_974 = arith.constant 0 : index
        %get3A_975 = tpu.vector_load %arg9[%get3A_973, %get3A_974] {strides = array<i32>} : memref<128x128xf32, #tpu.memory_space<vmem>>, vector<1x16xf32>,
        %get3A_976 = vector.shape_cast %get3A_975 : vector<1x16xf32> to vector<16xf32>
        %mul3A_977 = arith.mulf %get3A_972, %get3A_976 : vector<16xf32>
        %get3A_978 = arith.index_cast %add3A_968 : i32 to index
        %get3A_979 = arith.constant 16 : index
        %get3A_980 = tpu.vector_load %arg8[%get3A_978, %get3A_979] {strides = array<i32>} : memref<128x128xf32, #tpu.memory_space<vmem>>, vector<1x16xf32>,
        %get3A_981 = vector.shape_cast %get3A_980 : vector<1x16xf32> to vector<16xf32>
        %get3A_982 = arith.index_cast %add3A_968 : i32 to index
        %get3A_983 = arith.constant 16 : index
        %get3A_984 = tpu.vector_load %arg9[%get3A_982, %get3A_983] {strides = array<i32>} : memref<128x128xf32, #tpu.memory_space<vmem>>, vector<1x16xf32>,
        %get3A_985 = vector.shape_cast %get3A_984 : vector<1x16xf32> to vector<16xf32>
        %mul3A_986 = arith.mulf %get3A_981, %get3A_985 : vector<16xf32>
        %add3A_987 = arith.addf %mul3A_977, %mul3A_986 : vector<16xf32>
        %get3A_988 = arith.index_cast %add3A_968 : i32 to index
        %get3A_989 = arith.constant 32 : index
        %get3A_990 = tpu.vector_load %arg8[%get3A_988, %get3A_989] {strides = array<i32>} : memref<128x128xf32, #tpu.memory_space<vmem>>, vector<1x16xf32>,
        %get3A_991 = vector.shape_cast %get3A_990 : vector<1x16xf32> to vector<16xf32>
        %get3A_992 = arith.index_cast %add3A_968 : i32 to index
        %get3A_993 = arith.constant 32 : index
        %get3A_994 = tpu.vector_load %arg9[%get3A_992, %get3A_993] {strides = array<i32>} : memref<128x128xf32, #tpu.memory_space<vmem>>, vector<1x16xf32>,
        %get3A_995 = vector.shape_cast %get3A_994 : vector<1x16xf32> to vector<16xf32>
        %mul3A_996 = arith.mulf %get3A_991, %get3A_995 : vector<16xf32>
        %add3A_997 = arith.addf %add3A_987, %mul3A_996 : vector<16xf32>
        %get3A_998 = arith.index_cast %add3A_968 : i32 to index
        %get3A_999 = arith.constant 48 : index
        %get3A_1000 = tpu.vector_load %arg8[%get3A_998, %get3A_999] {strides = array<i32>} : memref<128x128xf32, #tpu.memory_space<vmem>>, vector<1x16xf32>,
        %get3A_1001 = vector.shape_cast %get3A_1000 : vector<1x16xf32> to vector<16xf32>
        %get3A_1002 = arith.index_cast %add3A_968 : i32 to index
        %get3A_1003 = arith.constant 48 : index
        %get3A_1004 = tpu.vector_load %arg9[%get3A_1002, %get3A_1003] {strides = array<i32>} : memref<128x128xf32, #tpu.memory_space<vmem>>, vector<1x16xf32>,
        %get3A_1005 = vector.shape_cast %get3A_1004 : vector<1x16xf32> to vector<16xf32>
        %mul3A_1006 = arith.mulf %get3A_1001, %get3A_1005 : vector<16xf32>
        %add3A_1007 = arith.addf %add3A_997, %mul3A_1006 : vector<16xf32>
        %get3A_1008 = arith.index_cast %add3A_968 : i32 to index
        %get3A_1009 = arith.constant 64 : index
        %get3A_1010 = tpu.vector_load %arg8[%get3A_1008, %get3A_1009] {strides = array<i32>} : memref<128x128xf32, #tpu.memory_space<vmem>>, vector<1x16xf32>,
        %get3A_1011 = vector.shape_cast %get3A_1010 : vector<1x16xf32> to vector<16xf32>
        %get3A_1012 = arith.index_cast %add3A_968 : i32 to index
        %get3A_1013 = arith.constant 64 : index
        %get3A_1014 = tpu.vector_load %arg9[%get3A_1012, %get3A_1013] {strides = array<i32>} : memref<128x128xf32, #tpu.memory_space<vmem>>, vector<1x16xf32>,
        %get3A_1015 = vector.shape_cast %get3A_1014 : vector<1x16xf32> to vector<16xf32>
        %mul3A_1016 = arith.mulf %get3A_1011, %get3A_1015 : vector<16xf32>
        %add3A_1017 = arith.addf %add3A_1007, %mul3A_1016 : vector<16xf32>
        %get3A_1018 = arith.index_cast %add3A_968 : i32 to index
        %get3A_1019 = arith.constant 80 : index
        %get3A_1020 = tpu.vector_load %arg8[%get3A_1018, %get3A_1019] {strides = array<i32>} : memref<128x128xf32, #tpu.memory_space<vmem>>, vector<1x16xf32>,
        %get3A_1021 = vector.shape_cast %get3A_1020 : vector<1x16xf32> to vector<16xf32>
        %get3A_1022 = arith.index_cast %add3A_968 : i32 to index
        %get3A_1023 = arith.constant 80 : index
        %get3A_1024 = tpu.vector_load %arg9[%get3A_1022, %get3A_1023] {strides = array<i32>} : memref<128x128xf32, #tpu.memory_space<vmem>>, vector<1x16xf32>,
        %get3A_1025 = vector.shape_cast %get3A_1024 : vector<1x16xf32> to vector<16xf32>
        %mul3A_1026 = arith.mulf %get3A_1021, %get3A_1025 : vector<16xf32>
        %add3A_1027 = arith.addf %add3A_1017, %mul3A_1026 : vector<16xf32>
        %get3A_1028 = arith.index_cast %add3A_968 : i32 to index
        %get3A_1029 = arith.constant 96 : index
        %get3A_1030 = tpu.vector_load %arg8[%get3A_1028, %get3A_1029] {strides = array<i32>} : memref<128x128xf32, #tpu.memory_space<vmem>>, vector<1x16xf32>,
        %get3A_1031 = vector.shape_cast %get3A_1030 : vector<1x16xf32> to vector<16xf32>
        %get3A_1032 = arith.index_cast %add3A_968 : i32 to index
        %get3A_1033 = arith.constant 96 : index
        %get3A_1034 = tpu.vector_load %arg9[%get3A_1032, %get3A_1033] {strides = array<i32>} : memref<128x128xf32, #tpu.memory_space<vmem>>, vector<1x16xf32>,
        %get3A_1035 = vector.shape_cast %get3A_1034 : vector<1x16xf32> to vector<16xf32>
        %mul3A_1036 = arith.mulf %get3A_1031, %get3A_1035 : vector<16xf32>
        %add3A_1037 = arith.addf %add3A_1027, %mul3A_1036 : vector<16xf32>
        %get3A_1038 = arith.index_cast %add3A_968 : i32 to index
        %get3A_1039 = arith.constant 112 : index
        %get3A_1040 = tpu.vector_load %arg8[%get3A_1038, %get3A_1039] {strides = array<i32>} : memref<128x128xf32, #tpu.memory_space<vmem>>, vector<1x16xf32>,
        %get3A_1041 = vector.shape_cast %get3A_1040 : vector<1x16xf32> to vector<16xf32>
        %get3A_1042 = arith.index_cast %add3A_968 : i32 to index
        %get3A_1043 = arith.constant 112 : index
        %get3A_1044 = tpu.vector_load %arg9[%get3A_1042, %get3A_1043] {strides = array<i32>} : memref<128x128xf32, #tpu.memory_space<vmem>>, vector<1x16xf32>,
        %get3A_1045 = vector.shape_cast %get3A_1044 : vector<1x16xf32> to vector<16xf32>
        %mul3A_1046 = arith.mulf %get3A_1041, %get3A_1045 : vector<16xf32>
        %add3A_1047 = arith.addf %add3A_1037, %mul3A_1046 : vector<16xf32>
        %mul3A_1048 = arith.constant 2 : i32
        %mul3A_1049 = arith.muli %mul3A_1048, %add3A_46 : i32
        %add3A_1050 = arith.constant 1 : i32
        %add3A_1051 = arith.addi %mul3A_1049, %add3A_1050 : i32
        %swap3A_1052 = arith.index_cast %add3A_1051 : i32 to index
        %swap3A_1053 = arith.constant 32 : index
        %swap3A_1054 = tpu.vector_load %arg10[%swap3A_1052, %swap3A_1053] {strides = array<i32>} : memref<16x128xf32, #tpu.memory_space<vmem>>, vector<1x16xf32>,
        %swap3A_1055 = vector.shape_cast %swap3A_1054 : vector<1x16xf32> to vector<16xf32>
        %swap3A_1056 = vector.shape_cast %add3A_1047 : vector<16xf32> to vector<1x16xf32>
        tpu.vector_store %arg10[%swap3A_1052, %swap3A_1053], %swap3A_1056 {strides = array<i32>} : memref<16x128xf32, #tpu.memory_space<vmem>>, vector<1x16xf32>,
        %mul3A_1057 = arith.constant 16 : i32
        %mul3A_1058 = arith.muli %add3A_46, %mul3A_1057 : i32
        %add3A_1059 = arith.constant 11 : i32
        %add3A_1060 = arith.addi %mul3A_1058, %add3A_1059 : i32
        %get3A_1061 = arith.index_cast %add3A_1060 : i32 to index
        %get3A_1062 = arith.constant 0 : index
        %get3A_1063 = tpu.vector_load %arg8[%get3A_1061, %get3A_1062] {strides = array<i32>} : memref<128x128xf32, #tpu.memory_space<vmem>>, vector<1x16xf32>,
        %get3A_1064 = vector.shape_cast %get3A_1063 : vector<1x16xf32> to vector<16xf32>
        %get3A_1065 = arith.index_cast %add3A_1060 : i32 to index
        %get3A_1066 = arith.constant 0 : index
        %get3A_1067 = tpu.vector_load %arg9[%get3A_1065, %get3A_1066] {strides = array<i32>} : memref<128x128xf32, #tpu.memory_space<vmem>>, vector<1x16xf32>,
        %get3A_1068 = vector.shape_cast %get3A_1067 : vector<1x16xf32> to vector<16xf32>
        %mul3A_1069 = arith.mulf %get3A_1064, %get3A_1068 : vector<16xf32>
        %get3A_1070 = arith.index_cast %add3A_1060 : i32 to index
        %get3A_1071 = arith.constant 16 : index
        %get3A_1072 = tpu.vector_load %arg8[%get3A_1070, %get3A_1071] {strides = array<i32>} : memref<128x128xf32, #tpu.memory_space<vmem>>, vector<1x16xf32>,
        %get3A_1073 = vector.shape_cast %get3A_1072 : vector<1x16xf32> to vector<16xf32>
        %get3A_1074 = arith.index_cast %add3A_1060 : i32 to index
        %get3A_1075 = arith.constant 16 : index
        %get3A_1076 = tpu.vector_load %arg9[%get3A_1074, %get3A_1075] {strides = array<i32>} : memref<128x128xf32, #tpu.memory_space<vmem>>, vector<1x16xf32>,
        %get3A_1077 = vector.shape_cast %get3A_1076 : vector<1x16xf32> to vector<16xf32>
        %mul3A_1078 = arith.mulf %get3A_1073, %get3A_1077 : vector<16xf32>
        %add3A_1079 = arith.addf %mul3A_1069, %mul3A_1078 : vector<16xf32>
        %get3A_1080 = arith.index_cast %add3A_1060 : i32 to index
        %get3A_1081 = arith.constant 32 : index
        %get3A_1082 = tpu.vector_load %arg8[%get3A_1080, %get3A_1081] {strides = array<i32>} : memref<128x128xf32, #tpu.memory_space<vmem>>, vector<1x16xf32>,
        %get3A_1083 = vector.shape_cast %get3A_1082 : vector<1x16xf32> to vector<16xf32>
        %get3A_1084 = arith.index_cast %add3A_1060 : i32 to index
        %get3A_1085 = arith.constant 32 : index
        %get3A_1086 = tpu.vector_load %arg9[%get3A_1084, %get3A_1085] {strides = array<i32>} : memref<128x128xf32, #tpu.memory_space<vmem>>, vector<1x16xf32>,
        %get3A_1087 = vector.shape_cast %get3A_1086 : vector<1x16xf32> to vector<16xf32>
        %mul3A_1088 = arith.mulf %get3A_1083, %get3A_1087 : vector<16xf32>
        %add3A_1089 = arith.addf %add3A_1079, %mul3A_1088 : vector<16xf32>
        %get3A_1090 = arith.index_cast %add3A_1060 : i32 to index
        %get3A_1091 = arith.constant 48 : index
        %get3A_1092 = tpu.vector_load %arg8[%get3A_1090, %get3A_1091] {strides = array<i32>} : memref<128x128xf32, #tpu.memory_space<vmem>>, vector<1x16xf32>,
        %get3A_1093 = vector.shape_cast %get3A_1092 : vector<1x16xf32> to vector<16xf32>
        %get3A_1094 = arith.index_cast %add3A_1060 : i32 to index
        %get3A_1095 = arith.constant 48 : index
        %get3A_1096 = tpu.vector_load %arg9[%get3A_1094, %get3A_1095] {strides = array<i32>} : memref<128x128xf32, #tpu.memory_space<vmem>>, vector<1x16xf32>,
        %get3A_1097 = vector.shape_cast %get3A_1096 : vector<1x16xf32> to vector<16xf32>
        %mul3A_1098 = arith.mulf %get3A_1093, %get3A_1097 : vector<16xf32>
        %add3A_1099 = arith.addf %add3A_1089, %mul3A_1098 : vector<16xf32>
        %get3A_1100 = arith.index_cast %add3A_1060 : i32 to index
        %get3A_1101 = arith.constant 64 : index
        %get3A_1102 = tpu.vector_load %arg8[%get3A_1100, %get3A_1101] {strides = array<i32>} : memref<128x128xf32, #tpu.memory_space<vmem>>, vector<1x16xf32>,
        %get3A_1103 = vector.shape_cast %get3A_1102 : vector<1x16xf32> to vector<16xf32>
        %get3A_1104 = arith.index_cast %add3A_1060 : i32 to index
        %get3A_1105 = arith.constant 64 : index
        %get3A_1106 = tpu.vector_load %arg9[%get3A_1104, %get3A_1105] {strides = array<i32>} : memref<128x128xf32, #tpu.memory_space<vmem>>, vector<1x16xf32>,
        %get3A_1107 = vector.shape_cast %get3A_1106 : vector<1x16xf32> to vector<16xf32>
        %mul3A_1108 = arith.mulf %get3A_1103, %get3A_1107 : vector<16xf32>
        %add3A_1109 = arith.addf %add3A_1099, %mul3A_1108 : vector<16xf32>
        %get3A_1110 = arith.index_cast %add3A_1060 : i32 to index
        %get3A_1111 = arith.constant 80 : index
        %get3A_1112 = tpu.vector_load %arg8[%get3A_1110, %get3A_1111] {strides = array<i32>} : memref<128x128xf32, #tpu.memory_space<vmem>>, vector<1x16xf32>,
        %get3A_1113 = vector.shape_cast %get3A_1112 : vector<1x16xf32> to vector<16xf32>
        %get3A_1114 = arith.index_cast %add3A_1060 : i32 to index
        %get3A_1115 = arith.constant 80 : index
        %get3A_1116 = tpu.vector_load %arg9[%get3A_1114, %get3A_1115] {strides = array<i32>} : memref<128x128xf32, #tpu.memory_space<vmem>>, vector<1x16xf32>,
        %get3A_1117 = vector.shape_cast %get3A_1116 : vector<1x16xf32> to vector<16xf32>
        %mul3A_1118 = arith.mulf %get3A_1113, %get3A_1117 : vector<16xf32>
        %add3A_1119 = arith.addf %add3A_1109, %mul3A_1118 : vector<16xf32>
        %get3A_1120 = arith.index_cast %add3A_1060 : i32 to index
        %get3A_1121 = arith.constant 96 : index
        %get3A_1122 = tpu.vector_load %arg8[%get3A_1120, %get3A_1121] {strides = array<i32>} : memref<128x128xf32, #tpu.memory_space<vmem>>, vector<1x16xf32>,
        %get3A_1123 = vector.shape_cast %get3A_1122 : vector<1x16xf32> to vector<16xf32>
        %get3A_1124 = arith.index_cast %add3A_1060 : i32 to index
        %get3A_1125 = arith.constant 96 : index
        %get3A_1126 = tpu.vector_load %arg9[%get3A_1124, %get3A_1125] {strides = array<i32>} : memref<128x128xf32, #tpu.memory_space<vmem>>, vector<1x16xf32>,
        %get3A_1127 = vector.shape_cast %get3A_1126 : vector<1x16xf32> to vector<16xf32>
        %mul3A_1128 = arith.mulf %get3A_1123, %get3A_1127 : vector<16xf32>
        %add3A_1129 = arith.addf %add3A_1119, %mul3A_1128 : vector<16xf32>
        %get3A_1130 = arith.index_cast %add3A_1060 : i32 to index
        %get3A_1131 = arith.constant 112 : index
        %get3A_1132 = tpu.vector_load %arg8[%get3A_1130, %get3A_1131] {strides = array<i32>} : memref<128x128xf32, #tpu.memory_space<vmem>>, vector<1x16xf32>,
        %get3A_1133 = vector.shape_cast %get3A_1132 : vector<1x16xf32> to vector<16xf32>
        %get3A_1134 = arith.index_cast %add3A_1060 : i32 to index
        %get3A_1135 = arith.constant 112 : index
        %get3A_1136 = tpu.vector_load %arg9[%get3A_1134, %get3A_1135] {strides = array<i32>} : memref<128x128xf32, #tpu.memory_space<vmem>>, vector<1x16xf32>,
        %get3A_1137 = vector.shape_cast %get3A_1136 : vector<1x16xf32> to vector<16xf32>
        %mul3A_1138 = arith.mulf %get3A_1133, %get3A_1137 : vector<16xf32>
        %add3A_1139 = arith.addf %add3A_1129, %mul3A_1138 : vector<16xf32>
        %mul3A_1140 = arith.constant 2 : i32
        %mul3A_1141 = arith.muli %mul3A_1140, %add3A_46 : i32
        %add3A_1142 = arith.constant 1 : i32
        %add3A_1143 = arith.addi %mul3A_1141, %add3A_1142 : i32
        %swap3A_1144 = arith.index_cast %add3A_1143 : i32 to index
        %swap3A_1145 = arith.constant 48 : index
        %swap3A_1146 = tpu.vector_load %arg10[%swap3A_1144, %swap3A_1145] {strides = array<i32>} : memref<16x128xf32, #tpu.memory_space<vmem>>, vector<1x16xf32>,
        %swap3A_1147 = vector.shape_cast %swap3A_1146 : vector<1x16xf32> to vector<16xf32>
        %swap3A_1148 = vector.shape_cast %add3A_1139 : vector<16xf32> to vector<1x16xf32>
        tpu.vector_store %arg10[%swap3A_1144, %swap3A_1145], %swap3A_1148 {strides = array<i32>} : memref<16x128xf32, #tpu.memory_space<vmem>>, vector<1x16xf32>,
        %mul3A_1149 = arith.constant 16 : i32
        %mul3A_1150 = arith.muli %add3A_46, %mul3A_1149 : i32
        %add3A_1151 = arith.constant 12 : i32
        %add3A_1152 = arith.addi %mul3A_1150, %add3A_1151 : i32
        %get3A_1153 = arith.index_cast %add3A_1152 : i32 to index
        %get3A_1154 = arith.constant 0 : index
        %get3A_1155 = tpu.vector_load %arg8[%get3A_1153, %get3A_1154] {strides = array<i32>} : memref<128x128xf32, #tpu.memory_space<vmem>>, vector<1x16xf32>,
        %get3A_1156 = vector.shape_cast %get3A_1155 : vector<1x16xf32> to vector<16xf32>
        %get3A_1157 = arith.index_cast %add3A_1152 : i32 to index
        %get3A_1158 = arith.constant 0 : index
        %get3A_1159 = tpu.vector_load %arg9[%get3A_1157, %get3A_1158] {strides = array<i32>} : memref<128x128xf32, #tpu.memory_space<vmem>>, vector<1x16xf32>,
        %get3A_1160 = vector.shape_cast %get3A_1159 : vector<1x16xf32> to vector<16xf32>
        %mul3A_1161 = arith.mulf %get3A_1156, %get3A_1160 : vector<16xf32>
        %get3A_1162 = arith.index_cast %add3A_1152 : i32 to index
        %get3A_1163 = arith.constant 16 : index
        %get3A_1164 = tpu.vector_load %arg8[%get3A_1162, %get3A_1163] {strides = array<i32>} : memref<128x128xf32, #tpu.memory_space<vmem>>, vector<1x16xf32>,
        %get3A_1165 = vector.shape_cast %get3A_1164 : vector<1x16xf32> to vector<16xf32>
        %get3A_1166 = arith.index_cast %add3A_1152 : i32 to index
        %get3A_1167 = arith.constant 16 : index
        %get3A_1168 = tpu.vector_load %arg9[%get3A_1166, %get3A_1167] {strides = array<i32>} : memref<128x128xf32, #tpu.memory_space<vmem>>, vector<1x16xf32>,
        %get3A_1169 = vector.shape_cast %get3A_1168 : vector<1x16xf32> to vector<16xf32>
        %mul3A_1170 = arith.mulf %get3A_1165, %get3A_1169 : vector<16xf32>
        %add3A_1171 = arith.addf %mul3A_1161, %mul3A_1170 : vector<16xf32>
        %get3A_1172 = arith.index_cast %add3A_1152 : i32 to index
        %get3A_1173 = arith.constant 32 : index
        %get3A_1174 = tpu.vector_load %arg8[%get3A_1172, %get3A_1173] {strides = array<i32>} : memref<128x128xf32, #tpu.memory_space<vmem>>, vector<1x16xf32>,
        %get3A_1175 = vector.shape_cast %get3A_1174 : vector<1x16xf32> to vector<16xf32>
        %get3A_1176 = arith.index_cast %add3A_1152 : i32 to index
        %get3A_1177 = arith.constant 32 : index
        %get3A_1178 = tpu.vector_load %arg9[%get3A_1176, %get3A_1177] {strides = array<i32>} : memref<128x128xf32, #tpu.memory_space<vmem>>, vector<1x16xf32>,
        %get3A_1179 = vector.shape_cast %get3A_1178 : vector<1x16xf32> to vector<16xf32>
        %mul3A_1180 = arith.mulf %get3A_1175, %get3A_1179 : vector<16xf32>
        %add3A_1181 = arith.addf %add3A_1171, %mul3A_1180 : vector<16xf32>
        %get3A_1182 = arith.index_cast %add3A_1152 : i32 to index
        %get3A_1183 = arith.constant 48 : index
        %get3A_1184 = tpu.vector_load %arg8[%get3A_1182, %get3A_1183] {strides = array<i32>} : memref<128x128xf32, #tpu.memory_space<vmem>>, vector<1x16xf32>,
        %get3A_1185 = vector.shape_cast %get3A_1184 : vector<1x16xf32> to vector<16xf32>
        %get3A_1186 = arith.index_cast %add3A_1152 : i32 to index
        %get3A_1187 = arith.constant 48 : index
        %get3A_1188 = tpu.vector_load %arg9[%get3A_1186, %get3A_1187] {strides = array<i32>} : memref<128x128xf32, #tpu.memory_space<vmem>>, vector<1x16xf32>,
        %get3A_1189 = vector.shape_cast %get3A_1188 : vector<1x16xf32> to vector<16xf32>
        %mul3A_1190 = arith.mulf %get3A_1185, %get3A_1189 : vector<16xf32>
        %add3A_1191 = arith.addf %add3A_1181, %mul3A_1190 : vector<16xf32>
        %get3A_1192 = arith.index_cast %add3A_1152 : i32 to index
        %get3A_1193 = arith.constant 64 : index
        %get3A_1194 = tpu.vector_load %arg8[%get3A_1192, %get3A_1193] {strides = array<i32>} : memref<128x128xf32, #tpu.memory_space<vmem>>, vector<1x16xf32>,
        %get3A_1195 = vector.shape_cast %get3A_1194 : vector<1x16xf32> to vector<16xf32>
        %get3A_1196 = arith.index_cast %add3A_1152 : i32 to index
        %get3A_1197 = arith.constant 64 : index
        %get3A_1198 = tpu.vector_load %arg9[%get3A_1196, %get3A_1197] {strides = array<i32>} : memref<128x128xf32, #tpu.memory_space<vmem>>, vector<1x16xf32>,
        %get3A_1199 = vector.shape_cast %get3A_1198 : vector<1x16xf32> to vector<16xf32>
        %mul3A_1200 = arith.mulf %get3A_1195, %get3A_1199 : vector<16xf32>
        %add3A_1201 = arith.addf %add3A_1191, %mul3A_1200 : vector<16xf32>
        %get3A_1202 = arith.index_cast %add3A_1152 : i32 to index
        %get3A_1203 = arith.constant 80 : index
        %get3A_1204 = tpu.vector_load %arg8[%get3A_1202, %get3A_1203] {strides = array<i32>} : memref<128x128xf32, #tpu.memory_space<vmem>>, vector<1x16xf32>,
        %get3A_1205 = vector.shape_cast %get3A_1204 : vector<1x16xf32> to vector<16xf32>
        %get3A_1206 = arith.index_cast %add3A_1152 : i32 to index
        %get3A_1207 = arith.constant 80 : index
        %get3A_1208 = tpu.vector_load %arg9[%get3A_1206, %get3A_1207] {strides = array<i32>} : memref<128x128xf32, #tpu.memory_space<vmem>>, vector<1x16xf32>,
        %get3A_1209 = vector.shape_cast %get3A_1208 : vector<1x16xf32> to vector<16xf32>
        %mul3A_1210 = arith.mulf %get3A_1205, %get3A_1209 : vector<16xf32>
        %add3A_1211 = arith.addf %add3A_1201, %mul3A_1210 : vector<16xf32>
        %get3A_1212 = arith.index_cast %add3A_1152 : i32 to index
        %get3A_1213 = arith.constant 96 : index
        %get3A_1214 = tpu.vector_load %arg8[%get3A_1212, %get3A_1213] {strides = array<i32>} : memref<128x128xf32, #tpu.memory_space<vmem>>, vector<1x16xf32>,
        %get3A_1215 = vector.shape_cast %get3A_1214 : vector<1x16xf32> to vector<16xf32>
        %get3A_1216 = arith.index_cast %add3A_1152 : i32 to index
        %get3A_1217 = arith.constant 96 : index
        %get3A_1218 = tpu.vector_load %arg9[%get3A_1216, %get3A_1217] {strides = array<i32>} : memref<128x128xf32, #tpu.memory_space<vmem>>, vector<1x16xf32>,
        %get3A_1219 = vector.shape_cast %get3A_1218 : vector<1x16xf32> to vector<16xf32>
        %mul3A_1220 = arith.mulf %get3A_1215, %get3A_1219 : vector<16xf32>
        %add3A_1221 = arith.addf %add3A_1211, %mul3A_1220 : vector<16xf32>
        %get3A_1222 = arith.index_cast %add3A_1152 : i32 to index
        %get3A_1223 = arith.constant 112 : index
        %get3A_1224 = tpu.vector_load %arg8[%get3A_1222, %get3A_1223] {strides = array<i32>} : memref<128x128xf32, #tpu.memory_space<vmem>>, vector<1x16xf32>,
        %get3A_1225 = vector.shape_cast %get3A_1224 : vector<1x16xf32> to vector<16xf32>
        %get3A_1226 = arith.index_cast %add3A_1152 : i32 to index
        %get3A_1227 = arith.constant 112 : index
        %get3A_1228 = tpu.vector_load %arg9[%get3A_1226, %get3A_1227] {strides = array<i32>} : memref<128x128xf32, #tpu.memory_space<vmem>>, vector<1x16xf32>,
        %get3A_1229 = vector.shape_cast %get3A_1228 : vector<1x16xf32> to vector<16xf32>
        %mul3A_1230 = arith.mulf %get3A_1225, %get3A_1229 : vector<16xf32>
        %add3A_1231 = arith.addf %add3A_1221, %mul3A_1230 : vector<16xf32>
        %mul3A_1232 = arith.constant 2 : i32
        %mul3A_1233 = arith.muli %mul3A_1232, %add3A_46 : i32
        %add3A_1234 = arith.constant 1 : i32
        %add3A_1235 = arith.addi %mul3A_1233, %add3A_1234 : i32
        %swap3A_1236 = arith.index_cast %add3A_1235 : i32 to index
        %swap3A_1237 = arith.constant 64 : index
        %swap3A_1238 = tpu.vector_load %arg10[%swap3A_1236, %swap3A_1237] {strides = array<i32>} : memref<16x128xf32, #tpu.memory_space<vmem>>, vector<1x16xf32>,
        %swap3A_1239 = vector.shape_cast %swap3A_1238 : vector<1x16xf32> to vector<16xf32>
        %swap3A_1240 = vector.shape_cast %add3A_1231 : vector<16xf32> to vector<1x16xf32>
        tpu.vector_store %arg10[%swap3A_1236, %swap3A_1237], %swap3A_1240 {strides = array<i32>} : memref<16x128xf32, #tpu.memory_space<vmem>>, vector<1x16xf32>,
        %mul3A_1241 = arith.constant 16 : i32
        %mul3A_1242 = arith.muli %add3A_46, %mul3A_1241 : i32
        %add3A_1243 = arith.constant 13 : i32
        %add3A_1244 = arith.addi %mul3A_1242, %add3A_1243 : i32
        %get3A_1245 = arith.index_cast %add3A_1244 : i32 to index
        %get3A_1246 = arith.constant 0 : index
        %get3A_1247 = tpu.vector_load %arg8[%get3A_1245, %get3A_1246] {strides = array<i32>} : memref<128x128xf32, #tpu.memory_space<vmem>>, vector<1x16xf32>,
        %get3A_1248 = vector.shape_cast %get3A_1247 : vector<1x16xf32> to vector<16xf32>
        %get3A_1249 = arith.index_cast %add3A_1244 : i32 to index
        %get3A_1250 = arith.constant 0 : index
        %get3A_1251 = tpu.vector_load %arg9[%get3A_1249, %get3A_1250] {strides = array<i32>} : memref<128x128xf32, #tpu.memory_space<vmem>>, vector<1x16xf32>,
        %get3A_1252 = vector.shape_cast %get3A_1251 : vector<1x16xf32> to vector<16xf32>
        %mul3A_1253 = arith.mulf %get3A_1248, %get3A_1252 : vector<16xf32>
        %get3A_1254 = arith.index_cast %add3A_1244 : i32 to index
        %get3A_1255 = arith.constant 16 : index
        %get3A_1256 = tpu.vector_load %arg8[%get3A_1254, %get3A_1255] {strides = array<i32>} : memref<128x128xf32, #tpu.memory_space<vmem>>, vector<1x16xf32>,
        %get3A_1257 = vector.shape_cast %get3A_1256 : vector<1x16xf32> to vector<16xf32>
        %get3A_1258 = arith.index_cast %add3A_1244 : i32 to index
        %get3A_1259 = arith.constant 16 : index
        %get3A_1260 = tpu.vector_load %arg9[%get3A_1258, %get3A_1259] {strides = array<i32>} : memref<128x128xf32, #tpu.memory_space<vmem>>, vector<1x16xf32>,
        %get3A_1261 = vector.shape_cast %get3A_1260 : vector<1x16xf32> to vector<16xf32>
        %mul3A_1262 = arith.mulf %get3A_1257, %get3A_1261 : vector<16xf32>
        %add3A_1263 = arith.addf %mul3A_1253, %mul3A_1262 : vector<16xf32>
        %get3A_1264 = arith.index_cast %add3A_1244 : i32 to index
        %get3A_1265 = arith.constant 32 : index
        %get3A_1266 = tpu.vector_load %arg8[%get3A_1264, %get3A_1265] {strides = array<i32>} : memref<128x128xf32, #tpu.memory_space<vmem>>, vector<1x16xf32>,
        %get3A_1267 = vector.shape_cast %get3A_1266 : vector<1x16xf32> to vector<16xf32>
        %get3A_1268 = arith.index_cast %add3A_1244 : i32 to index
        %get3A_1269 = arith.constant 32 : index
        %get3A_1270 = tpu.vector_load %arg9[%get3A_1268, %get3A_1269] {strides = array<i32>} : memref<128x128xf32, #tpu.memory_space<vmem>>, vector<1x16xf32>,
        %get3A_1271 = vector.shape_cast %get3A_1270 : vector<1x16xf32> to vector<16xf32>
        %mul3A_1272 = arith.mulf %get3A_1267, %get3A_1271 : vector<16xf32>
        %add3A_1273 = arith.addf %add3A_1263, %mul3A_1272 : vector<16xf32>
        %get3A_1274 = arith.index_cast %add3A_1244 : i32 to index
        %get3A_1275 = arith.constant 48 : index
        %get3A_1276 = tpu.vector_load %arg8[%get3A_1274, %get3A_1275] {strides = array<i32>} : memref<128x128xf32, #tpu.memory_space<vmem>>, vector<1x16xf32>,
        %get3A_1277 = vector.shape_cast %get3A_1276 : vector<1x16xf32> to vector<16xf32>
        %get3A_1278 = arith.index_cast %add3A_1244 : i32 to index
        %get3A_1279 = arith.constant 48 : index
        %get3A_1280 = tpu.vector_load %arg9[%get3A_1278, %get3A_1279] {strides = array<i32>} : memref<128x128xf32, #tpu.memory_space<vmem>>, vector<1x16xf32>,
        %get3A_1281 = vector.shape_cast %get3A_1280 : vector<1x16xf32> to vector<16xf32>
        %mul3A_1282 = arith.mulf %get3A_1277, %get3A_1281 : vector<16xf32>
        %add3A_1283 = arith.addf %add3A_1273, %mul3A_1282 : vector<16xf32>
        %get3A_1284 = arith.index_cast %add3A_1244 : i32 to index
        %get3A_1285 = arith.constant 64 : index
        %get3A_1286 = tpu.vector_load %arg8[%get3A_1284, %get3A_1285] {strides = array<i32>} : memref<128x128xf32, #tpu.memory_space<vmem>>, vector<1x16xf32>,
        %get3A_1287 = vector.shape_cast %get3A_1286 : vector<1x16xf32> to vector<16xf32>
        %get3A_1288 = arith.index_cast %add3A_1244 : i32 to index
        %get3A_1289 = arith.constant 64 : index
        %get3A_1290 = tpu.vector_load %arg9[%get3A_1288, %get3A_1289] {strides = array<i32>} : memref<128x128xf32, #tpu.memory_space<vmem>>, vector<1x16xf32>,
        %get3A_1291 = vector.shape_cast %get3A_1290 : vector<1x16xf32> to vector<16xf32>
        %mul3A_1292 = arith.mulf %get3A_1287, %get3A_1291 : vector<16xf32>
        %add3A_1293 = arith.addf %add3A_1283, %mul3A_1292 : vector<16xf32>
        %get3A_1294 = arith.index_cast %add3A_1244 : i32 to index
        %get3A_1295 = arith.constant 80 : index
        %get3A_1296 = tpu.vector_load %arg8[%get3A_1294, %get3A_1295] {strides = array<i32>} : memref<128x128xf32, #tpu.memory_space<vmem>>, vector<1x16xf32>,
        %get3A_1297 = vector.shape_cast %get3A_1296 : vector<1x16xf32> to vector<16xf32>
        %get3A_1298 = arith.index_cast %add3A_1244 : i32 to index
        %get3A_1299 = arith.constant 80 : index
        %get3A_1300 = tpu.vector_load %arg9[%get3A_1298, %get3A_1299] {strides = array<i32>} : memref<128x128xf32, #tpu.memory_space<vmem>>, vector<1x16xf32>,
        %get3A_1301 = vector.shape_cast %get3A_1300 : vector<1x16xf32> to vector<16xf32>
        %mul3A_1302 = arith.mulf %get3A_1297, %get3A_1301 : vector<16xf32>
        %add3A_1303 = arith.addf %add3A_1293, %mul3A_1302 : vector<16xf32>
        %get3A_1304 = arith.index_cast %add3A_1244 : i32 to index
        %get3A_1305 = arith.constant 96 : index
        %get3A_1306 = tpu.vector_load %arg8[%get3A_1304, %get3A_1305] {strides = array<i32>} : memref<128x128xf32, #tpu.memory_space<vmem>>, vector<1x16xf32>,
        %get3A_1307 = vector.shape_cast %get3A_1306 : vector<1x16xf32> to vector<16xf32>
        %get3A_1308 = arith.index_cast %add3A_1244 : i32 to index
        %get3A_1309 = arith.constant 96 : index
        %get3A_1310 = tpu.vector_load %arg9[%get3A_1308, %get3A_1309] {strides = array<i32>} : memref<128x128xf32, #tpu.memory_space<vmem>>, vector<1x16xf32>,
        %get3A_1311 = vector.shape_cast %get3A_1310 : vector<1x16xf32> to vector<16xf32>
        %mul3A_1312 = arith.mulf %get3A_1307, %get3A_1311 : vector<16xf32>
        %add3A_1313 = arith.addf %add3A_1303, %mul3A_1312 : vector<16xf32>
        %get3A_1314 = arith.index_cast %add3A_1244 : i32 to index
        %get3A_1315 = arith.constant 112 : index
        %get3A_1316 = tpu.vector_load %arg8[%get3A_1314, %get3A_1315] {strides = array<i32>} : memref<128x128xf32, #tpu.memory_space<vmem>>, vector<1x16xf32>,
        %get3A_1317 = vector.shape_cast %get3A_1316 : vector<1x16xf32> to vector<16xf32>
        %get3A_1318 = arith.index_cast %add3A_1244 : i32 to index
        %get3A_1319 = arith.constant 112 : index
        %get3A_1320 = tpu.vector_load %arg9[%get3A_1318, %get3A_1319] {strides = array<i32>} : memref<128x128xf32, #tpu.memory_space<vmem>>, vector<1x16xf32>,
        %get3A_1321 = vector.shape_cast %get3A_1320 : vector<1x16xf32> to vector<16xf32>
        %mul3A_1322 = arith.mulf %get3A_1317, %get3A_1321 : vector<16xf32>
        %add3A_1323 = arith.addf %add3A_1313, %mul3A_1322 : vector<16xf32>
        %mul3A_1324 = arith.constant 2 : i32
        %mul3A_1325 = arith.muli %mul3A_1324, %add3A_46 : i32
        %add3A_1326 = arith.constant 1 : i32
        %add3A_1327 = arith.addi %mul3A_1325, %add3A_1326 : i32
        %swap3A_1328 = arith.index_cast %add3A_1327 : i32 to index
        %swap3A_1329 = arith.constant 80 : index
        %swap3A_1330 = tpu.vector_load %arg10[%swap3A_1328, %swap3A_1329] {strides = array<i32>} : memref<16x128xf32, #tpu.memory_space<vmem>>, vector<1x16xf32>,
        %swap3A_1331 = vector.shape_cast %swap3A_1330 : vector<1x16xf32> to vector<16xf32>
        %swap3A_1332 = vector.shape_cast %add3A_1323 : vector<16xf32> to vector<1x16xf32>
        tpu.vector_store %arg10[%swap3A_1328, %swap3A_1329], %swap3A_1332 {strides = array<i32>} : memref<16x128xf32, #tpu.memory_space<vmem>>, vector<1x16xf32>,
        %mul3A_1333 = arith.constant 16 : i32
        %mul3A_1334 = arith.muli %add3A_46, %mul3A_1333 : i32
        %add3A_1335 = arith.constant 14 : i32
        %add3A_1336 = arith.addi %mul3A_1334, %add3A_1335 : i32
        %get3A_1337 = arith.index_cast %add3A_1336 : i32 to index
        %get3A_1338 = arith.constant 0 : index
        %get3A_1339 = tpu.vector_load %arg8[%get3A_1337, %get3A_1338] {strides = array<i32>} : memref<128x128xf32, #tpu.memory_space<vmem>>, vector<1x16xf32>,
        %get3A_1340 = vector.shape_cast %get3A_1339 : vector<1x16xf32> to vector<16xf32>
        %get3A_1341 = arith.index_cast %add3A_1336 : i32 to index
        %get3A_1342 = arith.constant 0 : index
        %get3A_1343 = tpu.vector_load %arg9[%get3A_1341, %get3A_1342] {strides = array<i32>} : memref<128x128xf32, #tpu.memory_space<vmem>>, vector<1x16xf32>,
        %get3A_1344 = vector.shape_cast %get3A_1343 : vector<1x16xf32> to vector<16xf32>
        %mul3A_1345 = arith.mulf %get3A_1340, %get3A_1344 : vector<16xf32>
        %get3A_1346 = arith.index_cast %add3A_1336 : i32 to index
        %get3A_1347 = arith.constant 16 : index
        %get3A_1348 = tpu.vector_load %arg8[%get3A_1346, %get3A_1347] {strides = array<i32>} : memref<128x128xf32, #tpu.memory_space<vmem>>, vector<1x16xf32>,
        %get3A_1349 = vector.shape_cast %get3A_1348 : vector<1x16xf32> to vector<16xf32>
        %get3A_1350 = arith.index_cast %add3A_1336 : i32 to index
        %get3A_1351 = arith.constant 16 : index
        %get3A_1352 = tpu.vector_load %arg9[%get3A_1350, %get3A_1351] {strides = array<i32>} : memref<128x128xf32, #tpu.memory_space<vmem>>, vector<1x16xf32>,
        %get3A_1353 = vector.shape_cast %get3A_1352 : vector<1x16xf32> to vector<16xf32>
        %mul3A_1354 = arith.mulf %get3A_1349, %get3A_1353 : vector<16xf32>
        %add3A_1355 = arith.addf %mul3A_1345, %mul3A_1354 : vector<16xf32>
        %get3A_1356 = arith.index_cast %add3A_1336 : i32 to index
        %get3A_1357 = arith.constant 32 : index
        %get3A_1358 = tpu.vector_load %arg8[%get3A_1356, %get3A_1357] {strides = array<i32>} : memref<128x128xf32, #tpu.memory_space<vmem>>, vector<1x16xf32>,
        %get3A_1359 = vector.shape_cast %get3A_1358 : vector<1x16xf32> to vector<16xf32>
        %get3A_1360 = arith.index_cast %add3A_1336 : i32 to index
        %get3A_1361 = arith.constant 32 : index
        %get3A_1362 = tpu.vector_load %arg9[%get3A_1360, %get3A_1361] {strides = array<i32>} : memref<128x128xf32, #tpu.memory_space<vmem>>, vector<1x16xf32>,
        %get3A_1363 = vector.shape_cast %get3A_1362 : vector<1x16xf32> to vector<16xf32>
        %mul3A_1364 = arith.mulf %get3A_1359, %get3A_1363 : vector<16xf32>
        %add3A_1365 = arith.addf %add3A_1355, %mul3A_1364 : vector<16xf32>
        %get3A_1366 = arith.index_cast %add3A_1336 : i32 to index
        %get3A_1367 = arith.constant 48 : index
        %get3A_1368 = tpu.vector_load %arg8[%get3A_1366, %get3A_1367] {strides = array<i32>} : memref<128x128xf32, #tpu.memory_space<vmem>>, vector<1x16xf32>,
        %get3A_1369 = vector.shape_cast %get3A_1368 : vector<1x16xf32> to vector<16xf32>
        %get3A_1370 = arith.index_cast %add3A_1336 : i32 to index
        %get3A_1371 = arith.constant 48 : index
        %get3A_1372 = tpu.vector_load %arg9[%get3A_1370, %get3A_1371] {strides = array<i32>} : memref<128x128xf32, #tpu.memory_space<vmem>>, vector<1x16xf32>,
        %get3A_1373 = vector.shape_cast %get3A_1372 : vector<1x16xf32> to vector<16xf32>
        %mul3A_1374 = arith.mulf %get3A_1369, %get3A_1373 : vector<16xf32>
        %add3A_1375 = arith.addf %add3A_1365, %mul3A_1374 : vector<16xf32>
        %get3A_1376 = arith.index_cast %add3A_1336 : i32 to index
        %get3A_1377 = arith.constant 64 : index
        %get3A_1378 = tpu.vector_load %arg8[%get3A_1376, %get3A_1377] {strides = array<i32>} : memref<128x128xf32, #tpu.memory_space<vmem>>, vector<1x16xf32>,
        %get3A_1379 = vector.shape_cast %get3A_1378 : vector<1x16xf32> to vector<16xf32>
        %get3A_1380 = arith.index_cast %add3A_1336 : i32 to index
        %get3A_1381 = arith.constant 64 : index
        %get3A_1382 = tpu.vector_load %arg9[%get3A_1380, %get3A_1381] {strides = array<i32>} : memref<128x128xf32, #tpu.memory_space<vmem>>, vector<1x16xf32>,
        %get3A_1383 = vector.shape_cast %get3A_1382 : vector<1x16xf32> to vector<16xf32>
        %mul3A_1384 = arith.mulf %get3A_1379, %get3A_1383 : vector<16xf32>
        %add3A_1385 = arith.addf %add3A_1375, %mul3A_1384 : vector<16xf32>
        %get3A_1386 = arith.index_cast %add3A_1336 : i32 to index
        %get3A_1387 = arith.constant 80 : index
        %get3A_1388 = tpu.vector_load %arg8[%get3A_1386, %get3A_1387] {strides = array<i32>} : memref<128x128xf32, #tpu.memory_space<vmem>>, vector<1x16xf32>,
        %get3A_1389 = vector.shape_cast %get3A_1388 : vector<1x16xf32> to vector<16xf32>
        %get3A_1390 = arith.index_cast %add3A_1336 : i32 to index
        %get3A_1391 = arith.constant 80 : index
        %get3A_1392 = tpu.vector_load %arg9[%get3A_1390, %get3A_1391] {strides = array<i32>} : memref<128x128xf32, #tpu.memory_space<vmem>>, vector<1x16xf32>,
        %get3A_1393 = vector.shape_cast %get3A_1392 : vector<1x16xf32> to vector<16xf32>
        %mul3A_1394 = arith.mulf %get3A_1389, %get3A_1393 : vector<16xf32>
        %add3A_1395 = arith.addf %add3A_1385, %mul3A_1394 : vector<16xf32>
        %get3A_1396 = arith.index_cast %add3A_1336 : i32 to index
        %get3A_1397 = arith.constant 96 : index
        %get3A_1398 = tpu.vector_load %arg8[%get3A_1396, %get3A_1397] {strides = array<i32>} : memref<128x128xf32, #tpu.memory_space<vmem>>, vector<1x16xf32>,
        %get3A_1399 = vector.shape_cast %get3A_1398 : vector<1x16xf32> to vector<16xf32>
        %get3A_1400 = arith.index_cast %add3A_1336 : i32 to index
        %get3A_1401 = arith.constant 96 : index
        %get3A_1402 = tpu.vector_load %arg9[%get3A_1400, %get3A_1401] {strides = array<i32>} : memref<128x128xf32, #tpu.memory_space<vmem>>, vector<1x16xf32>,
        %get3A_1403 = vector.shape_cast %get3A_1402 : vector<1x16xf32> to vector<16xf32>
        %mul3A_1404 = arith.mulf %get3A_1399, %get3A_1403 : vector<16xf32>
        %add3A_1405 = arith.addf %add3A_1395, %mul3A_1404 : vector<16xf32>
        %get3A_1406 = arith.index_cast %add3A_1336 : i32 to index
        %get3A_1407 = arith.constant 112 : index
        %get3A_1408 = tpu.vector_load %arg8[%get3A_1406, %get3A_1407] {strides = array<i32>} : memref<128x128xf32, #tpu.memory_space<vmem>>, vector<1x16xf32>,
        %get3A_1409 = vector.shape_cast %get3A_1408 : vector<1x16xf32> to vector<16xf32>
        %get3A_1410 = arith.index_cast %add3A_1336 : i32 to index
        %get3A_1411 = arith.constant 112 : index
        %get3A_1412 = tpu.vector_load %arg9[%get3A_1410, %get3A_1411] {strides = array<i32>} : memref<128x128xf32, #tpu.memory_space<vmem>>, vector<1x16xf32>,
        %get3A_1413 = vector.shape_cast %get3A_1412 : vector<1x16xf32> to vector<16xf32>
        %mul3A_1414 = arith.mulf %get3A_1409, %get3A_1413 : vector<16xf32>
        %add3A_1415 = arith.addf %add3A_1405, %mul3A_1414 : vector<16xf32>
        %mul3A_1416 = arith.constant 2 : i32
        %mul3A_1417 = arith.muli %mul3A_1416, %add3A_46 : i32
        %add3A_1418 = arith.constant 1 : i32
        %add3A_1419 = arith.addi %mul3A_1417, %add3A_1418 : i32
        %swap3A_1420 = arith.index_cast %add3A_1419 : i32 to index
        %swap3A_1421 = arith.constant 96 : index
        %swap3A_1422 = tpu.vector_load %arg10[%swap3A_1420, %swap3A_1421] {strides = array<i32>} : memref<16x128xf32, #tpu.memory_space<vmem>>, vector<1x16xf32>,
        %swap3A_1423 = vector.shape_cast %swap3A_1422 : vector<1x16xf32> to vector<16xf32>
        %swap3A_1424 = vector.shape_cast %add3A_1415 : vector<16xf32> to vector<1x16xf32>
        tpu.vector_store %arg10[%swap3A_1420, %swap3A_1421], %swap3A_1424 {strides = array<i32>} : memref<16x128xf32, #tpu.memory_space<vmem>>, vector<1x16xf32>,
        %mul3A_1425 = arith.constant 16 : i32
        %mul3A_1426 = arith.muli %add3A_46, %mul3A_1425 : i32
        %add3A_1427 = arith.constant 15 : i32
        %add3A_1428 = arith.addi %mul3A_1426, %add3A_1427 : i32
        %get3A_1429 = arith.index_cast %add3A_1428 : i32 to index
        %get3A_1430 = arith.constant 0 : index
        %get3A_1431 = tpu.vector_load %arg8[%get3A_1429, %get3A_1430] {strides = array<i32>} : memref<128x128xf32, #tpu.memory_space<vmem>>, vector<1x16xf32>,
        %get3A_1432 = vector.shape_cast %get3A_1431 : vector<1x16xf32> to vector<16xf32>
        %get3A_1433 = arith.index_cast %add3A_1428 : i32 to index
        %get3A_1434 = arith.constant 0 : index
        %get3A_1435 = tpu.vector_load %arg9[%get3A_1433, %get3A_1434] {strides = array<i32>} : memref<128x128xf32, #tpu.memory_space<vmem>>, vector<1x16xf32>,
        %get3A_1436 = vector.shape_cast %get3A_1435 : vector<1x16xf32> to vector<16xf32>
        %mul3A_1437 = arith.mulf %get3A_1432, %get3A_1436 : vector<16xf32>
        %get3A_1438 = arith.index_cast %add3A_1428 : i32 to index
        %get3A_1439 = arith.constant 16 : index
        %get3A_1440 = tpu.vector_load %arg8[%get3A_1438, %get3A_1439] {strides = array<i32>} : memref<128x128xf32, #tpu.memory_space<vmem>>, vector<1x16xf32>,
        %get3A_1441 = vector.shape_cast %get3A_1440 : vector<1x16xf32> to vector<16xf32>
        %get3A_1442 = arith.index_cast %add3A_1428 : i32 to index
        %get3A_1443 = arith.constant 16 : index
        %get3A_1444 = tpu.vector_load %arg9[%get3A_1442, %get3A_1443] {strides = array<i32>} : memref<128x128xf32, #tpu.memory_space<vmem>>, vector<1x16xf32>,
        %get3A_1445 = vector.shape_cast %get3A_1444 : vector<1x16xf32> to vector<16xf32>
        %mul3A_1446 = arith.mulf %get3A_1441, %get3A_1445 : vector<16xf32>
        %add3A_1447 = arith.addf %mul3A_1437, %mul3A_1446 : vector<16xf32>
        %get3A_1448 = arith.index_cast %add3A_1428 : i32 to index
        %get3A_1449 = arith.constant 32 : index
        %get3A_1450 = tpu.vector_load %arg8[%get3A_1448, %get3A_1449] {strides = array<i32>} : memref<128x128xf32, #tpu.memory_space<vmem>>, vector<1x16xf32>,
        %get3A_1451 = vector.shape_cast %get3A_1450 : vector<1x16xf32> to vector<16xf32>
        %get3A_1452 = arith.index_cast %add3A_1428 : i32 to index
        %get3A_1453 = arith.constant 32 : index
        %get3A_1454 = tpu.vector_load %arg9[%get3A_1452, %get3A_1453] {strides = array<i32>} : memref<128x128xf32, #tpu.memory_space<vmem>>, vector<1x16xf32>,
        %get3A_1455 = vector.shape_cast %get3A_1454 : vector<1x16xf32> to vector<16xf32>
        %mul3A_1456 = arith.mulf %get3A_1451, %get3A_1455 : vector<16xf32>
        %add3A_1457 = arith.addf %add3A_1447, %mul3A_1456 : vector<16xf32>
        %get3A_1458 = arith.index_cast %add3A_1428 : i32 to index
        %get3A_1459 = arith.constant 48 : index
        %get3A_1460 = tpu.vector_load %arg8[%get3A_1458, %get3A_1459] {strides = array<i32>} : memref<128x128xf32, #tpu.memory_space<vmem>>, vector<1x16xf32>,
        %get3A_1461 = vector.shape_cast %get3A_1460 : vector<1x16xf32> to vector<16xf32>
        %get3A_1462 = arith.index_cast %add3A_1428 : i32 to index
        %get3A_1463 = arith.constant 48 : index
        %get3A_1464 = tpu.vector_load %arg9[%get3A_1462, %get3A_1463] {strides = array<i32>} : memref<128x128xf32, #tpu.memory_space<vmem>>, vector<1x16xf32>,
        %get3A_1465 = vector.shape_cast %get3A_1464 : vector<1x16xf32> to vector<16xf32>
        %mul3A_1466 = arith.mulf %get3A_1461, %get3A_1465 : vector<16xf32>
        %add3A_1467 = arith.addf %add3A_1457, %mul3A_1466 : vector<16xf32>
        %get3A_1468 = arith.index_cast %add3A_1428 : i32 to index
        %get3A_1469 = arith.constant 64 : index
        %get3A_1470 = tpu.vector_load %arg8[%get3A_1468, %get3A_1469] {strides = array<i32>} : memref<128x128xf32, #tpu.memory_space<vmem>>, vector<1x16xf32>,
        %get3A_1471 = vector.shape_cast %get3A_1470 : vector<1x16xf32> to vector<16xf32>
        %get3A_1472 = arith.index_cast %add3A_1428 : i32 to index
        %get3A_1473 = arith.constant 64 : index
        %get3A_1474 = tpu.vector_load %arg9[%get3A_1472, %get3A_1473] {strides = array<i32>} : memref<128x128xf32, #tpu.memory_space<vmem>>, vector<1x16xf32>,
        %get3A_1475 = vector.shape_cast %get3A_1474 : vector<1x16xf32> to vector<16xf32>
        %mul3A_1476 = arith.mulf %get3A_1471, %get3A_1475 : vector<16xf32>
        %add3A_1477 = arith.addf %add3A_1467, %mul3A_1476 : vector<16xf32>
        %get3A_1478 = arith.index_cast %add3A_1428 : i32 to index
        %get3A_1479 = arith.constant 80 : index
        %get3A_1480 = tpu.vector_load %arg8[%get3A_1478, %get3A_1479] {strides = array<i32>} : memref<128x128xf32, #tpu.memory_space<vmem>>, vector<1x16xf32>,
        %get3A_1481 = vector.shape_cast %get3A_1480 : vector<1x16xf32> to vector<16xf32>
        %get3A_1482 = arith.index_cast %add3A_1428 : i32 to index
        %get3A_1483 = arith.constant 80 : index
        %get3A_1484 = tpu.vector_load %arg9[%get3A_1482, %get3A_1483] {strides = array<i32>} : memref<128x128xf32, #tpu.memory_space<vmem>>, vector<1x16xf32>,
        %get3A_1485 = vector.shape_cast %get3A_1484 : vector<1x16xf32> to vector<16xf32>
        %mul3A_1486 = arith.mulf %get3A_1481, %get3A_1485 : vector<16xf32>
        %add3A_1487 = arith.addf %add3A_1477, %mul3A_1486 : vector<16xf32>
        %get3A_1488 = arith.index_cast %add3A_1428 : i32 to index
        %get3A_1489 = arith.constant 96 : index
        %get3A_1490 = tpu.vector_load %arg8[%get3A_1488, %get3A_1489] {strides = array<i32>} : memref<128x128xf32, #tpu.memory_space<vmem>>, vector<1x16xf32>,
        %get3A_1491 = vector.shape_cast %get3A_1490 : vector<1x16xf32> to vector<16xf32>
        %get3A_1492 = arith.index_cast %add3A_1428 : i32 to index
        %get3A_1493 = arith.constant 96 : index
        %get3A_1494 = tpu.vector_load %arg9[%get3A_1492, %get3A_1493] {strides = array<i32>} : memref<128x128xf32, #tpu.memory_space<vmem>>, vector<1x16xf32>,
        %get3A_1495 = vector.shape_cast %get3A_1494 : vector<1x16xf32> to vector<16xf32>
        %mul3A_1496 = arith.mulf %get3A_1491, %get3A_1495 : vector<16xf32>
        %add3A_1497 = arith.addf %add3A_1487, %mul3A_1496 : vector<16xf32>
        %get3A_1498 = arith.index_cast %add3A_1428 : i32 to index
        %get3A_1499 = arith.constant 112 : index
        %get3A_1500 = tpu.vector_load %arg8[%get3A_1498, %get3A_1499] {strides = array<i32>} : memref<128x128xf32, #tpu.memory_space<vmem>>, vector<1x16xf32>,
        %get3A_1501 = vector.shape_cast %get3A_1500 : vector<1x16xf32> to vector<16xf32>
        %get3A_1502 = arith.index_cast %add3A_1428 : i32 to index
        %get3A_1503 = arith.constant 112 : index
        %get3A_1504 = tpu.vector_load %arg9[%get3A_1502, %get3A_1503] {strides = array<i32>} : memref<128x128xf32, #tpu.memory_space<vmem>>, vector<1x16xf32>,
        %get3A_1505 = vector.shape_cast %get3A_1504 : vector<1x16xf32> to vector<16xf32>
        %mul3A_1506 = arith.mulf %get3A_1501, %get3A_1505 : vector<16xf32>
        %add3A_1507 = arith.addf %add3A_1497, %mul3A_1506 : vector<16xf32>
        %mul3A_1508 = arith.constant 2 : i32
        %mul3A_1509 = arith.muli %mul3A_1508, %add3A_46 : i32
        %add3A_1510 = arith.constant 1 : i32
        %add3A_1511 = arith.addi %mul3A_1509, %add3A_1510 : i32
        %swap3A_1512 = arith.index_cast %add3A_1511 : i32 to index
        %swap3A_1513 = arith.constant 112 : index
        %swap3A_1514 = tpu.vector_load %arg10[%swap3A_1512, %swap3A_1513] {strides = array<i32>} : memref<16x128xf32, #tpu.memory_space<vmem>>, vector<1x16xf32>,
        %swap3A_1515 = vector.shape_cast %swap3A_1514 : vector<1x16xf32> to vector<16xf32>
        %swap3A_1516 = vector.shape_cast %add3A_1507 : vector<16xf32> to vector<1x16xf32>
        tpu.vector_store %arg10[%swap3A_1512, %swap3A_1513], %swap3A_1516 {strides = array<i32>} : memref<16x128xf32, #tpu.memory_space<vmem>>, vector<1x16xf32>,
      }
      %scan3A_36 = arith.constant 8 : i32
      %mul3A_37 = arith.constant 400 : i32
      %mul3A_38 = arith.muli %add3A, %mul3A_37 : i32
      %mul3A_39 = arith.constant 16 : i32
      %mul3A_40 = arith.muli %add3A_9, %mul3A_39 : i32
      %add3A_41 = arith.addi %mul3A_38, %mul3A_40 : i32
      "tpu.region"() ({
        %run_scoped3A = tpu.sem_alloc : memref<!tpu.dma_semaphore, #tpu.memory_space<semaphore_mem>>
        %dma_start3A_42 = arith.constant 0 : i32
        %dma_start3A_43 = tpu.memref_slice %arg5[%add3A_41, %dma_start3A_42] : memref<12800x128xf32, #tpu.memory_space<hbm>> -> memref<16x128xf32, #tpu.memory_space<hbm>>
        %dma_start3A_44 = arith.constant 0 : i32
        %dma_start3A_45 = tpu.memref_slice %arg5[%add3A_41, %dma_start3A_44] : memref<12800x128xf32, #tpu.memory_space<hbm>> -> memref<16x128xf32, #tpu.memory_space<hbm>>
        tpu.enqueue_dma source(%arg10 : memref<16x128xf32, #tpu.memory_space<vmem>>) target(%dma_start3A_45 : memref<16x128xf32, #tpu.memory_space<hbm>>) target_semaphore(%run_scoped3A : memref<!tpu.dma_semaphore, #tpu.memory_space<semaphore_mem>>)
        %dma_wait3A_46 = arith.constant 0 : i32
        %dma_wait3A_47 = tpu.memref_slice %arg5[%add3A_41, %dma_wait3A_46] : memref<12800x128xf32, #tpu.memory_space<hbm>> -> memref<16x128xf32, #tpu.memory_space<hbm>>
        %dma_wait3A_48 = arith.constant 0 : i32
        %dma_wait3A_49 = tpu.memref_slice %arg5[%add3A_41, %dma_wait3A_48] : memref<12800x128xf32, #tpu.memory_space<hbm>> -> memref<16x128xf32, #tpu.memory_space<hbm>>
        tpu.wait_dma2 semaphore(%run_scoped3A : memref<!tpu.dma_semaphore, #tpu.memory_space<semaphore_mem>>) src(%arg10 : memref<16x128xf32, #tpu.memory_space<vmem>>) dst(%dma_wait3A_49 : memref<16x128xf32, #tpu.memory_space<hbm>>)
        tpu.yield
      }) : () -> ()
    }
    %scan3A_4 = arith.constant 25 : i32
    return
  }
}

#map = affine_map<(d0, d1) -> (0, 0, 0)>
module attributes {stable_mosaic.version = 14 : i64} {
  func.func @_sc_cnt_body(%arg0: i32, %arg1: i32, %arg2: memref<32x79x128xi32, #tpu.memory_space<hbm>>, %arg3: memref<2x10112x128xf32, #tpu.memory_space<hbm>>, %arg4: memref<79x128xi32, #tpu.memory_space<vmem>>, %arg5: memref<128x128xf32, #tpu.memory_space<vmem>>, %arg6: memref<10112x128xf32, #tpu.memory_space<vmem_shared>>, %arg7: memref<!tpu.dma_semaphore, #tpu.memory_space<semaphore_mem>>) attributes {dimension_semantics = [#tpu.dimension_semantics<core_parallel>, #tpu.dimension_semantics<subcore_parallel>], iteration_bounds = array<i64: 2, 16>, scalar_prefetch = 0 : i64, scratch_operands = 4 : i64, tpu.core_type = #tpu.core_type<sc_vector_subcore>, window_params = [{transform_indices = #map}, {transform_indices = #map}]} {
    %mul3A = arith.constant 16 : i32
    %mul3A_0 = arith.muli %arg0, %mul3A : i32
    %add3A = arith.addi %mul3A_0, %arg1 : i32
    %mul3A_1 = arith.constant 632 : i32
    %mul3A_2 = arith.muli %arg1, %mul3A_1 : i32
    "tpu.region"() ({
      %run_scoped3A = tpu.sem_alloc : memref<!tpu.dma_semaphore, #tpu.memory_space<semaphore_mem>>
      %dma_start3A = arith.constant 0 : i32
      %dma_start3A_51 = arith.constant 0 : i32
      %dma_start3A_52 = tpu.memref_slice %arg2[%add3A, %dma_start3A, %dma_start3A_51] : memref<32x79x128xi32, #tpu.memory_space<hbm>> -> memref<1x79x128xi32, #tpu.memory_space<hbm>>
      %dma_start3A_53 = tpu.memref_squeeze %dma_start3A_52 : memref<1x79x128xi32, #tpu.memory_space<hbm>> -> memref<79x128xi32, #tpu.memory_space<hbm>>
      %dma_start3A_54 = arith.constant 0 : i32
      %dma_start3A_55 = arith.constant 0 : i32
      %dma_start3A_56 = tpu.memref_slice %arg2[%add3A, %dma_start3A_54, %dma_start3A_55] : memref<32x79x128xi32, #tpu.memory_space<hbm>> -> memref<1x79x128xi32, #tpu.memory_space<hbm>>
      %dma_start3A_57 = tpu.memref_squeeze %dma_start3A_56 : memref<1x79x128xi32, #tpu.memory_space<hbm>> -> memref<79x128xi32, #tpu.memory_space<hbm>>
      tpu.enqueue_dma source(%dma_start3A_57 : memref<79x128xi32, #tpu.memory_space<hbm>>) target(%arg4 : memref<79x128xi32, #tpu.memory_space<vmem>>) target_semaphore(%run_scoped3A : memref<!tpu.dma_semaphore, #tpu.memory_space<semaphore_mem>>)
      %dma_wait3A = arith.constant 0 : i32
      %dma_wait3A_58 = arith.constant 0 : i32
      %dma_wait3A_59 = tpu.memref_slice %arg2[%add3A, %dma_wait3A, %dma_wait3A_58] : memref<32x79x128xi32, #tpu.memory_space<hbm>> -> memref<1x79x128xi32, #tpu.memory_space<hbm>>
      %dma_wait3A_60 = tpu.memref_squeeze %dma_wait3A_59 : memref<1x79x128xi32, #tpu.memory_space<hbm>> -> memref<79x128xi32, #tpu.memory_space<hbm>>
      %dma_wait3A_61 = arith.constant 0 : i32
      %dma_wait3A_62 = arith.constant 0 : i32
      %dma_wait3A_63 = tpu.memref_slice %arg2[%add3A, %dma_wait3A_61, %dma_wait3A_62] : memref<32x79x128xi32, #tpu.memory_space<hbm>> -> memref<1x79x128xi32, #tpu.memory_space<hbm>>
      %dma_wait3A_64 = tpu.memref_squeeze %dma_wait3A_63 : memref<1x79x128xi32, #tpu.memory_space<hbm>> -> memref<79x128xi32, #tpu.memory_space<hbm>>
      tpu.wait_dma2 semaphore(%run_scoped3A : memref<!tpu.dma_semaphore, #tpu.memory_space<semaphore_mem>>) src(%dma_wait3A_64 : memref<79x128xi32, #tpu.memory_space<hbm>>) dst(%arg4 : memref<79x128xi32, #tpu.memory_space<vmem>>)
      tpu.yield
    }) : () -> ()
    %broadcast_in_dim3A = arith.constant 0.000000e+00 : f32
    %broadcast_in_dim3A_3 = vector.broadcast %broadcast_in_dim3A : f32 to vector<16xf32>
    %scan3A = arith.constant 0 : i32
    %scan3A_4 = arith.constant 128 : i32
    %scan3A_5 = arith.addi %scan3A, %scan3A_4 : i32
    %scan3A_6 = arith.constant 1 : i32
    scf.for %scan3A_51 = %scan3A to %scan3A_5 step %scan3A_6  : i32 {
      %mul3A_52 = arith.constant 1 : i32
      %mul3A_53 = arith.muli %scan3A_51, %mul3A_52 : i32
      %add3A_54 = arith.constant 0 : i32
      %add3A_55 = arith.addi %add3A_54, %mul3A_53 : i32
      %swap3A = arith.index_cast %add3A_55 : i32 to index
      %swap3A_56 = arith.constant 0 : index
      %swap3A_57 = tpu.vector_load %arg5[%swap3A, %swap3A_56] {strides = array<i32>} : memref<128x128xf32, #tpu.memory_space<vmem>>, vector<1x16xf32>,
      %swap3A_58 = vector.shape_cast %swap3A_57 : vector<1x16xf32> to vector<16xf32>
      %swap3A_59 = vector.shape_cast %broadcast_in_dim3A_3 : vector<16xf32> to vector<1x16xf32>
      tpu.vector_store %arg5[%swap3A, %swap3A_56], %swap3A_59 {strides = array<i32>} : memref<128x128xf32, #tpu.memory_space<vmem>>, vector<1x16xf32>,
      %swap3A_60 = arith.index_cast %add3A_55 : i32 to index
      %swap3A_61 = arith.constant 16 : index
      %swap3A_62 = tpu.vector_load %arg5[%swap3A_60, %swap3A_61] {strides = array<i32>} : memref<128x128xf32, #tpu.memory_space<vmem>>, vector<1x16xf32>,
      %swap3A_63 = vector.shape_cast %swap3A_62 : vector<1x16xf32> to vector<16xf32>
      %swap3A_64 = vector.shape_cast %broadcast_in_dim3A_3 : vector<16xf32> to vector<1x16xf32>
      tpu.vector_store %arg5[%swap3A_60, %swap3A_61], %swap3A_64 {strides = array<i32>} : memref<128x128xf32, #tpu.memory_space<vmem>>, vector<1x16xf32>,
      %swap3A_65 = arith.index_cast %add3A_55 : i32 to index
      %swap3A_66 = arith.constant 32 : index
      %swap3A_67 = tpu.vector_load %arg5[%swap3A_65, %swap3A_66] {strides = array<i32>} : memref<128x128xf32, #tpu.memory_space<vmem>>, vector<1x16xf32>,
      %swap3A_68 = vector.shape_cast %swap3A_67 : vector<1x16xf32> to vector<16xf32>
      %swap3A_69 = vector.shape_cast %broadcast_in_dim3A_3 : vector<16xf32> to vector<1x16xf32>
      tpu.vector_store %arg5[%swap3A_65, %swap3A_66], %swap3A_69 {strides = array<i32>} : memref<128x128xf32, #tpu.memory_space<vmem>>, vector<1x16xf32>,
      %swap3A_70 = arith.index_cast %add3A_55 : i32 to index
      %swap3A_71 = arith.constant 48 : index
      %swap3A_72 = tpu.vector_load %arg5[%swap3A_70, %swap3A_71] {strides = array<i32>} : memref<128x128xf32, #tpu.memory_space<vmem>>, vector<1x16xf32>,
      %swap3A_73 = vector.shape_cast %swap3A_72 : vector<1x16xf32> to vector<16xf32>
      %swap3A_74 = vector.shape_cast %broadcast_in_dim3A_3 : vector<16xf32> to vector<1x16xf32>
      tpu.vector_store %arg5[%swap3A_70, %swap3A_71], %swap3A_74 {strides = array<i32>} : memref<128x128xf32, #tpu.memory_space<vmem>>, vector<1x16xf32>,
      %swap3A_75 = arith.index_cast %add3A_55 : i32 to index
      %swap3A_76 = arith.constant 64 : index
      %swap3A_77 = tpu.vector_load %arg5[%swap3A_75, %swap3A_76] {strides = array<i32>} : memref<128x128xf32, #tpu.memory_space<vmem>>, vector<1x16xf32>,
      %swap3A_78 = vector.shape_cast %swap3A_77 : vector<1x16xf32> to vector<16xf32>
      %swap3A_79 = vector.shape_cast %broadcast_in_dim3A_3 : vector<16xf32> to vector<1x16xf32>
      tpu.vector_store %arg5[%swap3A_75, %swap3A_76], %swap3A_79 {strides = array<i32>} : memref<128x128xf32, #tpu.memory_space<vmem>>, vector<1x16xf32>,
      %swap3A_80 = arith.index_cast %add3A_55 : i32 to index
      %swap3A_81 = arith.constant 80 : index
      %swap3A_82 = tpu.vector_load %arg5[%swap3A_80, %swap3A_81] {strides = array<i32>} : memref<128x128xf32, #tpu.memory_space<vmem>>, vector<1x16xf32>,
      %swap3A_83 = vector.shape_cast %swap3A_82 : vector<1x16xf32> to vector<16xf32>
      %swap3A_84 = vector.shape_cast %broadcast_in_dim3A_3 : vector<16xf32> to vector<1x16xf32>
      tpu.vector_store %arg5[%swap3A_80, %swap3A_81], %swap3A_84 {strides = array<i32>} : memref<128x128xf32, #tpu.memory_space<vmem>>, vector<1x16xf32>,
      %swap3A_85 = arith.index_cast %add3A_55 : i32 to index
      %swap3A_86 = arith.constant 96 : index
      %swap3A_87 = tpu.vector_load %arg5[%swap3A_85, %swap3A_86] {strides = array<i32>} : memref<128x128xf32, #tpu.memory_space<vmem>>, vector<1x16xf32>,
      %swap3A_88 = vector.shape_cast %swap3A_87 : vector<1x16xf32> to vector<16xf32>
      %swap3A_89 = vector.shape_cast %broadcast_in_dim3A_3 : vector<16xf32> to vector<1x16xf32>
      tpu.vector_store %arg5[%swap3A_85, %swap3A_86], %swap3A_89 {strides = array<i32>} : memref<128x128xf32, #tpu.memory_space<vmem>>, vector<1x16xf32>,
      %swap3A_90 = arith.index_cast %add3A_55 : i32 to index
      %swap3A_91 = arith.constant 112 : index
      %swap3A_92 = tpu.vector_load %arg5[%swap3A_90, %swap3A_91] {strides = array<i32>} : memref<128x128xf32, #tpu.memory_space<vmem>>, vector<1x16xf32>,
      %swap3A_93 = vector.shape_cast %swap3A_92 : vector<1x16xf32> to vector<16xf32>
      %swap3A_94 = vector.shape_cast %broadcast_in_dim3A_3 : vector<16xf32> to vector<1x16xf32>
      tpu.vector_store %arg5[%swap3A_90, %swap3A_91], %swap3A_94 {strides = array<i32>} : memref<128x128xf32, #tpu.memory_space<vmem>>, vector<1x16xf32>,
    }
    %scan3A_7 = arith.constant 128 : i32
    %add3A_8 = arith.constant 0 : i32
    %add3A_9 = arith.addi %mul3A_2, %add3A_8 : i32
    "tpu.region"() ({
      %run_scoped3A = tpu.sem_alloc : memref<!tpu.dma_semaphore, #tpu.memory_space<semaphore_mem>>
      %dma_start3A = arith.constant 0 : i32
      %dma_start3A_51 = arith.constant 0 : i32
      %dma_start3A_52 = tpu.memref_slice %arg5[%dma_start3A, %dma_start3A_51] : memref<128x128xf32, #tpu.memory_space<vmem>> -> memref<128x128xf32, #tpu.memory_space<vmem>>
      %dma_start3A_53 = arith.constant 0 : i32
      %dma_start3A_54 = tpu.memref_slice %arg6[%add3A_9, %dma_start3A_53] : memref<10112x128xf32, #tpu.memory_space<vmem_shared>> -> memref<128x128xf32, #tpu.memory_space<vmem_shared>>
      %dma_start3A_55 = arith.constant 0 : i32
      %dma_start3A_56 = tpu.memref_slice %arg6[%add3A_9, %dma_start3A_55] : memref<10112x128xf32, #tpu.memory_space<vmem_shared>> -> memref<128x128xf32, #tpu.memory_space<vmem_shared>>
      %dma_start3A_57 = arith.constant 0 : i32
      %dma_start3A_58 = arith.constant 0 : i32
      %dma_start3A_59 = tpu.memref_slice %arg5[%dma_start3A_57, %dma_start3A_58] : memref<128x128xf32, #tpu.memory_space<vmem>> -> memref<128x128xf32, #tpu.memory_space<vmem>>
      tpu.enqueue_dma source(%dma_start3A_59 : memref<128x128xf32, #tpu.memory_space<vmem>>) target(%dma_start3A_56 : memref<128x128xf32, #tpu.memory_space<vmem_shared>>) target_semaphore(%run_scoped3A : memref<!tpu.dma_semaphore, #tpu.memory_space<semaphore_mem>>)
      %dma_wait3A = arith.constant 0 : i32
      %dma_wait3A_60 = arith.constant 0 : i32
      %dma_wait3A_61 = tpu.memref_slice %arg5[%dma_wait3A, %dma_wait3A_60] : memref<128x128xf32, #tpu.memory_space<vmem>> -> memref<128x128xf32, #tpu.memory_space<vmem>>
      %dma_wait3A_62 = arith.constant 0 : i32
      %dma_wait3A_63 = tpu.memref_slice %arg6[%add3A_9, %dma_wait3A_62] : memref<10112x128xf32, #tpu.memory_space<vmem_shared>> -> memref<128x128xf32, #tpu.memory_space<vmem_shared>>
      %dma_wait3A_64 = arith.constant 0 : i32
      %dma_wait3A_65 = tpu.memref_slice %arg6[%add3A_9, %dma_wait3A_64] : memref<10112x128xf32, #tpu.memory_space<vmem_shared>> -> memref<128x128xf32, #tpu.memory_space<vmem_shared>>
      %dma_wait3A_66 = arith.constant 0 : i32
      %dma_wait3A_67 = arith.constant 0 : i32
      %dma_wait3A_68 = tpu.memref_slice %arg5[%dma_wait3A_66, %dma_wait3A_67] : memref<128x128xf32, #tpu.memory_space<vmem>> -> memref<128x128xf32, #tpu.memory_space<vmem>>
      tpu.wait_dma2 semaphore(%run_scoped3A : memref<!tpu.dma_semaphore, #tpu.memory_space<semaphore_mem>>) src(%dma_wait3A_68 : memref<128x128xf32, #tpu.memory_space<vmem>>) dst(%dma_wait3A_65 : memref<128x128xf32, #tpu.memory_space<vmem_shared>>)
      tpu.yield
    }) : () -> ()
    %add3A_10 = arith.constant 128 : i32
    %add3A_11 = arith.addi %mul3A_2, %add3A_10 : i32
    "tpu.region"() ({
      %run_scoped3A = tpu.sem_alloc : memref<!tpu.dma_semaphore, #tpu.memory_space<semaphore_mem>>
      %dma_start3A = arith.constant 0 : i32
      %dma_start3A_51 = arith.constant 0 : i32
      %dma_start3A_52 = tpu.memref_slice %arg5[%dma_start3A, %dma_start3A_51] : memref<128x128xf32, #tpu.memory_space<vmem>> -> memref<128x128xf32, #tpu.memory_space<vmem>>
      %dma_start3A_53 = arith.constant 0 : i32
      %dma_start3A_54 = tpu.memref_slice %arg6[%add3A_11, %dma_start3A_53] : memref<10112x128xf32, #tpu.memory_space<vmem_shared>> -> memref<128x128xf32, #tpu.memory_space<vmem_shared>>
      %dma_start3A_55 = arith.constant 0 : i32
      %dma_start3A_56 = tpu.memref_slice %arg6[%add3A_11, %dma_start3A_55] : memref<10112x128xf32, #tpu.memory_space<vmem_shared>> -> memref<128x128xf32, #tpu.memory_space<vmem_shared>>
      %dma_start3A_57 = arith.constant 0 : i32
      %dma_start3A_58 = arith.constant 0 : i32
      %dma_start3A_59 = tpu.memref_slice %arg5[%dma_start3A_57, %dma_start3A_58] : memref<128x128xf32, #tpu.memory_space<vmem>> -> memref<128x128xf32, #tpu.memory_space<vmem>>
      tpu.enqueue_dma source(%dma_start3A_59 : memref<128x128xf32, #tpu.memory_space<vmem>>) target(%dma_start3A_56 : memref<128x128xf32, #tpu.memory_space<vmem_shared>>) target_semaphore(%run_scoped3A : memref<!tpu.dma_semaphore, #tpu.memory_space<semaphore_mem>>)
      %dma_wait3A = arith.constant 0 : i32
      %dma_wait3A_60 = arith.constant 0 : i32
      %dma_wait3A_61 = tpu.memref_slice %arg5[%dma_wait3A, %dma_wait3A_60] : memref<128x128xf32, #tpu.memory_space<vmem>> -> memref<128x128xf32, #tpu.memory_space<vmem>>
      %dma_wait3A_62 = arith.constant 0 : i32
      %dma_wait3A_63 = tpu.memref_slice %arg6[%add3A_11, %dma_wait3A_62] : memref<10112x128xf32, #tpu.memory_space<vmem_shared>> -> memref<128x128xf32, #tpu.memory_space<vmem_shared>>
      %dma_wait3A_64 = arith.constant 0 : i32
      %dma_wait3A_65 = tpu.memref_slice %arg6[%add3A_11, %dma_wait3A_64] : memref<10112x128xf32, #tpu.memory_space<vmem_shared>> -> memref<128x128xf32, #tpu.memory_space<vmem_shared>>
      %dma_wait3A_66 = arith.constant 0 : i32
      %dma_wait3A_67 = arith.constant 0 : i32
      %dma_wait3A_68 = tpu.memref_slice %arg5[%dma_wait3A_66, %dma_wait3A_67] : memref<128x128xf32, #tpu.memory_space<vmem>> -> memref<128x128xf32, #tpu.memory_space<vmem>>
      tpu.wait_dma2 semaphore(%run_scoped3A : memref<!tpu.dma_semaphore, #tpu.memory_space<semaphore_mem>>) src(%dma_wait3A_68 : memref<128x128xf32, #tpu.memory_space<vmem>>) dst(%dma_wait3A_65 : memref<128x128xf32, #tpu.memory_space<vmem_shared>>)
      tpu.yield
    }) : () -> ()
    %add3A_12 = arith.constant 256 : i32
    %add3A_13 = arith.addi %mul3A_2, %add3A_12 : i32
    "tpu.region"() ({
      %run_scoped3A = tpu.sem_alloc : memref<!tpu.dma_semaphore, #tpu.memory_space<semaphore_mem>>
      %dma_start3A = arith.constant 0 : i32
      %dma_start3A_51 = arith.constant 0 : i32
      %dma_start3A_52 = tpu.memref_slice %arg5[%dma_start3A, %dma_start3A_51] : memref<128x128xf32, #tpu.memory_space<vmem>> -> memref<128x128xf32, #tpu.memory_space<vmem>>
      %dma_start3A_53 = arith.constant 0 : i32
      %dma_start3A_54 = tpu.memref_slice %arg6[%add3A_13, %dma_start3A_53] : memref<10112x128xf32, #tpu.memory_space<vmem_shared>> -> memref<128x128xf32, #tpu.memory_space<vmem_shared>>
      %dma_start3A_55 = arith.constant 0 : i32
      %dma_start3A_56 = tpu.memref_slice %arg6[%add3A_13, %dma_start3A_55] : memref<10112x128xf32, #tpu.memory_space<vmem_shared>> -> memref<128x128xf32, #tpu.memory_space<vmem_shared>>
      %dma_start3A_57 = arith.constant 0 : i32
      %dma_start3A_58 = arith.constant 0 : i32
      %dma_start3A_59 = tpu.memref_slice %arg5[%dma_start3A_57, %dma_start3A_58] : memref<128x128xf32, #tpu.memory_space<vmem>> -> memref<128x128xf32, #tpu.memory_space<vmem>>
      tpu.enqueue_dma source(%dma_start3A_59 : memref<128x128xf32, #tpu.memory_space<vmem>>) target(%dma_start3A_56 : memref<128x128xf32, #tpu.memory_space<vmem_shared>>) target_semaphore(%run_scoped3A : memref<!tpu.dma_semaphore, #tpu.memory_space<semaphore_mem>>)
      %dma_wait3A = arith.constant 0 : i32
      %dma_wait3A_60 = arith.constant 0 : i32
      %dma_wait3A_61 = tpu.memref_slice %arg5[%dma_wait3A, %dma_wait3A_60] : memref<128x128xf32, #tpu.memory_space<vmem>> -> memref<128x128xf32, #tpu.memory_space<vmem>>
      %dma_wait3A_62 = arith.constant 0 : i32
      %dma_wait3A_63 = tpu.memref_slice %arg6[%add3A_13, %dma_wait3A_62] : memref<10112x128xf32, #tpu.memory_space<vmem_shared>> -> memref<128x128xf32, #tpu.memory_space<vmem_shared>>
      %dma_wait3A_64 = arith.constant 0 : i32
      %dma_wait3A_65 = tpu.memref_slice %arg6[%add3A_13, %dma_wait3A_64] : memref<10112x128xf32, #tpu.memory_space<vmem_shared>> -> memref<128x128xf32, #tpu.memory_space<vmem_shared>>
      %dma_wait3A_66 = arith.constant 0 : i32
      %dma_wait3A_67 = arith.constant 0 : i32
      %dma_wait3A_68 = tpu.memref_slice %arg5[%dma_wait3A_66, %dma_wait3A_67] : memref<128x128xf32, #tpu.memory_space<vmem>> -> memref<128x128xf32, #tpu.memory_space<vmem>>
      tpu.wait_dma2 semaphore(%run_scoped3A : memref<!tpu.dma_semaphore, #tpu.memory_space<semaphore_mem>>) src(%dma_wait3A_68 : memref<128x128xf32, #tpu.memory_space<vmem>>) dst(%dma_wait3A_65 : memref<128x128xf32, #tpu.memory_space<vmem_shared>>)
      tpu.yield
    }) : () -> ()
    %add3A_14 = arith.constant 384 : i32
    %add3A_15 = arith.addi %mul3A_2, %add3A_14 : i32
    "tpu.region"() ({
      %run_scoped3A = tpu.sem_alloc : memref<!tpu.dma_semaphore, #tpu.memory_space<semaphore_mem>>
      %dma_start3A = arith.constant 0 : i32
      %dma_start3A_51 = arith.constant 0 : i32
      %dma_start3A_52 = tpu.memref_slice %arg5[%dma_start3A, %dma_start3A_51] : memref<128x128xf32, #tpu.memory_space<vmem>> -> memref<128x128xf32, #tpu.memory_space<vmem>>
      %dma_start3A_53 = arith.constant 0 : i32
      %dma_start3A_54 = tpu.memref_slice %arg6[%add3A_15, %dma_start3A_53] : memref<10112x128xf32, #tpu.memory_space<vmem_shared>> -> memref<128x128xf32, #tpu.memory_space<vmem_shared>>
      %dma_start3A_55 = arith.constant 0 : i32
      %dma_start3A_56 = tpu.memref_slice %arg6[%add3A_15, %dma_start3A_55] : memref<10112x128xf32, #tpu.memory_space<vmem_shared>> -> memref<128x128xf32, #tpu.memory_space<vmem_shared>>
      %dma_start3A_57 = arith.constant 0 : i32
      %dma_start3A_58 = arith.constant 0 : i32
      %dma_start3A_59 = tpu.memref_slice %arg5[%dma_start3A_57, %dma_start3A_58] : memref<128x128xf32, #tpu.memory_space<vmem>> -> memref<128x128xf32, #tpu.memory_space<vmem>>
      tpu.enqueue_dma source(%dma_start3A_59 : memref<128x128xf32, #tpu.memory_space<vmem>>) target(%dma_start3A_56 : memref<128x128xf32, #tpu.memory_space<vmem_shared>>) target_semaphore(%run_scoped3A : memref<!tpu.dma_semaphore, #tpu.memory_space<semaphore_mem>>)
      %dma_wait3A = arith.constant 0 : i32
      %dma_wait3A_60 = arith.constant 0 : i32
      %dma_wait3A_61 = tpu.memref_slice %arg5[%dma_wait3A, %dma_wait3A_60] : memref<128x128xf32, #tpu.memory_space<vmem>> -> memref<128x128xf32, #tpu.memory_space<vmem>>
      %dma_wait3A_62 = arith.constant 0 : i32
      %dma_wait3A_63 = tpu.memref_slice %arg6[%add3A_15, %dma_wait3A_62] : memref<10112x128xf32, #tpu.memory_space<vmem_shared>> -> memref<128x128xf32, #tpu.memory_space<vmem_shared>>
      %dma_wait3A_64 = arith.constant 0 : i32
      %dma_wait3A_65 = tpu.memref_slice %arg6[%add3A_15, %dma_wait3A_64] : memref<10112x128xf32, #tpu.memory_space<vmem_shared>> -> memref<128x128xf32, #tpu.memory_space<vmem_shared>>
      %dma_wait3A_66 = arith.constant 0 : i32
      %dma_wait3A_67 = arith.constant 0 : i32
      %dma_wait3A_68 = tpu.memref_slice %arg5[%dma_wait3A_66, %dma_wait3A_67] : memref<128x128xf32, #tpu.memory_space<vmem>> -> memref<128x128xf32, #tpu.memory_space<vmem>>
      tpu.wait_dma2 semaphore(%run_scoped3A : memref<!tpu.dma_semaphore, #tpu.memory_space<semaphore_mem>>) src(%dma_wait3A_68 : memref<128x128xf32, #tpu.memory_space<vmem>>) dst(%dma_wait3A_65 : memref<128x128xf32, #tpu.memory_space<vmem_shared>>)
      tpu.yield
    }) : () -> ()
    %add3A_16 = arith.constant 512 : i32
    %add3A_17 = arith.addi %mul3A_2, %add3A_16 : i32
    "tpu.region"() ({
      %run_scoped3A = tpu.sem_alloc : memref<!tpu.dma_semaphore, #tpu.memory_space<semaphore_mem>>
      %dma_start3A = arith.constant 0 : i32
      %dma_start3A_51 = arith.constant 0 : i32
      %dma_start3A_52 = tpu.memref_slice %arg5[%dma_start3A, %dma_start3A_51] : memref<128x128xf32, #tpu.memory_space<vmem>> -> memref<120x128xf32, #tpu.memory_space<vmem>>
      %dma_start3A_53 = arith.constant 0 : i32
      %dma_start3A_54 = tpu.memref_slice %arg6[%add3A_17, %dma_start3A_53] : memref<10112x128xf32, #tpu.memory_space<vmem_shared>> -> memref<120x128xf32, #tpu.memory_space<vmem_shared>>
      %dma_start3A_55 = arith.constant 0 : i32
      %dma_start3A_56 = tpu.memref_slice %arg6[%add3A_17, %dma_start3A_55] : memref<10112x128xf32, #tpu.memory_space<vmem_shared>> -> memref<120x128xf32, #tpu.memory_space<vmem_shared>>
      %dma_start3A_57 = arith.constant 0 : i32
      %dma_start3A_58 = arith.constant 0 : i32
      %dma_start3A_59 = tpu.memref_slice %arg5[%dma_start3A_57, %dma_start3A_58] : memref<128x128xf32, #tpu.memory_space<vmem>> -> memref<120x128xf32, #tpu.memory_space<vmem>>
      tpu.enqueue_dma source(%dma_start3A_59 : memref<120x128xf32, #tpu.memory_space<vmem>>) target(%dma_start3A_56 : memref<120x128xf32, #tpu.memory_space<vmem_shared>>) target_semaphore(%run_scoped3A : memref<!tpu.dma_semaphore, #tpu.memory_space<semaphore_mem>>)
      %dma_wait3A = arith.constant 0 : i32
      %dma_wait3A_60 = arith.constant 0 : i32
      %dma_wait3A_61 = tpu.memref_slice %arg5[%dma_wait3A, %dma_wait3A_60] : memref<128x128xf32, #tpu.memory_space<vmem>> -> memref<120x128xf32, #tpu.memory_space<vmem>>
      %dma_wait3A_62 = arith.constant 0 : i32
      %dma_wait3A_63 = tpu.memref_slice %arg6[%add3A_17, %dma_wait3A_62] : memref<10112x128xf32, #tpu.memory_space<vmem_shared>> -> memref<120x128xf32, #tpu.memory_space<vmem_shared>>
      %dma_wait3A_64 = arith.constant 0 : i32
      %dma_wait3A_65 = tpu.memref_slice %arg6[%add3A_17, %dma_wait3A_64] : memref<10112x128xf32, #tpu.memory_space<vmem_shared>> -> memref<120x128xf32, #tpu.memory_space<vmem_shared>>
      %dma_wait3A_66 = arith.constant 0 : i32
      %dma_wait3A_67 = arith.constant 0 : i32
      %dma_wait3A_68 = tpu.memref_slice %arg5[%dma_wait3A_66, %dma_wait3A_67] : memref<128x128xf32, #tpu.memory_space<vmem>> -> memref<120x128xf32, #tpu.memory_space<vmem>>
      tpu.wait_dma2 semaphore(%run_scoped3A : memref<!tpu.dma_semaphore, #tpu.memory_space<semaphore_mem>>) src(%dma_wait3A_68 : memref<120x128xf32, #tpu.memory_space<vmem>>) dst(%dma_wait3A_65 : memref<120x128xf32, #tpu.memory_space<vmem_shared>>)
      tpu.yield
    }) : () -> ()
    %broadcast_in_dim3A_18 = arith.constant 1.000000e+00 : f32
    %broadcast_in_dim3A_19 = vector.broadcast %broadcast_in_dim3A_18 : f32 to vector<16xf32>
    %scan3A_20 = arith.constant 0 : i32
    %scan3A_21 = arith.constant 128 : i32
    %scan3A_22 = arith.addi %scan3A_20, %scan3A_21 : i32
    %scan3A_23 = arith.constant 1 : i32
    scf.for %scan3A_51 = %scan3A_20 to %scan3A_22 step %scan3A_23  : i32 {
      %mul3A_52 = arith.constant 1 : i32
      %mul3A_53 = arith.muli %scan3A_51, %mul3A_52 : i32
      %add3A_54 = arith.constant 0 : i32
      %add3A_55 = arith.addi %add3A_54, %mul3A_53 : i32
      %swap3A = arith.index_cast %add3A_55 : i32 to index
      %swap3A_56 = arith.constant 0 : index
      %swap3A_57 = tpu.vector_load %arg5[%swap3A, %swap3A_56] {strides = array<i32>} : memref<128x128xf32, #tpu.memory_space<vmem>>, vector<1x16xf32>,
      %swap3A_58 = vector.shape_cast %swap3A_57 : vector<1x16xf32> to vector<16xf32>
      %swap3A_59 = vector.shape_cast %broadcast_in_dim3A_19 : vector<16xf32> to vector<1x16xf32>
      tpu.vector_store %arg5[%swap3A, %swap3A_56], %swap3A_59 {strides = array<i32>} : memref<128x128xf32, #tpu.memory_space<vmem>>, vector<1x16xf32>,
      %swap3A_60 = arith.index_cast %add3A_55 : i32 to index
      %swap3A_61 = arith.constant 16 : index
      %swap3A_62 = tpu.vector_load %arg5[%swap3A_60, %swap3A_61] {strides = array<i32>} : memref<128x128xf32, #tpu.memory_space<vmem>>, vector<1x16xf32>,
      %swap3A_63 = vector.shape_cast %swap3A_62 : vector<1x16xf32> to vector<16xf32>
      %swap3A_64 = vector.shape_cast %broadcast_in_dim3A_19 : vector<16xf32> to vector<1x16xf32>
      tpu.vector_store %arg5[%swap3A_60, %swap3A_61], %swap3A_64 {strides = array<i32>} : memref<128x128xf32, #tpu.memory_space<vmem>>, vector<1x16xf32>,
      %swap3A_65 = arith.index_cast %add3A_55 : i32 to index
      %swap3A_66 = arith.constant 32 : index
      %swap3A_67 = tpu.vector_load %arg5[%swap3A_65, %swap3A_66] {strides = array<i32>} : memref<128x128xf32, #tpu.memory_space<vmem>>, vector<1x16xf32>,
      %swap3A_68 = vector.shape_cast %swap3A_67 : vector<1x16xf32> to vector<16xf32>
      %swap3A_69 = vector.shape_cast %broadcast_in_dim3A_19 : vector<16xf32> to vector<1x16xf32>
      tpu.vector_store %arg5[%swap3A_65, %swap3A_66], %swap3A_69 {strides = array<i32>} : memref<128x128xf32, #tpu.memory_space<vmem>>, vector<1x16xf32>,
      %swap3A_70 = arith.index_cast %add3A_55 : i32 to index
      %swap3A_71 = arith.constant 48 : index
      %swap3A_72 = tpu.vector_load %arg5[%swap3A_70, %swap3A_71] {strides = array<i32>} : memref<128x128xf32, #tpu.memory_space<vmem>>, vector<1x16xf32>,
      %swap3A_73 = vector.shape_cast %swap3A_72 : vector<1x16xf32> to vector<16xf32>
      %swap3A_74 = vector.shape_cast %broadcast_in_dim3A_19 : vector<16xf32> to vector<1x16xf32>
      tpu.vector_store %arg5[%swap3A_70, %swap3A_71], %swap3A_74 {strides = array<i32>} : memref<128x128xf32, #tpu.memory_space<vmem>>, vector<1x16xf32>,
      %swap3A_75 = arith.index_cast %add3A_55 : i32 to index
      %swap3A_76 = arith.constant 64 : index
      %swap3A_77 = tpu.vector_load %arg5[%swap3A_75, %swap3A_76] {strides = array<i32>} : memref<128x128xf32, #tpu.memory_space<vmem>>, vector<1x16xf32>,
      %swap3A_78 = vector.shape_cast %swap3A_77 : vector<1x16xf32> to vector<16xf32>
      %swap3A_79 = vector.shape_cast %broadcast_in_dim3A_19 : vector<16xf32> to vector<1x16xf32>
      tpu.vector_store %arg5[%swap3A_75, %swap3A_76], %swap3A_79 {strides = array<i32>} : memref<128x128xf32, #tpu.memory_space<vmem>>, vector<1x16xf32>,
      %swap3A_80 = arith.index_cast %add3A_55 : i32 to index
      %swap3A_81 = arith.constant 80 : index
      %swap3A_82 = tpu.vector_load %arg5[%swap3A_80, %swap3A_81] {strides = array<i32>} : memref<128x128xf32, #tpu.memory_space<vmem>>, vector<1x16xf32>,
      %swap3A_83 = vector.shape_cast %swap3A_82 : vector<1x16xf32> to vector<16xf32>
      %swap3A_84 = vector.shape_cast %broadcast_in_dim3A_19 : vector<16xf32> to vector<1x16xf32>
      tpu.vector_store %arg5[%swap3A_80, %swap3A_81], %swap3A_84 {strides = array<i32>} : memref<128x128xf32, #tpu.memory_space<vmem>>, vector<1x16xf32>,
      %swap3A_85 = arith.index_cast %add3A_55 : i32 to index
      %swap3A_86 = arith.constant 96 : index
      %swap3A_87 = tpu.vector_load %arg5[%swap3A_85, %swap3A_86] {strides = array<i32>} : memref<128x128xf32, #tpu.memory_space<vmem>>, vector<1x16xf32>,
      %swap3A_88 = vector.shape_cast %swap3A_87 : vector<1x16xf32> to vector<16xf32>
      %swap3A_89 = vector.shape_cast %broadcast_in_dim3A_19 : vector<16xf32> to vector<1x16xf32>
      tpu.vector_store %arg5[%swap3A_85, %swap3A_86], %swap3A_89 {strides = array<i32>} : memref<128x128xf32, #tpu.memory_space<vmem>>, vector<1x16xf32>,
      %swap3A_90 = arith.index_cast %add3A_55 : i32 to index
      %swap3A_91 = arith.constant 112 : index
      %swap3A_92 = tpu.vector_load %arg5[%swap3A_90, %swap3A_91] {strides = array<i32>} : memref<128x128xf32, #tpu.memory_space<vmem>>, vector<1x16xf32>,
      %swap3A_93 = vector.shape_cast %swap3A_92 : vector<1x16xf32> to vector<16xf32>
      %swap3A_94 = vector.shape_cast %broadcast_in_dim3A_19 : vector<16xf32> to vector<1x16xf32>
      tpu.vector_store %arg5[%swap3A_90, %swap3A_91], %swap3A_94 {strides = array<i32>} : memref<128x128xf32, #tpu.memory_space<vmem>>, vector<1x16xf32>,
    }
    %scan3A_24 = arith.constant 128 : i32
    %barrier3A = arith.constant 0 : index
    tpu.barrier barrier_id(%barrier3A)
    %scan3A_25 = arith.constant 0 : i32
    %scan3A_26 = arith.constant 79 : i32
    %scan3A_27 = arith.addi %scan3A_25, %scan3A_26 : i32
    %scan3A_28 = arith.constant 1 : i32
    scf.for %scan3A_51 = %scan3A_25 to %scan3A_27 step %scan3A_28  : i32 {
      %mul3A_52 = arith.constant 1 : i32
      %mul3A_53 = arith.muli %scan3A_51, %mul3A_52 : i32
      %add3A_54 = arith.constant 0 : i32
      %add3A_55 = arith.addi %add3A_54, %mul3A_53 : i32
      "tpu.region"() ({
        %run_scoped3A = tpu.sem_alloc : memref<!tpu.dma_semaphore, #tpu.memory_space<semaphore_mem>>
        %dma_start3A = arith.constant 0 : i32
        %dma_start3A_56 = tpu.memref_slice %arg4[%add3A_55, %dma_start3A] : memref<79x128xi32, #tpu.memory_space<vmem>> -> memref<1x128xi32, #tpu.memory_space<vmem>>
        %dma_start3A_57 = tpu.memref_squeeze %dma_start3A_56 : memref<1x128xi32, #tpu.memory_space<vmem>> -> memref<128xi32, #tpu.memory_space<vmem>>
        %dma_start3A_58 = arith.constant 0 : i32
        %dma_start3A_59 = arith.constant 0 : i32
        %dma_start3A_60 = tpu.memref_slice %arg6[%dma_start3A_58, %dma_start3A_59] : memref<10112x128xf32, #tpu.memory_space<vmem_shared>> -> memref<10112x128xf32, #tpu.memory_space<vmem_shared>>
        tpu.enqueue_indirect_dma source(%arg5 : memref<128x128xf32, #tpu.memory_space<vmem>>) target(%dma_start3A_60 : memref<10112x128xf32, #tpu.memory_space<vmem_shared>>) offsets(%dma_start3A_57 : memref<128xi32, #tpu.memory_space<vmem>>) semaphore(%run_scoped3A : memref<!tpu.dma_semaphore, #tpu.memory_space<semaphore_mem>>) {add = true}
        %dma_wait3A = arith.constant 0 : i32
        %dma_wait3A_61 = tpu.memref_slice %arg4[%add3A_55, %dma_wait3A] : memref<79x128xi32, #tpu.memory_space<vmem>> -> memref<1x128xi32, #tpu.memory_space<vmem>>
        %dma_wait3A_62 = tpu.memref_squeeze %dma_wait3A_61 : memref<1x128xi32, #tpu.memory_space<vmem>> -> memref<128xi32, #tpu.memory_space<vmem>>
        %dma_wait3A_63 = arith.constant 0 : i32
        %dma_wait3A_64 = arith.constant 0 : i32
        %dma_wait3A_65 = tpu.memref_slice %arg6[%dma_wait3A_63, %dma_wait3A_64] : memref<10112x128xf32, #tpu.memory_space<vmem_shared>> -> memref<10112x128xf32, #tpu.memory_space<vmem_shared>>
        tpu.wait_indirect_dma semaphore(%run_scoped3A : memref<!tpu.dma_semaphore, #tpu.memory_space<semaphore_mem>>) src(%arg5 : memref<128x128xf32, #tpu.memory_space<vmem>>) dst(%dma_wait3A_65 : memref<10112x128xf32, #tpu.memory_space<vmem_shared>>)
        tpu.yield
      }) : () -> ()
    }
    %scan3A_29 = arith.constant 79 : i32
    %barrier3A_30 = arith.constant 0 : index
    tpu.barrier barrier_id(%barrier3A_30)
    %add3A_31 = arith.constant 0 : i32
    %add3A_32 = arith.addi %mul3A_2, %add3A_31 : i32
    "tpu.region"() ({
      %run_scoped3A = tpu.sem_alloc : memref<!tpu.dma_semaphore, #tpu.memory_space<semaphore_mem>>
      %dma_start3A = arith.constant 0 : i32
      %dma_start3A_51 = arith.constant 0 : i32
      %dma_start3A_52 = tpu.memref_slice %arg5[%dma_start3A, %dma_start3A_51] : memref<128x128xf32, #tpu.memory_space<vmem>> -> memref<128x128xf32, #tpu.memory_space<vmem>>
      %dma_start3A_53 = arith.constant 0 : i32
      %dma_start3A_54 = tpu.memref_slice %arg6[%add3A_32, %dma_start3A_53] : memref<10112x128xf32, #tpu.memory_space<vmem_shared>> -> memref<128x128xf32, #tpu.memory_space<vmem_shared>>
      %dma_start3A_55 = arith.constant 0 : i32
      %dma_start3A_56 = arith.constant 0 : i32
      %dma_start3A_57 = tpu.memref_slice %arg5[%dma_start3A_55, %dma_start3A_56] : memref<128x128xf32, #tpu.memory_space<vmem>> -> memref<128x128xf32, #tpu.memory_space<vmem>>
      %dma_start3A_58 = arith.constant 0 : i32
      %dma_start3A_59 = tpu.memref_slice %arg6[%add3A_32, %dma_start3A_58] : memref<10112x128xf32, #tpu.memory_space<vmem_shared>> -> memref<128x128xf32, #tpu.memory_space<vmem_shared>>
      tpu.enqueue_dma source(%dma_start3A_59 : memref<128x128xf32, #tpu.memory_space<vmem_shared>>) target(%dma_start3A_57 : memref<128x128xf32, #tpu.memory_space<vmem>>) target_semaphore(%run_scoped3A : memref<!tpu.dma_semaphore, #tpu.memory_space<semaphore_mem>>)
      %dma_wait3A = arith.constant 0 : i32
      %dma_wait3A_60 = arith.constant 0 : i32
      %dma_wait3A_61 = tpu.memref_slice %arg5[%dma_wait3A, %dma_wait3A_60] : memref<128x128xf32, #tpu.memory_space<vmem>> -> memref<128x128xf32, #tpu.memory_space<vmem>>
      %dma_wait3A_62 = arith.constant 0 : i32
      %dma_wait3A_63 = tpu.memref_slice %arg6[%add3A_32, %dma_wait3A_62] : memref<10112x128xf32, #tpu.memory_space<vmem_shared>> -> memref<128x128xf32, #tpu.memory_space<vmem_shared>>
      %dma_wait3A_64 = arith.constant 0 : i32
      %dma_wait3A_65 = arith.constant 0 : i32
      %dma_wait3A_66 = tpu.memref_slice %arg5[%dma_wait3A_64, %dma_wait3A_65] : memref<128x128xf32, #tpu.memory_space<vmem>> -> memref<128x128xf32, #tpu.memory_space<vmem>>
      %dma_wait3A_67 = arith.constant 0 : i32
      %dma_wait3A_68 = tpu.memref_slice %arg6[%add3A_32, %dma_wait3A_67] : memref<10112x128xf32, #tpu.memory_space<vmem_shared>> -> memref<128x128xf32, #tpu.memory_space<vmem_shared>>
      tpu.wait_dma2 semaphore(%run_scoped3A : memref<!tpu.dma_semaphore, #tpu.memory_space<semaphore_mem>>) src(%dma_wait3A_68 : memref<128x128xf32, #tpu.memory_space<vmem_shared>>) dst(%dma_wait3A_66 : memref<128x128xf32, #tpu.memory_space<vmem>>)
      tpu.yield
    }) : () -> ()
    %add3A_33 = arith.constant 0 : i32
    %add3A_34 = arith.addi %mul3A_2, %add3A_33 : i32
    "tpu.region"() ({
      %run_scoped3A = tpu.sem_alloc : memref<!tpu.dma_semaphore, #tpu.memory_space<semaphore_mem>>
      %dma_start3A = arith.constant 0 : i32
      %dma_start3A_51 = arith.constant 0 : i32
      %dma_start3A_52 = tpu.memref_slice %arg5[%dma_start3A, %dma_start3A_51] : memref<128x128xf32, #tpu.memory_space<vmem>> -> memref<128x128xf32, #tpu.memory_space<vmem>>
      %dma_start3A_53 = arith.constant 0 : i32
      %dma_start3A_54 = tpu.memref_slice %arg3[%arg0, %add3A_34, %dma_start3A_53] : memref<2x10112x128xf32, #tpu.memory_space<hbm>> -> memref<1x128x128xf32, #tpu.memory_space<hbm>>
      %dma_start3A_55 = tpu.memref_squeeze %dma_start3A_54 : memref<1x128x128xf32, #tpu.memory_space<hbm>> -> memref<128x128xf32, #tpu.memory_space<hbm>>
      %dma_start3A_56 = arith.constant 0 : i32
      %dma_start3A_57 = tpu.memref_slice %arg3[%arg0, %add3A_34, %dma_start3A_56] : memref<2x10112x128xf32, #tpu.memory_space<hbm>> -> memref<1x128x128xf32, #tpu.memory_space<hbm>>
      %dma_start3A_58 = tpu.memref_squeeze %dma_start3A_57 : memref<1x128x128xf32, #tpu.memory_space<hbm>> -> memref<128x128xf32, #tpu.memory_space<hbm>>
      %dma_start3A_59 = arith.constant 0 : i32
      %dma_start3A_60 = arith.constant 0 : i32
      %dma_start3A_61 = tpu.memref_slice %arg5[%dma_start3A_59, %dma_start3A_60] : memref<128x128xf32, #tpu.memory_space<vmem>> -> memref<128x128xf32, #tpu.memory_space<vmem>>
      tpu.enqueue_dma source(%dma_start3A_61 : memref<128x128xf32, #tpu.memory_space<vmem>>) target(%dma_start3A_58 : memref<128x128xf32, #tpu.memory_space<hbm>>) target_semaphore(%run_scoped3A : memref<!tpu.dma_semaphore, #tpu.memory_space<semaphore_mem>>)
      %dma_wait3A = arith.constant 0 : i32
      %dma_wait3A_62 = arith.constant 0 : i32
      %dma_wait3A_63 = tpu.memref_slice %arg5[%dma_wait3A, %dma_wait3A_62] : memref<128x128xf32, #tpu.memory_space<vmem>> -> memref<128x128xf32, #tpu.memory_space<vmem>>
      %dma_wait3A_64 = arith.constant 0 : i32
      %dma_wait3A_65 = tpu.memref_slice %arg3[%arg0, %add3A_34, %dma_wait3A_64] : memref<2x10112x128xf32, #tpu.memory_space<hbm>> -> memref<1x128x128xf32, #tpu.memory_space<hbm>>
      %dma_wait3A_66 = tpu.memref_squeeze %dma_wait3A_65 : memref<1x128x128xf32, #tpu.memory_space<hbm>> -> memref<128x128xf32, #tpu.memory_space<hbm>>
      %dma_wait3A_67 = arith.constant 0 : i32
      %dma_wait3A_68 = tpu.memref_slice %arg3[%arg0, %add3A_34, %dma_wait3A_67] : memref<2x10112x128xf32, #tpu.memory_space<hbm>> -> memref<1x128x128xf32, #tpu.memory_space<hbm>>
      %dma_wait3A_69 = tpu.memref_squeeze %dma_wait3A_68 : memref<1x128x128xf32, #tpu.memory_space<hbm>> -> memref<128x128xf32, #tpu.memory_space<hbm>>
      %dma_wait3A_70 = arith.constant 0 : i32
      %dma_wait3A_71 = arith.constant 0 : i32
      %dma_wait3A_72 = tpu.memref_slice %arg5[%dma_wait3A_70, %dma_wait3A_71] : memref<128x128xf32, #tpu.memory_space<vmem>> -> memref<128x128xf32, #tpu.memory_space<vmem>>
      tpu.wait_dma2 semaphore(%run_scoped3A : memref<!tpu.dma_semaphore, #tpu.memory_space<semaphore_mem>>) src(%dma_wait3A_72 : memref<128x128xf32, #tpu.memory_space<vmem>>) dst(%dma_wait3A_69 : memref<128x128xf32, #tpu.memory_space<hbm>>)
      tpu.yield
    }) : () -> ()
    %add3A_35 = arith.constant 128 : i32
    %add3A_36 = arith.addi %mul3A_2, %add3A_35 : i32
    "tpu.region"() ({
      %run_scoped3A = tpu.sem_alloc : memref<!tpu.dma_semaphore, #tpu.memory_space<semaphore_mem>>
      %dma_start3A = arith.constant 0 : i32
      %dma_start3A_51 = arith.constant 0 : i32
      %dma_start3A_52 = tpu.memref_slice %arg5[%dma_start3A, %dma_start3A_51] : memref<128x128xf32, #tpu.memory_space<vmem>> -> memref<128x128xf32, #tpu.memory_space<vmem>>
      %dma_start3A_53 = arith.constant 0 : i32
      %dma_start3A_54 = tpu.memref_slice %arg6[%add3A_36, %dma_start3A_53] : memref<10112x128xf32, #tpu.memory_space<vmem_shared>> -> memref<128x128xf32, #tpu.memory_space<vmem_shared>>
      %dma_start3A_55 = arith.constant 0 : i32
      %dma_start3A_56 = arith.constant 0 : i32
      %dma_start3A_57 = tpu.memref_slice %arg5[%dma_start3A_55, %dma_start3A_56] : memref<128x128xf32, #tpu.memory_space<vmem>> -> memref<128x128xf32, #tpu.memory_space<vmem>>
      %dma_start3A_58 = arith.constant 0 : i32
      %dma_start3A_59 = tpu.memref_slice %arg6[%add3A_36, %dma_start3A_58] : memref<10112x128xf32, #tpu.memory_space<vmem_shared>> -> memref<128x128xf32, #tpu.memory_space<vmem_shared>>
      tpu.enqueue_dma source(%dma_start3A_59 : memref<128x128xf32, #tpu.memory_space<vmem_shared>>) target(%dma_start3A_57 : memref<128x128xf32, #tpu.memory_space<vmem>>) target_semaphore(%run_scoped3A : memref<!tpu.dma_semaphore, #tpu.memory_space<semaphore_mem>>)
      %dma_wait3A = arith.constant 0 : i32
      %dma_wait3A_60 = arith.constant 0 : i32
      %dma_wait3A_61 = tpu.memref_slice %arg5[%dma_wait3A, %dma_wait3A_60] : memref<128x128xf32, #tpu.memory_space<vmem>> -> memref<128x128xf32, #tpu.memory_space<vmem>>
      %dma_wait3A_62 = arith.constant 0 : i32
      %dma_wait3A_63 = tpu.memref_slice %arg6[%add3A_36, %dma_wait3A_62] : memref<10112x128xf32, #tpu.memory_space<vmem_shared>> -> memref<128x128xf32, #tpu.memory_space<vmem_shared>>
      %dma_wait3A_64 = arith.constant 0 : i32
      %dma_wait3A_65 = arith.constant 0 : i32
      %dma_wait3A_66 = tpu.memref_slice %arg5[%dma_wait3A_64, %dma_wait3A_65] : memref<128x128xf32, #tpu.memory_space<vmem>> -> memref<128x128xf32, #tpu.memory_space<vmem>>
      %dma_wait3A_67 = arith.constant 0 : i32
      %dma_wait3A_68 = tpu.memref_slice %arg6[%add3A_36, %dma_wait3A_67] : memref<10112x128xf32, #tpu.memory_space<vmem_shared>> -> memref<128x128xf32, #tpu.memory_space<vmem_shared>>
      tpu.wait_dma2 semaphore(%run_scoped3A : memref<!tpu.dma_semaphore, #tpu.memory_space<semaphore_mem>>) src(%dma_wait3A_68 : memref<128x128xf32, #tpu.memory_space<vmem_shared>>) dst(%dma_wait3A_66 : memref<128x128xf32, #tpu.memory_space<vmem>>)
      tpu.yield
    }) : () -> ()
    %add3A_37 = arith.constant 128 : i32
    %add3A_38 = arith.addi %mul3A_2, %add3A_37 : i32
    "tpu.region"() ({
      %run_scoped3A = tpu.sem_alloc : memref<!tpu.dma_semaphore, #tpu.memory_space<semaphore_mem>>
      %dma_start3A = arith.constant 0 : i32
      %dma_start3A_51 = arith.constant 0 : i32
      %dma_start3A_52 = tpu.memref_slice %arg5[%dma_start3A, %dma_start3A_51] : memref<128x128xf32, #tpu.memory_space<vmem>> -> memref<128x128xf32, #tpu.memory_space<vmem>>
      %dma_start3A_53 = arith.constant 0 : i32
      %dma_start3A_54 = tpu.memref_slice %arg3[%arg0, %add3A_38, %dma_start3A_53] : memref<2x10112x128xf32, #tpu.memory_space<hbm>> -> memref<1x128x128xf32, #tpu.memory_space<hbm>>
      %dma_start3A_55 = tpu.memref_squeeze %dma_start3A_54 : memref<1x128x128xf32, #tpu.memory_space<hbm>> -> memref<128x128xf32, #tpu.memory_space<hbm>>
      %dma_start3A_56 = arith.constant 0 : i32
      %dma_start3A_57 = tpu.memref_slice %arg3[%arg0, %add3A_38, %dma_start3A_56] : memref<2x10112x128xf32, #tpu.memory_space<hbm>> -> memref<1x128x128xf32, #tpu.memory_space<hbm>>
      %dma_start3A_58 = tpu.memref_squeeze %dma_start3A_57 : memref<1x128x128xf32, #tpu.memory_space<hbm>> -> memref<128x128xf32, #tpu.memory_space<hbm>>
      %dma_start3A_59 = arith.constant 0 : i32
      %dma_start3A_60 = arith.constant 0 : i32
      %dma_start3A_61 = tpu.memref_slice %arg5[%dma_start3A_59, %dma_start3A_60] : memref<128x128xf32, #tpu.memory_space<vmem>> -> memref<128x128xf32, #tpu.memory_space<vmem>>
      tpu.enqueue_dma source(%dma_start3A_61 : memref<128x128xf32, #tpu.memory_space<vmem>>) target(%dma_start3A_58 : memref<128x128xf32, #tpu.memory_space<hbm>>) target_semaphore(%run_scoped3A : memref<!tpu.dma_semaphore, #tpu.memory_space<semaphore_mem>>)
      %dma_wait3A = arith.constant 0 : i32
      %dma_wait3A_62 = arith.constant 0 : i32
      %dma_wait3A_63 = tpu.memref_slice %arg5[%dma_wait3A, %dma_wait3A_62] : memref<128x128xf32, #tpu.memory_space<vmem>> -> memref<128x128xf32, #tpu.memory_space<vmem>>
      %dma_wait3A_64 = arith.constant 0 : i32
      %dma_wait3A_65 = tpu.memref_slice %arg3[%arg0, %add3A_38, %dma_wait3A_64] : memref<2x10112x128xf32, #tpu.memory_space<hbm>> -> memref<1x128x128xf32, #tpu.memory_space<hbm>>
      %dma_wait3A_66 = tpu.memref_squeeze %dma_wait3A_65 : memref<1x128x128xf32, #tpu.memory_space<hbm>> -> memref<128x128xf32, #tpu.memory_space<hbm>>
      %dma_wait3A_67 = arith.constant 0 : i32
      %dma_wait3A_68 = tpu.memref_slice %arg3[%arg0, %add3A_38, %dma_wait3A_67] : memref<2x10112x128xf32, #tpu.memory_space<hbm>> -> memref<1x128x128xf32, #tpu.memory_space<hbm>>
      %dma_wait3A_69 = tpu.memref_squeeze %dma_wait3A_68 : memref<1x128x128xf32, #tpu.memory_space<hbm>> -> memref<128x128xf32, #tpu.memory_space<hbm>>
      %dma_wait3A_70 = arith.constant 0 : i32
      %dma_wait3A_71 = arith.constant 0 : i32
      %dma_wait3A_72 = tpu.memref_slice %arg5[%dma_wait3A_70, %dma_wait3A_71] : memref<128x128xf32, #tpu.memory_space<vmem>> -> memref<128x128xf32, #tpu.memory_space<vmem>>
      tpu.wait_dma2 semaphore(%run_scoped3A : memref<!tpu.dma_semaphore, #tpu.memory_space<semaphore_mem>>) src(%dma_wait3A_72 : memref<128x128xf32, #tpu.memory_space<vmem>>) dst(%dma_wait3A_69 : memref<128x128xf32, #tpu.memory_space<hbm>>)
      tpu.yield
    }) : () -> ()
    %add3A_39 = arith.constant 256 : i32
    %add3A_40 = arith.addi %mul3A_2, %add3A_39 : i32
    "tpu.region"() ({
      %run_scoped3A = tpu.sem_alloc : memref<!tpu.dma_semaphore, #tpu.memory_space<semaphore_mem>>
      %dma_start3A = arith.constant 0 : i32
      %dma_start3A_51 = arith.constant 0 : i32
      %dma_start3A_52 = tpu.memref_slice %arg5[%dma_start3A, %dma_start3A_51] : memref<128x128xf32, #tpu.memory_space<vmem>> -> memref<128x128xf32, #tpu.memory_space<vmem>>
      %dma_start3A_53 = arith.constant 0 : i32
      %dma_start3A_54 = tpu.memref_slice %arg6[%add3A_40, %dma_start3A_53] : memref<10112x128xf32, #tpu.memory_space<vmem_shared>> -> memref<128x128xf32, #tpu.memory_space<vmem_shared>>
      %dma_start3A_55 = arith.constant 0 : i32
      %dma_start3A_56 = arith.constant 0 : i32
      %dma_start3A_57 = tpu.memref_slice %arg5[%dma_start3A_55, %dma_start3A_56] : memref<128x128xf32, #tpu.memory_space<vmem>> -> memref<128x128xf32, #tpu.memory_space<vmem>>
      %dma_start3A_58 = arith.constant 0 : i32
      %dma_start3A_59 = tpu.memref_slice %arg6[%add3A_40, %dma_start3A_58] : memref<10112x128xf32, #tpu.memory_space<vmem_shared>> -> memref<128x128xf32, #tpu.memory_space<vmem_shared>>
      tpu.enqueue_dma source(%dma_start3A_59 : memref<128x128xf32, #tpu.memory_space<vmem_shared>>) target(%dma_start3A_57 : memref<128x128xf32, #tpu.memory_space<vmem>>) target_semaphore(%run_scoped3A : memref<!tpu.dma_semaphore, #tpu.memory_space<semaphore_mem>>)
      %dma_wait3A = arith.constant 0 : i32
      %dma_wait3A_60 = arith.constant 0 : i32
      %dma_wait3A_61 = tpu.memref_slice %arg5[%dma_wait3A, %dma_wait3A_60] : memref<128x128xf32, #tpu.memory_space<vmem>> -> memref<128x128xf32, #tpu.memory_space<vmem>>
      %dma_wait3A_62 = arith.constant 0 : i32
      %dma_wait3A_63 = tpu.memref_slice %arg6[%add3A_40, %dma_wait3A_62] : memref<10112x128xf32, #tpu.memory_space<vmem_shared>> -> memref<128x128xf32, #tpu.memory_space<vmem_shared>>
      %dma_wait3A_64 = arith.constant 0 : i32
      %dma_wait3A_65 = arith.constant 0 : i32
      %dma_wait3A_66 = tpu.memref_slice %arg5[%dma_wait3A_64, %dma_wait3A_65] : memref<128x128xf32, #tpu.memory_space<vmem>> -> memref<128x128xf32, #tpu.memory_space<vmem>>
      %dma_wait3A_67 = arith.constant 0 : i32
      %dma_wait3A_68 = tpu.memref_slice %arg6[%add3A_40, %dma_wait3A_67] : memref<10112x128xf32, #tpu.memory_space<vmem_shared>> -> memref<128x128xf32, #tpu.memory_space<vmem_shared>>
      tpu.wait_dma2 semaphore(%run_scoped3A : memref<!tpu.dma_semaphore, #tpu.memory_space<semaphore_mem>>) src(%dma_wait3A_68 : memref<128x128xf32, #tpu.memory_space<vmem_shared>>) dst(%dma_wait3A_66 : memref<128x128xf32, #tpu.memory_space<vmem>>)
      tpu.yield
    }) : () -> ()
    %add3A_41 = arith.constant 256 : i32
    %add3A_42 = arith.addi %mul3A_2, %add3A_41 : i32
    "tpu.region"() ({
      %run_scoped3A = tpu.sem_alloc : memref<!tpu.dma_semaphore, #tpu.memory_space<semaphore_mem>>
      %dma_start3A = arith.constant 0 : i32
      %dma_start3A_51 = arith.constant 0 : i32
      %dma_start3A_52 = tpu.memref_slice %arg5[%dma_start3A, %dma_start3A_51] : memref<128x128xf32, #tpu.memory_space<vmem>> -> memref<128x128xf32, #tpu.memory_space<vmem>>
      %dma_start3A_53 = arith.constant 0 : i32
      %dma_start3A_54 = tpu.memref_slice %arg3[%arg0, %add3A_42, %dma_start3A_53] : memref<2x10112x128xf32, #tpu.memory_space<hbm>> -> memref<1x128x128xf32, #tpu.memory_space<hbm>>
      %dma_start3A_55 = tpu.memref_squeeze %dma_start3A_54 : memref<1x128x128xf32, #tpu.memory_space<hbm>> -> memref<128x128xf32, #tpu.memory_space<hbm>>
      %dma_start3A_56 = arith.constant 0 : i32
      %dma_start3A_57 = tpu.memref_slice %arg3[%arg0, %add3A_42, %dma_start3A_56] : memref<2x10112x128xf32, #tpu.memory_space<hbm>> -> memref<1x128x128xf32, #tpu.memory_space<hbm>>
      %dma_start3A_58 = tpu.memref_squeeze %dma_start3A_57 : memref<1x128x128xf32, #tpu.memory_space<hbm>> -> memref<128x128xf32, #tpu.memory_space<hbm>>
      %dma_start3A_59 = arith.constant 0 : i32
      %dma_start3A_60 = arith.constant 0 : i32
      %dma_start3A_61 = tpu.memref_slice %arg5[%dma_start3A_59, %dma_start3A_60] : memref<128x128xf32, #tpu.memory_space<vmem>> -> memref<128x128xf32, #tpu.memory_space<vmem>>
      tpu.enqueue_dma source(%dma_start3A_61 : memref<128x128xf32, #tpu.memory_space<vmem>>) target(%dma_start3A_58 : memref<128x128xf32, #tpu.memory_space<hbm>>) target_semaphore(%run_scoped3A : memref<!tpu.dma_semaphore, #tpu.memory_space<semaphore_mem>>)
      %dma_wait3A = arith.constant 0 : i32
      %dma_wait3A_62 = arith.constant 0 : i32
      %dma_wait3A_63 = tpu.memref_slice %arg5[%dma_wait3A, %dma_wait3A_62] : memref<128x128xf32, #tpu.memory_space<vmem>> -> memref<128x128xf32, #tpu.memory_space<vmem>>
      %dma_wait3A_64 = arith.constant 0 : i32
      %dma_wait3A_65 = tpu.memref_slice %arg3[%arg0, %add3A_42, %dma_wait3A_64] : memref<2x10112x128xf32, #tpu.memory_space<hbm>> -> memref<1x128x128xf32, #tpu.memory_space<hbm>>
      %dma_wait3A_66 = tpu.memref_squeeze %dma_wait3A_65 : memref<1x128x128xf32, #tpu.memory_space<hbm>> -> memref<128x128xf32, #tpu.memory_space<hbm>>
      %dma_wait3A_67 = arith.constant 0 : i32
      %dma_wait3A_68 = tpu.memref_slice %arg3[%arg0, %add3A_42, %dma_wait3A_67] : memref<2x10112x128xf32, #tpu.memory_space<hbm>> -> memref<1x128x128xf32, #tpu.memory_space<hbm>>
      %dma_wait3A_69 = tpu.memref_squeeze %dma_wait3A_68 : memref<1x128x128xf32, #tpu.memory_space<hbm>> -> memref<128x128xf32, #tpu.memory_space<hbm>>
      %dma_wait3A_70 = arith.constant 0 : i32
      %dma_wait3A_71 = arith.constant 0 : i32
      %dma_wait3A_72 = tpu.memref_slice %arg5[%dma_wait3A_70, %dma_wait3A_71] : memref<128x128xf32, #tpu.memory_space<vmem>> -> memref<128x128xf32, #tpu.memory_space<vmem>>
      tpu.wait_dma2 semaphore(%run_scoped3A : memref<!tpu.dma_semaphore, #tpu.memory_space<semaphore_mem>>) src(%dma_wait3A_72 : memref<128x128xf32, #tpu.memory_space<vmem>>) dst(%dma_wait3A_69 : memref<128x128xf32, #tpu.memory_space<hbm>>)
      tpu.yield
    }) : () -> ()
    %add3A_43 = arith.constant 384 : i32
    %add3A_44 = arith.addi %mul3A_2, %add3A_43 : i32
    "tpu.region"() ({
      %run_scoped3A = tpu.sem_alloc : memref<!tpu.dma_semaphore, #tpu.memory_space<semaphore_mem>>
      %dma_start3A = arith.constant 0 : i32
      %dma_start3A_51 = arith.constant 0 : i32
      %dma_start3A_52 = tpu.memref_slice %arg5[%dma_start3A, %dma_start3A_51] : memref<128x128xf32, #tpu.memory_space<vmem>> -> memref<128x128xf32, #tpu.memory_space<vmem>>
      %dma_start3A_53 = arith.constant 0 : i32
      %dma_start3A_54 = tpu.memref_slice %arg6[%add3A_44, %dma_start3A_53] : memref<10112x128xf32, #tpu.memory_space<vmem_shared>> -> memref<128x128xf32, #tpu.memory_space<vmem_shared>>
      %dma_start3A_55 = arith.constant 0 : i32
      %dma_start3A_56 = arith.constant 0 : i32
      %dma_start3A_57 = tpu.memref_slice %arg5[%dma_start3A_55, %dma_start3A_56] : memref<128x128xf32, #tpu.memory_space<vmem>> -> memref<128x128xf32, #tpu.memory_space<vmem>>
      %dma_start3A_58 = arith.constant 0 : i32
      %dma_start3A_59 = tpu.memref_slice %arg6[%add3A_44, %dma_start3A_58] : memref<10112x128xf32, #tpu.memory_space<vmem_shared>> -> memref<128x128xf32, #tpu.memory_space<vmem_shared>>
      tpu.enqueue_dma source(%dma_start3A_59 : memref<128x128xf32, #tpu.memory_space<vmem_shared>>) target(%dma_start3A_57 : memref<128x128xf32, #tpu.memory_space<vmem>>) target_semaphore(%run_scoped3A : memref<!tpu.dma_semaphore, #tpu.memory_space<semaphore_mem>>)
      %dma_wait3A = arith.constant 0 : i32
      %dma_wait3A_60 = arith.constant 0 : i32
      %dma_wait3A_61 = tpu.memref_slice %arg5[%dma_wait3A, %dma_wait3A_60] : memref<128x128xf32, #tpu.memory_space<vmem>> -> memref<128x128xf32, #tpu.memory_space<vmem>>
      %dma_wait3A_62 = arith.constant 0 : i32
      %dma_wait3A_63 = tpu.memref_slice %arg6[%add3A_44, %dma_wait3A_62] : memref<10112x128xf32, #tpu.memory_space<vmem_shared>> -> memref<128x128xf32, #tpu.memory_space<vmem_shared>>
      %dma_wait3A_64 = arith.constant 0 : i32
      %dma_wait3A_65 = arith.constant 0 : i32
      %dma_wait3A_66 = tpu.memref_slice %arg5[%dma_wait3A_64, %dma_wait3A_65] : memref<128x128xf32, #tpu.memory_space<vmem>> -> memref<128x128xf32, #tpu.memory_space<vmem>>
      %dma_wait3A_67 = arith.constant 0 : i32
      %dma_wait3A_68 = tpu.memref_slice %arg6[%add3A_44, %dma_wait3A_67] : memref<10112x128xf32, #tpu.memory_space<vmem_shared>> -> memref<128x128xf32, #tpu.memory_space<vmem_shared>>
      tpu.wait_dma2 semaphore(%run_scoped3A : memref<!tpu.dma_semaphore, #tpu.memory_space<semaphore_mem>>) src(%dma_wait3A_68 : memref<128x128xf32, #tpu.memory_space<vmem_shared>>) dst(%dma_wait3A_66 : memref<128x128xf32, #tpu.memory_space<vmem>>)
      tpu.yield
    }) : () -> ()
    %add3A_45 = arith.constant 384 : i32
    %add3A_46 = arith.addi %mul3A_2, %add3A_45 : i32
    "tpu.region"() ({
      %run_scoped3A = tpu.sem_alloc : memref<!tpu.dma_semaphore, #tpu.memory_space<semaphore_mem>>
      %dma_start3A = arith.constant 0 : i32
      %dma_start3A_51 = arith.constant 0 : i32
      %dma_start3A_52 = tpu.memref_slice %arg5[%dma_start3A, %dma_start3A_51] : memref<128x128xf32, #tpu.memory_space<vmem>> -> memref<128x128xf32, #tpu.memory_space<vmem>>
      %dma_start3A_53 = arith.constant 0 : i32
      %dma_start3A_54 = tpu.memref_slice %arg3[%arg0, %add3A_46, %dma_start3A_53] : memref<2x10112x128xf32, #tpu.memory_space<hbm>> -> memref<1x128x128xf32, #tpu.memory_space<hbm>>
      %dma_start3A_55 = tpu.memref_squeeze %dma_start3A_54 : memref<1x128x128xf32, #tpu.memory_space<hbm>> -> memref<128x128xf32, #tpu.memory_space<hbm>>
      %dma_start3A_56 = arith.constant 0 : i32
      %dma_start3A_57 = tpu.memref_slice %arg3[%arg0, %add3A_46, %dma_start3A_56] : memref<2x10112x128xf32, #tpu.memory_space<hbm>> -> memref<1x128x128xf32, #tpu.memory_space<hbm>>
      %dma_start3A_58 = tpu.memref_squeeze %dma_start3A_57 : memref<1x128x128xf32, #tpu.memory_space<hbm>> -> memref<128x128xf32, #tpu.memory_space<hbm>>
      %dma_start3A_59 = arith.constant 0 : i32
      %dma_start3A_60 = arith.constant 0 : i32
      %dma_start3A_61 = tpu.memref_slice %arg5[%dma_start3A_59, %dma_start3A_60] : memref<128x128xf32, #tpu.memory_space<vmem>> -> memref<128x128xf32, #tpu.memory_space<vmem>>
      tpu.enqueue_dma source(%dma_start3A_61 : memref<128x128xf32, #tpu.memory_space<vmem>>) target(%dma_start3A_58 : memref<128x128xf32, #tpu.memory_space<hbm>>) target_semaphore(%run_scoped3A : memref<!tpu.dma_semaphore, #tpu.memory_space<semaphore_mem>>)
      %dma_wait3A = arith.constant 0 : i32
      %dma_wait3A_62 = arith.constant 0 : i32
      %dma_wait3A_63 = tpu.memref_slice %arg5[%dma_wait3A, %dma_wait3A_62] : memref<128x128xf32, #tpu.memory_space<vmem>> -> memref<128x128xf32, #tpu.memory_space<vmem>>
      %dma_wait3A_64 = arith.constant 0 : i32
      %dma_wait3A_65 = tpu.memref_slice %arg3[%arg0, %add3A_46, %dma_wait3A_64] : memref<2x10112x128xf32, #tpu.memory_space<hbm>> -> memref<1x128x128xf32, #tpu.memory_space<hbm>>
      %dma_wait3A_66 = tpu.memref_squeeze %dma_wait3A_65 : memref<1x128x128xf32, #tpu.memory_space<hbm>> -> memref<128x128xf32, #tpu.memory_space<hbm>>
      %dma_wait3A_67 = arith.constant 0 : i32
      %dma_wait3A_68 = tpu.memref_slice %arg3[%arg0, %add3A_46, %dma_wait3A_67] : memref<2x10112x128xf32, #tpu.memory_space<hbm>> -> memref<1x128x128xf32, #tpu.memory_space<hbm>>
      %dma_wait3A_69 = tpu.memref_squeeze %dma_wait3A_68 : memref<1x128x128xf32, #tpu.memory_space<hbm>> -> memref<128x128xf32, #tpu.memory_space<hbm>>
      %dma_wait3A_70 = arith.constant 0 : i32
      %dma_wait3A_71 = arith.constant 0 : i32
      %dma_wait3A_72 = tpu.memref_slice %arg5[%dma_wait3A_70, %dma_wait3A_71] : memref<128x128xf32, #tpu.memory_space<vmem>> -> memref<128x128xf32, #tpu.memory_space<vmem>>
      tpu.wait_dma2 semaphore(%run_scoped3A : memref<!tpu.dma_semaphore, #tpu.memory_space<semaphore_mem>>) src(%dma_wait3A_72 : memref<128x128xf32, #tpu.memory_space<vmem>>) dst(%dma_wait3A_69 : memref<128x128xf32, #tpu.memory_space<hbm>>)
      tpu.yield
    }) : () -> ()
    %add3A_47 = arith.constant 512 : i32
    %add3A_48 = arith.addi %mul3A_2, %add3A_47 : i32
    "tpu.region"() ({
      %run_scoped3A = tpu.sem_alloc : memref<!tpu.dma_semaphore, #tpu.memory_space<semaphore_mem>>
      %dma_start3A = arith.constant 0 : i32
      %dma_start3A_51 = arith.constant 0 : i32
      %dma_start3A_52 = tpu.memref_slice %arg5[%dma_start3A, %dma_start3A_51] : memref<128x128xf32, #tpu.memory_space<vmem>> -> memref<120x128xf32, #tpu.memory_space<vmem>>
      %dma_start3A_53 = arith.constant 0 : i32
      %dma_start3A_54 = tpu.memref_slice %arg6[%add3A_48, %dma_start3A_53] : memref<10112x128xf32, #tpu.memory_space<vmem_shared>> -> memref<120x128xf32, #tpu.memory_space<vmem_shared>>
      %dma_start3A_55 = arith.constant 0 : i32
      %dma_start3A_56 = arith.constant 0 : i32
      %dma_start3A_57 = tpu.memref_slice %arg5[%dma_start3A_55, %dma_start3A_56] : memref<128x128xf32, #tpu.memory_space<vmem>> -> memref<120x128xf32, #tpu.memory_space<vmem>>
      %dma_start3A_58 = arith.constant 0 : i32
      %dma_start3A_59 = tpu.memref_slice %arg6[%add3A_48, %dma_start3A_58] : memref<10112x128xf32, #tpu.memory_space<vmem_shared>> -> memref<120x128xf32, #tpu.memory_space<vmem_shared>>
      tpu.enqueue_dma source(%dma_start3A_59 : memref<120x128xf32, #tpu.memory_space<vmem_shared>>) target(%dma_start3A_57 : memref<120x128xf32, #tpu.memory_space<vmem>>) target_semaphore(%run_scoped3A : memref<!tpu.dma_semaphore, #tpu.memory_space<semaphore_mem>>)
      %dma_wait3A = arith.constant 0 : i32
      %dma_wait3A_60 = arith.constant 0 : i32
      %dma_wait3A_61 = tpu.memref_slice %arg5[%dma_wait3A, %dma_wait3A_60] : memref<128x128xf32, #tpu.memory_space<vmem>> -> memref<120x128xf32, #tpu.memory_space<vmem>>
      %dma_wait3A_62 = arith.constant 0 : i32
      %dma_wait3A_63 = tpu.memref_slice %arg6[%add3A_48, %dma_wait3A_62] : memref<10112x128xf32, #tpu.memory_space<vmem_shared>> -> memref<120x128xf32, #tpu.memory_space<vmem_shared>>
      %dma_wait3A_64 = arith.constant 0 : i32
      %dma_wait3A_65 = arith.constant 0 : i32
      %dma_wait3A_66 = tpu.memref_slice %arg5[%dma_wait3A_64, %dma_wait3A_65] : memref<128x128xf32, #tpu.memory_space<vmem>> -> memref<120x128xf32, #tpu.memory_space<vmem>>
      %dma_wait3A_67 = arith.constant 0 : i32
      %dma_wait3A_68 = tpu.memref_slice %arg6[%add3A_48, %dma_wait3A_67] : memref<10112x128xf32, #tpu.memory_space<vmem_shared>> -> memref<120x128xf32, #tpu.memory_space<vmem_shared>>
      tpu.wait_dma2 semaphore(%run_scoped3A : memref<!tpu.dma_semaphore, #tpu.memory_space<semaphore_mem>>) src(%dma_wait3A_68 : memref<120x128xf32, #tpu.memory_space<vmem_shared>>) dst(%dma_wait3A_66 : memref<120x128xf32, #tpu.memory_space<vmem>>)
      tpu.yield
    }) : () -> ()
    %add3A_49 = arith.constant 512 : i32
    %add3A_50 = arith.addi %mul3A_2, %add3A_49 : i32
    "tpu.region"() ({
      %run_scoped3A = tpu.sem_alloc : memref<!tpu.dma_semaphore, #tpu.memory_space<semaphore_mem>>
      %dma_start3A = arith.constant 0 : i32
      %dma_start3A_51 = arith.constant 0 : i32
      %dma_start3A_52 = tpu.memref_slice %arg5[%dma_start3A, %dma_start3A_51] : memref<128x128xf32, #tpu.memory_space<vmem>> -> memref<120x128xf32, #tpu.memory_space<vmem>>
      %dma_start3A_53 = arith.constant 0 : i32
      %dma_start3A_54 = tpu.memref_slice %arg3[%arg0, %add3A_50, %dma_start3A_53] : memref<2x10112x128xf32, #tpu.memory_space<hbm>> -> memref<1x120x128xf32, #tpu.memory_space<hbm>>
      %dma_start3A_55 = tpu.memref_squeeze %dma_start3A_54 : memref<1x120x128xf32, #tpu.memory_space<hbm>> -> memref<120x128xf32, #tpu.memory_space<hbm>>
      %dma_start3A_56 = arith.constant 0 : i32
      %dma_start3A_57 = tpu.memref_slice %arg3[%arg0, %add3A_50, %dma_start3A_56] : memref<2x10112x128xf32, #tpu.memory_space<hbm>> -> memref<1x120x128xf32, #tpu.memory_space<hbm>>
      %dma_start3A_58 = tpu.memref_squeeze %dma_start3A_57 : memref<1x120x128xf32, #tpu.memory_space<hbm>> -> memref<120x128xf32, #tpu.memory_space<hbm>>
      %dma_start3A_59 = arith.constant 0 : i32
      %dma_start3A_60 = arith.constant 0 : i32
      %dma_start3A_61 = tpu.memref_slice %arg5[%dma_start3A_59, %dma_start3A_60] : memref<128x128xf32, #tpu.memory_space<vmem>> -> memref<120x128xf32, #tpu.memory_space<vmem>>
      tpu.enqueue_dma source(%dma_start3A_61 : memref<120x128xf32, #tpu.memory_space<vmem>>) target(%dma_start3A_58 : memref<120x128xf32, #tpu.memory_space<hbm>>) target_semaphore(%run_scoped3A : memref<!tpu.dma_semaphore, #tpu.memory_space<semaphore_mem>>)
      %dma_wait3A = arith.constant 0 : i32
      %dma_wait3A_62 = arith.constant 0 : i32
      %dma_wait3A_63 = tpu.memref_slice %arg5[%dma_wait3A, %dma_wait3A_62] : memref<128x128xf32, #tpu.memory_space<vmem>> -> memref<120x128xf32, #tpu.memory_space<vmem>>
      %dma_wait3A_64 = arith.constant 0 : i32
      %dma_wait3A_65 = tpu.memref_slice %arg3[%arg0, %add3A_50, %dma_wait3A_64] : memref<2x10112x128xf32, #tpu.memory_space<hbm>> -> memref<1x120x128xf32, #tpu.memory_space<hbm>>
      %dma_wait3A_66 = tpu.memref_squeeze %dma_wait3A_65 : memref<1x120x128xf32, #tpu.memory_space<hbm>> -> memref<120x128xf32, #tpu.memory_space<hbm>>
      %dma_wait3A_67 = arith.constant 0 : i32
      %dma_wait3A_68 = tpu.memref_slice %arg3[%arg0, %add3A_50, %dma_wait3A_67] : memref<2x10112x128xf32, #tpu.memory_space<hbm>> -> memref<1x120x128xf32, #tpu.memory_space<hbm>>
      %dma_wait3A_69 = tpu.memref_squeeze %dma_wait3A_68 : memref<1x120x128xf32, #tpu.memory_space<hbm>> -> memref<120x128xf32, #tpu.memory_space<hbm>>
      %dma_wait3A_70 = arith.constant 0 : i32
      %dma_wait3A_71 = arith.constant 0 : i32
      %dma_wait3A_72 = tpu.memref_slice %arg5[%dma_wait3A_70, %dma_wait3A_71] : memref<128x128xf32, #tpu.memory_space<vmem>> -> memref<120x128xf32, #tpu.memory_space<vmem>>
      tpu.wait_dma2 semaphore(%run_scoped3A : memref<!tpu.dma_semaphore, #tpu.memory_space<semaphore_mem>>) src(%dma_wait3A_72 : memref<120x128xf32, #tpu.memory_space<vmem>>) dst(%dma_wait3A_69 : memref<120x128xf32, #tpu.memory_space<hbm>>)
      tpu.yield
    }) : () -> ()
    return
  }
}

#map = affine_map<(d0, d1) -> (0, 0)>
#map1 = affine_map<(d0, d1) -> (0)>
#map2 = affine_map<(d0, d1) -> (0, 0, 0)>
module attributes {stable_mosaic.version = 14 : i64} {
  func.func @_sc_agg_body(%arg0: i32, %arg1: i32, %arg2: memref<10112x128xf32, #tpu.memory_space<hbm>>, %arg3: memref<323584xi32, #tpu.memory_space<hbm>>, %arg4: memref<32x79x128xi32, #tpu.memory_space<hbm>>, %arg5: memref<2x10112x128xf32, #tpu.memory_space<hbm>>, %arg6: memref<128xi32, #tpu.memory_space<vmem>>, %arg7: memref<128xi32, #tpu.memory_space<vmem>>, %arg8: memref<79x128xi32, #tpu.memory_space<vmem>>, %arg9: memref<128x128xf32, #tpu.memory_space<vmem>>, %arg10: memref<10112x128xf32, #tpu.memory_space<vmem_shared>>, %arg11: memref<!tpu.dma_semaphore, #tpu.memory_space<semaphore_mem>>, %arg12: memref<!tpu.dma_semaphore, #tpu.memory_space<semaphore_mem>>, %arg13: memref<!tpu.dma_semaphore, #tpu.memory_space<semaphore_mem>>) attributes {dimension_semantics = [#tpu.dimension_semantics<core_parallel>, #tpu.dimension_semantics<subcore_parallel>], iteration_bounds = array<i64: 2, 16>, scalar_prefetch = 0 : i64, scratch_operands = 8 : i64, tpu.core_type = #tpu.core_type<sc_vector_subcore>, window_params = [{transform_indices = #map}, {transform_indices = #map1}, {transform_indices = #map2}, {transform_indices = #map2}]} {
    %mul3A = arith.constant 16 : i32
    %mul3A_0 = arith.muli %arg0, %mul3A : i32
    %add3A = arith.addi %mul3A_0, %arg1 : i32
    %mul3A_1 = arith.constant 632 : i32
    %mul3A_2 = arith.muli %arg1, %mul3A_1 : i32
    "tpu.region"() ({
      %run_scoped3A_52 = tpu.sem_alloc : memref<!tpu.dma_semaphore, #tpu.memory_space<semaphore_mem>>
      %dma_start3A_53 = arith.constant 0 : i32
      %dma_start3A_54 = arith.constant 0 : i32
      %dma_start3A_55 = tpu.memref_slice %arg4[%add3A, %dma_start3A_53, %dma_start3A_54] : memref<32x79x128xi32, #tpu.memory_space<hbm>> -> memref<1x79x128xi32, #tpu.memory_space<hbm>>
      %dma_start3A_56 = tpu.memref_squeeze %dma_start3A_55 : memref<1x79x128xi32, #tpu.memory_space<hbm>> -> memref<79x128xi32, #tpu.memory_space<hbm>>
      %dma_start3A_57 = arith.constant 0 : i32
      %dma_start3A_58 = arith.constant 0 : i32
      %dma_start3A_59 = tpu.memref_slice %arg4[%add3A, %dma_start3A_57, %dma_start3A_58] : memref<32x79x128xi32, #tpu.memory_space<hbm>> -> memref<1x79x128xi32, #tpu.memory_space<hbm>>
      %dma_start3A_60 = tpu.memref_squeeze %dma_start3A_59 : memref<1x79x128xi32, #tpu.memory_space<hbm>> -> memref<79x128xi32, #tpu.memory_space<hbm>>
      tpu.enqueue_dma source(%dma_start3A_60 : memref<79x128xi32, #tpu.memory_space<hbm>>) target(%arg8 : memref<79x128xi32, #tpu.memory_space<vmem>>) target_semaphore(%run_scoped3A_52 : memref<!tpu.dma_semaphore, #tpu.memory_space<semaphore_mem>>)
      %dma_wait3A_61 = arith.constant 0 : i32
      %dma_wait3A_62 = arith.constant 0 : i32
      %dma_wait3A_63 = tpu.memref_slice %arg4[%add3A, %dma_wait3A_61, %dma_wait3A_62] : memref<32x79x128xi32, #tpu.memory_space<hbm>> -> memref<1x79x128xi32, #tpu.memory_space<hbm>>
      %dma_wait3A_64 = tpu.memref_squeeze %dma_wait3A_63 : memref<1x79x128xi32, #tpu.memory_space<hbm>> -> memref<79x128xi32, #tpu.memory_space<hbm>>
      %dma_wait3A_65 = arith.constant 0 : i32
      %dma_wait3A_66 = arith.constant 0 : i32
      %dma_wait3A_67 = tpu.memref_slice %arg4[%add3A, %dma_wait3A_65, %dma_wait3A_66] : memref<32x79x128xi32, #tpu.memory_space<hbm>> -> memref<1x79x128xi32, #tpu.memory_space<hbm>>
      %dma_wait3A_68 = tpu.memref_squeeze %dma_wait3A_67 : memref<1x79x128xi32, #tpu.memory_space<hbm>> -> memref<79x128xi32, #tpu.memory_space<hbm>>
      tpu.wait_dma2 semaphore(%run_scoped3A_52 : memref<!tpu.dma_semaphore, #tpu.memory_space<semaphore_mem>>) src(%dma_wait3A_68 : memref<79x128xi32, #tpu.memory_space<hbm>>) dst(%arg8 : memref<79x128xi32, #tpu.memory_space<vmem>>)
      tpu.yield
    }) : () -> ()
    %broadcast_in_dim3A = arith.constant 0.000000e+00 : f32
    %broadcast_in_dim3A_3 = vector.broadcast %broadcast_in_dim3A : f32 to vector<16xf32>
    %scan3A = arith.constant 0 : i32
    %scan3A_4 = arith.constant 128 : i32
    %scan3A_5 = arith.addi %scan3A, %scan3A_4 : i32
    %scan3A_6 = arith.constant 1 : i32
    scf.for %scan3A_52 = %scan3A to %scan3A_5 step %scan3A_6  : i32 {
      %mul3A_53 = arith.constant 1 : i32
      %mul3A_54 = arith.muli %scan3A_52, %mul3A_53 : i32
      %add3A_55 = arith.constant 0 : i32
      %add3A_56 = arith.addi %add3A_55, %mul3A_54 : i32
      %swap3A = arith.index_cast %add3A_56 : i32 to index
      %swap3A_57 = arith.constant 0 : index
      %swap3A_58 = tpu.vector_load %arg9[%swap3A, %swap3A_57] {strides = array<i32>} : memref<128x128xf32, #tpu.memory_space<vmem>>, vector<1x16xf32>,
      %swap3A_59 = vector.shape_cast %swap3A_58 : vector<1x16xf32> to vector<16xf32>
      %swap3A_60 = vector.shape_cast %broadcast_in_dim3A_3 : vector<16xf32> to vector<1x16xf32>
      tpu.vector_store %arg9[%swap3A, %swap3A_57], %swap3A_60 {strides = array<i32>} : memref<128x128xf32, #tpu.memory_space<vmem>>, vector<1x16xf32>,
      %swap3A_61 = arith.index_cast %add3A_56 : i32 to index
      %swap3A_62 = arith.constant 16 : index
      %swap3A_63 = tpu.vector_load %arg9[%swap3A_61, %swap3A_62] {strides = array<i32>} : memref<128x128xf32, #tpu.memory_space<vmem>>, vector<1x16xf32>,
      %swap3A_64 = vector.shape_cast %swap3A_63 : vector<1x16xf32> to vector<16xf32>
      %swap3A_65 = vector.shape_cast %broadcast_in_dim3A_3 : vector<16xf32> to vector<1x16xf32>
      tpu.vector_store %arg9[%swap3A_61, %swap3A_62], %swap3A_65 {strides = array<i32>} : memref<128x128xf32, #tpu.memory_space<vmem>>, vector<1x16xf32>,
      %swap3A_66 = arith.index_cast %add3A_56 : i32 to index
      %swap3A_67 = arith.constant 32 : index
      %swap3A_68 = tpu.vector_load %arg9[%swap3A_66, %swap3A_67] {strides = array<i32>} : memref<128x128xf32, #tpu.memory_space<vmem>>, vector<1x16xf32>,
      %swap3A_69 = vector.shape_cast %swap3A_68 : vector<1x16xf32> to vector<16xf32>
      %swap3A_70 = vector.shape_cast %broadcast_in_dim3A_3 : vector<16xf32> to vector<1x16xf32>
      tpu.vector_store %arg9[%swap3A_66, %swap3A_67], %swap3A_70 {strides = array<i32>} : memref<128x128xf32, #tpu.memory_space<vmem>>, vector<1x16xf32>,
      %swap3A_71 = arith.index_cast %add3A_56 : i32 to index
      %swap3A_72 = arith.constant 48 : index
      %swap3A_73 = tpu.vector_load %arg9[%swap3A_71, %swap3A_72] {strides = array<i32>} : memref<128x128xf32, #tpu.memory_space<vmem>>, vector<1x16xf32>,
      %swap3A_74 = vector.shape_cast %swap3A_73 : vector<1x16xf32> to vector<16xf32>
      %swap3A_75 = vector.shape_cast %broadcast_in_dim3A_3 : vector<16xf32> to vector<1x16xf32>
      tpu.vector_store %arg9[%swap3A_71, %swap3A_72], %swap3A_75 {strides = array<i32>} : memref<128x128xf32, #tpu.memory_space<vmem>>, vector<1x16xf32>,
      %swap3A_76 = arith.index_cast %add3A_56 : i32 to index
      %swap3A_77 = arith.constant 64 : index
      %swap3A_78 = tpu.vector_load %arg9[%swap3A_76, %swap3A_77] {strides = array<i32>} : memref<128x128xf32, #tpu.memory_space<vmem>>, vector<1x16xf32>,
      %swap3A_79 = vector.shape_cast %swap3A_78 : vector<1x16xf32> to vector<16xf32>
      %swap3A_80 = vector.shape_cast %broadcast_in_dim3A_3 : vector<16xf32> to vector<1x16xf32>
      tpu.vector_store %arg9[%swap3A_76, %swap3A_77], %swap3A_80 {strides = array<i32>} : memref<128x128xf32, #tpu.memory_space<vmem>>, vector<1x16xf32>,
      %swap3A_81 = arith.index_cast %add3A_56 : i32 to index
      %swap3A_82 = arith.constant 80 : index
      %swap3A_83 = tpu.vector_load %arg9[%swap3A_81, %swap3A_82] {strides = array<i32>} : memref<128x128xf32, #tpu.memory_space<vmem>>, vector<1x16xf32>,
      %swap3A_84 = vector.shape_cast %swap3A_83 : vector<1x16xf32> to vector<16xf32>
      %swap3A_85 = vector.shape_cast %broadcast_in_dim3A_3 : vector<16xf32> to vector<1x16xf32>
      tpu.vector_store %arg9[%swap3A_81, %swap3A_82], %swap3A_85 {strides = array<i32>} : memref<128x128xf32, #tpu.memory_space<vmem>>, vector<1x16xf32>,
      %swap3A_86 = arith.index_cast %add3A_56 : i32 to index
      %swap3A_87 = arith.constant 96 : index
      %swap3A_88 = tpu.vector_load %arg9[%swap3A_86, %swap3A_87] {strides = array<i32>} : memref<128x128xf32, #tpu.memory_space<vmem>>, vector<1x16xf32>,
      %swap3A_89 = vector.shape_cast %swap3A_88 : vector<1x16xf32> to vector<16xf32>
      %swap3A_90 = vector.shape_cast %broadcast_in_dim3A_3 : vector<16xf32> to vector<1x16xf32>
      tpu.vector_store %arg9[%swap3A_86, %swap3A_87], %swap3A_90 {strides = array<i32>} : memref<128x128xf32, #tpu.memory_space<vmem>>, vector<1x16xf32>,
      %swap3A_91 = arith.index_cast %add3A_56 : i32 to index
      %swap3A_92 = arith.constant 112 : index
      %swap3A_93 = tpu.vector_load %arg9[%swap3A_91, %swap3A_92] {strides = array<i32>} : memref<128x128xf32, #tpu.memory_space<vmem>>, vector<1x16xf32>,
      %swap3A_94 = vector.shape_cast %swap3A_93 : vector<1x16xf32> to vector<16xf32>
      %swap3A_95 = vector.shape_cast %broadcast_in_dim3A_3 : vector<16xf32> to vector<1x16xf32>
      tpu.vector_store %arg9[%swap3A_91, %swap3A_92], %swap3A_95 {strides = array<i32>} : memref<128x128xf32, #tpu.memory_space<vmem>>, vector<1x16xf32>,
    }
    %scan3A_7 = arith.constant 128 : i32
    %add3A_8 = arith.constant 0 : i32
    %add3A_9 = arith.addi %mul3A_2, %add3A_8 : i32
    "tpu.region"() ({
      %run_scoped3A_52 = tpu.sem_alloc : memref<!tpu.dma_semaphore, #tpu.memory_space<semaphore_mem>>
      %dma_start3A_53 = arith.constant 0 : i32
      %dma_start3A_54 = arith.constant 0 : i32
      %dma_start3A_55 = tpu.memref_slice %arg9[%dma_start3A_53, %dma_start3A_54] : memref<128x128xf32, #tpu.memory_space<vmem>> -> memref<128x128xf32, #tpu.memory_space<vmem>>
      %dma_start3A_56 = arith.constant 0 : i32
      %dma_start3A_57 = tpu.memref_slice %arg10[%add3A_9, %dma_start3A_56] : memref<10112x128xf32, #tpu.memory_space<vmem_shared>> -> memref<128x128xf32, #tpu.memory_space<vmem_shared>>
      %dma_start3A_58 = arith.constant 0 : i32
      %dma_start3A_59 = tpu.memref_slice %arg10[%add3A_9, %dma_start3A_58] : memref<10112x128xf32, #tpu.memory_space<vmem_shared>> -> memref<128x128xf32, #tpu.memory_space<vmem_shared>>
      %dma_start3A_60 = arith.constant 0 : i32
      %dma_start3A_61 = arith.constant 0 : i32
      %dma_start3A_62 = tpu.memref_slice %arg9[%dma_start3A_60, %dma_start3A_61] : memref<128x128xf32, #tpu.memory_space<vmem>> -> memref<128x128xf32, #tpu.memory_space<vmem>>
      tpu.enqueue_dma source(%dma_start3A_62 : memref<128x128xf32, #tpu.memory_space<vmem>>) target(%dma_start3A_59 : memref<128x128xf32, #tpu.memory_space<vmem_shared>>) target_semaphore(%run_scoped3A_52 : memref<!tpu.dma_semaphore, #tpu.memory_space<semaphore_mem>>)
      %dma_wait3A_63 = arith.constant 0 : i32
      %dma_wait3A_64 = arith.constant 0 : i32
      %dma_wait3A_65 = tpu.memref_slice %arg9[%dma_wait3A_63, %dma_wait3A_64] : memref<128x128xf32, #tpu.memory_space<vmem>> -> memref<128x128xf32, #tpu.memory_space<vmem>>
      %dma_wait3A_66 = arith.constant 0 : i32
      %dma_wait3A_67 = tpu.memref_slice %arg10[%add3A_9, %dma_wait3A_66] : memref<10112x128xf32, #tpu.memory_space<vmem_shared>> -> memref<128x128xf32, #tpu.memory_space<vmem_shared>>
      %dma_wait3A_68 = arith.constant 0 : i32
      %dma_wait3A_69 = tpu.memref_slice %arg10[%add3A_9, %dma_wait3A_68] : memref<10112x128xf32, #tpu.memory_space<vmem_shared>> -> memref<128x128xf32, #tpu.memory_space<vmem_shared>>
      %dma_wait3A_70 = arith.constant 0 : i32
      %dma_wait3A_71 = arith.constant 0 : i32
      %dma_wait3A_72 = tpu.memref_slice %arg9[%dma_wait3A_70, %dma_wait3A_71] : memref<128x128xf32, #tpu.memory_space<vmem>> -> memref<128x128xf32, #tpu.memory_space<vmem>>
      tpu.wait_dma2 semaphore(%run_scoped3A_52 : memref<!tpu.dma_semaphore, #tpu.memory_space<semaphore_mem>>) src(%dma_wait3A_72 : memref<128x128xf32, #tpu.memory_space<vmem>>) dst(%dma_wait3A_69 : memref<128x128xf32, #tpu.memory_space<vmem_shared>>)
      tpu.yield
    }) : () -> ()
    %add3A_10 = arith.constant 128 : i32
    %add3A_11 = arith.addi %mul3A_2, %add3A_10 : i32
    "tpu.region"() ({
      %run_scoped3A_52 = tpu.sem_alloc : memref<!tpu.dma_semaphore, #tpu.memory_space<semaphore_mem>>
      %dma_start3A_53 = arith.constant 0 : i32
      %dma_start3A_54 = arith.constant 0 : i32
      %dma_start3A_55 = tpu.memref_slice %arg9[%dma_start3A_53, %dma_start3A_54] : memref<128x128xf32, #tpu.memory_space<vmem>> -> memref<128x128xf32, #tpu.memory_space<vmem>>
      %dma_start3A_56 = arith.constant 0 : i32
      %dma_start3A_57 = tpu.memref_slice %arg10[%add3A_11, %dma_start3A_56] : memref<10112x128xf32, #tpu.memory_space<vmem_shared>> -> memref<128x128xf32, #tpu.memory_space<vmem_shared>>
      %dma_start3A_58 = arith.constant 0 : i32
      %dma_start3A_59 = tpu.memref_slice %arg10[%add3A_11, %dma_start3A_58] : memref<10112x128xf32, #tpu.memory_space<vmem_shared>> -> memref<128x128xf32, #tpu.memory_space<vmem_shared>>
      %dma_start3A_60 = arith.constant 0 : i32
      %dma_start3A_61 = arith.constant 0 : i32
      %dma_start3A_62 = tpu.memref_slice %arg9[%dma_start3A_60, %dma_start3A_61] : memref<128x128xf32, #tpu.memory_space<vmem>> -> memref<128x128xf32, #tpu.memory_space<vmem>>
      tpu.enqueue_dma source(%dma_start3A_62 : memref<128x128xf32, #tpu.memory_space<vmem>>) target(%dma_start3A_59 : memref<128x128xf32, #tpu.memory_space<vmem_shared>>) target_semaphore(%run_scoped3A_52 : memref<!tpu.dma_semaphore, #tpu.memory_space<semaphore_mem>>)
      %dma_wait3A_63 = arith.constant 0 : i32
      %dma_wait3A_64 = arith.constant 0 : i32
      %dma_wait3A_65 = tpu.memref_slice %arg9[%dma_wait3A_63, %dma_wait3A_64] : memref<128x128xf32, #tpu.memory_space<vmem>> -> memref<128x128xf32, #tpu.memory_space<vmem>>
      %dma_wait3A_66 = arith.constant 0 : i32
      %dma_wait3A_67 = tpu.memref_slice %arg10[%add3A_11, %dma_wait3A_66] : memref<10112x128xf32, #tpu.memory_space<vmem_shared>> -> memref<128x128xf32, #tpu.memory_space<vmem_shared>>
      %dma_wait3A_68 = arith.constant 0 : i32
      %dma_wait3A_69 = tpu.memref_slice %arg10[%add3A_11, %dma_wait3A_68] : memref<10112x128xf32, #tpu.memory_space<vmem_shared>> -> memref<128x128xf32, #tpu.memory_space<vmem_shared>>
      %dma_wait3A_70 = arith.constant 0 : i32
      %dma_wait3A_71 = arith.constant 0 : i32
      %dma_wait3A_72 = tpu.memref_slice %arg9[%dma_wait3A_70, %dma_wait3A_71] : memref<128x128xf32, #tpu.memory_space<vmem>> -> memref<128x128xf32, #tpu.memory_space<vmem>>
      tpu.wait_dma2 semaphore(%run_scoped3A_52 : memref<!tpu.dma_semaphore, #tpu.memory_space<semaphore_mem>>) src(%dma_wait3A_72 : memref<128x128xf32, #tpu.memory_space<vmem>>) dst(%dma_wait3A_69 : memref<128x128xf32, #tpu.memory_space<vmem_shared>>)
      tpu.yield
    }) : () -> ()
    %add3A_12 = arith.constant 256 : i32
    %add3A_13 = arith.addi %mul3A_2, %add3A_12 : i32
    "tpu.region"() ({
      %run_scoped3A_52 = tpu.sem_alloc : memref<!tpu.dma_semaphore, #tpu.memory_space<semaphore_mem>>
      %dma_start3A_53 = arith.constant 0 : i32
      %dma_start3A_54 = arith.constant 0 : i32
      %dma_start3A_55 = tpu.memref_slice %arg9[%dma_start3A_53, %dma_start3A_54] : memref<128x128xf32, #tpu.memory_space<vmem>> -> memref<128x128xf32, #tpu.memory_space<vmem>>
      %dma_start3A_56 = arith.constant 0 : i32
      %dma_start3A_57 = tpu.memref_slice %arg10[%add3A_13, %dma_start3A_56] : memref<10112x128xf32, #tpu.memory_space<vmem_shared>> -> memref<128x128xf32, #tpu.memory_space<vmem_shared>>
      %dma_start3A_58 = arith.constant 0 : i32
      %dma_start3A_59 = tpu.memref_slice %arg10[%add3A_13, %dma_start3A_58] : memref<10112x128xf32, #tpu.memory_space<vmem_shared>> -> memref<128x128xf32, #tpu.memory_space<vmem_shared>>
      %dma_start3A_60 = arith.constant 0 : i32
      %dma_start3A_61 = arith.constant 0 : i32
      %dma_start3A_62 = tpu.memref_slice %arg9[%dma_start3A_60, %dma_start3A_61] : memref<128x128xf32, #tpu.memory_space<vmem>> -> memref<128x128xf32, #tpu.memory_space<vmem>>
      tpu.enqueue_dma source(%dma_start3A_62 : memref<128x128xf32, #tpu.memory_space<vmem>>) target(%dma_start3A_59 : memref<128x128xf32, #tpu.memory_space<vmem_shared>>) target_semaphore(%run_scoped3A_52 : memref<!tpu.dma_semaphore, #tpu.memory_space<semaphore_mem>>)
      %dma_wait3A_63 = arith.constant 0 : i32
      %dma_wait3A_64 = arith.constant 0 : i32
      %dma_wait3A_65 = tpu.memref_slice %arg9[%dma_wait3A_63, %dma_wait3A_64] : memref<128x128xf32, #tpu.memory_space<vmem>> -> memref<128x128xf32, #tpu.memory_space<vmem>>
      %dma_wait3A_66 = arith.constant 0 : i32
      %dma_wait3A_67 = tpu.memref_slice %arg10[%add3A_13, %dma_wait3A_66] : memref<10112x128xf32, #tpu.memory_space<vmem_shared>> -> memref<128x128xf32, #tpu.memory_space<vmem_shared>>
      %dma_wait3A_68 = arith.constant 0 : i32
      %dma_wait3A_69 = tpu.memref_slice %arg10[%add3A_13, %dma_wait3A_68] : memref<10112x128xf32, #tpu.memory_space<vmem_shared>> -> memref<128x128xf32, #tpu.memory_space<vmem_shared>>
      %dma_wait3A_70 = arith.constant 0 : i32
      %dma_wait3A_71 = arith.constant 0 : i32
      %dma_wait3A_72 = tpu.memref_slice %arg9[%dma_wait3A_70, %dma_wait3A_71] : memref<128x128xf32, #tpu.memory_space<vmem>> -> memref<128x128xf32, #tpu.memory_space<vmem>>
      tpu.wait_dma2 semaphore(%run_scoped3A_52 : memref<!tpu.dma_semaphore, #tpu.memory_space<semaphore_mem>>) src(%dma_wait3A_72 : memref<128x128xf32, #tpu.memory_space<vmem>>) dst(%dma_wait3A_69 : memref<128x128xf32, #tpu.memory_space<vmem_shared>>)
      tpu.yield
    }) : () -> ()
    %add3A_14 = arith.constant 384 : i32
    %add3A_15 = arith.addi %mul3A_2, %add3A_14 : i32
    "tpu.region"() ({
      %run_scoped3A_52 = tpu.sem_alloc : memref<!tpu.dma_semaphore, #tpu.memory_space<semaphore_mem>>
      %dma_start3A_53 = arith.constant 0 : i32
      %dma_start3A_54 = arith.constant 0 : i32
      %dma_start3A_55 = tpu.memref_slice %arg9[%dma_start3A_53, %dma_start3A_54] : memref<128x128xf32, #tpu.memory_space<vmem>> -> memref<128x128xf32, #tpu.memory_space<vmem>>
      %dma_start3A_56 = arith.constant 0 : i32
      %dma_start3A_57 = tpu.memref_slice %arg10[%add3A_15, %dma_start3A_56] : memref<10112x128xf32, #tpu.memory_space<vmem_shared>> -> memref<128x128xf32, #tpu.memory_space<vmem_shared>>
      %dma_start3A_58 = arith.constant 0 : i32
      %dma_start3A_59 = tpu.memref_slice %arg10[%add3A_15, %dma_start3A_58] : memref<10112x128xf32, #tpu.memory_space<vmem_shared>> -> memref<128x128xf32, #tpu.memory_space<vmem_shared>>
      %dma_start3A_60 = arith.constant 0 : i32
      %dma_start3A_61 = arith.constant 0 : i32
      %dma_start3A_62 = tpu.memref_slice %arg9[%dma_start3A_60, %dma_start3A_61] : memref<128x128xf32, #tpu.memory_space<vmem>> -> memref<128x128xf32, #tpu.memory_space<vmem>>
      tpu.enqueue_dma source(%dma_start3A_62 : memref<128x128xf32, #tpu.memory_space<vmem>>) target(%dma_start3A_59 : memref<128x128xf32, #tpu.memory_space<vmem_shared>>) target_semaphore(%run_scoped3A_52 : memref<!tpu.dma_semaphore, #tpu.memory_space<semaphore_mem>>)
      %dma_wait3A_63 = arith.constant 0 : i32
      %dma_wait3A_64 = arith.constant 0 : i32
      %dma_wait3A_65 = tpu.memref_slice %arg9[%dma_wait3A_63, %dma_wait3A_64] : memref<128x128xf32, #tpu.memory_space<vmem>> -> memref<128x128xf32, #tpu.memory_space<vmem>>
      %dma_wait3A_66 = arith.constant 0 : i32
      %dma_wait3A_67 = tpu.memref_slice %arg10[%add3A_15, %dma_wait3A_66] : memref<10112x128xf32, #tpu.memory_space<vmem_shared>> -> memref<128x128xf32, #tpu.memory_space<vmem_shared>>
      %dma_wait3A_68 = arith.constant 0 : i32
      %dma_wait3A_69 = tpu.memref_slice %arg10[%add3A_15, %dma_wait3A_68] : memref<10112x128xf32, #tpu.memory_space<vmem_shared>> -> memref<128x128xf32, #tpu.memory_space<vmem_shared>>
      %dma_wait3A_70 = arith.constant 0 : i32
      %dma_wait3A_71 = arith.constant 0 : i32
      %dma_wait3A_72 = tpu.memref_slice %arg9[%dma_wait3A_70, %dma_wait3A_71] : memref<128x128xf32, #tpu.memory_space<vmem>> -> memref<128x128xf32, #tpu.memory_space<vmem>>
      tpu.wait_dma2 semaphore(%run_scoped3A_52 : memref<!tpu.dma_semaphore, #tpu.memory_space<semaphore_mem>>) src(%dma_wait3A_72 : memref<128x128xf32, #tpu.memory_space<vmem>>) dst(%dma_wait3A_69 : memref<128x128xf32, #tpu.memory_space<vmem_shared>>)
      tpu.yield
    }) : () -> ()
    %add3A_16 = arith.constant 512 : i32
    %add3A_17 = arith.addi %mul3A_2, %add3A_16 : i32
    "tpu.region"() ({
      %run_scoped3A_52 = tpu.sem_alloc : memref<!tpu.dma_semaphore, #tpu.memory_space<semaphore_mem>>
      %dma_start3A_53 = arith.constant 0 : i32
      %dma_start3A_54 = arith.constant 0 : i32
      %dma_start3A_55 = tpu.memref_slice %arg9[%dma_start3A_53, %dma_start3A_54] : memref<128x128xf32, #tpu.memory_space<vmem>> -> memref<120x128xf32, #tpu.memory_space<vmem>>
      %dma_start3A_56 = arith.constant 0 : i32
      %dma_start3A_57 = tpu.memref_slice %arg10[%add3A_17, %dma_start3A_56] : memref<10112x128xf32, #tpu.memory_space<vmem_shared>> -> memref<120x128xf32, #tpu.memory_space<vmem_shared>>
      %dma_start3A_58 = arith.constant 0 : i32
      %dma_start3A_59 = tpu.memref_slice %arg10[%add3A_17, %dma_start3A_58] : memref<10112x128xf32, #tpu.memory_space<vmem_shared>> -> memref<120x128xf32, #tpu.memory_space<vmem_shared>>
      %dma_start3A_60 = arith.constant 0 : i32
      %dma_start3A_61 = arith.constant 0 : i32
      %dma_start3A_62 = tpu.memref_slice %arg9[%dma_start3A_60, %dma_start3A_61] : memref<128x128xf32, #tpu.memory_space<vmem>> -> memref<120x128xf32, #tpu.memory_space<vmem>>
      tpu.enqueue_dma source(%dma_start3A_62 : memref<120x128xf32, #tpu.memory_space<vmem>>) target(%dma_start3A_59 : memref<120x128xf32, #tpu.memory_space<vmem_shared>>) target_semaphore(%run_scoped3A_52 : memref<!tpu.dma_semaphore, #tpu.memory_space<semaphore_mem>>)
      %dma_wait3A_63 = arith.constant 0 : i32
      %dma_wait3A_64 = arith.constant 0 : i32
      %dma_wait3A_65 = tpu.memref_slice %arg9[%dma_wait3A_63, %dma_wait3A_64] : memref<128x128xf32, #tpu.memory_space<vmem>> -> memref<120x128xf32, #tpu.memory_space<vmem>>
      %dma_wait3A_66 = arith.constant 0 : i32
      %dma_wait3A_67 = tpu.memref_slice %arg10[%add3A_17, %dma_wait3A_66] : memref<10112x128xf32, #tpu.memory_space<vmem_shared>> -> memref<120x128xf32, #tpu.memory_space<vmem_shared>>
      %dma_wait3A_68 = arith.constant 0 : i32
      %dma_wait3A_69 = tpu.memref_slice %arg10[%add3A_17, %dma_wait3A_68] : memref<10112x128xf32, #tpu.memory_space<vmem_shared>> -> memref<120x128xf32, #tpu.memory_space<vmem_shared>>
      %dma_wait3A_70 = arith.constant 0 : i32
      %dma_wait3A_71 = arith.constant 0 : i32
      %dma_wait3A_72 = tpu.memref_slice %arg9[%dma_wait3A_70, %dma_wait3A_71] : memref<128x128xf32, #tpu.memory_space<vmem>> -> memref<120x128xf32, #tpu.memory_space<vmem>>
      tpu.wait_dma2 semaphore(%run_scoped3A_52 : memref<!tpu.dma_semaphore, #tpu.memory_space<semaphore_mem>>) src(%dma_wait3A_72 : memref<120x128xf32, #tpu.memory_space<vmem>>) dst(%dma_wait3A_69 : memref<120x128xf32, #tpu.memory_space<vmem_shared>>)
      tpu.yield
    }) : () -> ()
    %barrier3A = arith.constant 0 : index
    tpu.barrier barrier_id(%barrier3A)
    %mul3A_18 = arith.constant 10112 : i32
    %mul3A_19 = arith.muli %add3A, %mul3A_18 : i32
    %dma_start3A = tpu.memref_slice %arg3[%mul3A_19] : memref<323584xi32, #tpu.memory_space<hbm>> -> memref<128xi32, #tpu.memory_space<hbm>>
    %dma_start3A_20 = tpu.memref_slice %arg3[%mul3A_19] : memref<323584xi32, #tpu.memory_space<hbm>> -> memref<128xi32, #tpu.memory_space<hbm>>
    tpu.enqueue_dma source(%dma_start3A_20 : memref<128xi32, #tpu.memory_space<hbm>>) target(%arg6 : memref<128xi32, #tpu.memory_space<vmem>>) target_semaphore(%arg12 : memref<!tpu.dma_semaphore, #tpu.memory_space<semaphore_mem>>)
    %scan3A_21 = arith.constant 0 : i32
    %scan3A_22 = arith.constant 39 : i32
    %scan3A_23 = arith.addi %scan3A_21, %scan3A_22 : i32
    %scan3A_24 = arith.constant 1 : i32
    scf.for %scan3A_52 = %scan3A_21 to %scan3A_23 step %scan3A_24  : i32 {
      %mul3A_53 = arith.constant 1 : i32
      %mul3A_54 = arith.muli %scan3A_52, %mul3A_53 : i32
      %add3A_55 = arith.constant 0 : i32
      %add3A_56 = arith.addi %add3A_55, %mul3A_54 : i32
      %mul3A_57 = arith.constant 2 : i32
      %mul3A_58 = arith.muli %mul3A_57, %add3A_56 : i32
      %add3A_59 = arith.constant 1 : i32
      %add3A_60 = arith.addi %mul3A_58, %add3A_59 : i32
      %mul3A_61 = arith.constant 128 : i32
      %mul3A_62 = arith.muli %add3A_60, %mul3A_61 : i32
      %add3A_63 = arith.addi %mul3A_19, %mul3A_62 : i32
      %dma_start3A_64 = tpu.memref_slice %arg3[%add3A_63] : memref<323584xi32, #tpu.memory_space<hbm>> -> memref<128xi32, #tpu.memory_space<hbm>>
      %dma_start3A_65 = tpu.memref_slice %arg3[%add3A_63] : memref<323584xi32, #tpu.memory_space<hbm>> -> memref<128xi32, #tpu.memory_space<hbm>>
      tpu.enqueue_dma source(%dma_start3A_65 : memref<128xi32, #tpu.memory_space<hbm>>) target(%arg7 : memref<128xi32, #tpu.memory_space<vmem>>) target_semaphore(%arg13 : memref<!tpu.dma_semaphore, #tpu.memory_space<semaphore_mem>>)
      tpu.wait_dma2 semaphore(%arg12 : memref<!tpu.dma_semaphore, #tpu.memory_space<semaphore_mem>>) src(%arg3 : memref<323584xi32, #tpu.memory_space<hbm>>) dst(%arg6 : memref<128xi32, #tpu.memory_space<vmem>>)
      %dma_start3A_66 = arith.constant 0 : i32
      %dma_start3A_67 = arith.constant 0 : i32
      %dma_start3A_68 = tpu.memref_slice %arg2[%dma_start3A_66, %dma_start3A_67] : memref<10112x128xf32, #tpu.memory_space<hbm>> -> memref<10112x128xf32, #tpu.memory_space<hbm>>
      tpu.enqueue_indirect_dma source(%dma_start3A_68 : memref<10112x128xf32, #tpu.memory_space<hbm>>) target(%arg9 : memref<128x128xf32, #tpu.memory_space<vmem>>) offsets(%arg6 : memref<128xi32, #tpu.memory_space<vmem>>) semaphore(%arg11 : memref<!tpu.dma_semaphore, #tpu.memory_space<semaphore_mem>>)
      %dma_wait3A_69 = arith.constant 0 : i32
      %dma_wait3A_70 = arith.constant 0 : i32
      %dma_wait3A_71 = tpu.memref_slice %arg2[%dma_wait3A_69, %dma_wait3A_70] : memref<10112x128xf32, #tpu.memory_space<hbm>> -> memref<10112x128xf32, #tpu.memory_space<hbm>>
      tpu.wait_indirect_dma semaphore(%arg11 : memref<!tpu.dma_semaphore, #tpu.memory_space<semaphore_mem>>) src(%dma_wait3A_71 : memref<10112x128xf32, #tpu.memory_space<hbm>>) dst(%arg9 : memref<128x128xf32, #tpu.memory_space<vmem>>)
      %mul3A_72 = arith.constant 2 : i32
      %mul3A_73 = arith.muli %mul3A_72, %add3A_56 : i32
      "tpu.region"() ({
        %run_scoped3A_93 = tpu.sem_alloc : memref<!tpu.dma_semaphore, #tpu.memory_space<semaphore_mem>>
        %dma_start3A_94 = arith.constant 0 : i32
        %dma_start3A_95 = tpu.memref_slice %arg8[%mul3A_73, %dma_start3A_94] : memref<79x128xi32, #tpu.memory_space<vmem>> -> memref<1x128xi32, #tpu.memory_space<vmem>>
        %dma_start3A_96 = tpu.memref_squeeze %dma_start3A_95 : memref<1x128xi32, #tpu.memory_space<vmem>> -> memref<128xi32, #tpu.memory_space<vmem>>
        %dma_start3A_97 = arith.constant 0 : i32
        %dma_start3A_98 = arith.constant 0 : i32
        %dma_start3A_99 = tpu.memref_slice %arg10[%dma_start3A_97, %dma_start3A_98] : memref<10112x128xf32, #tpu.memory_space<vmem_shared>> -> memref<10112x128xf32, #tpu.memory_space<vmem_shared>>
        tpu.enqueue_indirect_dma source(%arg9 : memref<128x128xf32, #tpu.memory_space<vmem>>) target(%dma_start3A_99 : memref<10112x128xf32, #tpu.memory_space<vmem_shared>>) offsets(%dma_start3A_96 : memref<128xi32, #tpu.memory_space<vmem>>) semaphore(%run_scoped3A_93 : memref<!tpu.dma_semaphore, #tpu.memory_space<semaphore_mem>>) {add = true}
        %dma_wait3A_100 = arith.constant 0 : i32
        %dma_wait3A_101 = tpu.memref_slice %arg8[%mul3A_73, %dma_wait3A_100] : memref<79x128xi32, #tpu.memory_space<vmem>> -> memref<1x128xi32, #tpu.memory_space<vmem>>
        %dma_wait3A_102 = tpu.memref_squeeze %dma_wait3A_101 : memref<1x128xi32, #tpu.memory_space<vmem>> -> memref<128xi32, #tpu.memory_space<vmem>>
        %dma_wait3A_103 = arith.constant 0 : i32
        %dma_wait3A_104 = arith.constant 0 : i32
        %dma_wait3A_105 = tpu.memref_slice %arg10[%dma_wait3A_103, %dma_wait3A_104] : memref<10112x128xf32, #tpu.memory_space<vmem_shared>> -> memref<10112x128xf32, #tpu.memory_space<vmem_shared>>
        tpu.wait_indirect_dma semaphore(%run_scoped3A_93 : memref<!tpu.dma_semaphore, #tpu.memory_space<semaphore_mem>>) src(%arg9 : memref<128x128xf32, #tpu.memory_space<vmem>>) dst(%dma_wait3A_105 : memref<10112x128xf32, #tpu.memory_space<vmem_shared>>)
        tpu.yield
      }) : () -> ()
      %mul3A_74 = arith.constant 2 : i32
      %mul3A_75 = arith.muli %mul3A_74, %add3A_56 : i32
      %add3A_76 = arith.constant 2 : i32
      %add3A_77 = arith.addi %mul3A_75, %add3A_76 : i32
      %mul3A_78 = arith.constant 128 : i32
      %mul3A_79 = arith.muli %add3A_77, %mul3A_78 : i32
      %add3A_80 = arith.addi %mul3A_19, %mul3A_79 : i32
      %dma_start3A_81 = tpu.memref_slice %arg3[%add3A_80] : memref<323584xi32, #tpu.memory_space<hbm>> -> memref<128xi32, #tpu.memory_space<hbm>>
      %dma_start3A_82 = tpu.memref_slice %arg3[%add3A_80] : memref<323584xi32, #tpu.memory_space<hbm>> -> memref<128xi32, #tpu.memory_space<hbm>>
      tpu.enqueue_dma source(%dma_start3A_82 : memref<128xi32, #tpu.memory_space<hbm>>) target(%arg6 : memref<128xi32, #tpu.memory_space<vmem>>) target_semaphore(%arg12 : memref<!tpu.dma_semaphore, #tpu.memory_space<semaphore_mem>>)
      tpu.wait_dma2 semaphore(%arg13 : memref<!tpu.dma_semaphore, #tpu.memory_space<semaphore_mem>>) src(%arg3 : memref<323584xi32, #tpu.memory_space<hbm>>) dst(%arg7 : memref<128xi32, #tpu.memory_space<vmem>>)
      %dma_start3A_83 = arith.constant 0 : i32
      %dma_start3A_84 = arith.constant 0 : i32
      %dma_start3A_85 = tpu.memref_slice %arg2[%dma_start3A_83, %dma_start3A_84] : memref<10112x128xf32, #tpu.memory_space<hbm>> -> memref<10112x128xf32, #tpu.memory_space<hbm>>
      tpu.enqueue_indirect_dma source(%dma_start3A_85 : memref<10112x128xf32, #tpu.memory_space<hbm>>) target(%arg9 : memref<128x128xf32, #tpu.memory_space<vmem>>) offsets(%arg7 : memref<128xi32, #tpu.memory_space<vmem>>) semaphore(%arg11 : memref<!tpu.dma_semaphore, #tpu.memory_space<semaphore_mem>>)
      %dma_wait3A_86 = arith.constant 0 : i32
      %dma_wait3A_87 = arith.constant 0 : i32
      %dma_wait3A_88 = tpu.memref_slice %arg2[%dma_wait3A_86, %dma_wait3A_87] : memref<10112x128xf32, #tpu.memory_space<hbm>> -> memref<10112x128xf32, #tpu.memory_space<hbm>>
      tpu.wait_indirect_dma semaphore(%arg11 : memref<!tpu.dma_semaphore, #tpu.memory_space<semaphore_mem>>) src(%dma_wait3A_88 : memref<10112x128xf32, #tpu.memory_space<hbm>>) dst(%arg9 : memref<128x128xf32, #tpu.memory_space<vmem>>)
      %mul3A_89 = arith.constant 2 : i32
      %mul3A_90 = arith.muli %mul3A_89, %add3A_56 : i32
      %add3A_91 = arith.constant 1 : i32
      %add3A_92 = arith.addi %mul3A_90, %add3A_91 : i32
      "tpu.region"() ({
        %run_scoped3A_93 = tpu.sem_alloc : memref<!tpu.dma_semaphore, #tpu.memory_space<semaphore_mem>>
        %dma_start3A_94 = arith.constant 0 : i32
        %dma_start3A_95 = tpu.memref_slice %arg8[%add3A_92, %dma_start3A_94] : memref<79x128xi32, #tpu.memory_space<vmem>> -> memref<1x128xi32, #tpu.memory_space<vmem>>
        %dma_start3A_96 = tpu.memref_squeeze %dma_start3A_95 : memref<1x128xi32, #tpu.memory_space<vmem>> -> memref<128xi32, #tpu.memory_space<vmem>>
        %dma_start3A_97 = arith.constant 0 : i32
        %dma_start3A_98 = arith.constant 0 : i32
        %dma_start3A_99 = tpu.memref_slice %arg10[%dma_start3A_97, %dma_start3A_98] : memref<10112x128xf32, #tpu.memory_space<vmem_shared>> -> memref<10112x128xf32, #tpu.memory_space<vmem_shared>>
        tpu.enqueue_indirect_dma source(%arg9 : memref<128x128xf32, #tpu.memory_space<vmem>>) target(%dma_start3A_99 : memref<10112x128xf32, #tpu.memory_space<vmem_shared>>) offsets(%dma_start3A_96 : memref<128xi32, #tpu.memory_space<vmem>>) semaphore(%run_scoped3A_93 : memref<!tpu.dma_semaphore, #tpu.memory_space<semaphore_mem>>) {add = true}
        %dma_wait3A_100 = arith.constant 0 : i32
        %dma_wait3A_101 = tpu.memref_slice %arg8[%add3A_92, %dma_wait3A_100] : memref<79x128xi32, #tpu.memory_space<vmem>> -> memref<1x128xi32, #tpu.memory_space<vmem>>
        %dma_wait3A_102 = tpu.memref_squeeze %dma_wait3A_101 : memref<1x128xi32, #tpu.memory_space<vmem>> -> memref<128xi32, #tpu.memory_space<vmem>>
        %dma_wait3A_103 = arith.constant 0 : i32
        %dma_wait3A_104 = arith.constant 0 : i32
        %dma_wait3A_105 = tpu.memref_slice %arg10[%dma_wait3A_103, %dma_wait3A_104] : memref<10112x128xf32, #tpu.memory_space<vmem_shared>> -> memref<10112x128xf32, #tpu.memory_space<vmem_shared>>
        tpu.wait_indirect_dma semaphore(%run_scoped3A_93 : memref<!tpu.dma_semaphore, #tpu.memory_space<semaphore_mem>>) src(%arg9 : memref<128x128xf32, #tpu.memory_space<vmem>>) dst(%dma_wait3A_105 : memref<10112x128xf32, #tpu.memory_space<vmem_shared>>)
        tpu.yield
      }) : () -> ()
    }
    %scan3A_25 = arith.constant 39 : i32
    tpu.wait_dma2 semaphore(%arg12 : memref<!tpu.dma_semaphore, #tpu.memory_space<semaphore_mem>>) src(%arg3 : memref<323584xi32, #tpu.memory_space<hbm>>) dst(%arg6 : memref<128xi32, #tpu.memory_space<vmem>>)
    %dma_start3A_26 = arith.constant 0 : i32
    %dma_start3A_27 = arith.constant 0 : i32
    %dma_start3A_28 = tpu.memref_slice %arg2[%dma_start3A_26, %dma_start3A_27] : memref<10112x128xf32, #tpu.memory_space<hbm>> -> memref<10112x128xf32, #tpu.memory_space<hbm>>
    tpu.enqueue_indirect_dma source(%dma_start3A_28 : memref<10112x128xf32, #tpu.memory_space<hbm>>) target(%arg9 : memref<128x128xf32, #tpu.memory_space<vmem>>) offsets(%arg6 : memref<128xi32, #tpu.memory_space<vmem>>) semaphore(%arg11 : memref<!tpu.dma_semaphore, #tpu.memory_space<semaphore_mem>>)
    %dma_wait3A = arith.constant 0 : i32
    %dma_wait3A_29 = arith.constant 0 : i32
    %dma_wait3A_30 = tpu.memref_slice %arg2[%dma_wait3A, %dma_wait3A_29] : memref<10112x128xf32, #tpu.memory_space<hbm>> -> memref<10112x128xf32, #tpu.memory_space<hbm>>
    tpu.wait_indirect_dma semaphore(%arg11 : memref<!tpu.dma_semaphore, #tpu.memory_space<semaphore_mem>>) src(%dma_wait3A_30 : memref<10112x128xf32, #tpu.memory_space<hbm>>) dst(%arg9 : memref<128x128xf32, #tpu.memory_space<vmem>>)
    %run_scoped3A = arith.constant 78 : i32
    "tpu.region"() ({
      %run_scoped3A_52 = tpu.sem_alloc : memref<!tpu.dma_semaphore, #tpu.memory_space<semaphore_mem>>
      %dma_start3A_53 = arith.constant 0 : i32
      %dma_start3A_54 = tpu.memref_slice %arg8[%run_scoped3A, %dma_start3A_53] : memref<79x128xi32, #tpu.memory_space<vmem>> -> memref<1x128xi32, #tpu.memory_space<vmem>>
      %dma_start3A_55 = tpu.memref_squeeze %dma_start3A_54 : memref<1x128xi32, #tpu.memory_space<vmem>> -> memref<128xi32, #tpu.memory_space<vmem>>
      %dma_start3A_56 = arith.constant 0 : i32
      %dma_start3A_57 = arith.constant 0 : i32
      %dma_start3A_58 = tpu.memref_slice %arg10[%dma_start3A_56, %dma_start3A_57] : memref<10112x128xf32, #tpu.memory_space<vmem_shared>> -> memref<10112x128xf32, #tpu.memory_space<vmem_shared>>
      tpu.enqueue_indirect_dma source(%arg9 : memref<128x128xf32, #tpu.memory_space<vmem>>) target(%dma_start3A_58 : memref<10112x128xf32, #tpu.memory_space<vmem_shared>>) offsets(%dma_start3A_55 : memref<128xi32, #tpu.memory_space<vmem>>) semaphore(%run_scoped3A_52 : memref<!tpu.dma_semaphore, #tpu.memory_space<semaphore_mem>>) {add = true}
      %dma_wait3A_59 = arith.constant 0 : i32
      %dma_wait3A_60 = tpu.memref_slice %arg8[%run_scoped3A, %dma_wait3A_59] : memref<79x128xi32, #tpu.memory_space<vmem>> -> memref<1x128xi32, #tpu.memory_space<vmem>>
      %dma_wait3A_61 = tpu.memref_squeeze %dma_wait3A_60 : memref<1x128xi32, #tpu.memory_space<vmem>> -> memref<128xi32, #tpu.memory_space<vmem>>
      %dma_wait3A_62 = arith.constant 0 : i32
      %dma_wait3A_63 = arith.constant 0 : i32
      %dma_wait3A_64 = tpu.memref_slice %arg10[%dma_wait3A_62, %dma_wait3A_63] : memref<10112x128xf32, #tpu.memory_space<vmem_shared>> -> memref<10112x128xf32, #tpu.memory_space<vmem_shared>>
      tpu.wait_indirect_dma semaphore(%run_scoped3A_52 : memref<!tpu.dma_semaphore, #tpu.memory_space<semaphore_mem>>) src(%arg9 : memref<128x128xf32, #tpu.memory_space<vmem>>) dst(%dma_wait3A_64 : memref<10112x128xf32, #tpu.memory_space<vmem_shared>>)
      tpu.yield
    }) : () -> ()
    %barrier3A_31 = arith.constant 0 : index
    tpu.barrier barrier_id(%barrier3A_31)
    %add3A_32 = arith.constant 0 : i32
    %add3A_33 = arith.addi %mul3A_2, %add3A_32 : i32
    "tpu.region"() ({
      %run_scoped3A_52 = tpu.sem_alloc : memref<!tpu.dma_semaphore, #tpu.memory_space<semaphore_mem>>
      %dma_start3A_53 = arith.constant 0 : i32
      %dma_start3A_54 = arith.constant 0 : i32
      %dma_start3A_55 = tpu.memref_slice %arg9[%dma_start3A_53, %dma_start3A_54] : memref<128x128xf32, #tpu.memory_space<vmem>> -> memref<128x128xf32, #tpu.memory_space<vmem>>
      %dma_start3A_56 = arith.constant 0 : i32
      %dma_start3A_57 = tpu.memref_slice %arg10[%add3A_33, %dma_start3A_56] : memref<10112x128xf32, #tpu.memory_space<vmem_shared>> -> memref<128x128xf32, #tpu.memory_space<vmem_shared>>
      %dma_start3A_58 = arith.constant 0 : i32
      %dma_start3A_59 = arith.constant 0 : i32
      %dma_start3A_60 = tpu.memref_slice %arg9[%dma_start3A_58, %dma_start3A_59] : memref<128x128xf32, #tpu.memory_space<vmem>> -> memref<128x128xf32, #tpu.memory_space<vmem>>
      %dma_start3A_61 = arith.constant 0 : i32
      %dma_start3A_62 = tpu.memref_slice %arg10[%add3A_33, %dma_start3A_61] : memref<10112x128xf32, #tpu.memory_space<vmem_shared>> -> memref<128x128xf32, #tpu.memory_space<vmem_shared>>
      tpu.enqueue_dma source(%dma_start3A_62 : memref<128x128xf32, #tpu.memory_space<vmem_shared>>) target(%dma_start3A_60 : memref<128x128xf32, #tpu.memory_space<vmem>>) target_semaphore(%run_scoped3A_52 : memref<!tpu.dma_semaphore, #tpu.memory_space<semaphore_mem>>)
      %dma_wait3A_63 = arith.constant 0 : i32
      %dma_wait3A_64 = arith.constant 0 : i32
      %dma_wait3A_65 = tpu.memref_slice %arg9[%dma_wait3A_63, %dma_wait3A_64] : memref<128x128xf32, #tpu.memory_space<vmem>> -> memref<128x128xf32, #tpu.memory_space<vmem>>
      %dma_wait3A_66 = arith.constant 0 : i32
      %dma_wait3A_67 = tpu.memref_slice %arg10[%add3A_33, %dma_wait3A_66] : memref<10112x128xf32, #tpu.memory_space<vmem_shared>> -> memref<128x128xf32, #tpu.memory_space<vmem_shared>>
      %dma_wait3A_68 = arith.constant 0 : i32
      %dma_wait3A_69 = arith.constant 0 : i32
      %dma_wait3A_70 = tpu.memref_slice %arg9[%dma_wait3A_68, %dma_wait3A_69] : memref<128x128xf32, #tpu.memory_space<vmem>> -> memref<128x128xf32, #tpu.memory_space<vmem>>
      %dma_wait3A_71 = arith.constant 0 : i32
      %dma_wait3A_72 = tpu.memref_slice %arg10[%add3A_33, %dma_wait3A_71] : memref<10112x128xf32, #tpu.memory_space<vmem_shared>> -> memref<128x128xf32, #tpu.memory_space<vmem_shared>>
      tpu.wait_dma2 semaphore(%run_scoped3A_52 : memref<!tpu.dma_semaphore, #tpu.memory_space<semaphore_mem>>) src(%dma_wait3A_72 : memref<128x128xf32, #tpu.memory_space<vmem_shared>>) dst(%dma_wait3A_70 : memref<128x128xf32, #tpu.memory_space<vmem>>)
      tpu.yield
    }) : () -> ()
    %add3A_34 = arith.constant 0 : i32
    %add3A_35 = arith.addi %mul3A_2, %add3A_34 : i32
    "tpu.region"() ({
      %run_scoped3A_52 = tpu.sem_alloc : memref<!tpu.dma_semaphore, #tpu.memory_space<semaphore_mem>>
      %dma_start3A_53 = arith.constant 0 : i32
      %dma_start3A_54 = arith.constant 0 : i32
      %dma_start3A_55 = tpu.memref_slice %arg9[%dma_start3A_53, %dma_start3A_54] : memref<128x128xf32, #tpu.memory_space<vmem>> -> memref<128x128xf32, #tpu.memory_space<vmem>>
      %dma_start3A_56 = arith.constant 0 : i32
      %dma_start3A_57 = tpu.memref_slice %arg5[%arg0, %add3A_35, %dma_start3A_56] : memref<2x10112x128xf32, #tpu.memory_space<hbm>> -> memref<1x128x128xf32, #tpu.memory_space<hbm>>
      %dma_start3A_58 = tpu.memref_squeeze %dma_start3A_57 : memref<1x128x128xf32, #tpu.memory_space<hbm>> -> memref<128x128xf32, #tpu.memory_space<hbm>>
      %dma_start3A_59 = arith.constant 0 : i32
      %dma_start3A_60 = tpu.memref_slice %arg5[%arg0, %add3A_35, %dma_start3A_59] : memref<2x10112x128xf32, #tpu.memory_space<hbm>> -> memref<1x128x128xf32, #tpu.memory_space<hbm>>
      %dma_start3A_61 = tpu.memref_squeeze %dma_start3A_60 : memref<1x128x128xf32, #tpu.memory_space<hbm>> -> memref<128x128xf32, #tpu.memory_space<hbm>>
      %dma_start3A_62 = arith.constant 0 : i32
      %dma_start3A_63 = arith.constant 0 : i32
      %dma_start3A_64 = tpu.memref_slice %arg9[%dma_start3A_62, %dma_start3A_63] : memref<128x128xf32, #tpu.memory_space<vmem>> -> memref<128x128xf32, #tpu.memory_space<vmem>>
      tpu.enqueue_dma source(%dma_start3A_64 : memref<128x128xf32, #tpu.memory_space<vmem>>) target(%dma_start3A_61 : memref<128x128xf32, #tpu.memory_space<hbm>>) target_semaphore(%run_scoped3A_52 : memref<!tpu.dma_semaphore, #tpu.memory_space<semaphore_mem>>)
      %dma_wait3A_65 = arith.constant 0 : i32
      %dma_wait3A_66 = arith.constant 0 : i32
      %dma_wait3A_67 = tpu.memref_slice %arg9[%dma_wait3A_65, %dma_wait3A_66] : memref<128x128xf32, #tpu.memory_space<vmem>> -> memref<128x128xf32, #tpu.memory_space<vmem>>
      %dma_wait3A_68 = arith.constant 0 : i32
      %dma_wait3A_69 = tpu.memref_slice %arg5[%arg0, %add3A_35, %dma_wait3A_68] : memref<2x10112x128xf32, #tpu.memory_space<hbm>> -> memref<1x128x128xf32, #tpu.memory_space<hbm>>
      %dma_wait3A_70 = tpu.memref_squeeze %dma_wait3A_69 : memref<1x128x128xf32, #tpu.memory_space<hbm>> -> memref<128x128xf32, #tpu.memory_space<hbm>>
      %dma_wait3A_71 = arith.constant 0 : i32
      %dma_wait3A_72 = tpu.memref_slice %arg5[%arg0, %add3A_35, %dma_wait3A_71] : memref<2x10112x128xf32, #tpu.memory_space<hbm>> -> memref<1x128x128xf32, #tpu.memory_space<hbm>>
      %dma_wait3A_73 = tpu.memref_squeeze %dma_wait3A_72 : memref<1x128x128xf32, #tpu.memory_space<hbm>> -> memref<128x128xf32, #tpu.memory_space<hbm>>
      %dma_wait3A_74 = arith.constant 0 : i32
      %dma_wait3A_75 = arith.constant 0 : i32
      %dma_wait3A_76 = tpu.memref_slice %arg9[%dma_wait3A_74, %dma_wait3A_75] : memref<128x128xf32, #tpu.memory_space<vmem>> -> memref<128x128xf32, #tpu.memory_space<vmem>>
      tpu.wait_dma2 semaphore(%run_scoped3A_52 : memref<!tpu.dma_semaphore, #tpu.memory_space<semaphore_mem>>) src(%dma_wait3A_76 : memref<128x128xf32, #tpu.memory_space<vmem>>) dst(%dma_wait3A_73 : memref<128x128xf32, #tpu.memory_space<hbm>>)
      tpu.yield
    }) : () -> ()
    %add3A_36 = arith.constant 128 : i32
    %add3A_37 = arith.addi %mul3A_2, %add3A_36 : i32
    "tpu.region"() ({
      %run_scoped3A_52 = tpu.sem_alloc : memref<!tpu.dma_semaphore, #tpu.memory_space<semaphore_mem>>
      %dma_start3A_53 = arith.constant 0 : i32
      %dma_start3A_54 = arith.constant 0 : i32
      %dma_start3A_55 = tpu.memref_slice %arg9[%dma_start3A_53, %dma_start3A_54] : memref<128x128xf32, #tpu.memory_space<vmem>> -> memref<128x128xf32, #tpu.memory_space<vmem>>
      %dma_start3A_56 = arith.constant 0 : i32
      %dma_start3A_57 = tpu.memref_slice %arg10[%add3A_37, %dma_start3A_56] : memref<10112x128xf32, #tpu.memory_space<vmem_shared>> -> memref<128x128xf32, #tpu.memory_space<vmem_shared>>
      %dma_start3A_58 = arith.constant 0 : i32
      %dma_start3A_59 = arith.constant 0 : i32
      %dma_start3A_60 = tpu.memref_slice %arg9[%dma_start3A_58, %dma_start3A_59] : memref<128x128xf32, #tpu.memory_space<vmem>> -> memref<128x128xf32, #tpu.memory_space<vmem>>
      %dma_start3A_61 = arith.constant 0 : i32
      %dma_start3A_62 = tpu.memref_slice %arg10[%add3A_37, %dma_start3A_61] : memref<10112x128xf32, #tpu.memory_space<vmem_shared>> -> memref<128x128xf32, #tpu.memory_space<vmem_shared>>
      tpu.enqueue_dma source(%dma_start3A_62 : memref<128x128xf32, #tpu.memory_space<vmem_shared>>) target(%dma_start3A_60 : memref<128x128xf32, #tpu.memory_space<vmem>>) target_semaphore(%run_scoped3A_52 : memref<!tpu.dma_semaphore, #tpu.memory_space<semaphore_mem>>)
      %dma_wait3A_63 = arith.constant 0 : i32
      %dma_wait3A_64 = arith.constant 0 : i32
      %dma_wait3A_65 = tpu.memref_slice %arg9[%dma_wait3A_63, %dma_wait3A_64] : memref<128x128xf32, #tpu.memory_space<vmem>> -> memref<128x128xf32, #tpu.memory_space<vmem>>
      %dma_wait3A_66 = arith.constant 0 : i32
      %dma_wait3A_67 = tpu.memref_slice %arg10[%add3A_37, %dma_wait3A_66] : memref<10112x128xf32, #tpu.memory_space<vmem_shared>> -> memref<128x128xf32, #tpu.memory_space<vmem_shared>>
      %dma_wait3A_68 = arith.constant 0 : i32
      %dma_wait3A_69 = arith.constant 0 : i32
      %dma_wait3A_70 = tpu.memref_slice %arg9[%dma_wait3A_68, %dma_wait3A_69] : memref<128x128xf32, #tpu.memory_space<vmem>> -> memref<128x128xf32, #tpu.memory_space<vmem>>
      %dma_wait3A_71 = arith.constant 0 : i32
      %dma_wait3A_72 = tpu.memref_slice %arg10[%add3A_37, %dma_wait3A_71] : memref<10112x128xf32, #tpu.memory_space<vmem_shared>> -> memref<128x128xf32, #tpu.memory_space<vmem_shared>>
      tpu.wait_dma2 semaphore(%run_scoped3A_52 : memref<!tpu.dma_semaphore, #tpu.memory_space<semaphore_mem>>) src(%dma_wait3A_72 : memref<128x128xf32, #tpu.memory_space<vmem_shared>>) dst(%dma_wait3A_70 : memref<128x128xf32, #tpu.memory_space<vmem>>)
      tpu.yield
    }) : () -> ()
    %add3A_38 = arith.constant 128 : i32
    %add3A_39 = arith.addi %mul3A_2, %add3A_38 : i32
    "tpu.region"() ({
      %run_scoped3A_52 = tpu.sem_alloc : memref<!tpu.dma_semaphore, #tpu.memory_space<semaphore_mem>>
      %dma_start3A_53 = arith.constant 0 : i32
      %dma_start3A_54 = arith.constant 0 : i32
      %dma_start3A_55 = tpu.memref_slice %arg9[%dma_start3A_53, %dma_start3A_54] : memref<128x128xf32, #tpu.memory_space<vmem>> -> memref<128x128xf32, #tpu.memory_space<vmem>>
      %dma_start3A_56 = arith.constant 0 : i32
      %dma_start3A_57 = tpu.memref_slice %arg5[%arg0, %add3A_39, %dma_start3A_56] : memref<2x10112x128xf32, #tpu.memory_space<hbm>> -> memref<1x128x128xf32, #tpu.memory_space<hbm>>
      %dma_start3A_58 = tpu.memref_squeeze %dma_start3A_57 : memref<1x128x128xf32, #tpu.memory_space<hbm>> -> memref<128x128xf32, #tpu.memory_space<hbm>>
      %dma_start3A_59 = arith.constant 0 : i32
      %dma_start3A_60 = tpu.memref_slice %arg5[%arg0, %add3A_39, %dma_start3A_59] : memref<2x10112x128xf32, #tpu.memory_space<hbm>> -> memref<1x128x128xf32, #tpu.memory_space<hbm>>
      %dma_start3A_61 = tpu.memref_squeeze %dma_start3A_60 : memref<1x128x128xf32, #tpu.memory_space<hbm>> -> memref<128x128xf32, #tpu.memory_space<hbm>>
      %dma_start3A_62 = arith.constant 0 : i32
      %dma_start3A_63 = arith.constant 0 : i32
      %dma_start3A_64 = tpu.memref_slice %arg9[%dma_start3A_62, %dma_start3A_63] : memref<128x128xf32, #tpu.memory_space<vmem>> -> memref<128x128xf32, #tpu.memory_space<vmem>>
      tpu.enqueue_dma source(%dma_start3A_64 : memref<128x128xf32, #tpu.memory_space<vmem>>) target(%dma_start3A_61 : memref<128x128xf32, #tpu.memory_space<hbm>>) target_semaphore(%run_scoped3A_52 : memref<!tpu.dma_semaphore, #tpu.memory_space<semaphore_mem>>)
      %dma_wait3A_65 = arith.constant 0 : i32
      %dma_wait3A_66 = arith.constant 0 : i32
      %dma_wait3A_67 = tpu.memref_slice %arg9[%dma_wait3A_65, %dma_wait3A_66] : memref<128x128xf32, #tpu.memory_space<vmem>> -> memref<128x128xf32, #tpu.memory_space<vmem>>
      %dma_wait3A_68 = arith.constant 0 : i32
      %dma_wait3A_69 = tpu.memref_slice %arg5[%arg0, %add3A_39, %dma_wait3A_68] : memref<2x10112x128xf32, #tpu.memory_space<hbm>> -> memref<1x128x128xf32, #tpu.memory_space<hbm>>
      %dma_wait3A_70 = tpu.memref_squeeze %dma_wait3A_69 : memref<1x128x128xf32, #tpu.memory_space<hbm>> -> memref<128x128xf32, #tpu.memory_space<hbm>>
      %dma_wait3A_71 = arith.constant 0 : i32
      %dma_wait3A_72 = tpu.memref_slice %arg5[%arg0, %add3A_39, %dma_wait3A_71] : memref<2x10112x128xf32, #tpu.memory_space<hbm>> -> memref<1x128x128xf32, #tpu.memory_space<hbm>>
      %dma_wait3A_73 = tpu.memref_squeeze %dma_wait3A_72 : memref<1x128x128xf32, #tpu.memory_space<hbm>> -> memref<128x128xf32, #tpu.memory_space<hbm>>
      %dma_wait3A_74 = arith.constant 0 : i32
      %dma_wait3A_75 = arith.constant 0 : i32
      %dma_wait3A_76 = tpu.memref_slice %arg9[%dma_wait3A_74, %dma_wait3A_75] : memref<128x128xf32, #tpu.memory_space<vmem>> -> memref<128x128xf32, #tpu.memory_space<vmem>>
      tpu.wait_dma2 semaphore(%run_scoped3A_52 : memref<!tpu.dma_semaphore, #tpu.memory_space<semaphore_mem>>) src(%dma_wait3A_76 : memref<128x128xf32, #tpu.memory_space<vmem>>) dst(%dma_wait3A_73 : memref<128x128xf32, #tpu.memory_space<hbm>>)
      tpu.yield
    }) : () -> ()
    %add3A_40 = arith.constant 256 : i32
    %add3A_41 = arith.addi %mul3A_2, %add3A_40 : i32
    "tpu.region"() ({
      %run_scoped3A_52 = tpu.sem_alloc : memref<!tpu.dma_semaphore, #tpu.memory_space<semaphore_mem>>
      %dma_start3A_53 = arith.constant 0 : i32
      %dma_start3A_54 = arith.constant 0 : i32
      %dma_start3A_55 = tpu.memref_slice %arg9[%dma_start3A_53, %dma_start3A_54] : memref<128x128xf32, #tpu.memory_space<vmem>> -> memref<128x128xf32, #tpu.memory_space<vmem>>
      %dma_start3A_56 = arith.constant 0 : i32
      %dma_start3A_57 = tpu.memref_slice %arg10[%add3A_41, %dma_start3A_56] : memref<10112x128xf32, #tpu.memory_space<vmem_shared>> -> memref<128x128xf32, #tpu.memory_space<vmem_shared>>
      %dma_start3A_58 = arith.constant 0 : i32
      %dma_start3A_59 = arith.constant 0 : i32
      %dma_start3A_60 = tpu.memref_slice %arg9[%dma_start3A_58, %dma_start3A_59] : memref<128x128xf32, #tpu.memory_space<vmem>> -> memref<128x128xf32, #tpu.memory_space<vmem>>
      %dma_start3A_61 = arith.constant 0 : i32
      %dma_start3A_62 = tpu.memref_slice %arg10[%add3A_41, %dma_start3A_61] : memref<10112x128xf32, #tpu.memory_space<vmem_shared>> -> memref<128x128xf32, #tpu.memory_space<vmem_shared>>
      tpu.enqueue_dma source(%dma_start3A_62 : memref<128x128xf32, #tpu.memory_space<vmem_shared>>) target(%dma_start3A_60 : memref<128x128xf32, #tpu.memory_space<vmem>>) target_semaphore(%run_scoped3A_52 : memref<!tpu.dma_semaphore, #tpu.memory_space<semaphore_mem>>)
      %dma_wait3A_63 = arith.constant 0 : i32
      %dma_wait3A_64 = arith.constant 0 : i32
      %dma_wait3A_65 = tpu.memref_slice %arg9[%dma_wait3A_63, %dma_wait3A_64] : memref<128x128xf32, #tpu.memory_space<vmem>> -> memref<128x128xf32, #tpu.memory_space<vmem>>
      %dma_wait3A_66 = arith.constant 0 : i32
      %dma_wait3A_67 = tpu.memref_slice %arg10[%add3A_41, %dma_wait3A_66] : memref<10112x128xf32, #tpu.memory_space<vmem_shared>> -> memref<128x128xf32, #tpu.memory_space<vmem_shared>>
      %dma_wait3A_68 = arith.constant 0 : i32
      %dma_wait3A_69 = arith.constant 0 : i32
      %dma_wait3A_70 = tpu.memref_slice %arg9[%dma_wait3A_68, %dma_wait3A_69] : memref<128x128xf32, #tpu.memory_space<vmem>> -> memref<128x128xf32, #tpu.memory_space<vmem>>
      %dma_wait3A_71 = arith.constant 0 : i32
      %dma_wait3A_72 = tpu.memref_slice %arg10[%add3A_41, %dma_wait3A_71] : memref<10112x128xf32, #tpu.memory_space<vmem_shared>> -> memref<128x128xf32, #tpu.memory_space<vmem_shared>>
      tpu.wait_dma2 semaphore(%run_scoped3A_52 : memref<!tpu.dma_semaphore, #tpu.memory_space<semaphore_mem>>) src(%dma_wait3A_72 : memref<128x128xf32, #tpu.memory_space<vmem_shared>>) dst(%dma_wait3A_70 : memref<128x128xf32, #tpu.memory_space<vmem>>)
      tpu.yield
    }) : () -> ()
    %add3A_42 = arith.constant 256 : i32
    %add3A_43 = arith.addi %mul3A_2, %add3A_42 : i32
    "tpu.region"() ({
      %run_scoped3A_52 = tpu.sem_alloc : memref<!tpu.dma_semaphore, #tpu.memory_space<semaphore_mem>>
      %dma_start3A_53 = arith.constant 0 : i32
      %dma_start3A_54 = arith.constant 0 : i32
      %dma_start3A_55 = tpu.memref_slice %arg9[%dma_start3A_53, %dma_start3A_54] : memref<128x128xf32, #tpu.memory_space<vmem>> -> memref<128x128xf32, #tpu.memory_space<vmem>>
      %dma_start3A_56 = arith.constant 0 : i32
      %dma_start3A_57 = tpu.memref_slice %arg5[%arg0, %add3A_43, %dma_start3A_56] : memref<2x10112x128xf32, #tpu.memory_space<hbm>> -> memref<1x128x128xf32, #tpu.memory_space<hbm>>
      %dma_start3A_58 = tpu.memref_squeeze %dma_start3A_57 : memref<1x128x128xf32, #tpu.memory_space<hbm>> -> memref<128x128xf32, #tpu.memory_space<hbm>>
      %dma_start3A_59 = arith.constant 0 : i32
      %dma_start3A_60 = tpu.memref_slice %arg5[%arg0, %add3A_43, %dma_start3A_59] : memref<2x10112x128xf32, #tpu.memory_space<hbm>> -> memref<1x128x128xf32, #tpu.memory_space<hbm>>
      %dma_start3A_61 = tpu.memref_squeeze %dma_start3A_60 : memref<1x128x128xf32, #tpu.memory_space<hbm>> -> memref<128x128xf32, #tpu.memory_space<hbm>>
      %dma_start3A_62 = arith.constant 0 : i32
      %dma_start3A_63 = arith.constant 0 : i32
      %dma_start3A_64 = tpu.memref_slice %arg9[%dma_start3A_62, %dma_start3A_63] : memref<128x128xf32, #tpu.memory_space<vmem>> -> memref<128x128xf32, #tpu.memory_space<vmem>>
      tpu.enqueue_dma source(%dma_start3A_64 : memref<128x128xf32, #tpu.memory_space<vmem>>) target(%dma_start3A_61 : memref<128x128xf32, #tpu.memory_space<hbm>>) target_semaphore(%run_scoped3A_52 : memref<!tpu.dma_semaphore, #tpu.memory_space<semaphore_mem>>)
      %dma_wait3A_65 = arith.constant 0 : i32
      %dma_wait3A_66 = arith.constant 0 : i32
      %dma_wait3A_67 = tpu.memref_slice %arg9[%dma_wait3A_65, %dma_wait3A_66] : memref<128x128xf32, #tpu.memory_space<vmem>> -> memref<128x128xf32, #tpu.memory_space<vmem>>
      %dma_wait3A_68 = arith.constant 0 : i32
      %dma_wait3A_69 = tpu.memref_slice %arg5[%arg0, %add3A_43, %dma_wait3A_68] : memref<2x10112x128xf32, #tpu.memory_space<hbm>> -> memref<1x128x128xf32, #tpu.memory_space<hbm>>
      %dma_wait3A_70 = tpu.memref_squeeze %dma_wait3A_69 : memref<1x128x128xf32, #tpu.memory_space<hbm>> -> memref<128x128xf32, #tpu.memory_space<hbm>>
      %dma_wait3A_71 = arith.constant 0 : i32
      %dma_wait3A_72 = tpu.memref_slice %arg5[%arg0, %add3A_43, %dma_wait3A_71] : memref<2x10112x128xf32, #tpu.memory_space<hbm>> -> memref<1x128x128xf32, #tpu.memory_space<hbm>>
      %dma_wait3A_73 = tpu.memref_squeeze %dma_wait3A_72 : memref<1x128x128xf32, #tpu.memory_space<hbm>> -> memref<128x128xf32, #tpu.memory_space<hbm>>
      %dma_wait3A_74 = arith.constant 0 : i32
      %dma_wait3A_75 = arith.constant 0 : i32
      %dma_wait3A_76 = tpu.memref_slice %arg9[%dma_wait3A_74, %dma_wait3A_75] : memref<128x128xf32, #tpu.memory_space<vmem>> -> memref<128x128xf32, #tpu.memory_space<vmem>>
      tpu.wait_dma2 semaphore(%run_scoped3A_52 : memref<!tpu.dma_semaphore, #tpu.memory_space<semaphore_mem>>) src(%dma_wait3A_76 : memref<128x128xf32, #tpu.memory_space<vmem>>) dst(%dma_wait3A_73 : memref<128x128xf32, #tpu.memory_space<hbm>>)
      tpu.yield
    }) : () -> ()
    %add3A_44 = arith.constant 384 : i32
    %add3A_45 = arith.addi %mul3A_2, %add3A_44 : i32
    "tpu.region"() ({
      %run_scoped3A_52 = tpu.sem_alloc : memref<!tpu.dma_semaphore, #tpu.memory_space<semaphore_mem>>
      %dma_start3A_53 = arith.constant 0 : i32
      %dma_start3A_54 = arith.constant 0 : i32
      %dma_start3A_55 = tpu.memref_slice %arg9[%dma_start3A_53, %dma_start3A_54] : memref<128x128xf32, #tpu.memory_space<vmem>> -> memref<128x128xf32, #tpu.memory_space<vmem>>
      %dma_start3A_56 = arith.constant 0 : i32
      %dma_start3A_57 = tpu.memref_slice %arg10[%add3A_45, %dma_start3A_56] : memref<10112x128xf32, #tpu.memory_space<vmem_shared>> -> memref<128x128xf32, #tpu.memory_space<vmem_shared>>
      %dma_start3A_58 = arith.constant 0 : i32
      %dma_start3A_59 = arith.constant 0 : i32
      %dma_start3A_60 = tpu.memref_slice %arg9[%dma_start3A_58, %dma_start3A_59] : memref<128x128xf32, #tpu.memory_space<vmem>> -> memref<128x128xf32, #tpu.memory_space<vmem>>
      %dma_start3A_61 = arith.constant 0 : i32
      %dma_start3A_62 = tpu.memref_slice %arg10[%add3A_45, %dma_start3A_61] : memref<10112x128xf32, #tpu.memory_space<vmem_shared>> -> memref<128x128xf32, #tpu.memory_space<vmem_shared>>
      tpu.enqueue_dma source(%dma_start3A_62 : memref<128x128xf32, #tpu.memory_space<vmem_shared>>) target(%dma_start3A_60 : memref<128x128xf32, #tpu.memory_space<vmem>>) target_semaphore(%run_scoped3A_52 : memref<!tpu.dma_semaphore, #tpu.memory_space<semaphore_mem>>)
      %dma_wait3A_63 = arith.constant 0 : i32
      %dma_wait3A_64 = arith.constant 0 : i32
      %dma_wait3A_65 = tpu.memref_slice %arg9[%dma_wait3A_63, %dma_wait3A_64] : memref<128x128xf32, #tpu.memory_space<vmem>> -> memref<128x128xf32, #tpu.memory_space<vmem>>
      %dma_wait3A_66 = arith.constant 0 : i32
      %dma_wait3A_67 = tpu.memref_slice %arg10[%add3A_45, %dma_wait3A_66] : memref<10112x128xf32, #tpu.memory_space<vmem_shared>> -> memref<128x128xf32, #tpu.memory_space<vmem_shared>>
      %dma_wait3A_68 = arith.constant 0 : i32
      %dma_wait3A_69 = arith.constant 0 : i32
      %dma_wait3A_70 = tpu.memref_slice %arg9[%dma_wait3A_68, %dma_wait3A_69] : memref<128x128xf32, #tpu.memory_space<vmem>> -> memref<128x128xf32, #tpu.memory_space<vmem>>
      %dma_wait3A_71 = arith.constant 0 : i32
      %dma_wait3A_72 = tpu.memref_slice %arg10[%add3A_45, %dma_wait3A_71] : memref<10112x128xf32, #tpu.memory_space<vmem_shared>> -> memref<128x128xf32, #tpu.memory_space<vmem_shared>>
      tpu.wait_dma2 semaphore(%run_scoped3A_52 : memref<!tpu.dma_semaphore, #tpu.memory_space<semaphore_mem>>) src(%dma_wait3A_72 : memref<128x128xf32, #tpu.memory_space<vmem_shared>>) dst(%dma_wait3A_70 : memref<128x128xf32, #tpu.memory_space<vmem>>)
      tpu.yield
    }) : () -> ()
    %add3A_46 = arith.constant 384 : i32
    %add3A_47 = arith.addi %mul3A_2, %add3A_46 : i32
    "tpu.region"() ({
      %run_scoped3A_52 = tpu.sem_alloc : memref<!tpu.dma_semaphore, #tpu.memory_space<semaphore_mem>>
      %dma_start3A_53 = arith.constant 0 : i32
      %dma_start3A_54 = arith.constant 0 : i32
      %dma_start3A_55 = tpu.memref_slice %arg9[%dma_start3A_53, %dma_start3A_54] : memref<128x128xf32, #tpu.memory_space<vmem>> -> memref<128x128xf32, #tpu.memory_space<vmem>>
      %dma_start3A_56 = arith.constant 0 : i32
      %dma_start3A_57 = tpu.memref_slice %arg5[%arg0, %add3A_47, %dma_start3A_56] : memref<2x10112x128xf32, #tpu.memory_space<hbm>> -> memref<1x128x128xf32, #tpu.memory_space<hbm>>
      %dma_start3A_58 = tpu.memref_squeeze %dma_start3A_57 : memref<1x128x128xf32, #tpu.memory_space<hbm>> -> memref<128x128xf32, #tpu.memory_space<hbm>>
      %dma_start3A_59 = arith.constant 0 : i32
      %dma_start3A_60 = tpu.memref_slice %arg5[%arg0, %add3A_47, %dma_start3A_59] : memref<2x10112x128xf32, #tpu.memory_space<hbm>> -> memref<1x128x128xf32, #tpu.memory_space<hbm>>
      %dma_start3A_61 = tpu.memref_squeeze %dma_start3A_60 : memref<1x128x128xf32, #tpu.memory_space<hbm>> -> memref<128x128xf32, #tpu.memory_space<hbm>>
      %dma_start3A_62 = arith.constant 0 : i32
      %dma_start3A_63 = arith.constant 0 : i32
      %dma_start3A_64 = tpu.memref_slice %arg9[%dma_start3A_62, %dma_start3A_63] : memref<128x128xf32, #tpu.memory_space<vmem>> -> memref<128x128xf32, #tpu.memory_space<vmem>>
      tpu.enqueue_dma source(%dma_start3A_64 : memref<128x128xf32, #tpu.memory_space<vmem>>) target(%dma_start3A_61 : memref<128x128xf32, #tpu.memory_space<hbm>>) target_semaphore(%run_scoped3A_52 : memref<!tpu.dma_semaphore, #tpu.memory_space<semaphore_mem>>)
      %dma_wait3A_65 = arith.constant 0 : i32
      %dma_wait3A_66 = arith.constant 0 : i32
      %dma_wait3A_67 = tpu.memref_slice %arg9[%dma_wait3A_65, %dma_wait3A_66] : memref<128x128xf32, #tpu.memory_space<vmem>> -> memref<128x128xf32, #tpu.memory_space<vmem>>
      %dma_wait3A_68 = arith.constant 0 : i32
      %dma_wait3A_69 = tpu.memref_slice %arg5[%arg0, %add3A_47, %dma_wait3A_68] : memref<2x10112x128xf32, #tpu.memory_space<hbm>> -> memref<1x128x128xf32, #tpu.memory_space<hbm>>
      %dma_wait3A_70 = tpu.memref_squeeze %dma_wait3A_69 : memref<1x128x128xf32, #tpu.memory_space<hbm>> -> memref<128x128xf32, #tpu.memory_space<hbm>>
      %dma_wait3A_71 = arith.constant 0 : i32
      %dma_wait3A_72 = tpu.memref_slice %arg5[%arg0, %add3A_47, %dma_wait3A_71] : memref<2x10112x128xf32, #tpu.memory_space<hbm>> -> memref<1x128x128xf32, #tpu.memory_space<hbm>>
      %dma_wait3A_73 = tpu.memref_squeeze %dma_wait3A_72 : memref<1x128x128xf32, #tpu.memory_space<hbm>> -> memref<128x128xf32, #tpu.memory_space<hbm>>
      %dma_wait3A_74 = arith.constant 0 : i32
      %dma_wait3A_75 = arith.constant 0 : i32
      %dma_wait3A_76 = tpu.memref_slice %arg9[%dma_wait3A_74, %dma_wait3A_75] : memref<128x128xf32, #tpu.memory_space<vmem>> -> memref<128x128xf32, #tpu.memory_space<vmem>>
      tpu.wait_dma2 semaphore(%run_scoped3A_52 : memref<!tpu.dma_semaphore, #tpu.memory_space<semaphore_mem>>) src(%dma_wait3A_76 : memref<128x128xf32, #tpu.memory_space<vmem>>) dst(%dma_wait3A_73 : memref<128x128xf32, #tpu.memory_space<hbm>>)
      tpu.yield
    }) : () -> ()
    %add3A_48 = arith.constant 512 : i32
    %add3A_49 = arith.addi %mul3A_2, %add3A_48 : i32
    "tpu.region"() ({
      %run_scoped3A_52 = tpu.sem_alloc : memref<!tpu.dma_semaphore, #tpu.memory_space<semaphore_mem>>
      %dma_start3A_53 = arith.constant 0 : i32
      %dma_start3A_54 = arith.constant 0 : i32
      %dma_start3A_55 = tpu.memref_slice %arg9[%dma_start3A_53, %dma_start3A_54] : memref<128x128xf32, #tpu.memory_space<vmem>> -> memref<120x128xf32, #tpu.memory_space<vmem>>
      %dma_start3A_56 = arith.constant 0 : i32
      %dma_start3A_57 = tpu.memref_slice %arg10[%add3A_49, %dma_start3A_56] : memref<10112x128xf32, #tpu.memory_space<vmem_shared>> -> memref<120x128xf32, #tpu.memory_space<vmem_shared>>
      %dma_start3A_58 = arith.constant 0 : i32
      %dma_start3A_59 = arith.constant 0 : i32
      %dma_start3A_60 = tpu.memref_slice %arg9[%dma_start3A_58, %dma_start3A_59] : memref<128x128xf32, #tpu.memory_space<vmem>> -> memref<120x128xf32, #tpu.memory_space<vmem>>
      %dma_start3A_61 = arith.constant 0 : i32
      %dma_start3A_62 = tpu.memref_slice %arg10[%add3A_49, %dma_start3A_61] : memref<10112x128xf32, #tpu.memory_space<vmem_shared>> -> memref<120x128xf32, #tpu.memory_space<vmem_shared>>
      tpu.enqueue_dma source(%dma_start3A_62 : memref<120x128xf32, #tpu.memory_space<vmem_shared>>) target(%dma_start3A_60 : memref<120x128xf32, #tpu.memory_space<vmem>>) target_semaphore(%run_scoped3A_52 : memref<!tpu.dma_semaphore, #tpu.memory_space<semaphore_mem>>)
      %dma_wait3A_63 = arith.constant 0 : i32
      %dma_wait3A_64 = arith.constant 0 : i32
      %dma_wait3A_65 = tpu.memref_slice %arg9[%dma_wait3A_63, %dma_wait3A_64] : memref<128x128xf32, #tpu.memory_space<vmem>> -> memref<120x128xf32, #tpu.memory_space<vmem>>
      %dma_wait3A_66 = arith.constant 0 : i32
      %dma_wait3A_67 = tpu.memref_slice %arg10[%add3A_49, %dma_wait3A_66] : memref<10112x128xf32, #tpu.memory_space<vmem_shared>> -> memref<120x128xf32, #tpu.memory_space<vmem_shared>>
      %dma_wait3A_68 = arith.constant 0 : i32
      %dma_wait3A_69 = arith.constant 0 : i32
      %dma_wait3A_70 = tpu.memref_slice %arg9[%dma_wait3A_68, %dma_wait3A_69] : memref<128x128xf32, #tpu.memory_space<vmem>> -> memref<120x128xf32, #tpu.memory_space<vmem>>
      %dma_wait3A_71 = arith.constant 0 : i32
      %dma_wait3A_72 = tpu.memref_slice %arg10[%add3A_49, %dma_wait3A_71] : memref<10112x128xf32, #tpu.memory_space<vmem_shared>> -> memref<120x128xf32, #tpu.memory_space<vmem_shared>>
      tpu.wait_dma2 semaphore(%run_scoped3A_52 : memref<!tpu.dma_semaphore, #tpu.memory_space<semaphore_mem>>) src(%dma_wait3A_72 : memref<120x128xf32, #tpu.memory_space<vmem_shared>>) dst(%dma_wait3A_70 : memref<120x128xf32, #tpu.memory_space<vmem>>)
      tpu.yield
    }) : () -> ()
    %add3A_50 = arith.constant 512 : i32
    %add3A_51 = arith.addi %mul3A_2, %add3A_50 : i32
    "tpu.region"() ({
      %run_scoped3A_52 = tpu.sem_alloc : memref<!tpu.dma_semaphore, #tpu.memory_space<semaphore_mem>>
      %dma_start3A_53 = arith.constant 0 : i32
      %dma_start3A_54 = arith.constant 0 : i32
      %dma_start3A_55 = tpu.memref_slice %arg9[%dma_start3A_53, %dma_start3A_54] : memref<128x128xf32, #tpu.memory_space<vmem>> -> memref<120x128xf32, #tpu.memory_space<vmem>>
      %dma_start3A_56 = arith.constant 0 : i32
      %dma_start3A_57 = tpu.memref_slice %arg5[%arg0, %add3A_51, %dma_start3A_56] : memref<2x10112x128xf32, #tpu.memory_space<hbm>> -> memref<1x120x128xf32, #tpu.memory_space<hbm>>
      %dma_start3A_58 = tpu.memref_squeeze %dma_start3A_57 : memref<1x120x128xf32, #tpu.memory_space<hbm>> -> memref<120x128xf32, #tpu.memory_space<hbm>>
      %dma_start3A_59 = arith.constant 0 : i32
      %dma_start3A_60 = tpu.memref_slice %arg5[%arg0, %add3A_51, %dma_start3A_59] : memref<2x10112x128xf32, #tpu.memory_space<hbm>> -> memref<1x120x128xf32, #tpu.memory_space<hbm>>
      %dma_start3A_61 = tpu.memref_squeeze %dma_start3A_60 : memref<1x120x128xf32, #tpu.memory_space<hbm>> -> memref<120x128xf32, #tpu.memory_space<hbm>>
      %dma_start3A_62 = arith.constant 0 : i32
      %dma_start3A_63 = arith.constant 0 : i32
      %dma_start3A_64 = tpu.memref_slice %arg9[%dma_start3A_62, %dma_start3A_63] : memref<128x128xf32, #tpu.memory_space<vmem>> -> memref<120x128xf32, #tpu.memory_space<vmem>>
      tpu.enqueue_dma source(%dma_start3A_64 : memref<120x128xf32, #tpu.memory_space<vmem>>) target(%dma_start3A_61 : memref<120x128xf32, #tpu.memory_space<hbm>>) target_semaphore(%run_scoped3A_52 : memref<!tpu.dma_semaphore, #tpu.memory_space<semaphore_mem>>)
      %dma_wait3A_65 = arith.constant 0 : i32
      %dma_wait3A_66 = arith.constant 0 : i32
      %dma_wait3A_67 = tpu.memref_slice %arg9[%dma_wait3A_65, %dma_wait3A_66] : memref<128x128xf32, #tpu.memory_space<vmem>> -> memref<120x128xf32, #tpu.memory_space<vmem>>
      %dma_wait3A_68 = arith.constant 0 : i32
      %dma_wait3A_69 = tpu.memref_slice %arg5[%arg0, %add3A_51, %dma_wait3A_68] : memref<2x10112x128xf32, #tpu.memory_space<hbm>> -> memref<1x120x128xf32, #tpu.memory_space<hbm>>
      %dma_wait3A_70 = tpu.memref_squeeze %dma_wait3A_69 : memref<1x120x128xf32, #tpu.memory_space<hbm>> -> memref<120x128xf32, #tpu.memory_space<hbm>>
      %dma_wait3A_71 = arith.constant 0 : i32
      %dma_wait3A_72 = tpu.memref_slice %arg5[%arg0, %add3A_51, %dma_wait3A_71] : memref<2x10112x128xf32, #tpu.memory_space<hbm>> -> memref<1x120x128xf32, #tpu.memory_space<hbm>>
      %dma_wait3A_73 = tpu.memref_squeeze %dma_wait3A_72 : memref<1x120x128xf32, #tpu.memory_space<hbm>> -> memref<120x128xf32, #tpu.memory_space<hbm>>
      %dma_wait3A_74 = arith.constant 0 : i32
      %dma_wait3A_75 = arith.constant 0 : i32
      %dma_wait3A_76 = tpu.memref_slice %arg9[%dma_wait3A_74, %dma_wait3A_75] : memref<128x128xf32, #tpu.memory_space<vmem>> -> memref<120x128xf32, #tpu.memory_space<vmem>>
      tpu.wait_dma2 semaphore(%run_scoped3A_52 : memref<!tpu.dma_semaphore, #tpu.memory_space<semaphore_mem>>) src(%dma_wait3A_76 : memref<120x128xf32, #tpu.memory_space<vmem>>) dst(%dma_wait3A_73 : memref<120x128xf32, #tpu.memory_space<hbm>>)
      tpu.yield
    }) : () -> ()
    return
  }
}

#map = affine_map<(d0, d1) -> (0, 0)>
#map1 = affine_map<(d0, d1) -> (0)>
#map2 = affine_map<(d0, d1) -> (0, 0, 0)>
module attributes {stable_mosaic.version = 14 : i64} {
  func.func @_sc_agg_body(%arg0: i32, %arg1: i32, %arg2: memref<10112x128xf32, #tpu.memory_space<hbm>>, %arg3: memref<323584xi32, #tpu.memory_space<hbm>>, %arg4: memref<32x79x128xi32, #tpu.memory_space<hbm>>, %arg5: memref<2x10112x128xf32, #tpu.memory_space<hbm>>, %arg6: memref<128xi32, #tpu.memory_space<vmem>>, %arg7: memref<128xi32, #tpu.memory_space<vmem>>, %arg8: memref<79x128xi32, #tpu.memory_space<vmem>>, %arg9: memref<128x128xf32, #tpu.memory_space<vmem>>, %arg10: memref<10112x128xf32, #tpu.memory_space<vmem_shared>>, %arg11: memref<!tpu.dma_semaphore, #tpu.memory_space<semaphore_mem>>, %arg12: memref<!tpu.dma_semaphore, #tpu.memory_space<semaphore_mem>>, %arg13: memref<!tpu.dma_semaphore, #tpu.memory_space<semaphore_mem>>) attributes {dimension_semantics = [#tpu.dimension_semantics<core_parallel>, #tpu.dimension_semantics<subcore_parallel>], iteration_bounds = array<i64: 2, 16>, scalar_prefetch = 0 : i64, scratch_operands = 8 : i64, tpu.core_type = #tpu.core_type<sc_vector_subcore>, window_params = [{transform_indices = #map}, {transform_indices = #map1}, {transform_indices = #map2}, {transform_indices = #map2}]} {
    %mul3A = arith.constant 16 : i32
    %mul3A_0 = arith.muli %arg0, %mul3A : i32
    %add3A = arith.addi %mul3A_0, %arg1 : i32
    %mul3A_1 = arith.constant 632 : i32
    %mul3A_2 = arith.muli %arg1, %mul3A_1 : i32
    "tpu.region"() ({
      %run_scoped3A_52 = tpu.sem_alloc : memref<!tpu.dma_semaphore, #tpu.memory_space<semaphore_mem>>
      %dma_start3A_53 = arith.constant 0 : i32
      %dma_start3A_54 = arith.constant 0 : i32
      %dma_start3A_55 = tpu.memref_slice %arg4[%add3A, %dma_start3A_53, %dma_start3A_54] : memref<32x79x128xi32, #tpu.memory_space<hbm>> -> memref<1x79x128xi32, #tpu.memory_space<hbm>>
      %dma_start3A_56 = tpu.memref_squeeze %dma_start3A_55 : memref<1x79x128xi32, #tpu.memory_space<hbm>> -> memref<79x128xi32, #tpu.memory_space<hbm>>
      %dma_start3A_57 = arith.constant 0 : i32
      %dma_start3A_58 = arith.constant 0 : i32
      %dma_start3A_59 = tpu.memref_slice %arg4[%add3A, %dma_start3A_57, %dma_start3A_58] : memref<32x79x128xi32, #tpu.memory_space<hbm>> -> memref<1x79x128xi32, #tpu.memory_space<hbm>>
      %dma_start3A_60 = tpu.memref_squeeze %dma_start3A_59 : memref<1x79x128xi32, #tpu.memory_space<hbm>> -> memref<79x128xi32, #tpu.memory_space<hbm>>
      tpu.enqueue_dma source(%dma_start3A_60 : memref<79x128xi32, #tpu.memory_space<hbm>>) target(%arg8 : memref<79x128xi32, #tpu.memory_space<vmem>>) target_semaphore(%run_scoped3A_52 : memref<!tpu.dma_semaphore, #tpu.memory_space<semaphore_mem>>)
      %dma_wait3A_61 = arith.constant 0 : i32
      %dma_wait3A_62 = arith.constant 0 : i32
      %dma_wait3A_63 = tpu.memref_slice %arg4[%add3A, %dma_wait3A_61, %dma_wait3A_62] : memref<32x79x128xi32, #tpu.memory_space<hbm>> -> memref<1x79x128xi32, #tpu.memory_space<hbm>>
      %dma_wait3A_64 = tpu.memref_squeeze %dma_wait3A_63 : memref<1x79x128xi32, #tpu.memory_space<hbm>> -> memref<79x128xi32, #tpu.memory_space<hbm>>
      %dma_wait3A_65 = arith.constant 0 : i32
      %dma_wait3A_66 = arith.constant 0 : i32
      %dma_wait3A_67 = tpu.memref_slice %arg4[%add3A, %dma_wait3A_65, %dma_wait3A_66] : memref<32x79x128xi32, #tpu.memory_space<hbm>> -> memref<1x79x128xi32, #tpu.memory_space<hbm>>
      %dma_wait3A_68 = tpu.memref_squeeze %dma_wait3A_67 : memref<1x79x128xi32, #tpu.memory_space<hbm>> -> memref<79x128xi32, #tpu.memory_space<hbm>>
      tpu.wait_dma2 semaphore(%run_scoped3A_52 : memref<!tpu.dma_semaphore, #tpu.memory_space<semaphore_mem>>) src(%dma_wait3A_68 : memref<79x128xi32, #tpu.memory_space<hbm>>) dst(%arg8 : memref<79x128xi32, #tpu.memory_space<vmem>>)
      tpu.yield
    }) : () -> ()
    %broadcast_in_dim3A = arith.constant 0.000000e+00 : f32
    %broadcast_in_dim3A_3 = vector.broadcast %broadcast_in_dim3A : f32 to vector<16xf32>
    %scan3A = arith.constant 0 : i32
    %scan3A_4 = arith.constant 128 : i32
    %scan3A_5 = arith.addi %scan3A, %scan3A_4 : i32
    %scan3A_6 = arith.constant 1 : i32
    scf.for %scan3A_52 = %scan3A to %scan3A_5 step %scan3A_6  : i32 {
      %mul3A_53 = arith.constant 1 : i32
      %mul3A_54 = arith.muli %scan3A_52, %mul3A_53 : i32
      %add3A_55 = arith.constant 0 : i32
      %add3A_56 = arith.addi %add3A_55, %mul3A_54 : i32
      %swap3A = arith.index_cast %add3A_56 : i32 to index
      %swap3A_57 = arith.constant 0 : index
      %swap3A_58 = tpu.vector_load %arg9[%swap3A, %swap3A_57] {strides = array<i32>} : memref<128x128xf32, #tpu.memory_space<vmem>>, vector<1x16xf32>,
      %swap3A_59 = vector.shape_cast %swap3A_58 : vector<1x16xf32> to vector<16xf32>
      %swap3A_60 = vector.shape_cast %broadcast_in_dim3A_3 : vector<16xf32> to vector<1x16xf32>
      tpu.vector_store %arg9[%swap3A, %swap3A_57], %swap3A_60 {strides = array<i32>} : memref<128x128xf32, #tpu.memory_space<vmem>>, vector<1x16xf32>,
      %swap3A_61 = arith.index_cast %add3A_56 : i32 to index
      %swap3A_62 = arith.constant 16 : index
      %swap3A_63 = tpu.vector_load %arg9[%swap3A_61, %swap3A_62] {strides = array<i32>} : memref<128x128xf32, #tpu.memory_space<vmem>>, vector<1x16xf32>,
      %swap3A_64 = vector.shape_cast %swap3A_63 : vector<1x16xf32> to vector<16xf32>
      %swap3A_65 = vector.shape_cast %broadcast_in_dim3A_3 : vector<16xf32> to vector<1x16xf32>
      tpu.vector_store %arg9[%swap3A_61, %swap3A_62], %swap3A_65 {strides = array<i32>} : memref<128x128xf32, #tpu.memory_space<vmem>>, vector<1x16xf32>,
      %swap3A_66 = arith.index_cast %add3A_56 : i32 to index
      %swap3A_67 = arith.constant 32 : index
      %swap3A_68 = tpu.vector_load %arg9[%swap3A_66, %swap3A_67] {strides = array<i32>} : memref<128x128xf32, #tpu.memory_space<vmem>>, vector<1x16xf32>,
      %swap3A_69 = vector.shape_cast %swap3A_68 : vector<1x16xf32> to vector<16xf32>
      %swap3A_70 = vector.shape_cast %broadcast_in_dim3A_3 : vector<16xf32> to vector<1x16xf32>
      tpu.vector_store %arg9[%swap3A_66, %swap3A_67], %swap3A_70 {strides = array<i32>} : memref<128x128xf32, #tpu.memory_space<vmem>>, vector<1x16xf32>,
      %swap3A_71 = arith.index_cast %add3A_56 : i32 to index
      %swap3A_72 = arith.constant 48 : index
      %swap3A_73 = tpu.vector_load %arg9[%swap3A_71, %swap3A_72] {strides = array<i32>} : memref<128x128xf32, #tpu.memory_space<vmem>>, vector<1x16xf32>,
      %swap3A_74 = vector.shape_cast %swap3A_73 : vector<1x16xf32> to vector<16xf32>
      %swap3A_75 = vector.shape_cast %broadcast_in_dim3A_3 : vector<16xf32> to vector<1x16xf32>
      tpu.vector_store %arg9[%swap3A_71, %swap3A_72], %swap3A_75 {strides = array<i32>} : memref<128x128xf32, #tpu.memory_space<vmem>>, vector<1x16xf32>,
      %swap3A_76 = arith.index_cast %add3A_56 : i32 to index
      %swap3A_77 = arith.constant 64 : index
      %swap3A_78 = tpu.vector_load %arg9[%swap3A_76, %swap3A_77] {strides = array<i32>} : memref<128x128xf32, #tpu.memory_space<vmem>>, vector<1x16xf32>,
      %swap3A_79 = vector.shape_cast %swap3A_78 : vector<1x16xf32> to vector<16xf32>
      %swap3A_80 = vector.shape_cast %broadcast_in_dim3A_3 : vector<16xf32> to vector<1x16xf32>
      tpu.vector_store %arg9[%swap3A_76, %swap3A_77], %swap3A_80 {strides = array<i32>} : memref<128x128xf32, #tpu.memory_space<vmem>>, vector<1x16xf32>,
      %swap3A_81 = arith.index_cast %add3A_56 : i32 to index
      %swap3A_82 = arith.constant 80 : index
      %swap3A_83 = tpu.vector_load %arg9[%swap3A_81, %swap3A_82] {strides = array<i32>} : memref<128x128xf32, #tpu.memory_space<vmem>>, vector<1x16xf32>,
      %swap3A_84 = vector.shape_cast %swap3A_83 : vector<1x16xf32> to vector<16xf32>
      %swap3A_85 = vector.shape_cast %broadcast_in_dim3A_3 : vector<16xf32> to vector<1x16xf32>
      tpu.vector_store %arg9[%swap3A_81, %swap3A_82], %swap3A_85 {strides = array<i32>} : memref<128x128xf32, #tpu.memory_space<vmem>>, vector<1x16xf32>,
      %swap3A_86 = arith.index_cast %add3A_56 : i32 to index
      %swap3A_87 = arith.constant 96 : index
      %swap3A_88 = tpu.vector_load %arg9[%swap3A_86, %swap3A_87] {strides = array<i32>} : memref<128x128xf32, #tpu.memory_space<vmem>>, vector<1x16xf32>,
      %swap3A_89 = vector.shape_cast %swap3A_88 : vector<1x16xf32> to vector<16xf32>
      %swap3A_90 = vector.shape_cast %broadcast_in_dim3A_3 : vector<16xf32> to vector<1x16xf32>
      tpu.vector_store %arg9[%swap3A_86, %swap3A_87], %swap3A_90 {strides = array<i32>} : memref<128x128xf32, #tpu.memory_space<vmem>>, vector<1x16xf32>,
      %swap3A_91 = arith.index_cast %add3A_56 : i32 to index
      %swap3A_92 = arith.constant 112 : index
      %swap3A_93 = tpu.vector_load %arg9[%swap3A_91, %swap3A_92] {strides = array<i32>} : memref<128x128xf32, #tpu.memory_space<vmem>>, vector<1x16xf32>,
      %swap3A_94 = vector.shape_cast %swap3A_93 : vector<1x16xf32> to vector<16xf32>
      %swap3A_95 = vector.shape_cast %broadcast_in_dim3A_3 : vector<16xf32> to vector<1x16xf32>
      tpu.vector_store %arg9[%swap3A_91, %swap3A_92], %swap3A_95 {strides = array<i32>} : memref<128x128xf32, #tpu.memory_space<vmem>>, vector<1x16xf32>,
    }
    %scan3A_7 = arith.constant 128 : i32
    %add3A_8 = arith.constant 0 : i32
    %add3A_9 = arith.addi %mul3A_2, %add3A_8 : i32
    "tpu.region"() ({
      %run_scoped3A_52 = tpu.sem_alloc : memref<!tpu.dma_semaphore, #tpu.memory_space<semaphore_mem>>
      %dma_start3A_53 = arith.constant 0 : i32
      %dma_start3A_54 = arith.constant 0 : i32
      %dma_start3A_55 = tpu.memref_slice %arg9[%dma_start3A_53, %dma_start3A_54] : memref<128x128xf32, #tpu.memory_space<vmem>> -> memref<128x128xf32, #tpu.memory_space<vmem>>
      %dma_start3A_56 = arith.constant 0 : i32
      %dma_start3A_57 = tpu.memref_slice %arg10[%add3A_9, %dma_start3A_56] : memref<10112x128xf32, #tpu.memory_space<vmem_shared>> -> memref<128x128xf32, #tpu.memory_space<vmem_shared>>
      %dma_start3A_58 = arith.constant 0 : i32
      %dma_start3A_59 = tpu.memref_slice %arg10[%add3A_9, %dma_start3A_58] : memref<10112x128xf32, #tpu.memory_space<vmem_shared>> -> memref<128x128xf32, #tpu.memory_space<vmem_shared>>
      %dma_start3A_60 = arith.constant 0 : i32
      %dma_start3A_61 = arith.constant 0 : i32
      %dma_start3A_62 = tpu.memref_slice %arg9[%dma_start3A_60, %dma_start3A_61] : memref<128x128xf32, #tpu.memory_space<vmem>> -> memref<128x128xf32, #tpu.memory_space<vmem>>
      tpu.enqueue_dma source(%dma_start3A_62 : memref<128x128xf32, #tpu.memory_space<vmem>>) target(%dma_start3A_59 : memref<128x128xf32, #tpu.memory_space<vmem_shared>>) target_semaphore(%run_scoped3A_52 : memref<!tpu.dma_semaphore, #tpu.memory_space<semaphore_mem>>)
      %dma_wait3A_63 = arith.constant 0 : i32
      %dma_wait3A_64 = arith.constant 0 : i32
      %dma_wait3A_65 = tpu.memref_slice %arg9[%dma_wait3A_63, %dma_wait3A_64] : memref<128x128xf32, #tpu.memory_space<vmem>> -> memref<128x128xf32, #tpu.memory_space<vmem>>
      %dma_wait3A_66 = arith.constant 0 : i32
      %dma_wait3A_67 = tpu.memref_slice %arg10[%add3A_9, %dma_wait3A_66] : memref<10112x128xf32, #tpu.memory_space<vmem_shared>> -> memref<128x128xf32, #tpu.memory_space<vmem_shared>>
      %dma_wait3A_68 = arith.constant 0 : i32
      %dma_wait3A_69 = tpu.memref_slice %arg10[%add3A_9, %dma_wait3A_68] : memref<10112x128xf32, #tpu.memory_space<vmem_shared>> -> memref<128x128xf32, #tpu.memory_space<vmem_shared>>
      %dma_wait3A_70 = arith.constant 0 : i32
      %dma_wait3A_71 = arith.constant 0 : i32
      %dma_wait3A_72 = tpu.memref_slice %arg9[%dma_wait3A_70, %dma_wait3A_71] : memref<128x128xf32, #tpu.memory_space<vmem>> -> memref<128x128xf32, #tpu.memory_space<vmem>>
      tpu.wait_dma2 semaphore(%run_scoped3A_52 : memref<!tpu.dma_semaphore, #tpu.memory_space<semaphore_mem>>) src(%dma_wait3A_72 : memref<128x128xf32, #tpu.memory_space<vmem>>) dst(%dma_wait3A_69 : memref<128x128xf32, #tpu.memory_space<vmem_shared>>)
      tpu.yield
    }) : () -> ()
    %add3A_10 = arith.constant 128 : i32
    %add3A_11 = arith.addi %mul3A_2, %add3A_10 : i32
    "tpu.region"() ({
      %run_scoped3A_52 = tpu.sem_alloc : memref<!tpu.dma_semaphore, #tpu.memory_space<semaphore_mem>>
      %dma_start3A_53 = arith.constant 0 : i32
      %dma_start3A_54 = arith.constant 0 : i32
      %dma_start3A_55 = tpu.memref_slice %arg9[%dma_start3A_53, %dma_start3A_54] : memref<128x128xf32, #tpu.memory_space<vmem>> -> memref<128x128xf32, #tpu.memory_space<vmem>>
      %dma_start3A_56 = arith.constant 0 : i32
      %dma_start3A_57 = tpu.memref_slice %arg10[%add3A_11, %dma_start3A_56] : memref<10112x128xf32, #tpu.memory_space<vmem_shared>> -> memref<128x128xf32, #tpu.memory_space<vmem_shared>>
      %dma_start3A_58 = arith.constant 0 : i32
      %dma_start3A_59 = tpu.memref_slice %arg10[%add3A_11, %dma_start3A_58] : memref<10112x128xf32, #tpu.memory_space<vmem_shared>> -> memref<128x128xf32, #tpu.memory_space<vmem_shared>>
      %dma_start3A_60 = arith.constant 0 : i32
      %dma_start3A_61 = arith.constant 0 : i32
      %dma_start3A_62 = tpu.memref_slice %arg9[%dma_start3A_60, %dma_start3A_61] : memref<128x128xf32, #tpu.memory_space<vmem>> -> memref<128x128xf32, #tpu.memory_space<vmem>>
      tpu.enqueue_dma source(%dma_start3A_62 : memref<128x128xf32, #tpu.memory_space<vmem>>) target(%dma_start3A_59 : memref<128x128xf32, #tpu.memory_space<vmem_shared>>) target_semaphore(%run_scoped3A_52 : memref<!tpu.dma_semaphore, #tpu.memory_space<semaphore_mem>>)
      %dma_wait3A_63 = arith.constant 0 : i32
      %dma_wait3A_64 = arith.constant 0 : i32
      %dma_wait3A_65 = tpu.memref_slice %arg9[%dma_wait3A_63, %dma_wait3A_64] : memref<128x128xf32, #tpu.memory_space<vmem>> -> memref<128x128xf32, #tpu.memory_space<vmem>>
      %dma_wait3A_66 = arith.constant 0 : i32
      %dma_wait3A_67 = tpu.memref_slice %arg10[%add3A_11, %dma_wait3A_66] : memref<10112x128xf32, #tpu.memory_space<vmem_shared>> -> memref<128x128xf32, #tpu.memory_space<vmem_shared>>
      %dma_wait3A_68 = arith.constant 0 : i32
      %dma_wait3A_69 = tpu.memref_slice %arg10[%add3A_11, %dma_wait3A_68] : memref<10112x128xf32, #tpu.memory_space<vmem_shared>> -> memref<128x128xf32, #tpu.memory_space<vmem_shared>>
      %dma_wait3A_70 = arith.constant 0 : i32
      %dma_wait3A_71 = arith.constant 0 : i32
      %dma_wait3A_72 = tpu.memref_slice %arg9[%dma_wait3A_70, %dma_wait3A_71] : memref<128x128xf32, #tpu.memory_space<vmem>> -> memref<128x128xf32, #tpu.memory_space<vmem>>
      tpu.wait_dma2 semaphore(%run_scoped3A_52 : memref<!tpu.dma_semaphore, #tpu.memory_space<semaphore_mem>>) src(%dma_wait3A_72 : memref<128x128xf32, #tpu.memory_space<vmem>>) dst(%dma_wait3A_69 : memref<128x128xf32, #tpu.memory_space<vmem_shared>>)
      tpu.yield
    }) : () -> ()
    %add3A_12 = arith.constant 256 : i32
    %add3A_13 = arith.addi %mul3A_2, %add3A_12 : i32
    "tpu.region"() ({
      %run_scoped3A_52 = tpu.sem_alloc : memref<!tpu.dma_semaphore, #tpu.memory_space<semaphore_mem>>
      %dma_start3A_53 = arith.constant 0 : i32
      %dma_start3A_54 = arith.constant 0 : i32
      %dma_start3A_55 = tpu.memref_slice %arg9[%dma_start3A_53, %dma_start3A_54] : memref<128x128xf32, #tpu.memory_space<vmem>> -> memref<128x128xf32, #tpu.memory_space<vmem>>
      %dma_start3A_56 = arith.constant 0 : i32
      %dma_start3A_57 = tpu.memref_slice %arg10[%add3A_13, %dma_start3A_56] : memref<10112x128xf32, #tpu.memory_space<vmem_shared>> -> memref<128x128xf32, #tpu.memory_space<vmem_shared>>
      %dma_start3A_58 = arith.constant 0 : i32
      %dma_start3A_59 = tpu.memref_slice %arg10[%add3A_13, %dma_start3A_58] : memref<10112x128xf32, #tpu.memory_space<vmem_shared>> -> memref<128x128xf32, #tpu.memory_space<vmem_shared>>
      %dma_start3A_60 = arith.constant 0 : i32
      %dma_start3A_61 = arith.constant 0 : i32
      %dma_start3A_62 = tpu.memref_slice %arg9[%dma_start3A_60, %dma_start3A_61] : memref<128x128xf32, #tpu.memory_space<vmem>> -> memref<128x128xf32, #tpu.memory_space<vmem>>
      tpu.enqueue_dma source(%dma_start3A_62 : memref<128x128xf32, #tpu.memory_space<vmem>>) target(%dma_start3A_59 : memref<128x128xf32, #tpu.memory_space<vmem_shared>>) target_semaphore(%run_scoped3A_52 : memref<!tpu.dma_semaphore, #tpu.memory_space<semaphore_mem>>)
      %dma_wait3A_63 = arith.constant 0 : i32
      %dma_wait3A_64 = arith.constant 0 : i32
      %dma_wait3A_65 = tpu.memref_slice %arg9[%dma_wait3A_63, %dma_wait3A_64] : memref<128x128xf32, #tpu.memory_space<vmem>> -> memref<128x128xf32, #tpu.memory_space<vmem>>
      %dma_wait3A_66 = arith.constant 0 : i32
      %dma_wait3A_67 = tpu.memref_slice %arg10[%add3A_13, %dma_wait3A_66] : memref<10112x128xf32, #tpu.memory_space<vmem_shared>> -> memref<128x128xf32, #tpu.memory_space<vmem_shared>>
      %dma_wait3A_68 = arith.constant 0 : i32
      %dma_wait3A_69 = tpu.memref_slice %arg10[%add3A_13, %dma_wait3A_68] : memref<10112x128xf32, #tpu.memory_space<vmem_shared>> -> memref<128x128xf32, #tpu.memory_space<vmem_shared>>
      %dma_wait3A_70 = arith.constant 0 : i32
      %dma_wait3A_71 = arith.constant 0 : i32
      %dma_wait3A_72 = tpu.memref_slice %arg9[%dma_wait3A_70, %dma_wait3A_71] : memref<128x128xf32, #tpu.memory_space<vmem>> -> memref<128x128xf32, #tpu.memory_space<vmem>>
      tpu.wait_dma2 semaphore(%run_scoped3A_52 : memref<!tpu.dma_semaphore, #tpu.memory_space<semaphore_mem>>) src(%dma_wait3A_72 : memref<128x128xf32, #tpu.memory_space<vmem>>) dst(%dma_wait3A_69 : memref<128x128xf32, #tpu.memory_space<vmem_shared>>)
      tpu.yield
    }) : () -> ()
    %add3A_14 = arith.constant 384 : i32
    %add3A_15 = arith.addi %mul3A_2, %add3A_14 : i32
    "tpu.region"() ({
      %run_scoped3A_52 = tpu.sem_alloc : memref<!tpu.dma_semaphore, #tpu.memory_space<semaphore_mem>>
      %dma_start3A_53 = arith.constant 0 : i32
      %dma_start3A_54 = arith.constant 0 : i32
      %dma_start3A_55 = tpu.memref_slice %arg9[%dma_start3A_53, %dma_start3A_54] : memref<128x128xf32, #tpu.memory_space<vmem>> -> memref<128x128xf32, #tpu.memory_space<vmem>>
      %dma_start3A_56 = arith.constant 0 : i32
      %dma_start3A_57 = tpu.memref_slice %arg10[%add3A_15, %dma_start3A_56] : memref<10112x128xf32, #tpu.memory_space<vmem_shared>> -> memref<128x128xf32, #tpu.memory_space<vmem_shared>>
      %dma_start3A_58 = arith.constant 0 : i32
      %dma_start3A_59 = tpu.memref_slice %arg10[%add3A_15, %dma_start3A_58] : memref<10112x128xf32, #tpu.memory_space<vmem_shared>> -> memref<128x128xf32, #tpu.memory_space<vmem_shared>>
      %dma_start3A_60 = arith.constant 0 : i32
      %dma_start3A_61 = arith.constant 0 : i32
      %dma_start3A_62 = tpu.memref_slice %arg9[%dma_start3A_60, %dma_start3A_61] : memref<128x128xf32, #tpu.memory_space<vmem>> -> memref<128x128xf32, #tpu.memory_space<vmem>>
      tpu.enqueue_dma source(%dma_start3A_62 : memref<128x128xf32, #tpu.memory_space<vmem>>) target(%dma_start3A_59 : memref<128x128xf32, #tpu.memory_space<vmem_shared>>) target_semaphore(%run_scoped3A_52 : memref<!tpu.dma_semaphore, #tpu.memory_space<semaphore_mem>>)
      %dma_wait3A_63 = arith.constant 0 : i32
      %dma_wait3A_64 = arith.constant 0 : i32
      %dma_wait3A_65 = tpu.memref_slice %arg9[%dma_wait3A_63, %dma_wait3A_64] : memref<128x128xf32, #tpu.memory_space<vmem>> -> memref<128x128xf32, #tpu.memory_space<vmem>>
      %dma_wait3A_66 = arith.constant 0 : i32
      %dma_wait3A_67 = tpu.memref_slice %arg10[%add3A_15, %dma_wait3A_66] : memref<10112x128xf32, #tpu.memory_space<vmem_shared>> -> memref<128x128xf32, #tpu.memory_space<vmem_shared>>
      %dma_wait3A_68 = arith.constant 0 : i32
      %dma_wait3A_69 = tpu.memref_slice %arg10[%add3A_15, %dma_wait3A_68] : memref<10112x128xf32, #tpu.memory_space<vmem_shared>> -> memref<128x128xf32, #tpu.memory_space<vmem_shared>>
      %dma_wait3A_70 = arith.constant 0 : i32
      %dma_wait3A_71 = arith.constant 0 : i32
      %dma_wait3A_72 = tpu.memref_slice %arg9[%dma_wait3A_70, %dma_wait3A_71] : memref<128x128xf32, #tpu.memory_space<vmem>> -> memref<128x128xf32, #tpu.memory_space<vmem>>
      tpu.wait_dma2 semaphore(%run_scoped3A_52 : memref<!tpu.dma_semaphore, #tpu.memory_space<semaphore_mem>>) src(%dma_wait3A_72 : memref<128x128xf32, #tpu.memory_space<vmem>>) dst(%dma_wait3A_69 : memref<128x128xf32, #tpu.memory_space<vmem_shared>>)
      tpu.yield
    }) : () -> ()
    %add3A_16 = arith.constant 512 : i32
    %add3A_17 = arith.addi %mul3A_2, %add3A_16 : i32
    "tpu.region"() ({
      %run_scoped3A_52 = tpu.sem_alloc : memref<!tpu.dma_semaphore, #tpu.memory_space<semaphore_mem>>
      %dma_start3A_53 = arith.constant 0 : i32
      %dma_start3A_54 = arith.constant 0 : i32
      %dma_start3A_55 = tpu.memref_slice %arg9[%dma_start3A_53, %dma_start3A_54] : memref<128x128xf32, #tpu.memory_space<vmem>> -> memref<120x128xf32, #tpu.memory_space<vmem>>
      %dma_start3A_56 = arith.constant 0 : i32
      %dma_start3A_57 = tpu.memref_slice %arg10[%add3A_17, %dma_start3A_56] : memref<10112x128xf32, #tpu.memory_space<vmem_shared>> -> memref<120x128xf32, #tpu.memory_space<vmem_shared>>
      %dma_start3A_58 = arith.constant 0 : i32
      %dma_start3A_59 = tpu.memref_slice %arg10[%add3A_17, %dma_start3A_58] : memref<10112x128xf32, #tpu.memory_space<vmem_shared>> -> memref<120x128xf32, #tpu.memory_space<vmem_shared>>
      %dma_start3A_60 = arith.constant 0 : i32
      %dma_start3A_61 = arith.constant 0 : i32
      %dma_start3A_62 = tpu.memref_slice %arg9[%dma_start3A_60, %dma_start3A_61] : memref<128x128xf32, #tpu.memory_space<vmem>> -> memref<120x128xf32, #tpu.memory_space<vmem>>
      tpu.enqueue_dma source(%dma_start3A_62 : memref<120x128xf32, #tpu.memory_space<vmem>>) target(%dma_start3A_59 : memref<120x128xf32, #tpu.memory_space<vmem_shared>>) target_semaphore(%run_scoped3A_52 : memref<!tpu.dma_semaphore, #tpu.memory_space<semaphore_mem>>)
      %dma_wait3A_63 = arith.constant 0 : i32
      %dma_wait3A_64 = arith.constant 0 : i32
      %dma_wait3A_65 = tpu.memref_slice %arg9[%dma_wait3A_63, %dma_wait3A_64] : memref<128x128xf32, #tpu.memory_space<vmem>> -> memref<120x128xf32, #tpu.memory_space<vmem>>
      %dma_wait3A_66 = arith.constant 0 : i32
      %dma_wait3A_67 = tpu.memref_slice %arg10[%add3A_17, %dma_wait3A_66] : memref<10112x128xf32, #tpu.memory_space<vmem_shared>> -> memref<120x128xf32, #tpu.memory_space<vmem_shared>>
      %dma_wait3A_68 = arith.constant 0 : i32
      %dma_wait3A_69 = tpu.memref_slice %arg10[%add3A_17, %dma_wait3A_68] : memref<10112x128xf32, #tpu.memory_space<vmem_shared>> -> memref<120x128xf32, #tpu.memory_space<vmem_shared>>
      %dma_wait3A_70 = arith.constant 0 : i32
      %dma_wait3A_71 = arith.constant 0 : i32
      %dma_wait3A_72 = tpu.memref_slice %arg9[%dma_wait3A_70, %dma_wait3A_71] : memref<128x128xf32, #tpu.memory_space<vmem>> -> memref<120x128xf32, #tpu.memory_space<vmem>>
      tpu.wait_dma2 semaphore(%run_scoped3A_52 : memref<!tpu.dma_semaphore, #tpu.memory_space<semaphore_mem>>) src(%dma_wait3A_72 : memref<120x128xf32, #tpu.memory_space<vmem>>) dst(%dma_wait3A_69 : memref<120x128xf32, #tpu.memory_space<vmem_shared>>)
      tpu.yield
    }) : () -> ()
    %barrier3A = arith.constant 0 : index
    tpu.barrier barrier_id(%barrier3A)
    %mul3A_18 = arith.constant 10112 : i32
    %mul3A_19 = arith.muli %add3A, %mul3A_18 : i32
    %dma_start3A = tpu.memref_slice %arg3[%mul3A_19] : memref<323584xi32, #tpu.memory_space<hbm>> -> memref<128xi32, #tpu.memory_space<hbm>>
    %dma_start3A_20 = tpu.memref_slice %arg3[%mul3A_19] : memref<323584xi32, #tpu.memory_space<hbm>> -> memref<128xi32, #tpu.memory_space<hbm>>
    tpu.enqueue_dma source(%dma_start3A_20 : memref<128xi32, #tpu.memory_space<hbm>>) target(%arg6 : memref<128xi32, #tpu.memory_space<vmem>>) target_semaphore(%arg12 : memref<!tpu.dma_semaphore, #tpu.memory_space<semaphore_mem>>)
    %scan3A_21 = arith.constant 0 : i32
    %scan3A_22 = arith.constant 39 : i32
    %scan3A_23 = arith.addi %scan3A_21, %scan3A_22 : i32
    %scan3A_24 = arith.constant 1 : i32
    scf.for %scan3A_52 = %scan3A_21 to %scan3A_23 step %scan3A_24  : i32 {
      %mul3A_53 = arith.constant 1 : i32
      %mul3A_54 = arith.muli %scan3A_52, %mul3A_53 : i32
      %add3A_55 = arith.constant 0 : i32
      %add3A_56 = arith.addi %add3A_55, %mul3A_54 : i32
      %mul3A_57 = arith.constant 2 : i32
      %mul3A_58 = arith.muli %mul3A_57, %add3A_56 : i32
      %add3A_59 = arith.constant 1 : i32
      %add3A_60 = arith.addi %mul3A_58, %add3A_59 : i32
      %mul3A_61 = arith.constant 128 : i32
      %mul3A_62 = arith.muli %add3A_60, %mul3A_61 : i32
      %add3A_63 = arith.addi %mul3A_19, %mul3A_62 : i32
      %dma_start3A_64 = tpu.memref_slice %arg3[%add3A_63] : memref<323584xi32, #tpu.memory_space<hbm>> -> memref<128xi32, #tpu.memory_space<hbm>>
      %dma_start3A_65 = tpu.memref_slice %arg3[%add3A_63] : memref<323584xi32, #tpu.memory_space<hbm>> -> memref<128xi32, #tpu.memory_space<hbm>>
      tpu.enqueue_dma source(%dma_start3A_65 : memref<128xi32, #tpu.memory_space<hbm>>) target(%arg7 : memref<128xi32, #tpu.memory_space<vmem>>) target_semaphore(%arg13 : memref<!tpu.dma_semaphore, #tpu.memory_space<semaphore_mem>>)
      tpu.wait_dma2 semaphore(%arg12 : memref<!tpu.dma_semaphore, #tpu.memory_space<semaphore_mem>>) src(%arg3 : memref<323584xi32, #tpu.memory_space<hbm>>) dst(%arg6 : memref<128xi32, #tpu.memory_space<vmem>>)
      %dma_start3A_66 = arith.constant 0 : i32
      %dma_start3A_67 = arith.constant 0 : i32
      %dma_start3A_68 = tpu.memref_slice %arg2[%dma_start3A_66, %dma_start3A_67] : memref<10112x128xf32, #tpu.memory_space<hbm>> -> memref<10112x128xf32, #tpu.memory_space<hbm>>
      tpu.enqueue_indirect_dma source(%dma_start3A_68 : memref<10112x128xf32, #tpu.memory_space<hbm>>) target(%arg9 : memref<128x128xf32, #tpu.memory_space<vmem>>) offsets(%arg6 : memref<128xi32, #tpu.memory_space<vmem>>) semaphore(%arg11 : memref<!tpu.dma_semaphore, #tpu.memory_space<semaphore_mem>>)
      %dma_wait3A_69 = arith.constant 0 : i32
      %dma_wait3A_70 = arith.constant 0 : i32
      %dma_wait3A_71 = tpu.memref_slice %arg2[%dma_wait3A_69, %dma_wait3A_70] : memref<10112x128xf32, #tpu.memory_space<hbm>> -> memref<10112x128xf32, #tpu.memory_space<hbm>>
      tpu.wait_indirect_dma semaphore(%arg11 : memref<!tpu.dma_semaphore, #tpu.memory_space<semaphore_mem>>) src(%dma_wait3A_71 : memref<10112x128xf32, #tpu.memory_space<hbm>>) dst(%arg9 : memref<128x128xf32, #tpu.memory_space<vmem>>)
      %mul3A_72 = arith.constant 2 : i32
      %mul3A_73 = arith.muli %mul3A_72, %add3A_56 : i32
      "tpu.region"() ({
        %run_scoped3A_93 = tpu.sem_alloc : memref<!tpu.dma_semaphore, #tpu.memory_space<semaphore_mem>>
        %dma_start3A_94 = arith.constant 0 : i32
        %dma_start3A_95 = tpu.memref_slice %arg8[%mul3A_73, %dma_start3A_94] : memref<79x128xi32, #tpu.memory_space<vmem>> -> memref<1x128xi32, #tpu.memory_space<vmem>>
        %dma_start3A_96 = tpu.memref_squeeze %dma_start3A_95 : memref<1x128xi32, #tpu.memory_space<vmem>> -> memref<128xi32, #tpu.memory_space<vmem>>
        %dma_start3A_97 = arith.constant 0 : i32
        %dma_start3A_98 = arith.constant 0 : i32
        %dma_start3A_99 = tpu.memref_slice %arg10[%dma_start3A_97, %dma_start3A_98] : memref<10112x128xf32, #tpu.memory_space<vmem_shared>> -> memref<10112x128xf32, #tpu.memory_space<vmem_shared>>
        tpu.enqueue_indirect_dma source(%arg9 : memref<128x128xf32, #tpu.memory_space<vmem>>) target(%dma_start3A_99 : memref<10112x128xf32, #tpu.memory_space<vmem_shared>>) offsets(%dma_start3A_96 : memref<128xi32, #tpu.memory_space<vmem>>) semaphore(%run_scoped3A_93 : memref<!tpu.dma_semaphore, #tpu.memory_space<semaphore_mem>>) {add = true}
        %dma_wait3A_100 = arith.constant 0 : i32
        %dma_wait3A_101 = tpu.memref_slice %arg8[%mul3A_73, %dma_wait3A_100] : memref<79x128xi32, #tpu.memory_space<vmem>> -> memref<1x128xi32, #tpu.memory_space<vmem>>
        %dma_wait3A_102 = tpu.memref_squeeze %dma_wait3A_101 : memref<1x128xi32, #tpu.memory_space<vmem>> -> memref<128xi32, #tpu.memory_space<vmem>>
        %dma_wait3A_103 = arith.constant 0 : i32
        %dma_wait3A_104 = arith.constant 0 : i32
        %dma_wait3A_105 = tpu.memref_slice %arg10[%dma_wait3A_103, %dma_wait3A_104] : memref<10112x128xf32, #tpu.memory_space<vmem_shared>> -> memref<10112x128xf32, #tpu.memory_space<vmem_shared>>
        tpu.wait_indirect_dma semaphore(%run_scoped3A_93 : memref<!tpu.dma_semaphore, #tpu.memory_space<semaphore_mem>>) src(%arg9 : memref<128x128xf32, #tpu.memory_space<vmem>>) dst(%dma_wait3A_105 : memref<10112x128xf32, #tpu.memory_space<vmem_shared>>)
        tpu.yield
      }) : () -> ()
      %mul3A_74 = arith.constant 2 : i32
      %mul3A_75 = arith.muli %mul3A_74, %add3A_56 : i32
      %add3A_76 = arith.constant 2 : i32
      %add3A_77 = arith.addi %mul3A_75, %add3A_76 : i32
      %mul3A_78 = arith.constant 128 : i32
      %mul3A_79 = arith.muli %add3A_77, %mul3A_78 : i32
      %add3A_80 = arith.addi %mul3A_19, %mul3A_79 : i32
      %dma_start3A_81 = tpu.memref_slice %arg3[%add3A_80] : memref<323584xi32, #tpu.memory_space<hbm>> -> memref<128xi32, #tpu.memory_space<hbm>>
      %dma_start3A_82 = tpu.memref_slice %arg3[%add3A_80] : memref<323584xi32, #tpu.memory_space<hbm>> -> memref<128xi32, #tpu.memory_space<hbm>>
      tpu.enqueue_dma source(%dma_start3A_82 : memref<128xi32, #tpu.memory_space<hbm>>) target(%arg6 : memref<128xi32, #tpu.memory_space<vmem>>) target_semaphore(%arg12 : memref<!tpu.dma_semaphore, #tpu.memory_space<semaphore_mem>>)
      tpu.wait_dma2 semaphore(%arg13 : memref<!tpu.dma_semaphore, #tpu.memory_space<semaphore_mem>>) src(%arg3 : memref<323584xi32, #tpu.memory_space<hbm>>) dst(%arg7 : memref<128xi32, #tpu.memory_space<vmem>>)
      %dma_start3A_83 = arith.constant 0 : i32
      %dma_start3A_84 = arith.constant 0 : i32
      %dma_start3A_85 = tpu.memref_slice %arg2[%dma_start3A_83, %dma_start3A_84] : memref<10112x128xf32, #tpu.memory_space<hbm>> -> memref<10112x128xf32, #tpu.memory_space<hbm>>
      tpu.enqueue_indirect_dma source(%dma_start3A_85 : memref<10112x128xf32, #tpu.memory_space<hbm>>) target(%arg9 : memref<128x128xf32, #tpu.memory_space<vmem>>) offsets(%arg7 : memref<128xi32, #tpu.memory_space<vmem>>) semaphore(%arg11 : memref<!tpu.dma_semaphore, #tpu.memory_space<semaphore_mem>>)
      %dma_wait3A_86 = arith.constant 0 : i32
      %dma_wait3A_87 = arith.constant 0 : i32
      %dma_wait3A_88 = tpu.memref_slice %arg2[%dma_wait3A_86, %dma_wait3A_87] : memref<10112x128xf32, #tpu.memory_space<hbm>> -> memref<10112x128xf32, #tpu.memory_space<hbm>>
      tpu.wait_indirect_dma semaphore(%arg11 : memref<!tpu.dma_semaphore, #tpu.memory_space<semaphore_mem>>) src(%dma_wait3A_88 : memref<10112x128xf32, #tpu.memory_space<hbm>>) dst(%arg9 : memref<128x128xf32, #tpu.memory_space<vmem>>)
      %mul3A_89 = arith.constant 2 : i32
      %mul3A_90 = arith.muli %mul3A_89, %add3A_56 : i32
      %add3A_91 = arith.constant 1 : i32
      %add3A_92 = arith.addi %mul3A_90, %add3A_91 : i32
      "tpu.region"() ({
        %run_scoped3A_93 = tpu.sem_alloc : memref<!tpu.dma_semaphore, #tpu.memory_space<semaphore_mem>>
        %dma_start3A_94 = arith.constant 0 : i32
        %dma_start3A_95 = tpu.memref_slice %arg8[%add3A_92, %dma_start3A_94] : memref<79x128xi32, #tpu.memory_space<vmem>> -> memref<1x128xi32, #tpu.memory_space<vmem>>
        %dma_start3A_96 = tpu.memref_squeeze %dma_start3A_95 : memref<1x128xi32, #tpu.memory_space<vmem>> -> memref<128xi32, #tpu.memory_space<vmem>>
        %dma_start3A_97 = arith.constant 0 : i32
        %dma_start3A_98 = arith.constant 0 : i32
        %dma_start3A_99 = tpu.memref_slice %arg10[%dma_start3A_97, %dma_start3A_98] : memref<10112x128xf32, #tpu.memory_space<vmem_shared>> -> memref<10112x128xf32, #tpu.memory_space<vmem_shared>>
        tpu.enqueue_indirect_dma source(%arg9 : memref<128x128xf32, #tpu.memory_space<vmem>>) target(%dma_start3A_99 : memref<10112x128xf32, #tpu.memory_space<vmem_shared>>) offsets(%dma_start3A_96 : memref<128xi32, #tpu.memory_space<vmem>>) semaphore(%run_scoped3A_93 : memref<!tpu.dma_semaphore, #tpu.memory_space<semaphore_mem>>) {add = true}
        %dma_wait3A_100 = arith.constant 0 : i32
        %dma_wait3A_101 = tpu.memref_slice %arg8[%add3A_92, %dma_wait3A_100] : memref<79x128xi32, #tpu.memory_space<vmem>> -> memref<1x128xi32, #tpu.memory_space<vmem>>
        %dma_wait3A_102 = tpu.memref_squeeze %dma_wait3A_101 : memref<1x128xi32, #tpu.memory_space<vmem>> -> memref<128xi32, #tpu.memory_space<vmem>>
        %dma_wait3A_103 = arith.constant 0 : i32
        %dma_wait3A_104 = arith.constant 0 : i32
        %dma_wait3A_105 = tpu.memref_slice %arg10[%dma_wait3A_103, %dma_wait3A_104] : memref<10112x128xf32, #tpu.memory_space<vmem_shared>> -> memref<10112x128xf32, #tpu.memory_space<vmem_shared>>
        tpu.wait_indirect_dma semaphore(%run_scoped3A_93 : memref<!tpu.dma_semaphore, #tpu.memory_space<semaphore_mem>>) src(%arg9 : memref<128x128xf32, #tpu.memory_space<vmem>>) dst(%dma_wait3A_105 : memref<10112x128xf32, #tpu.memory_space<vmem_shared>>)
        tpu.yield
      }) : () -> ()
    }
    %scan3A_25 = arith.constant 39 : i32
    tpu.wait_dma2 semaphore(%arg12 : memref<!tpu.dma_semaphore, #tpu.memory_space<semaphore_mem>>) src(%arg3 : memref<323584xi32, #tpu.memory_space<hbm>>) dst(%arg6 : memref<128xi32, #tpu.memory_space<vmem>>)
    %dma_start3A_26 = arith.constant 0 : i32
    %dma_start3A_27 = arith.constant 0 : i32
    %dma_start3A_28 = tpu.memref_slice %arg2[%dma_start3A_26, %dma_start3A_27] : memref<10112x128xf32, #tpu.memory_space<hbm>> -> memref<10112x128xf32, #tpu.memory_space<hbm>>
    tpu.enqueue_indirect_dma source(%dma_start3A_28 : memref<10112x128xf32, #tpu.memory_space<hbm>>) target(%arg9 : memref<128x128xf32, #tpu.memory_space<vmem>>) offsets(%arg6 : memref<128xi32, #tpu.memory_space<vmem>>) semaphore(%arg11 : memref<!tpu.dma_semaphore, #tpu.memory_space<semaphore_mem>>)
    %dma_wait3A = arith.constant 0 : i32
    %dma_wait3A_29 = arith.constant 0 : i32
    %dma_wait3A_30 = tpu.memref_slice %arg2[%dma_wait3A, %dma_wait3A_29] : memref<10112x128xf32, #tpu.memory_space<hbm>> -> memref<10112x128xf32, #tpu.memory_space<hbm>>
    tpu.wait_indirect_dma semaphore(%arg11 : memref<!tpu.dma_semaphore, #tpu.memory_space<semaphore_mem>>) src(%dma_wait3A_30 : memref<10112x128xf32, #tpu.memory_space<hbm>>) dst(%arg9 : memref<128x128xf32, #tpu.memory_space<vmem>>)
    %run_scoped3A = arith.constant 78 : i32
    "tpu.region"() ({
      %run_scoped3A_52 = tpu.sem_alloc : memref<!tpu.dma_semaphore, #tpu.memory_space<semaphore_mem>>
      %dma_start3A_53 = arith.constant 0 : i32
      %dma_start3A_54 = tpu.memref_slice %arg8[%run_scoped3A, %dma_start3A_53] : memref<79x128xi32, #tpu.memory_space<vmem>> -> memref<1x128xi32, #tpu.memory_space<vmem>>
      %dma_start3A_55 = tpu.memref_squeeze %dma_start3A_54 : memref<1x128xi32, #tpu.memory_space<vmem>> -> memref<128xi32, #tpu.memory_space<vmem>>
      %dma_start3A_56 = arith.constant 0 : i32
      %dma_start3A_57 = arith.constant 0 : i32
      %dma_start3A_58 = tpu.memref_slice %arg10[%dma_start3A_56, %dma_start3A_57] : memref<10112x128xf32, #tpu.memory_space<vmem_shared>> -> memref<10112x128xf32, #tpu.memory_space<vmem_shared>>
      tpu.enqueue_indirect_dma source(%arg9 : memref<128x128xf32, #tpu.memory_space<vmem>>) target(%dma_start3A_58 : memref<10112x128xf32, #tpu.memory_space<vmem_shared>>) offsets(%dma_start3A_55 : memref<128xi32, #tpu.memory_space<vmem>>) semaphore(%run_scoped3A_52 : memref<!tpu.dma_semaphore, #tpu.memory_space<semaphore_mem>>) {add = true}
      %dma_wait3A_59 = arith.constant 0 : i32
      %dma_wait3A_60 = tpu.memref_slice %arg8[%run_scoped3A, %dma_wait3A_59] : memref<79x128xi32, #tpu.memory_space<vmem>> -> memref<1x128xi32, #tpu.memory_space<vmem>>
      %dma_wait3A_61 = tpu.memref_squeeze %dma_wait3A_60 : memref<1x128xi32, #tpu.memory_space<vmem>> -> memref<128xi32, #tpu.memory_space<vmem>>
      %dma_wait3A_62 = arith.constant 0 : i32
      %dma_wait3A_63 = arith.constant 0 : i32
      %dma_wait3A_64 = tpu.memref_slice %arg10[%dma_wait3A_62, %dma_wait3A_63] : memref<10112x128xf32, #tpu.memory_space<vmem_shared>> -> memref<10112x128xf32, #tpu.memory_space<vmem_shared>>
      tpu.wait_indirect_dma semaphore(%run_scoped3A_52 : memref<!tpu.dma_semaphore, #tpu.memory_space<semaphore_mem>>) src(%arg9 : memref<128x128xf32, #tpu.memory_space<vmem>>) dst(%dma_wait3A_64 : memref<10112x128xf32, #tpu.memory_space<vmem_shared>>)
      tpu.yield
    }) : () -> ()
    %barrier3A_31 = arith.constant 0 : index
    tpu.barrier barrier_id(%barrier3A_31)
    %add3A_32 = arith.constant 0 : i32
    %add3A_33 = arith.addi %mul3A_2, %add3A_32 : i32
    "tpu.region"() ({
      %run_scoped3A_52 = tpu.sem_alloc : memref<!tpu.dma_semaphore, #tpu.memory_space<semaphore_mem>>
      %dma_start3A_53 = arith.constant 0 : i32
      %dma_start3A_54 = arith.constant 0 : i32
      %dma_start3A_55 = tpu.memref_slice %arg9[%dma_start3A_53, %dma_start3A_54] : memref<128x128xf32, #tpu.memory_space<vmem>> -> memref<128x128xf32, #tpu.memory_space<vmem>>
      %dma_start3A_56 = arith.constant 0 : i32
      %dma_start3A_57 = tpu.memref_slice %arg10[%add3A_33, %dma_start3A_56] : memref<10112x128xf32, #tpu.memory_space<vmem_shared>> -> memref<128x128xf32, #tpu.memory_space<vmem_shared>>
      %dma_start3A_58 = arith.constant 0 : i32
      %dma_start3A_59 = arith.constant 0 : i32
      %dma_start3A_60 = tpu.memref_slice %arg9[%dma_start3A_58, %dma_start3A_59] : memref<128x128xf32, #tpu.memory_space<vmem>> -> memref<128x128xf32, #tpu.memory_space<vmem>>
      %dma_start3A_61 = arith.constant 0 : i32
      %dma_start3A_62 = tpu.memref_slice %arg10[%add3A_33, %dma_start3A_61] : memref<10112x128xf32, #tpu.memory_space<vmem_shared>> -> memref<128x128xf32, #tpu.memory_space<vmem_shared>>
      tpu.enqueue_dma source(%dma_start3A_62 : memref<128x128xf32, #tpu.memory_space<vmem_shared>>) target(%dma_start3A_60 : memref<128x128xf32, #tpu.memory_space<vmem>>) target_semaphore(%run_scoped3A_52 : memref<!tpu.dma_semaphore, #tpu.memory_space<semaphore_mem>>)
      %dma_wait3A_63 = arith.constant 0 : i32
      %dma_wait3A_64 = arith.constant 0 : i32
      %dma_wait3A_65 = tpu.memref_slice %arg9[%dma_wait3A_63, %dma_wait3A_64] : memref<128x128xf32, #tpu.memory_space<vmem>> -> memref<128x128xf32, #tpu.memory_space<vmem>>
      %dma_wait3A_66 = arith.constant 0 : i32
      %dma_wait3A_67 = tpu.memref_slice %arg10[%add3A_33, %dma_wait3A_66] : memref<10112x128xf32, #tpu.memory_space<vmem_shared>> -> memref<128x128xf32, #tpu.memory_space<vmem_shared>>
      %dma_wait3A_68 = arith.constant 0 : i32
      %dma_wait3A_69 = arith.constant 0 : i32
      %dma_wait3A_70 = tpu.memref_slice %arg9[%dma_wait3A_68, %dma_wait3A_69] : memref<128x128xf32, #tpu.memory_space<vmem>> -> memref<128x128xf32, #tpu.memory_space<vmem>>
      %dma_wait3A_71 = arith.constant 0 : i32
      %dma_wait3A_72 = tpu.memref_slice %arg10[%add3A_33, %dma_wait3A_71] : memref<10112x128xf32, #tpu.memory_space<vmem_shared>> -> memref<128x128xf32, #tpu.memory_space<vmem_shared>>
      tpu.wait_dma2 semaphore(%run_scoped3A_52 : memref<!tpu.dma_semaphore, #tpu.memory_space<semaphore_mem>>) src(%dma_wait3A_72 : memref<128x128xf32, #tpu.memory_space<vmem_shared>>) dst(%dma_wait3A_70 : memref<128x128xf32, #tpu.memory_space<vmem>>)
      tpu.yield
    }) : () -> ()
    %add3A_34 = arith.constant 0 : i32
    %add3A_35 = arith.addi %mul3A_2, %add3A_34 : i32
    "tpu.region"() ({
      %run_scoped3A_52 = tpu.sem_alloc : memref<!tpu.dma_semaphore, #tpu.memory_space<semaphore_mem>>
      %dma_start3A_53 = arith.constant 0 : i32
      %dma_start3A_54 = arith.constant 0 : i32
      %dma_start3A_55 = tpu.memref_slice %arg9[%dma_start3A_53, %dma_start3A_54] : memref<128x128xf32, #tpu.memory_space<vmem>> -> memref<128x128xf32, #tpu.memory_space<vmem>>
      %dma_start3A_56 = arith.constant 0 : i32
      %dma_start3A_57 = tpu.memref_slice %arg5[%arg0, %add3A_35, %dma_start3A_56] : memref<2x10112x128xf32, #tpu.memory_space<hbm>> -> memref<1x128x128xf32, #tpu.memory_space<hbm>>
      %dma_start3A_58 = tpu.memref_squeeze %dma_start3A_57 : memref<1x128x128xf32, #tpu.memory_space<hbm>> -> memref<128x128xf32, #tpu.memory_space<hbm>>
      %dma_start3A_59 = arith.constant 0 : i32
      %dma_start3A_60 = tpu.memref_slice %arg5[%arg0, %add3A_35, %dma_start3A_59] : memref<2x10112x128xf32, #tpu.memory_space<hbm>> -> memref<1x128x128xf32, #tpu.memory_space<hbm>>
      %dma_start3A_61 = tpu.memref_squeeze %dma_start3A_60 : memref<1x128x128xf32, #tpu.memory_space<hbm>> -> memref<128x128xf32, #tpu.memory_space<hbm>>
      %dma_start3A_62 = arith.constant 0 : i32
      %dma_start3A_63 = arith.constant 0 : i32
      %dma_start3A_64 = tpu.memref_slice %arg9[%dma_start3A_62, %dma_start3A_63] : memref<128x128xf32, #tpu.memory_space<vmem>> -> memref<128x128xf32, #tpu.memory_space<vmem>>
      tpu.enqueue_dma source(%dma_start3A_64 : memref<128x128xf32, #tpu.memory_space<vmem>>) target(%dma_start3A_61 : memref<128x128xf32, #tpu.memory_space<hbm>>) target_semaphore(%run_scoped3A_52 : memref<!tpu.dma_semaphore, #tpu.memory_space<semaphore_mem>>)
      %dma_wait3A_65 = arith.constant 0 : i32
      %dma_wait3A_66 = arith.constant 0 : i32
      %dma_wait3A_67 = tpu.memref_slice %arg9[%dma_wait3A_65, %dma_wait3A_66] : memref<128x128xf32, #tpu.memory_space<vmem>> -> memref<128x128xf32, #tpu.memory_space<vmem>>
      %dma_wait3A_68 = arith.constant 0 : i32
      %dma_wait3A_69 = tpu.memref_slice %arg5[%arg0, %add3A_35, %dma_wait3A_68] : memref<2x10112x128xf32, #tpu.memory_space<hbm>> -> memref<1x128x128xf32, #tpu.memory_space<hbm>>
      %dma_wait3A_70 = tpu.memref_squeeze %dma_wait3A_69 : memref<1x128x128xf32, #tpu.memory_space<hbm>> -> memref<128x128xf32, #tpu.memory_space<hbm>>
      %dma_wait3A_71 = arith.constant 0 : i32
      %dma_wait3A_72 = tpu.memref_slice %arg5[%arg0, %add3A_35, %dma_wait3A_71] : memref<2x10112x128xf32, #tpu.memory_space<hbm>> -> memref<1x128x128xf32, #tpu.memory_space<hbm>>
      %dma_wait3A_73 = tpu.memref_squeeze %dma_wait3A_72 : memref<1x128x128xf32, #tpu.memory_space<hbm>> -> memref<128x128xf32, #tpu.memory_space<hbm>>
      %dma_wait3A_74 = arith.constant 0 : i32
      %dma_wait3A_75 = arith.constant 0 : i32
      %dma_wait3A_76 = tpu.memref_slice %arg9[%dma_wait3A_74, %dma_wait3A_75] : memref<128x128xf32, #tpu.memory_space<vmem>> -> memref<128x128xf32, #tpu.memory_space<vmem>>
      tpu.wait_dma2 semaphore(%run_scoped3A_52 : memref<!tpu.dma_semaphore, #tpu.memory_space<semaphore_mem>>) src(%dma_wait3A_76 : memref<128x128xf32, #tpu.memory_space<vmem>>) dst(%dma_wait3A_73 : memref<128x128xf32, #tpu.memory_space<hbm>>)
      tpu.yield
    }) : () -> ()
    %add3A_36 = arith.constant 128 : i32
    %add3A_37 = arith.addi %mul3A_2, %add3A_36 : i32
    "tpu.region"() ({
      %run_scoped3A_52 = tpu.sem_alloc : memref<!tpu.dma_semaphore, #tpu.memory_space<semaphore_mem>>
      %dma_start3A_53 = arith.constant 0 : i32
      %dma_start3A_54 = arith.constant 0 : i32
      %dma_start3A_55 = tpu.memref_slice %arg9[%dma_start3A_53, %dma_start3A_54] : memref<128x128xf32, #tpu.memory_space<vmem>> -> memref<128x128xf32, #tpu.memory_space<vmem>>
      %dma_start3A_56 = arith.constant 0 : i32
      %dma_start3A_57 = tpu.memref_slice %arg10[%add3A_37, %dma_start3A_56] : memref<10112x128xf32, #tpu.memory_space<vmem_shared>> -> memref<128x128xf32, #tpu.memory_space<vmem_shared>>
      %dma_start3A_58 = arith.constant 0 : i32
      %dma_start3A_59 = arith.constant 0 : i32
      %dma_start3A_60 = tpu.memref_slice %arg9[%dma_start3A_58, %dma_start3A_59] : memref<128x128xf32, #tpu.memory_space<vmem>> -> memref<128x128xf32, #tpu.memory_space<vmem>>
      %dma_start3A_61 = arith.constant 0 : i32
      %dma_start3A_62 = tpu.memref_slice %arg10[%add3A_37, %dma_start3A_61] : memref<10112x128xf32, #tpu.memory_space<vmem_shared>> -> memref<128x128xf32, #tpu.memory_space<vmem_shared>>
      tpu.enqueue_dma source(%dma_start3A_62 : memref<128x128xf32, #tpu.memory_space<vmem_shared>>) target(%dma_start3A_60 : memref<128x128xf32, #tpu.memory_space<vmem>>) target_semaphore(%run_scoped3A_52 : memref<!tpu.dma_semaphore, #tpu.memory_space<semaphore_mem>>)
      %dma_wait3A_63 = arith.constant 0 : i32
      %dma_wait3A_64 = arith.constant 0 : i32
      %dma_wait3A_65 = tpu.memref_slice %arg9[%dma_wait3A_63, %dma_wait3A_64] : memref<128x128xf32, #tpu.memory_space<vmem>> -> memref<128x128xf32, #tpu.memory_space<vmem>>
      %dma_wait3A_66 = arith.constant 0 : i32
      %dma_wait3A_67 = tpu.memref_slice %arg10[%add3A_37, %dma_wait3A_66] : memref<10112x128xf32, #tpu.memory_space<vmem_shared>> -> memref<128x128xf32, #tpu.memory_space<vmem_shared>>
      %dma_wait3A_68 = arith.constant 0 : i32
      %dma_wait3A_69 = arith.constant 0 : i32
      %dma_wait3A_70 = tpu.memref_slice %arg9[%dma_wait3A_68, %dma_wait3A_69] : memref<128x128xf32, #tpu.memory_space<vmem>> -> memref<128x128xf32, #tpu.memory_space<vmem>>
      %dma_wait3A_71 = arith.constant 0 : i32
      %dma_wait3A_72 = tpu.memref_slice %arg10[%add3A_37, %dma_wait3A_71] : memref<10112x128xf32, #tpu.memory_space<vmem_shared>> -> memref<128x128xf32, #tpu.memory_space<vmem_shared>>
      tpu.wait_dma2 semaphore(%run_scoped3A_52 : memref<!tpu.dma_semaphore, #tpu.memory_space<semaphore_mem>>) src(%dma_wait3A_72 : memref<128x128xf32, #tpu.memory_space<vmem_shared>>) dst(%dma_wait3A_70 : memref<128x128xf32, #tpu.memory_space<vmem>>)
      tpu.yield
    }) : () -> ()
    %add3A_38 = arith.constant 128 : i32
    %add3A_39 = arith.addi %mul3A_2, %add3A_38 : i32
    "tpu.region"() ({
      %run_scoped3A_52 = tpu.sem_alloc : memref<!tpu.dma_semaphore, #tpu.memory_space<semaphore_mem>>
      %dma_start3A_53 = arith.constant 0 : i32
      %dma_start3A_54 = arith.constant 0 : i32
      %dma_start3A_55 = tpu.memref_slice %arg9[%dma_start3A_53, %dma_start3A_54] : memref<128x128xf32, #tpu.memory_space<vmem>> -> memref<128x128xf32, #tpu.memory_space<vmem>>
      %dma_start3A_56 = arith.constant 0 : i32
      %dma_start3A_57 = tpu.memref_slice %arg5[%arg0, %add3A_39, %dma_start3A_56] : memref<2x10112x128xf32, #tpu.memory_space<hbm>> -> memref<1x128x128xf32, #tpu.memory_space<hbm>>
      %dma_start3A_58 = tpu.memref_squeeze %dma_start3A_57 : memref<1x128x128xf32, #tpu.memory_space<hbm>> -> memref<128x128xf32, #tpu.memory_space<hbm>>
      %dma_start3A_59 = arith.constant 0 : i32
      %dma_start3A_60 = tpu.memref_slice %arg5[%arg0, %add3A_39, %dma_start3A_59] : memref<2x10112x128xf32, #tpu.memory_space<hbm>> -> memref<1x128x128xf32, #tpu.memory_space<hbm>>
      %dma_start3A_61 = tpu.memref_squeeze %dma_start3A_60 : memref<1x128x128xf32, #tpu.memory_space<hbm>> -> memref<128x128xf32, #tpu.memory_space<hbm>>
      %dma_start3A_62 = arith.constant 0 : i32
      %dma_start3A_63 = arith.constant 0 : i32
      %dma_start3A_64 = tpu.memref_slice %arg9[%dma_start3A_62, %dma_start3A_63] : memref<128x128xf32, #tpu.memory_space<vmem>> -> memref<128x128xf32, #tpu.memory_space<vmem>>
      tpu.enqueue_dma source(%dma_start3A_64 : memref<128x128xf32, #tpu.memory_space<vmem>>) target(%dma_start3A_61 : memref<128x128xf32, #tpu.memory_space<hbm>>) target_semaphore(%run_scoped3A_52 : memref<!tpu.dma_semaphore, #tpu.memory_space<semaphore_mem>>)
      %dma_wait3A_65 = arith.constant 0 : i32
      %dma_wait3A_66 = arith.constant 0 : i32
      %dma_wait3A_67 = tpu.memref_slice %arg9[%dma_wait3A_65, %dma_wait3A_66] : memref<128x128xf32, #tpu.memory_space<vmem>> -> memref<128x128xf32, #tpu.memory_space<vmem>>
      %dma_wait3A_68 = arith.constant 0 : i32
      %dma_wait3A_69 = tpu.memref_slice %arg5[%arg0, %add3A_39, %dma_wait3A_68] : memref<2x10112x128xf32, #tpu.memory_space<hbm>> -> memref<1x128x128xf32, #tpu.memory_space<hbm>>
      %dma_wait3A_70 = tpu.memref_squeeze %dma_wait3A_69 : memref<1x128x128xf32, #tpu.memory_space<hbm>> -> memref<128x128xf32, #tpu.memory_space<hbm>>
      %dma_wait3A_71 = arith.constant 0 : i32
      %dma_wait3A_72 = tpu.memref_slice %arg5[%arg0, %add3A_39, %dma_wait3A_71] : memref<2x10112x128xf32, #tpu.memory_space<hbm>> -> memref<1x128x128xf32, #tpu.memory_space<hbm>>
      %dma_wait3A_73 = tpu.memref_squeeze %dma_wait3A_72 : memref<1x128x128xf32, #tpu.memory_space<hbm>> -> memref<128x128xf32, #tpu.memory_space<hbm>>
      %dma_wait3A_74 = arith.constant 0 : i32
      %dma_wait3A_75 = arith.constant 0 : i32
      %dma_wait3A_76 = tpu.memref_slice %arg9[%dma_wait3A_74, %dma_wait3A_75] : memref<128x128xf32, #tpu.memory_space<vmem>> -> memref<128x128xf32, #tpu.memory_space<vmem>>
      tpu.wait_dma2 semaphore(%run_scoped3A_52 : memref<!tpu.dma_semaphore, #tpu.memory_space<semaphore_mem>>) src(%dma_wait3A_76 : memref<128x128xf32, #tpu.memory_space<vmem>>) dst(%dma_wait3A_73 : memref<128x128xf32, #tpu.memory_space<hbm>>)
      tpu.yield
    }) : () -> ()
    %add3A_40 = arith.constant 256 : i32
    %add3A_41 = arith.addi %mul3A_2, %add3A_40 : i32
    "tpu.region"() ({
      %run_scoped3A_52 = tpu.sem_alloc : memref<!tpu.dma_semaphore, #tpu.memory_space<semaphore_mem>>
      %dma_start3A_53 = arith.constant 0 : i32
      %dma_start3A_54 = arith.constant 0 : i32
      %dma_start3A_55 = tpu.memref_slice %arg9[%dma_start3A_53, %dma_start3A_54] : memref<128x128xf32, #tpu.memory_space<vmem>> -> memref<128x128xf32, #tpu.memory_space<vmem>>
      %dma_start3A_56 = arith.constant 0 : i32
      %dma_start3A_57 = tpu.memref_slice %arg10[%add3A_41, %dma_start3A_56] : memref<10112x128xf32, #tpu.memory_space<vmem_shared>> -> memref<128x128xf32, #tpu.memory_space<vmem_shared>>
      %dma_start3A_58 = arith.constant 0 : i32
      %dma_start3A_59 = arith.constant 0 : i32
      %dma_start3A_60 = tpu.memref_slice %arg9[%dma_start3A_58, %dma_start3A_59] : memref<128x128xf32, #tpu.memory_space<vmem>> -> memref<128x128xf32, #tpu.memory_space<vmem>>
      %dma_start3A_61 = arith.constant 0 : i32
      %dma_start3A_62 = tpu.memref_slice %arg10[%add3A_41, %dma_start3A_61] : memref<10112x128xf32, #tpu.memory_space<vmem_shared>> -> memref<128x128xf32, #tpu.memory_space<vmem_shared>>
      tpu.enqueue_dma source(%dma_start3A_62 : memref<128x128xf32, #tpu.memory_space<vmem_shared>>) target(%dma_start3A_60 : memref<128x128xf32, #tpu.memory_space<vmem>>) target_semaphore(%run_scoped3A_52 : memref<!tpu.dma_semaphore, #tpu.memory_space<semaphore_mem>>)
      %dma_wait3A_63 = arith.constant 0 : i32
      %dma_wait3A_64 = arith.constant 0 : i32
      %dma_wait3A_65 = tpu.memref_slice %arg9[%dma_wait3A_63, %dma_wait3A_64] : memref<128x128xf32, #tpu.memory_space<vmem>> -> memref<128x128xf32, #tpu.memory_space<vmem>>
      %dma_wait3A_66 = arith.constant 0 : i32
      %dma_wait3A_67 = tpu.memref_slice %arg10[%add3A_41, %dma_wait3A_66] : memref<10112x128xf32, #tpu.memory_space<vmem_shared>> -> memref<128x128xf32, #tpu.memory_space<vmem_shared>>
      %dma_wait3A_68 = arith.constant 0 : i32
      %dma_wait3A_69 = arith.constant 0 : i32
      %dma_wait3A_70 = tpu.memref_slice %arg9[%dma_wait3A_68, %dma_wait3A_69] : memref<128x128xf32, #tpu.memory_space<vmem>> -> memref<128x128xf32, #tpu.memory_space<vmem>>
      %dma_wait3A_71 = arith.constant 0 : i32
      %dma_wait3A_72 = tpu.memref_slice %arg10[%add3A_41, %dma_wait3A_71] : memref<10112x128xf32, #tpu.memory_space<vmem_shared>> -> memref<128x128xf32, #tpu.memory_space<vmem_shared>>
      tpu.wait_dma2 semaphore(%run_scoped3A_52 : memref<!tpu.dma_semaphore, #tpu.memory_space<semaphore_mem>>) src(%dma_wait3A_72 : memref<128x128xf32, #tpu.memory_space<vmem_shared>>) dst(%dma_wait3A_70 : memref<128x128xf32, #tpu.memory_space<vmem>>)
      tpu.yield
    }) : () -> ()
    %add3A_42 = arith.constant 256 : i32
    %add3A_43 = arith.addi %mul3A_2, %add3A_42 : i32
    "tpu.region"() ({
      %run_scoped3A_52 = tpu.sem_alloc : memref<!tpu.dma_semaphore, #tpu.memory_space<semaphore_mem>>
      %dma_start3A_53 = arith.constant 0 : i32
      %dma_start3A_54 = arith.constant 0 : i32
      %dma_start3A_55 = tpu.memref_slice %arg9[%dma_start3A_53, %dma_start3A_54] : memref<128x128xf32, #tpu.memory_space<vmem>> -> memref<128x128xf32, #tpu.memory_space<vmem>>
      %dma_start3A_56 = arith.constant 0 : i32
      %dma_start3A_57 = tpu.memref_slice %arg5[%arg0, %add3A_43, %dma_start3A_56] : memref<2x10112x128xf32, #tpu.memory_space<hbm>> -> memref<1x128x128xf32, #tpu.memory_space<hbm>>
      %dma_start3A_58 = tpu.memref_squeeze %dma_start3A_57 : memref<1x128x128xf32, #tpu.memory_space<hbm>> -> memref<128x128xf32, #tpu.memory_space<hbm>>
      %dma_start3A_59 = arith.constant 0 : i32
      %dma_start3A_60 = tpu.memref_slice %arg5[%arg0, %add3A_43, %dma_start3A_59] : memref<2x10112x128xf32, #tpu.memory_space<hbm>> -> memref<1x128x128xf32, #tpu.memory_space<hbm>>
      %dma_start3A_61 = tpu.memref_squeeze %dma_start3A_60 : memref<1x128x128xf32, #tpu.memory_space<hbm>> -> memref<128x128xf32, #tpu.memory_space<hbm>>
      %dma_start3A_62 = arith.constant 0 : i32
      %dma_start3A_63 = arith.constant 0 : i32
      %dma_start3A_64 = tpu.memref_slice %arg9[%dma_start3A_62, %dma_start3A_63] : memref<128x128xf32, #tpu.memory_space<vmem>> -> memref<128x128xf32, #tpu.memory_space<vmem>>
      tpu.enqueue_dma source(%dma_start3A_64 : memref<128x128xf32, #tpu.memory_space<vmem>>) target(%dma_start3A_61 : memref<128x128xf32, #tpu.memory_space<hbm>>) target_semaphore(%run_scoped3A_52 : memref<!tpu.dma_semaphore, #tpu.memory_space<semaphore_mem>>)
      %dma_wait3A_65 = arith.constant 0 : i32
      %dma_wait3A_66 = arith.constant 0 : i32
      %dma_wait3A_67 = tpu.memref_slice %arg9[%dma_wait3A_65, %dma_wait3A_66] : memref<128x128xf32, #tpu.memory_space<vmem>> -> memref<128x128xf32, #tpu.memory_space<vmem>>
      %dma_wait3A_68 = arith.constant 0 : i32
      %dma_wait3A_69 = tpu.memref_slice %arg5[%arg0, %add3A_43, %dma_wait3A_68] : memref<2x10112x128xf32, #tpu.memory_space<hbm>> -> memref<1x128x128xf32, #tpu.memory_space<hbm>>
      %dma_wait3A_70 = tpu.memref_squeeze %dma_wait3A_69 : memref<1x128x128xf32, #tpu.memory_space<hbm>> -> memref<128x128xf32, #tpu.memory_space<hbm>>
      %dma_wait3A_71 = arith.constant 0 : i32
      %dma_wait3A_72 = tpu.memref_slice %arg5[%arg0, %add3A_43, %dma_wait3A_71] : memref<2x10112x128xf32, #tpu.memory_space<hbm>> -> memref<1x128x128xf32, #tpu.memory_space<hbm>>
      %dma_wait3A_73 = tpu.memref_squeeze %dma_wait3A_72 : memref<1x128x128xf32, #tpu.memory_space<hbm>> -> memref<128x128xf32, #tpu.memory_space<hbm>>
      %dma_wait3A_74 = arith.constant 0 : i32
      %dma_wait3A_75 = arith.constant 0 : i32
      %dma_wait3A_76 = tpu.memref_slice %arg9[%dma_wait3A_74, %dma_wait3A_75] : memref<128x128xf32, #tpu.memory_space<vmem>> -> memref<128x128xf32, #tpu.memory_space<vmem>>
      tpu.wait_dma2 semaphore(%run_scoped3A_52 : memref<!tpu.dma_semaphore, #tpu.memory_space<semaphore_mem>>) src(%dma_wait3A_76 : memref<128x128xf32, #tpu.memory_space<vmem>>) dst(%dma_wait3A_73 : memref<128x128xf32, #tpu.memory_space<hbm>>)
      tpu.yield
    }) : () -> ()
    %add3A_44 = arith.constant 384 : i32
    %add3A_45 = arith.addi %mul3A_2, %add3A_44 : i32
    "tpu.region"() ({
      %run_scoped3A_52 = tpu.sem_alloc : memref<!tpu.dma_semaphore, #tpu.memory_space<semaphore_mem>>
      %dma_start3A_53 = arith.constant 0 : i32
      %dma_start3A_54 = arith.constant 0 : i32
      %dma_start3A_55 = tpu.memref_slice %arg9[%dma_start3A_53, %dma_start3A_54] : memref<128x128xf32, #tpu.memory_space<vmem>> -> memref<128x128xf32, #tpu.memory_space<vmem>>
      %dma_start3A_56 = arith.constant 0 : i32
      %dma_start3A_57 = tpu.memref_slice %arg10[%add3A_45, %dma_start3A_56] : memref<10112x128xf32, #tpu.memory_space<vmem_shared>> -> memref<128x128xf32, #tpu.memory_space<vmem_shared>>
      %dma_start3A_58 = arith.constant 0 : i32
      %dma_start3A_59 = arith.constant 0 : i32
      %dma_start3A_60 = tpu.memref_slice %arg9[%dma_start3A_58, %dma_start3A_59] : memref<128x128xf32, #tpu.memory_space<vmem>> -> memref<128x128xf32, #tpu.memory_space<vmem>>
      %dma_start3A_61 = arith.constant 0 : i32
      %dma_start3A_62 = tpu.memref_slice %arg10[%add3A_45, %dma_start3A_61] : memref<10112x128xf32, #tpu.memory_space<vmem_shared>> -> memref<128x128xf32, #tpu.memory_space<vmem_shared>>
      tpu.enqueue_dma source(%dma_start3A_62 : memref<128x128xf32, #tpu.memory_space<vmem_shared>>) target(%dma_start3A_60 : memref<128x128xf32, #tpu.memory_space<vmem>>) target_semaphore(%run_scoped3A_52 : memref<!tpu.dma_semaphore, #tpu.memory_space<semaphore_mem>>)
      %dma_wait3A_63 = arith.constant 0 : i32
      %dma_wait3A_64 = arith.constant 0 : i32
      %dma_wait3A_65 = tpu.memref_slice %arg9[%dma_wait3A_63, %dma_wait3A_64] : memref<128x128xf32, #tpu.memory_space<vmem>> -> memref<128x128xf32, #tpu.memory_space<vmem>>
      %dma_wait3A_66 = arith.constant 0 : i32
      %dma_wait3A_67 = tpu.memref_slice %arg10[%add3A_45, %dma_wait3A_66] : memref<10112x128xf32, #tpu.memory_space<vmem_shared>> -> memref<128x128xf32, #tpu.memory_space<vmem_shared>>
      %dma_wait3A_68 = arith.constant 0 : i32
      %dma_wait3A_69 = arith.constant 0 : i32
      %dma_wait3A_70 = tpu.memref_slice %arg9[%dma_wait3A_68, %dma_wait3A_69] : memref<128x128xf32, #tpu.memory_space<vmem>> -> memref<128x128xf32, #tpu.memory_space<vmem>>
      %dma_wait3A_71 = arith.constant 0 : i32
      %dma_wait3A_72 = tpu.memref_slice %arg10[%add3A_45, %dma_wait3A_71] : memref<10112x128xf32, #tpu.memory_space<vmem_shared>> -> memref<128x128xf32, #tpu.memory_space<vmem_shared>>
      tpu.wait_dma2 semaphore(%run_scoped3A_52 : memref<!tpu.dma_semaphore, #tpu.memory_space<semaphore_mem>>) src(%dma_wait3A_72 : memref<128x128xf32, #tpu.memory_space<vmem_shared>>) dst(%dma_wait3A_70 : memref<128x128xf32, #tpu.memory_space<vmem>>)
      tpu.yield
    }) : () -> ()
    %add3A_46 = arith.constant 384 : i32
    %add3A_47 = arith.addi %mul3A_2, %add3A_46 : i32
    "tpu.region"() ({
      %run_scoped3A_52 = tpu.sem_alloc : memref<!tpu.dma_semaphore, #tpu.memory_space<semaphore_mem>>
      %dma_start3A_53 = arith.constant 0 : i32
      %dma_start3A_54 = arith.constant 0 : i32
      %dma_start3A_55 = tpu.memref_slice %arg9[%dma_start3A_53, %dma_start3A_54] : memref<128x128xf32, #tpu.memory_space<vmem>> -> memref<128x128xf32, #tpu.memory_space<vmem>>
      %dma_start3A_56 = arith.constant 0 : i32
      %dma_start3A_57 = tpu.memref_slice %arg5[%arg0, %add3A_47, %dma_start3A_56] : memref<2x10112x128xf32, #tpu.memory_space<hbm>> -> memref<1x128x128xf32, #tpu.memory_space<hbm>>
      %dma_start3A_58 = tpu.memref_squeeze %dma_start3A_57 : memref<1x128x128xf32, #tpu.memory_space<hbm>> -> memref<128x128xf32, #tpu.memory_space<hbm>>
      %dma_start3A_59 = arith.constant 0 : i32
      %dma_start3A_60 = tpu.memref_slice %arg5[%arg0, %add3A_47, %dma_start3A_59] : memref<2x10112x128xf32, #tpu.memory_space<hbm>> -> memref<1x128x128xf32, #tpu.memory_space<hbm>>
      %dma_start3A_61 = tpu.memref_squeeze %dma_start3A_60 : memref<1x128x128xf32, #tpu.memory_space<hbm>> -> memref<128x128xf32, #tpu.memory_space<hbm>>
      %dma_start3A_62 = arith.constant 0 : i32
      %dma_start3A_63 = arith.constant 0 : i32
      %dma_start3A_64 = tpu.memref_slice %arg9[%dma_start3A_62, %dma_start3A_63] : memref<128x128xf32, #tpu.memory_space<vmem>> -> memref<128x128xf32, #tpu.memory_space<vmem>>
      tpu.enqueue_dma source(%dma_start3A_64 : memref<128x128xf32, #tpu.memory_space<vmem>>) target(%dma_start3A_61 : memref<128x128xf32, #tpu.memory_space<hbm>>) target_semaphore(%run_scoped3A_52 : memref<!tpu.dma_semaphore, #tpu.memory_space<semaphore_mem>>)
      %dma_wait3A_65 = arith.constant 0 : i32
      %dma_wait3A_66 = arith.constant 0 : i32
      %dma_wait3A_67 = tpu.memref_slice %arg9[%dma_wait3A_65, %dma_wait3A_66] : memref<128x128xf32, #tpu.memory_space<vmem>> -> memref<128x128xf32, #tpu.memory_space<vmem>>
      %dma_wait3A_68 = arith.constant 0 : i32
      %dma_wait3A_69 = tpu.memref_slice %arg5[%arg0, %add3A_47, %dma_wait3A_68] : memref<2x10112x128xf32, #tpu.memory_space<hbm>> -> memref<1x128x128xf32, #tpu.memory_space<hbm>>
      %dma_wait3A_70 = tpu.memref_squeeze %dma_wait3A_69 : memref<1x128x128xf32, #tpu.memory_space<hbm>> -> memref<128x128xf32, #tpu.memory_space<hbm>>
      %dma_wait3A_71 = arith.constant 0 : i32
      %dma_wait3A_72 = tpu.memref_slice %arg5[%arg0, %add3A_47, %dma_wait3A_71] : memref<2x10112x128xf32, #tpu.memory_space<hbm>> -> memref<1x128x128xf32, #tpu.memory_space<hbm>>
      %dma_wait3A_73 = tpu.memref_squeeze %dma_wait3A_72 : memref<1x128x128xf32, #tpu.memory_space<hbm>> -> memref<128x128xf32, #tpu.memory_space<hbm>>
      %dma_wait3A_74 = arith.constant 0 : i32
      %dma_wait3A_75 = arith.constant 0 : i32
      %dma_wait3A_76 = tpu.memref_slice %arg9[%dma_wait3A_74, %dma_wait3A_75] : memref<128x128xf32, #tpu.memory_space<vmem>> -> memref<128x128xf32, #tpu.memory_space<vmem>>
      tpu.wait_dma2 semaphore(%run_scoped3A_52 : memref<!tpu.dma_semaphore, #tpu.memory_space<semaphore_mem>>) src(%dma_wait3A_76 : memref<128x128xf32, #tpu.memory_space<vmem>>) dst(%dma_wait3A_73 : memref<128x128xf32, #tpu.memory_space<hbm>>)
      tpu.yield
    }) : () -> ()
    %add3A_48 = arith.constant 512 : i32
    %add3A_49 = arith.addi %mul3A_2, %add3A_48 : i32
    "tpu.region"() ({
      %run_scoped3A_52 = tpu.sem_alloc : memref<!tpu.dma_semaphore, #tpu.memory_space<semaphore_mem>>
      %dma_start3A_53 = arith.constant 0 : i32
      %dma_start3A_54 = arith.constant 0 : i32
      %dma_start3A_55 = tpu.memref_slice %arg9[%dma_start3A_53, %dma_start3A_54] : memref<128x128xf32, #tpu.memory_space<vmem>> -> memref<120x128xf32, #tpu.memory_space<vmem>>
      %dma_start3A_56 = arith.constant 0 : i32
      %dma_start3A_57 = tpu.memref_slice %arg10[%add3A_49, %dma_start3A_56] : memref<10112x128xf32, #tpu.memory_space<vmem_shared>> -> memref<120x128xf32, #tpu.memory_space<vmem_shared>>
      %dma_start3A_58 = arith.constant 0 : i32
      %dma_start3A_59 = arith.constant 0 : i32
      %dma_start3A_60 = tpu.memref_slice %arg9[%dma_start3A_58, %dma_start3A_59] : memref<128x128xf32, #tpu.memory_space<vmem>> -> memref<120x128xf32, #tpu.memory_space<vmem>>
      %dma_start3A_61 = arith.constant 0 : i32
      %dma_start3A_62 = tpu.memref_slice %arg10[%add3A_49, %dma_start3A_61] : memref<10112x128xf32, #tpu.memory_space<vmem_shared>> -> memref<120x128xf32, #tpu.memory_space<vmem_shared>>
      tpu.enqueue_dma source(%dma_start3A_62 : memref<120x128xf32, #tpu.memory_space<vmem_shared>>) target(%dma_start3A_60 : memref<120x128xf32, #tpu.memory_space<vmem>>) target_semaphore(%run_scoped3A_52 : memref<!tpu.dma_semaphore, #tpu.memory_space<semaphore_mem>>)
      %dma_wait3A_63 = arith.constant 0 : i32
      %dma_wait3A_64 = arith.constant 0 : i32
      %dma_wait3A_65 = tpu.memref_slice %arg9[%dma_wait3A_63, %dma_wait3A_64] : memref<128x128xf32, #tpu.memory_space<vmem>> -> memref<120x128xf32, #tpu.memory_space<vmem>>
      %dma_wait3A_66 = arith.constant 0 : i32
      %dma_wait3A_67 = tpu.memref_slice %arg10[%add3A_49, %dma_wait3A_66] : memref<10112x128xf32, #tpu.memory_space<vmem_shared>> -> memref<120x128xf32, #tpu.memory_space<vmem_shared>>
      %dma_wait3A_68 = arith.constant 0 : i32
      %dma_wait3A_69 = arith.constant 0 : i32
      %dma_wait3A_70 = tpu.memref_slice %arg9[%dma_wait3A_68, %dma_wait3A_69] : memref<128x128xf32, #tpu.memory_space<vmem>> -> memref<120x128xf32, #tpu.memory_space<vmem>>
      %dma_wait3A_71 = arith.constant 0 : i32
      %dma_wait3A_72 = tpu.memref_slice %arg10[%add3A_49, %dma_wait3A_71] : memref<10112x128xf32, #tpu.memory_space<vmem_shared>> -> memref<120x128xf32, #tpu.memory_space<vmem_shared>>
      tpu.wait_dma2 semaphore(%run_scoped3A_52 : memref<!tpu.dma_semaphore, #tpu.memory_space<semaphore_mem>>) src(%dma_wait3A_72 : memref<120x128xf32, #tpu.memory_space<vmem_shared>>) dst(%dma_wait3A_70 : memref<120x128xf32, #tpu.memory_space<vmem>>)
      tpu.yield
    }) : () -> ()
    %add3A_50 = arith.constant 512 : i32
    %add3A_51 = arith.addi %mul3A_2, %add3A_50 : i32
    "tpu.region"() ({
      %run_scoped3A_52 = tpu.sem_alloc : memref<!tpu.dma_semaphore, #tpu.memory_space<semaphore_mem>>
      %dma_start3A_53 = arith.constant 0 : i32
      %dma_start3A_54 = arith.constant 0 : i32
      %dma_start3A_55 = tpu.memref_slice %arg9[%dma_start3A_53, %dma_start3A_54] : memref<128x128xf32, #tpu.memory_space<vmem>> -> memref<120x128xf32, #tpu.memory_space<vmem>>
      %dma_start3A_56 = arith.constant 0 : i32
      %dma_start3A_57 = tpu.memref_slice %arg5[%arg0, %add3A_51, %dma_start3A_56] : memref<2x10112x128xf32, #tpu.memory_space<hbm>> -> memref<1x120x128xf32, #tpu.memory_space<hbm>>
      %dma_start3A_58 = tpu.memref_squeeze %dma_start3A_57 : memref<1x120x128xf32, #tpu.memory_space<hbm>> -> memref<120x128xf32, #tpu.memory_space<hbm>>
      %dma_start3A_59 = arith.constant 0 : i32
      %dma_start3A_60 = tpu.memref_slice %arg5[%arg0, %add3A_51, %dma_start3A_59] : memref<2x10112x128xf32, #tpu.memory_space<hbm>> -> memref<1x120x128xf32, #tpu.memory_space<hbm>>
      %dma_start3A_61 = tpu.memref_squeeze %dma_start3A_60 : memref<1x120x128xf32, #tpu.memory_space<hbm>> -> memref<120x128xf32, #tpu.memory_space<hbm>>
      %dma_start3A_62 = arith.constant 0 : i32
      %dma_start3A_63 = arith.constant 0 : i32
      %dma_start3A_64 = tpu.memref_slice %arg9[%dma_start3A_62, %dma_start3A_63] : memref<128x128xf32, #tpu.memory_space<vmem>> -> memref<120x128xf32, #tpu.memory_space<vmem>>
      tpu.enqueue_dma source(%dma_start3A_64 : memref<120x128xf32, #tpu.memory_space<vmem>>) target(%dma_start3A_61 : memref<120x128xf32, #tpu.memory_space<hbm>>) target_semaphore(%run_scoped3A_52 : memref<!tpu.dma_semaphore, #tpu.memory_space<semaphore_mem>>)
      %dma_wait3A_65 = arith.constant 0 : i32
      %dma_wait3A_66 = arith.constant 0 : i32
      %dma_wait3A_67 = tpu.memref_slice %arg9[%dma_wait3A_65, %dma_wait3A_66] : memref<128x128xf32, #tpu.memory_space<vmem>> -> memref<120x128xf32, #tpu.memory_space<vmem>>
      %dma_wait3A_68 = arith.constant 0 : i32
      %dma_wait3A_69 = tpu.memref_slice %arg5[%arg0, %add3A_51, %dma_wait3A_68] : memref<2x10112x128xf32, #tpu.memory_space<hbm>> -> memref<1x120x128xf32, #tpu.memory_space<hbm>>
      %dma_wait3A_70 = tpu.memref_squeeze %dma_wait3A_69 : memref<1x120x128xf32, #tpu.memory_space<hbm>> -> memref<120x128xf32, #tpu.memory_space<hbm>>
      %dma_wait3A_71 = arith.constant 0 : i32
      %dma_wait3A_72 = tpu.memref_slice %arg5[%arg0, %add3A_51, %dma_wait3A_71] : memref<2x10112x128xf32, #tpu.memory_space<hbm>> -> memref<1x120x128xf32, #tpu.memory_space<hbm>>
      %dma_wait3A_73 = tpu.memref_squeeze %dma_wait3A_72 : memref<1x120x128xf32, #tpu.memory_space<hbm>> -> memref<120x128xf32, #tpu.memory_space<hbm>>
      %dma_wait3A_74 = arith.constant 0 : i32
      %dma_wait3A_75 = arith.constant 0 : i32
      %dma_wait3A_76 = tpu.memref_slice %arg9[%dma_wait3A_74, %dma_wait3A_75] : memref<128x128xf32, #tpu.memory_space<vmem>> -> memref<120x128xf32, #tpu.memory_space<vmem>>
      tpu.wait_dma2 semaphore(%run_scoped3A_52 : memref<!tpu.dma_semaphore, #tpu.memory_space<semaphore_mem>>) src(%dma_wait3A_76 : memref<120x128xf32, #tpu.memory_space<vmem>>) dst(%dma_wait3A_73 : memref<120x128xf32, #tpu.memory_space<hbm>>)
      tpu.yield
    }) : () -> ()
    return
  }
}

module attributes {stable_mosaic.version = 14 : i64} {
  func.func @_tc_dense_body(%arg0: i32, %arg1: memref<2x2528x128xf32, #tpu.memory_space<vmem>>, %arg2: memref<2x2528x128xf32, #tpu.memory_space<vmem>>, %arg3: memref<2528x128xf32, #tpu.memory_space<vmem>>, %arg4: memref<128x128xf32, #tpu.memory_space<vmem>>, %arg5: memref<128x128xf32, #tpu.memory_space<vmem>>, %arg6: memref<1x128xf32, #tpu.memory_space<vmem>>, %arg7: memref<2528x128xf32, #tpu.memory_space<vmem>>) attributes {dimension_semantics = [#tpu.dimension_semantics<arbitrary>], iteration_bounds = array<i64: 4>, scalar_prefetch = 0 : i64, scratch_operands = 0 : i64, tpu.core_type = #tpu.core_type<tc>, window_params = [{transform_indices = @transform_0, window_bounds = array<i64: 2, 2528, 128>}, {transform_indices = @transform_1, window_bounds = array<i64: 2, 2528, 128>}, {transform_indices = @transform_2, window_bounds = array<i64: 2528, 128>}, {pipeline_mode = #tpu.pipeline_mode<synchronous>, transform_indices = @transform_3, window_bounds = array<i64: 128, 128>}, {pipeline_mode = #tpu.pipeline_mode<synchronous>, transform_indices = @transform_4, window_bounds = array<i64: 128, 128>}, {pipeline_mode = #tpu.pipeline_mode<synchronous>, transform_indices = @transform_5, window_bounds = array<i64: 1, 128>}, {transform_indices = @transform_6, window_bounds = array<i64: 2528, 128>}]} {
    %get3A = arith.constant 0 : index
    %get3A_0 = arith.constant 0 : index
    %get3A_1 = arith.constant 0 : index
    %get3A_2 = vector.load %arg1[%get3A, %get3A_0, %get3A_1] : memref<2x2528x128xf32, #tpu.memory_space<vmem>>, vector<1x2528x128xf32>
    %get3A_3 = vector.shape_cast %get3A_2 : vector<1x2528x128xf32> to vector<2528x128xf32>
    %get3A_4 = arith.constant 1 : index
    %get3A_5 = arith.constant 0 : index
    %get3A_6 = arith.constant 0 : index
    %get3A_7 = vector.load %arg1[%get3A_4, %get3A_5, %get3A_6] : memref<2x2528x128xf32, #tpu.memory_space<vmem>>, vector<1x2528x128xf32>
    %get3A_8 = vector.shape_cast %get3A_7 : vector<1x2528x128xf32> to vector<2528x128xf32>
    %add3A = arith.addf %get3A_3, %get3A_8 : vector<2528x128xf32>
    %get3A_9 = arith.constant 0 : index
    %get3A_10 = arith.constant 0 : index
    %get3A_11 = arith.constant 0 : index
    %get3A_12 = vector.load %arg2[%get3A_9, %get3A_10, %get3A_11] : memref<2x2528x128xf32, #tpu.memory_space<vmem>>, vector<1x2528x1xf32>
    %get3A_13 = vector.shape_cast %get3A_12 : vector<1x2528x1xf32> to vector<2528x1xf32>
    %get3A_14 = arith.constant 1 : index
    %get3A_15 = arith.constant 0 : index
    %get3A_16 = arith.constant 0 : index
    %get3A_17 = vector.load %arg2[%get3A_14, %get3A_15, %get3A_16] : memref<2x2528x128xf32, #tpu.memory_space<vmem>>, vector<1x2528x1xf32>
    %get3A_18 = vector.shape_cast %get3A_17 : vector<1x2528x1xf32> to vector<2528x1xf32>
    %add3A_19 = arith.addf %get3A_13, %get3A_18 : vector<2528x1xf32>
    %max3A = arith.constant 1.000000e+00 : f32
    %max3A_20 = vector.broadcast %max3A : f32 to vector<2528x1xf32>
    %max3A_21 = arith.maximumf %add3A_19, %max3A_20 : vector<2528x1xf32>
    %div3A = vector.broadcast %max3A_21 : vector<2528x1xf32> to vector<2528x128xf32>
    %div3A_22 = arith.divf %add3A, %div3A : vector<2528x128xf32>
    %get3A_23 = arith.constant 0 : index
    %get3A_24 = arith.constant 0 : index
    %get3A_25 = vector.load %arg4[%get3A_23, %get3A_24] : memref<128x128xf32, #tpu.memory_space<vmem>>, vector<128x128xf32>
    %dot_general3A = arith.constant dense<0.000000e+00> : vector<2528x128xf32>
    %dot_general3A_26 = tpu.matmul %div3A_22, %get3A_25, %dot_general3A {dimension_numbers = #tpu.dot_dimension_numbers<[1], [0], [0], [1], [0, 0, 1, 1], [], []>, transpose_lhs_hint = false} : vector<2528x128xf32>, vector<128x128xf32>, vector<2528x128xf32> -> vector<2528x128xf32>
    %get3A_27 = arith.constant 0 : index
    %get3A_28 = arith.constant 0 : index
    %get3A_29 = vector.load %arg3[%get3A_27, %get3A_28] : memref<2528x128xf32, #tpu.memory_space<vmem>>, vector<2528x128xf32>
    %get3A_30 = arith.constant 0 : index
    %get3A_31 = arith.constant 0 : index
    %get3A_32 = vector.load %arg5[%get3A_30, %get3A_31] : memref<128x128xf32, #tpu.memory_space<vmem>>, vector<128x128xf32>
    %dot_general3A_33 = arith.constant dense<0.000000e+00> : vector<2528x128xf32>
    %dot_general3A_34 = tpu.matmul %get3A_29, %get3A_32, %dot_general3A_33 {dimension_numbers = #tpu.dot_dimension_numbers<[1], [0], [0], [1], [0, 0, 1, 1], [], []>, transpose_lhs_hint = false} : vector<2528x128xf32>, vector<128x128xf32>, vector<2528x128xf32> -> vector<2528x128xf32>
    %add3A_35 = arith.addf %dot_general3A_26, %dot_general3A_34 : vector<2528x128xf32>
    %get3A_36 = arith.constant 0 : index
    %get3A_37 = arith.constant 0 : index
    %get3A_38 = vector.load %arg6[%get3A_36, %get3A_37] : memref<1x128xf32, #tpu.memory_space<vmem>>, vector<1x128xf32>
    %add3A_39 = vector.broadcast %get3A_38 : vector<1x128xf32> to vector<2528x128xf32>
    %add3A_40 = arith.addf %add3A_35, %add3A_39 : vector<2528x128xf32>
    %max3A_41 = arith.constant 0.000000e+00 : f32
    %max3A_42 = vector.broadcast %max3A_41 : f32 to vector<2528x128xf32>
    %max3A_43 = arith.maximumf %add3A_40, %max3A_42 : vector<2528x128xf32>
    %swap3A = arith.constant 0 : index
    %swap3A_44 = arith.constant 0 : index
    %swap3A_45 = vector.load %arg7[%swap3A, %swap3A_44] : memref<2528x128xf32, #tpu.memory_space<vmem>>, vector<2528x128xf32>
    tpu.vector_store %arg7[%swap3A, %swap3A_44], %max3A_43 {strides = array<i32>} : memref<2528x128xf32, #tpu.memory_space<vmem>>, vector<2528x128xf32>,
    return
  }
  func.func @transform_0(%arg0: i32) -> (i32, i32, i32) {
    %c0_i32 = arith.constant 0 : i32
    %c0_i32_0 = arith.constant 0 : i32
    %c0_i32_1 = arith.constant 0 : i32
    return %c0_i32, %arg0, %c0_i32_0 : i32, i32, i32
  }
  func.func @transform_1(%arg0: i32) -> (i32, i32, i32) {
    %c0_i32 = arith.constant 0 : i32
    %c0_i32_0 = arith.constant 0 : i32
    %c0_i32_1 = arith.constant 0 : i32
    return %c0_i32, %arg0, %c0_i32_0 : i32, i32, i32
  }
  func.func @transform_2(%arg0: i32) -> (i32, i32) {
    %c0_i32 = arith.constant 0 : i32
    %c0_i32_0 = arith.constant 0 : i32
    return %arg0, %c0_i32 : i32, i32
  }
  func.func @transform_3(%arg0: i32) -> (i32, i32) {
    %c0_i32 = arith.constant 0 : i32
    %c0_i32_0 = arith.constant 0 : i32
    %c0_i32_1 = arith.constant 0 : i32
    return %c0_i32, %c0_i32_0 : i32, i32
  }
  func.func @transform_4(%arg0: i32) -> (i32, i32) {
    %c0_i32 = arith.constant 0 : i32
    %c0_i32_0 = arith.constant 0 : i32
    %c0_i32_1 = arith.constant 0 : i32
    return %c0_i32, %c0_i32_0 : i32, i32
  }
  func.func @transform_5(%arg0: i32) -> (i32, i32) {
    %c0_i32 = arith.constant 0 : i32
    %c0_i32_0 = arith.constant 0 : i32
    %c0_i32_1 = arith.constant 0 : i32
    return %c0_i32, %c0_i32_0 : i32, i32
  }
  func.func @transform_6(%arg0: i32) -> (i32, i32) {
    %c0_i32 = arith.constant 0 : i32
    %c0_i32_0 = arith.constant 0 : i32
    return %arg0, %c0_i32 : i32, i32
  }
}

module attributes {stable_mosaic.version = 14 : i64} {
  func.func @_tc_dense_body(%arg0: i32, %arg1: memref<2x2528x128xf32, #tpu.memory_space<vmem>>, %arg2: memref<2x2528x128xf32, #tpu.memory_space<vmem>>, %arg3: memref<2528x128xf32, #tpu.memory_space<vmem>>, %arg4: memref<128x128xf32, #tpu.memory_space<vmem>>, %arg5: memref<128x128xf32, #tpu.memory_space<vmem>>, %arg6: memref<1x128xf32, #tpu.memory_space<vmem>>, %arg7: memref<2528x128xf32, #tpu.memory_space<vmem>>) attributes {dimension_semantics = [#tpu.dimension_semantics<arbitrary>], iteration_bounds = array<i64: 4>, scalar_prefetch = 0 : i64, scratch_operands = 0 : i64, tpu.core_type = #tpu.core_type<tc>, window_params = [{transform_indices = @transform_0, window_bounds = array<i64: 2, 2528, 128>}, {transform_indices = @transform_1, window_bounds = array<i64: 2, 2528, 128>}, {transform_indices = @transform_2, window_bounds = array<i64: 2528, 128>}, {pipeline_mode = #tpu.pipeline_mode<synchronous>, transform_indices = @transform_3, window_bounds = array<i64: 128, 128>}, {pipeline_mode = #tpu.pipeline_mode<synchronous>, transform_indices = @transform_4, window_bounds = array<i64: 128, 128>}, {pipeline_mode = #tpu.pipeline_mode<synchronous>, transform_indices = @transform_5, window_bounds = array<i64: 1, 128>}, {transform_indices = @transform_6, window_bounds = array<i64: 2528, 128>}]} {
    %get3A = arith.constant 0 : index
    %get3A_0 = arith.constant 0 : index
    %get3A_1 = arith.constant 0 : index
    %get3A_2 = vector.load %arg1[%get3A, %get3A_0, %get3A_1] : memref<2x2528x128xf32, #tpu.memory_space<vmem>>, vector<1x2528x128xf32>
    %get3A_3 = vector.shape_cast %get3A_2 : vector<1x2528x128xf32> to vector<2528x128xf32>
    %get3A_4 = arith.constant 1 : index
    %get3A_5 = arith.constant 0 : index
    %get3A_6 = arith.constant 0 : index
    %get3A_7 = vector.load %arg1[%get3A_4, %get3A_5, %get3A_6] : memref<2x2528x128xf32, #tpu.memory_space<vmem>>, vector<1x2528x128xf32>
    %get3A_8 = vector.shape_cast %get3A_7 : vector<1x2528x128xf32> to vector<2528x128xf32>
    %add3A = arith.addf %get3A_3, %get3A_8 : vector<2528x128xf32>
    %get3A_9 = arith.constant 0 : index
    %get3A_10 = arith.constant 0 : index
    %get3A_11 = arith.constant 0 : index
    %get3A_12 = vector.load %arg2[%get3A_9, %get3A_10, %get3A_11] : memref<2x2528x128xf32, #tpu.memory_space<vmem>>, vector<1x2528x1xf32>
    %get3A_13 = vector.shape_cast %get3A_12 : vector<1x2528x1xf32> to vector<2528x1xf32>
    %get3A_14 = arith.constant 1 : index
    %get3A_15 = arith.constant 0 : index
    %get3A_16 = arith.constant 0 : index
    %get3A_17 = vector.load %arg2[%get3A_14, %get3A_15, %get3A_16] : memref<2x2528x128xf32, #tpu.memory_space<vmem>>, vector<1x2528x1xf32>
    %get3A_18 = vector.shape_cast %get3A_17 : vector<1x2528x1xf32> to vector<2528x1xf32>
    %add3A_19 = arith.addf %get3A_13, %get3A_18 : vector<2528x1xf32>
    %max3A = arith.constant 1.000000e+00 : f32
    %max3A_20 = vector.broadcast %max3A : f32 to vector<2528x1xf32>
    %max3A_21 = arith.maximumf %add3A_19, %max3A_20 : vector<2528x1xf32>
    %div3A = vector.broadcast %max3A_21 : vector<2528x1xf32> to vector<2528x128xf32>
    %div3A_22 = arith.divf %add3A, %div3A : vector<2528x128xf32>
    %get3A_23 = arith.constant 0 : index
    %get3A_24 = arith.constant 0 : index
    %get3A_25 = vector.load %arg4[%get3A_23, %get3A_24] : memref<128x128xf32, #tpu.memory_space<vmem>>, vector<128x128xf32>
    %dot_general3A = arith.constant dense<0.000000e+00> : vector<2528x128xf32>
    %dot_general3A_26 = tpu.matmul %div3A_22, %get3A_25, %dot_general3A {dimension_numbers = #tpu.dot_dimension_numbers<[1], [0], [0], [1], [0, 0, 1, 1], [], []>, transpose_lhs_hint = false} : vector<2528x128xf32>, vector<128x128xf32>, vector<2528x128xf32> -> vector<2528x128xf32>
    %get3A_27 = arith.constant 0 : index
    %get3A_28 = arith.constant 0 : index
    %get3A_29 = vector.load %arg3[%get3A_27, %get3A_28] : memref<2528x128xf32, #tpu.memory_space<vmem>>, vector<2528x128xf32>
    %get3A_30 = arith.constant 0 : index
    %get3A_31 = arith.constant 0 : index
    %get3A_32 = vector.load %arg5[%get3A_30, %get3A_31] : memref<128x128xf32, #tpu.memory_space<vmem>>, vector<128x128xf32>
    %dot_general3A_33 = arith.constant dense<0.000000e+00> : vector<2528x128xf32>
    %dot_general3A_34 = tpu.matmul %get3A_29, %get3A_32, %dot_general3A_33 {dimension_numbers = #tpu.dot_dimension_numbers<[1], [0], [0], [1], [0, 0, 1, 1], [], []>, transpose_lhs_hint = false} : vector<2528x128xf32>, vector<128x128xf32>, vector<2528x128xf32> -> vector<2528x128xf32>
    %add3A_35 = arith.addf %dot_general3A_26, %dot_general3A_34 : vector<2528x128xf32>
    %get3A_36 = arith.constant 0 : index
    %get3A_37 = arith.constant 0 : index
    %get3A_38 = vector.load %arg6[%get3A_36, %get3A_37] : memref<1x128xf32, #tpu.memory_space<vmem>>, vector<1x128xf32>
    %add3A_39 = vector.broadcast %get3A_38 : vector<1x128xf32> to vector<2528x128xf32>
    %add3A_40 = arith.addf %add3A_35, %add3A_39 : vector<2528x128xf32>
    %swap3A = arith.constant 0 : index
    %swap3A_41 = arith.constant 0 : index
    %swap3A_42 = vector.load %arg7[%swap3A, %swap3A_41] : memref<2528x128xf32, #tpu.memory_space<vmem>>, vector<2528x128xf32>
    tpu.vector_store %arg7[%swap3A, %swap3A_41], %add3A_40 {strides = array<i32>} : memref<2528x128xf32, #tpu.memory_space<vmem>>, vector<2528x128xf32>,
    return
  }
  func.func @transform_0(%arg0: i32) -> (i32, i32, i32) {
    %c0_i32 = arith.constant 0 : i32
    %c0_i32_0 = arith.constant 0 : i32
    %c0_i32_1 = arith.constant 0 : i32
    return %c0_i32, %arg0, %c0_i32_0 : i32, i32, i32
  }
  func.func @transform_1(%arg0: i32) -> (i32, i32, i32) {
    %c0_i32 = arith.constant 0 : i32
    %c0_i32_0 = arith.constant 0 : i32
    %c0_i32_1 = arith.constant 0 : i32
    return %c0_i32, %arg0, %c0_i32_0 : i32, i32, i32
  }
  func.func @transform_2(%arg0: i32) -> (i32, i32) {
    %c0_i32 = arith.constant 0 : i32
    %c0_i32_0 = arith.constant 0 : i32
    return %arg0, %c0_i32 : i32, i32
  }
  func.func @transform_3(%arg0: i32) -> (i32, i32) {
    %c0_i32 = arith.constant 0 : i32
    %c0_i32_0 = arith.constant 0 : i32
    %c0_i32_1 = arith.constant 0 : i32
    return %c0_i32, %c0_i32_0 : i32, i32
  }
  func.func @transform_4(%arg0: i32) -> (i32, i32) {
    %c0_i32 = arith.constant 0 : i32
    %c0_i32_0 = arith.constant 0 : i32
    %c0_i32_1 = arith.constant 0 : i32
    return %c0_i32, %c0_i32_0 : i32, i32
  }
  func.func @transform_5(%arg0: i32) -> (i32, i32) {
    %c0_i32 = arith.constant 0 : i32
    %c0_i32_0 = arith.constant 0 : i32
    %c0_i32_1 = arith.constant 0 : i32
    return %c0_i32, %c0_i32_0 : i32, i32
  }
  func.func @transform_6(%arg0: i32) -> (i32, i32) {
    %c0_i32 = arith.constant 0 : i32
    %c0_i32_0 = arith.constant 0 : i32
    return %arg0, %c0_i32 : i32, i32
  }
}

module attributes {stable_mosaic.version = 14 : i64} {
  func.func @_tc_reduce_body(%arg0: i32, %arg1: memref<1600x128xf32, #tpu.memory_space<vmem>>, %arg2: memref<1600x8xf32, #tpu.memory_space<vmem>>) attributes {dimension_semantics = [#tpu.dimension_semantics<arbitrary>], iteration_bounds = array<i64: 8>, scalar_prefetch = 0 : i64, scratch_operands = 0 : i64, tpu.core_type = #tpu.core_type<tc>, window_params = [{transform_indices = @transform_0, window_bounds = array<i64: 1600, 128>}, {transform_indices = @transform_1, window_bounds = array<i64: 1600, 8>}]} {
    %get3A = arith.constant 0 : index
    %get3A_0 = arith.constant 0 : index
    %get3A_1 = vector.load %arg1[%get3A, %get3A_0] : memref<1600x128xf32, #tpu.memory_space<vmem>>, vector<1600x16xf32>
    %reduce_sum3A = arith.constant dense<0.000000e+00> : vector<1600xf32>
    %reduce_sum3A_2 = vector.multi_reduction <add>, %get3A_1, %reduce_sum3A [1] : vector<1600x16xf32> to vector<1600xf32>
    %broadcast_in_dim3A = vector.shape_cast %reduce_sum3A_2 : vector<1600xf32> to vector<1600x1xf32>
    %get3A_3 = arith.constant 0 : index
    %get3A_4 = arith.constant 16 : index
    %get3A_5 = vector.load %arg1[%get3A_3, %get3A_4] : memref<1600x128xf32, #tpu.memory_space<vmem>>, vector<1600x16xf32>
    %reduce_sum3A_6 = arith.constant dense<0.000000e+00> : vector<1600xf32>
    %reduce_sum3A_7 = vector.multi_reduction <add>, %get3A_5, %reduce_sum3A_6 [1] : vector<1600x16xf32> to vector<1600xf32>
    %broadcast_in_dim3A_8 = vector.shape_cast %reduce_sum3A_7 : vector<1600xf32> to vector<1600x1xf32>
    %get3A_9 = arith.constant 0 : index
    %get3A_10 = arith.constant 32 : index
    %get3A_11 = vector.load %arg1[%get3A_9, %get3A_10] : memref<1600x128xf32, #tpu.memory_space<vmem>>, vector<1600x16xf32>
    %reduce_sum3A_12 = arith.constant dense<0.000000e+00> : vector<1600xf32>
    %reduce_sum3A_13 = vector.multi_reduction <add>, %get3A_11, %reduce_sum3A_12 [1] : vector<1600x16xf32> to vector<1600xf32>
    %broadcast_in_dim3A_14 = vector.shape_cast %reduce_sum3A_13 : vector<1600xf32> to vector<1600x1xf32>
    %get3A_15 = arith.constant 0 : index
    %get3A_16 = arith.constant 48 : index
    %get3A_17 = vector.load %arg1[%get3A_15, %get3A_16] : memref<1600x128xf32, #tpu.memory_space<vmem>>, vector<1600x16xf32>
    %reduce_sum3A_18 = arith.constant dense<0.000000e+00> : vector<1600xf32>
    %reduce_sum3A_19 = vector.multi_reduction <add>, %get3A_17, %reduce_sum3A_18 [1] : vector<1600x16xf32> to vector<1600xf32>
    %broadcast_in_dim3A_20 = vector.shape_cast %reduce_sum3A_19 : vector<1600xf32> to vector<1600x1xf32>
    %get3A_21 = arith.constant 0 : index
    %get3A_22 = arith.constant 64 : index
    %get3A_23 = vector.load %arg1[%get3A_21, %get3A_22] : memref<1600x128xf32, #tpu.memory_space<vmem>>, vector<1600x16xf32>
    %reduce_sum3A_24 = arith.constant dense<0.000000e+00> : vector<1600xf32>
    %reduce_sum3A_25 = vector.multi_reduction <add>, %get3A_23, %reduce_sum3A_24 [1] : vector<1600x16xf32> to vector<1600xf32>
    %broadcast_in_dim3A_26 = vector.shape_cast %reduce_sum3A_25 : vector<1600xf32> to vector<1600x1xf32>
    %get3A_27 = arith.constant 0 : index
    %get3A_28 = arith.constant 80 : index
    %get3A_29 = vector.load %arg1[%get3A_27, %get3A_28] : memref<1600x128xf32, #tpu.memory_space<vmem>>, vector<1600x16xf32>
    %reduce_sum3A_30 = arith.constant dense<0.000000e+00> : vector<1600xf32>
    %reduce_sum3A_31 = vector.multi_reduction <add>, %get3A_29, %reduce_sum3A_30 [1] : vector<1600x16xf32> to vector<1600xf32>
    %broadcast_in_dim3A_32 = vector.shape_cast %reduce_sum3A_31 : vector<1600xf32> to vector<1600x1xf32>
    %get3A_33 = arith.constant 0 : index
    %get3A_34 = arith.constant 96 : index
    %get3A_35 = vector.load %arg1[%get3A_33, %get3A_34] : memref<1600x128xf32, #tpu.memory_space<vmem>>, vector<1600x16xf32>
    %reduce_sum3A_36 = arith.constant dense<0.000000e+00> : vector<1600xf32>
    %reduce_sum3A_37 = vector.multi_reduction <add>, %get3A_35, %reduce_sum3A_36 [1] : vector<1600x16xf32> to vector<1600xf32>
    %broadcast_in_dim3A_38 = vector.shape_cast %reduce_sum3A_37 : vector<1600xf32> to vector<1600x1xf32>
    %get3A_39 = arith.constant 0 : index
    %get3A_40 = arith.constant 112 : index
    %get3A_41 = vector.load %arg1[%get3A_39, %get3A_40] : memref<1600x128xf32, #tpu.memory_space<vmem>>, vector<1600x16xf32>
    %reduce_sum3A_42 = arith.constant dense<0.000000e+00> : vector<1600xf32>
    %reduce_sum3A_43 = vector.multi_reduction <add>, %get3A_41, %reduce_sum3A_42 [1] : vector<1600x16xf32> to vector<1600xf32>
    %broadcast_in_dim3A_44 = vector.shape_cast %reduce_sum3A_43 : vector<1600xf32> to vector<1600x1xf32>
    %concatenate3A = tpu.concatenate %broadcast_in_dim3A, %broadcast_in_dim3A_8, %broadcast_in_dim3A_14, %broadcast_in_dim3A_20, %broadcast_in_dim3A_26, %broadcast_in_dim3A_32, %broadcast_in_dim3A_38, %broadcast_in_dim3A_44 in 1 : vector<1600x1xf32>, vector<1600x1xf32>, vector<1600x1xf32>, vector<1600x1xf32>, vector<1600x1xf32>, vector<1600x1xf32>, vector<1600x1xf32>, vector<1600x1xf32> -> vector<1600x8xf32>
    %swap3A = arith.constant 0 : index
    %swap3A_45 = arith.constant 0 : index
    %swap3A_46 = vector.load %arg2[%swap3A, %swap3A_45] : memref<1600x8xf32, #tpu.memory_space<vmem>>, vector<1600x8xf32>
    tpu.vector_store %arg2[%swap3A, %swap3A_45], %concatenate3A {strides = array<i32>} : memref<1600x8xf32, #tpu.memory_space<vmem>>, vector<1600x8xf32>,
    return
  }
  func.func @transform_0(%arg0: i32) -> (i32, i32) {
    %c0_i32 = arith.constant 0 : i32
    %c0_i32_0 = arith.constant 0 : i32
    return %arg0, %c0_i32 : i32, i32
  }
  func.func @transform_1(%arg0: i32) -> (i32, i32) {
    %c0_i32 = arith.constant 0 : i32
    %c0_i32_0 = arith.constant 0 : i32
    return %arg0, %c0_i32 : i32, i32
  }
}

</mosaic_0001>

<sc_bundles>
// kernel: kernel.12.cloned.1.call-start
scs
__scs_entry_jumppad:
0x0: {  	(pc) =	sbr.rel $0x88, $3  }
0x1: {  	(tag) =	ssettag $0x0;
	lr =	simm.s32 $0x1  }
0x2: {  	[smem:$0x3F98] =	sst lr;
	_ =	strace $0xD0000000  }
0x3: {  	_ = 	snop  }
0x4: {  	_ = 	snop  }
0x5: {  	_ = 	snop  }
0x6: {  	_ = 	snop  }
0x7: {  	_ = 	snop  }
__scs_overlays_trampoline_lowered:
0x8: {  	[smem:$0x3FA7] =	sst s0  }
0x9: {  	[smem:$0x3FA8] =	sst s1  }
0xa: {  	[smem:$0x3FA9] =	sst s2  }
0xb: {  	[smem:$0x3FAA] =	sst s3  }
0xc: {  	[smem:$0x3FAB] =	sst s4  }
0xd: {  	[smem:$0x3FAC] =	sst s5  }
0xe: {  	[smem:$0x3FAD] =	sst s6  }
0xf: {  	[smem:$0x3FAE] =	sst s7  }
0x10: {  	[smem:$0x3FAF] =	sst s8  }
0x11: {  	[smem:$0x3FB0] =	sst s9;
	s0 =	simm.s32 @!p0 $0x0  }
0x12: {  	s1 =	sld [smem:$0x3F96];
	s0 =	simm.s32 @p0 $0x1  }
0x13: {  	[smem:$0x3FB1] =	sst s0;
	s0 =	simm.s32 @!p1 $0x0  }
0x14: {  	s2 =	sld [smem:$0x3F95];
	s0 =	simm.s32 @p1 $0x1  }
0x15: {  	[smem:$0x3FB2] =	sst s0;
	s0 =	simm.s32 @!p2 $0x0  }
0x16: {  	s3 =	sld [smem:$0x3FDB];
	s0 =	simm.s32 @p2 $0x1  }
0x17: {  	s4 =	simm.s32 $0x1BF5;
	[smem:$0x3FB4] =	sst s0  }
0x18: {  	s0 =	sld [smem:$0x3F97];
	_ =	swait.ge [sflag:s4], $0x0  }
0x19: {  	s7 =	sld [smem:$0x3F98]  }
0x1a: {  	s8 =	sadd.s32 $0xFFFFE003, lr  }
0x1b: {  	s9 =	sadd.s32 $0xFFFFFEF7, lr;
	s5 =	simm.s32 $0xFFFFFFFF;
	p2 =	slt.u32 s8, $0xFFFFF086  }
0x1c: {  	p1 =	slt.u32 s9, $0xF7A;
	s5 =	simm.s32 @!p2 $0x0  }
0x1d: {  	s5 =	simm.s32 @p1 $0x1;
	p0 =	seq.s32 s7, s2  }
0x1e: {  	s7 =	smul.u32 @!p0 $0xF7A, s2;
	p2 =	seq.s32 @!p0 s5, $0x0  }
0x1f: {  	s9 =	smul.u32 $0xF7A, s1;
	s8 =	simm.s32 @!p0 $0x1BF5;
	p2 =	por !p2, p0  }
0x20: {  	[sflag:s8] =	ssyncset.s32 @!p0 $0xFFFFF086;
	s6 =	sadd.s32 @!p0 s3, s7;
	s7 =	simm.s32 @!p0 $0x108  }
0x21: {  	s3 =	sadd.s32 s3, s9;
	s6 =	sadd.s32 @!p0 $0x88, s6;
	s7 =	simm.s32 @p2 $0x1082  }
0x22: {  	[simem:s7], [sflag:s8] =	dma.local @!p0 [hbm:s6], $0xF7A  }
0x23: {  	s9 =	sor.u32 $0xD0000000, s2;
	s6 =	simm.s32 $0x108;
	_ =	swait.ge @!p0 [sflag:s8], $0x0  }
0x24: {  	s3 =	sadd.s32 $0x88, s3;
	s6 =	simm.s32 @!p1 $0x1082;
	[sflag:s4] =	ssyncset.s32 $0xFFFFF086  }
0x25: {  	[simem:s6], [sflag:s4] =	dma.local [hbm:s3], $0xF7A  }
0x26: {  	[smem:$0x3F98] =	sst s1;
	(tag) =	ssettag s2;
	_ =	strace s9  }
0x27: {  	s1 =	sld [smem:$0x3FA8]  }
0x28: {  	s2 =	sld [smem:$0x3FA9]  }
0x29: {  	s4 =	sld [smem:$0x3FAB]  }
0x2a: {  	p0 =	seq.s32 s5, $0x0;
	s5 =	sld [smem:$0x3FAC]  }
0x2b: {  	s6 =	sld [smem:$0x3FAD]  }
0x2c: {  	s7 =	sld [smem:$0x3FAE]  }
0x2d: {  	s3 =	simm.s32 $0x108;
	s8 =	sld [smem:$0x3FAF]  }
0x2e: {  	s3 =	simm.s32 @!p0 $0x1082;
	s9 =	sld [smem:$0x3FB0]  }
0x2f: {  	lr =	sadd.s32 s0, s3;
	s0 =	sld [smem:$0x3FA7]  }
0x30: {  	s3 =	sld [smem:$0x3FAA]  }
0x31: {  	[smem:$0x3FB3] =	sst s10  }
0x32: {  	s10 =	sld [smem:$0x3FB1];
	_ =	sdelay $0x3  }
0x33: {  	p0 =	seq.s32 s10, $0x1;
	s10 =	sld [smem:$0x3FB3];
	_ =	sdelay $0x3  }
0x34: {  	[smem:$0x3FB3] =	sst s10  }
0x35: {  	s10 =	sld [smem:$0x3FB2];
	_ =	sdelay $0x3  }
0x36: {  	p1 =	seq.s32 s10, $0x1;
	s10 =	sld [smem:$0x3FB3];
	_ =	sdelay $0x3  }
0x37: {  	[smem:$0x3FB3] =	sst s10  }
0x38: {  	s10 =	sld [smem:$0x3FB4]  }
0x39: {  	_ = 	snop;
	(pc) =	sbr.ind lr, $3  }
0x3a: {  	_ = 	snop  }
0x3b: {  	_ = 	snop  }
0x3c: {  	p2 =	seq.s32 s10, $0x1;
	s10 =	sld [smem:$0x3FB3]  }
0x3d: {  	_ =	shalt  }
0x3e: {  	_ =	shalt  }
0x3f: {  	_ =	shalt  }
0x40: {  	_ =	shalt  }
0x41: {  	_ =	shalt  }
0x42: {  	_ =	shalt  }
0x43: {  	_ =	shalt  }
0x44: {  	_ =	shalt  }
0x45: {  	_ =	shalt  }
0x46: {  	_ =	shalt  }
0x47: {  	_ =	shalt  }
0x48: {  	_ =	shalt  }
0x49: {  	_ =	shalt  }
0x4a: {  	_ =	shalt  }
0x4b: {  	_ =	shalt  }
0x4c: {  	_ =	shalt  }
0x4d: {  	_ =	shalt  }
0x4e: {  	_ =	shalt  }
0x4f: {  	_ =	shalt  }
0x50: {  	_ =	shalt  }
0x51: {  	_ =	shalt  }
0x52: {  	_ =	shalt  }
0x53: {  	_ =	shalt  }
0x54: {  	_ =	shalt  }
0x55: {  	_ =	shalt  }
0x56: {  	_ =	shalt  }
0x57: {  	_ =	shalt  }
0x58: {  	_ =	shalt  }
0x59: {  	_ =	shalt  }
0x5a: {  	_ =	shalt  }
0x5b: {  	_ =	shalt  }
0x5c: {  	_ =	shalt  }
0x5d: {  	_ =	shalt  }
0x5e: {  	_ =	shalt  }
0x5f: {  	_ =	shalt  }
0x60: {  	_ =	shalt  }
0x61: {  	_ =	shalt  }
0x62: {  	_ =	shalt  }
0x63: {  	_ =	shalt  }
0x64: {  	_ =	shalt  }
0x65: {  	_ =	shalt  }
0x66: {  	_ =	shalt  }
0x67: {  	_ =	shalt  }
0x68: {  	_ =	shalt  }
0x69: {  	_ =	shalt  }
0x6a: {  	_ =	shalt  }
0x6b: {  	_ =	shalt  }
0x6c: {  	_ =	shalt  }
0x6d: {  	_ =	shalt  }
0x6e: {  	_ =	shalt  }
0x6f: {  	_ =	shalt  }
0x70: {  	_ =	shalt  }
0x71: {  	_ =	shalt  }
0x72: {  	_ =	shalt  }
0x73: {  	_ =	shalt  }
0x74: {  	_ =	shalt  }
0x75: {  	_ =	shalt  }
0x76: {  	_ =	shalt  }
0x77: {  	_ =	shalt  }
0x78: {  	_ =	shalt  }
0x79: {  	_ =	shalt  }
0x7a: {  	_ =	shalt  }
0x7b: {  	_ =	shalt  }
0x7c: {  	_ =	shalt  }
0x7d: {  	_ =	shalt  }
0x7e: {  	_ =	shalt  }
0x7f: {  	_ =	shalt  }
0x80: {  	_ =	shalt  }
0x81: {  	_ =	shalt  }
0x82: {  	_ =	shalt  }
0x83: {  	_ =	shalt  }
0x84: {  	_ =	shalt  }
0x85: {  	_ =	shalt  }
0x86: {  	_ =	shalt  }
0x87: {  	_ =	shalt  }
.Lfunc_end0:
.L_simem_size_0:
called_computation.1_lowered:
.L_overlay_start_0:
0x88: {  	s2 =	sld [smem:$0x3FD9]  }
0x89: {  	s3 =	sld [smem:$0x3FFE];
	_ =	sdelay $0x1  }
0x8a: {  	s1 =	srdreg.scid  }
0x8b: {  	s0 =	sand.u32 $0x1, s1  }
0x8c: {  	s16 =	sshll.u32 s0, $0xA;
	s2 =	sadd.s32 s3, s2  }
0x8d: {  	s2 =	sadd.s32 s2, s16  }
0x8e: {  	[smem:$0x3FBF] =	sst s2  }
0x8f: {  	_ = 	snop  }
0x90: {  	(tm) =	ssettm $0x1  }
0x91: {  	s17 =	sld [smem:$0x3FFB];
	_ =	sdelay $0x3  }
0x92: {  	_ =	strace s17  }
0x93: {  	s2 =	sld [smem:$0x3FFC];
	_ =	sdelay $0x3  }
0x94: {  	_ =	strace s2  }
0x95: {  	s2 =	sld [smem:$0x3FFD];
	_ =	sdelay $0x3  }
0x96: {  	_ =	strace s2  }
0x97: {  	_ =	strace $0x8FFFFFFF  }
0x98: {  	s18 =	sld [smem:$0x3FDB];
	_ =	sdelay $0x1  }
0x99: {  	s19 =	simm.s32 $_scs_section_size  }
0x9a: {  	s4 =	simm.s32 $_size__tile_overlayer_lowered;
	s5 =	simm.s32 $_tile_overlayer_lowered  }
0x9b: {  	s22 =	simm.s32 $0x1BFF;
	s21 =	sshll.u32 s5, $0x1;
	s2 =	sadd.s32 s19, s18  }
0x9c: {  	s6 =	simm.s32 $0x0;
	s20 =	sshll.u32 s4, $0x1;
	s4 =	sadd.s32 s21, s2  }
0x9d: {  	[timem:s6], [sflag:s22] =	dma.local [hbm:s4], s20  }
0x9e: {  	_ =	swait.ge [sflag:s22], s20  }
0x9f: {  	s3 =	ssub.s32 $0x0, s20;
	[sflag:s22] =	ssyncset.done $0x0  }
0xa0: {  	[sflag:s22] =	ssyncadd.s32 s3;
	_ =	sdelay $0x1  }
0xa1: {  	s23 =	simm.s32 $0x1B8B  }
0xa2: {  	_ =	swait.ge [sflag:s23], $0x1  }
0xa3: {  	[sflag:s23] =	ssyncset.done $0x0  }
0xa4: {  	s25 =	simm.s32 $0x1B8E;
	s24 =	sld [smem:$0x3FFE];
	[sflag:s23] =	ssyncadd.s32 $0xFFFFFFFF  }
0xa5: {  	s26 =	simm.s32 $execute0_lowered;
	[smem:$0x3FD2] =	sst s25  }
0xa6: {  	s4 =	sshll.u32 s26, $0x1;
	_ =	strace $0x80000046;
	[dreg:$0x1] =	wrdreg $0xFFFFFFFF  }
0xa7: {  	s28 =	simm.s32 $_size_execute0_lowered;
	s2 =	sadd.s32 s2, s4;
	[dreg:$0x0] =	wrdreg $0x0  }
0xa8: {  	s4 =	sshll.u32 s28, $0x1;
	[dreg:$0x2] =	wrdreg s2  }
0xa9: {  	[dreg:$0x3] =	wrdreg s4  }
0xaa: {  	[dreg:$0x4] =	wrdreg $0xC0  }
0xab: {  	_ =	task [dreg:s6], $0x5FFFF  }
0xac: {  	[dreg:$0x1] =	wrdreg $0xFFFFFFFF  }
0xad: {  	[dreg:$0x0] =	wrdreg $0x60  }
0xae: {  	[dreg:$0x2] =	wrdreg s24  }
0xaf: {  	[dreg:$0x3] =	wrdreg $0x69000  }
0xb0: {  	[dreg:$0x4] =	wrdreg $0xA  }
0xb1: {  	_ =	task.clear_ibuf [dreg:s6], $0x5FFFF;
	_ =	strace $0x90000046  }
0xb2: {  	s29 =	simm.s32 $0xA;
	_ =	strace $0x80000048  }
0xb3: {  	_ =	swait.ge [sflag:s29], $0x1  }
0xb4: {  	[sflag:s29] =	ssyncadd.s32 $0xFFFFFFFF  }
0xb5: {  	_ =	strace $0x90000048  }
0xb6: {  	_ =	sfence  }
0xb7: {  	s30 =	sld [smem:$0x0];
	_ =	sdelay $0x2  }
0xb8: {  	s31 =	sshll.u32 s1, $0xD;
	s1 =	sshrl.u32 s1, $0x2  }
0xb9: {  	s3 =	sand.u32 $0x4000, s31;
	s1 =	sadd.s32 s1, s30  }
0xba: {  	s0 =	sor.u32 s3, s0;
	s1 =	sshll.u32 s1, $0x11  }
0xbb: {  	s0 =	sor.u32 s1, s0  }
0xbc: {  	s0 =	sadd.s32 $0x8F2B, s0  }
0xbd: {  	[sflag:s0] =	ssyncadd.remote.s32 $0x1  }
0xbe: {  	_ =	sfence.sel $0xFFFF  }
0xbf: {  	[dreg:$0x0] =	wrdreg $0xFFFFFFFF;
	(pc) =	sbr.abs _section_cstart, $3  }
0xc0: {  	[dreg:$0x1] =	wrdreg $0xFFFFFFFF  }
0xc1: {  	_ =	task.clear_ibuf [dreg:s6], $0x2FFFF;
	_ =	strace $0x9FFFFFFF  }
0xc2: {  	(tm) =	ssettm $0x7FFFFFFF  }
0xc3: {  	_ =	shalt  }
tec
execute0_lowered:
.L_overlay_start_1:
0x0: {  	(tag) =	ssettag $0x1  }
0x1: {  	s1 =	rddreg [dreg:$0x0]  }
0x2: {  	s0 =	srdreg.scid;
	s2 =	rddreg [dreg:$0x1]  }
0x3: {  	s22 =	stileid.u32;
	s3 =	simm.s32 $0x0;
	s23 =	simm.s32 $0x2900  }
0x4: {  	s24 =	simm.s32 $0x80;
	s25 =	simm.s32 $0x2;
	s28 =	simm.s32 $0x3  }
0x5: {  	s30 =	simm.s32 $0x0;
	s0 =	sand.u32 $0x1, s0;
	s9 =	smul.u32 $0x4F000, s22  }
0x6: {  	[smem:$0x7FF] =	sst s3;
	s5 =	sadd.s32 $0xC800, s1;
	s11 =	smul.u32 $0x13C00, s22  }
0x7: {  	s4 =	sshll.u32 s0, $0x4;
	_ =	strace $0x80000047;
	s17 =	smul.u32 $0x13C000, s0  }
0x8: {  	s7 =	ssub.s32 $0x2, s0;
	s0 =	smul.u32 $0x27800, s0;
	s8 =	sor.u32 s22, s4  }
0x9: {  	s4 =	sadd.s32 $0x16600, s1;
	s10 =	sshrl.u32 s7, $0x1;
	s26 =	sshrl.u32 s9, $0x2  }
0xa: {  	s13 =	sadd.s32 $0x4000, s11;
	s14 =	sadd.s32 $0x8000, s11;
	s22 =	smul.u32 $0x2780, s22  }
0xb: {  	s16 =	sadd.s32 $0xC000, s11;
	s19 =	sadd.s32 $0x10000, s11;
	s6 =	smul.u32 $0x500, s8  }
0xc: {  	s18 =	ssub.s32 s7, s10;
	s7 =	sadd.s32 s26, s2;
	s12 =	smul.u32 $0x2780, s8  }
0xd: {  	s8 =	sadd.s32 s13, s2;
	s9 =	sadd.s32 s14, s2;
	s10 =	sadd.s32 s16, s2  }
0xe: {  	s15 =	sadd.s32 s11, s17;
	s11 =	sadd.s32 s19, s2;
	s13 =	sadd.s32 s17, s13  }
0xf: {  	s14 =	sadd.s32 s17, s14;
	s16 =	sadd.s32 s17, s16;
	s17 =	sadd.s32 s17, s19  }
0x10: {  	s26 =	simm.s32 $0x1;
	s15 =	sshrl.u32 s15, $0x3;
	s20 =	sshrl.u32 s13, $0x3  }
0x11: {  	s21 =	sshrl.u32 s14, $0x3;
	s0 =	sadd.s32 s22, s0;
	s16 =	sshrl.u32 s16, $0x3  }
0x12: {  	s17 =	sshrl.u32 s17, $0x3;
	s18 =	smax.u32 s18, $0x1;
	s22 =	simm.s32 $0x4  }
0x13: {  	s6 =	sadd.s32 s6, s1;
	s1 =	sadd.s32 $0x3DE00, s1;
	s12 =	sshrl.u32 s12, $0x3  }
0x14: {  	s29 =	sadd.s32 $0x80, s0;
	s19 =	sadd.s32 $0x100, s0;
	s6 =	sadd.s32 $0x2800, s6  }
0x15: {  	s12 =	sadd.s32 s5, s12;
	s13 =	sadd.s32 s1, s15;
	s14 =	sadd.s32 s1, s20  }
0x16: {  	s15 =	sadd.s32 s1, s21;
	s16 =	sadd.s32 s1, s16;
	s31 =	sshrl.u32 s29, $0x3  }
0x17: {  	v0 =	vimm.f32 $0.0e+00;
	s17 =	sadd.s32 s1, s17;
	[dreg:$0x3] =	wrdreg s6;
	s20 =	sadd.s32 s31, s5  }
.LBB2_1:
0x18: {  	s0 =	rddreg [dreg:$0x3];
	s1 =	simm.s32 $0x100  }
0x19: {  	[tilespmem:s1], [sflag:$0x4] =	stream.linear.gather [hbm4b:s0+s3], $0x2780, $0x38;
	[tilespmem:$0x1A500] =	vst v63  }
0x1a: {  	_ =	swait.ge [sflag:s22], $0x2780  }
0x1b: {  	[sflag:s22] =	ssyncset.done $0x0  }
0x1c: {  	s0 =	simm.s32 $0x0;
	s1 =	simm.s32 $0x200;
	[sflag:s22] =	ssyncadd.s32 $0xFFFFD880  }
.LBB2_2:
0x1d: {  	p0 =	sne.s32 s1, $0xFE00;
	[tilespmem:s0+$0x2970] =	vst v0  }
0x1e: {  	[tilespmem:s0+$0x2900] =	vst v0  }
0x1f: {  	[tilespmem:s0+$0x2910] =	vst v0  }
.Ltmp0:
0x20: {  	[tilespmem:s0+$0x2920] =	vst v0;
	(pc) =	sbr.rel @p0 .LBB2_2-.Ltmp0, $4  }
0x21: {  	[tilespmem:s0+$0x2930] =	vst v0  }
0x22: {  	[tilespmem:s0+$0x2940] =	vst v0  }
0x23: {  	[tilespmem:s0+$0x2950] =	vst v0  }
0x24: {  	[tilespmem:s0+$0x2960] =	vst v0;
	s0 =	sshra.s32 s1, $0x2;
	s1 =	sadd.s32 $0x200, s1  }
0x25: {  	[tilespmem:s0+$0x2970] =	vst v0  }
0x26: {  	[tilespmem:s0+$0x2900] =	vst v0  }
0x27: {  	[tilespmem:s0+$0x2910] =	vst v0  }
0x28: {  	[tilespmem:s0+$0x2920] =	vst v0  }
0x29: {  	[tilespmem:s0+$0x2930] =	vst v0  }
0x2a: {  	[tilespmem:s0+$0x2940] =	vst v0  }
0x2b: {  	[tilespmem:s0+$0x2950] =	vst v0  }
0x2c: {  	[tilespmem:s0+$0x2960] =	vst v0  }
0x2d: {  	[spmem:s7] =	stream.linear.scatter [tilespmem:s23], [sflag:$0x4], $0x4000, $0x38;
	[tilespmem:$0x1A500] =	vst v63  }
0x2e: {  	_ =	swait.ge [sflag:s22], $0x4000  }
0x2f: {  	[sflag:s22] =	ssyncset.done $0x0  }
0x30: {  	[sflag:s22] =	ssyncadd.s32 $0xFFFFC000  }
0x31: {  	[spmem:s8] =	stream.linear.scatter [tilespmem:s23], [sflag:$0x4], $0x4000, $0x38;
	[tilespmem:$0x1A500] =	vst v63  }
0x32: {  	_ =	swait.ge [sflag:s22], $0x4000  }
0x33: {  	[sflag:s22] =	ssyncset.done $0x0  }
0x34: {  	[sflag:s22] =	ssyncadd.s32 $0xFFFFC000  }
0x35: {  	[spmem:s9] =	stream.linear.scatter [tilespmem:s23], [sflag:$0x4], $0x4000, $0x38;
	[tilespmem:$0x1A500] =	vst v63  }
0x36: {  	_ =	swait.ge [sflag:s22], $0x4000  }
0x37: {  	[sflag:s22] =	ssyncset.done $0x0  }
0x38: {  	[sflag:s22] =	ssyncadd.s32 $0xFFFFC000  }
0x39: {  	[spmem:s10] =	stream.linear.scatter [tilespmem:s23], [sflag:$0x4], $0x4000, $0x38;
	[tilespmem:$0x1A500] =	vst v63  }
0x3a: {  	_ =	swait.ge [sflag:s22], $0x4000  }
0x3b: {  	[sflag:s22] =	ssyncset.done $0x0  }
0x3c: {  	[sflag:s22] =	ssyncadd.s32 $0xFFFFC000  }
0x3d: {  	[spmem:s11] =	stream.linear.scatter [tilespmem:s23], [sflag:$0x4], $0x3C00, $0x38;
	[tilespmem:$0x1A500] =	vst v63  }
0x3e: {  	_ =	swait.ge [sflag:s22], $0x3C00  }
0x3f: {  	[sflag:s22] =	ssyncset.done $0x0  }
0x40: {  	[sflag:s22] =	ssyncadd.s32 $0xFFFFC400  }
0x41: {  	s29 =	simm.s32 $0x0;
	[bflag:$0x0] =	sbarrier.arrive $0xFFFF  }
0x42: {  	[tilespmem:s29], [sflag:$0x2] =	stream.linear.gather [hbm4b:s12+s29], $0x80, $0x38;
	[tilespmem:$0x1A500] =	vst v63  }
0x43: {  	s1 =	sadd.s32 $0x0, s20  }
0x44: {  	[tilespmem:s24], [sflag:$0x3] =	stream.linear.gather [hbm4b:s1+s3], $0x80, $0x38;
	[tilespmem:$0x1A500] =	vst v63  }
0x45: {  	_ =	swait.ge [sflag:s25], $0x80  }
0x46: {  	[sflag:s25] =	ssyncset.done $0x0  }
0x47: {  	[sflag:s25] =	ssyncadd.s32 $0xFFFFFF80  }
0x48: {  	[tilespmem:s23], [sflag:$0x1] =	stream.indirect.gather [hbm4b:s4+s24], $0x80, s3, s24, $0xb8;
	[tilespmem:$0x1A500] =	vst v63  }
0x49: {  	_ =	swait.ge [sflag:s26], $0x4000  }
0x4a: {  	[sflag:s26] =	ssyncset.done $0x0  }
0x4b: {  	s6 =	simm.s32 $0x100;
	[sflag:s26] =	ssyncadd.s32 $0xFFFFC000  }
0x4c: {  	[spmem:s2] =	stream.indirect.scatter.add.f32 [tilespmem:s23], [sflag:$0x4], $0x80, s6, s24, $0xb8;
	[tilespmem:$0x1A500] =	vst v63  }
0x4d: {  	_ =	swait.ge [sflag:s22], $0x4000  }
0x4e: {  	s21 =	sshrl.u32 s19, $0x3;
	[sflag:s22] =	ssyncset.done $0x0  }
0x4f: {  	s0 =	sadd.s32 s5, s21;
	[sflag:s22] =	ssyncadd.s32 $0xFFFFC000  }
0x50: {  	[tilespmem:s3], [sflag:$0x2] =	stream.linear.gather [hbm4b:s0+s3], $0x80, $0x38;
	[tilespmem:$0x1A500] =	vst v63  }
0x51: {  	_ =	swait.ge [sflag:s28], $0x80  }
0x52: {  	[sflag:s28] =	ssyncset.done $0x0  }
0x53: {  	[sflag:s28] =	ssyncadd.s32 $0xFFFFFF80  }
0x54: {  	[tilespmem:s23], [sflag:$0x1] =	stream.indirect.gather [hbm4b:s4+s24], $0x80, s24, s24, $0xb8;
	[tilespmem:$0x1A500] =	vst v63  }
0x55: {  	_ =	swait.ge [sflag:s26], $0x4000  }
0x56: {  	[sflag:s26] =	ssyncset.done $0x0  }
0x57: {  	s29 =	simm.s32 $0x180;
	[sflag:s26] =	ssyncadd.s32 $0xFFFFC000  }
0x58: {  	[spmem:s2] =	stream.indirect.scatter.add.f32 [tilespmem:s23], [sflag:$0x4], $0x80, s29, s24, $0xb8;
	[tilespmem:$0x1A500] =	vst v63  }
0x59: {  	s31 =	simm.s32 $0x200;
	s21 =	simm.s32 $0x40;
	_ =	swait.ge [sflag:s22], $0x4000  }
0x5a: {  	s1 =	simm.s32 $0x20;
	s0 =	sadd.s32 $0x100, s19;
	[sflag:s22] =	ssyncset.done $0x0  }
.LBB2_4:
0x5b: {  	s29 =	sadd.s32 s1, s20  }
0x5c: {  	[sflag:s22] =	ssyncadd.s32 $0xFFFFC000;
	s1 =	smov.u32 s21;
	s6 =	sadd.s32 $0x20, s21  }
0x5d: {  	[tilespmem:s24], [sflag:$0x3] =	stream.linear.gather [hbm4b:s29+s3], $0x80, $0x38;
	[tilespmem:$0x1A500] =	vst v63  }
0x5e: {  	p0 =	sne.s32 s21, $0x4C0;
	_ =	swait.ge [sflag:s25], $0x80  }
0x5f: {  	[sflag:s25] =	ssyncset.done $0x0  }
0x60: {  	[sflag:s25] =	ssyncadd.s32 $0xFFFFFF80  }
0x61: {  	[tilespmem:s23], [sflag:$0x1] =	stream.indirect.gather [hbm4b:s4+s24], $0x80, s3, s24, $0xb8;
	[tilespmem:$0x1A500] =	vst v63  }
0x62: {  	_ =	swait.ge [sflag:s26], $0x4000  }
0x63: {  	[sflag:s26] =	ssyncset.done $0x0  }
0x64: {  	[sflag:s26] =	ssyncadd.s32 $0xFFFFC000  }
0x65: {  	[spmem:s2] =	stream.indirect.scatter.add.f32 [tilespmem:s23], [sflag:$0x4], $0x80, s31, s24, $0xb8;
	[tilespmem:$0x1A500] =	vst v63  }
0x66: {  	_ =	swait.ge [sflag:s22], $0x4000  }
0x67: {  	s21 =	sshrl.u32 s0, $0x3;
	[sflag:s22] =	ssyncset.done $0x0  }
0x68: {  	s21 =	sadd.s32 s5, s21;
	[sflag:s22] =	ssyncadd.s32 $0xFFFFC000  }
0x69: {  	[tilespmem:s3], [sflag:$0x2] =	stream.linear.gather [hbm4b:s21+s3], $0x80, $0x38;
	[tilespmem:$0x1A500] =	vst v63  }
0x6a: {  	_ =	swait.ge [sflag:s28], $0x80  }
0x6b: {  	[sflag:s28] =	ssyncset.done $0x0  }
0x6c: {  	[sflag:s28] =	ssyncadd.s32 $0xFFFFFF80  }
0x6d: {  	[tilespmem:s23], [sflag:$0x1] =	stream.indirect.gather [hbm4b:s4+s24], $0x80, s24, s24, $0xb8;
	[tilespmem:$0x1A500] =	vst v63  }
0x6e: {  	_ =	swait.ge [sflag:s26], $0x4000  }
.Ltmp1:
0x6f: {  	[sflag:s26] =	ssyncset.done $0x0;
	(pc) =	sbr.rel @p0 .LBB2_4-.Ltmp1, $4  }
0x70: {  	s21 =	sadd.s32 $0x80, s31;
	[sflag:s26] =	ssyncadd.s32 $0xFFFFC000  }
0x71: {  	[spmem:s2] =	stream.indirect.scatter.add.f32 [tilespmem:s23], [sflag:$0x4], $0x80, s21, s24, $0xb8;
	[tilespmem:$0x1A500] =	vst v63  }
0x72: {  	s0 =	sadd.s32 $0x100, s0;
	_ =	swait.ge [sflag:s22], $0x4000  }
0x73: {  	s31 =	sadd.s32 $0x100, s31;
	s21 =	smov.u32 s6;
	[sflag:s22] =	ssyncset.done $0x0  }
0x74: {  	s1 =	sadd.s32 s1, s20;
	[sflag:s22] =	ssyncadd.s32 $0xFFFFC000  }
0x75: {  	[tilespmem:s24], [sflag:$0x3] =	stream.linear.gather [hbm4b:s1+s3], $0x80, $0x38;
	[tilespmem:$0x1A500] =	vst v63  }
0x76: {  	_ =	swait.ge [sflag:s25], $0x80  }
0x77: {  	[sflag:s25] =	ssyncset.done $0x0  }
0x78: {  	[sflag:s25] =	ssyncadd.s32 $0xFFFFFF80  }
0x79: {  	[tilespmem:s23], [sflag:$0x1] =	stream.indirect.gather [hbm4b:s4+s24], $0x80, s3, s24, $0xb8;
	[tilespmem:$0x1A500] =	vst v63  }
0x7a: {  	_ =	swait.ge [sflag:s26], $0x4000  }
0x7b: {  	[sflag:s26] =	ssyncset.done $0x0  }
0x7c: {  	[sflag:s26] =	ssyncadd.s32 $0xFFFFC000  }
0x7d: {  	[spmem:s2] =	stream.indirect.scatter.add.f32 [tilespmem:s23], [sflag:$0x4], $0x80, s31, s24, $0xb8;
	[tilespmem:$0x1A500] =	vst v63  }
0x7e: {  	_ =	swait.ge [sflag:s22], $0x4000  }
0x7f: {  	s0 =	sshrl.u32 s0, $0x3;
	[sflag:s22] =	ssyncset.done $0x0  }
0x80: {  	s0 =	sadd.s32 s5, s0;
	[sflag:s22] =	ssyncadd.s32 $0xFFFFC000  }
0x81: {  	[tilespmem:s3], [sflag:$0x2] =	stream.linear.gather [hbm4b:s0+s3], $0x80, $0x38;
	[tilespmem:$0x1A500] =	vst v63  }
0x82: {  	_ =	swait.ge [sflag:s28], $0x80  }
0x83: {  	[sflag:s28] =	ssyncset.done $0x0  }
0x84: {  	[sflag:s28] =	ssyncadd.s32 $0xFFFFFF80  }
0x85: {  	[tilespmem:s23], [sflag:$0x1] =	stream.indirect.gather [hbm4b:s4+s24], $0x80, s24, s24, $0xb8;
	[tilespmem:$0x1A500] =	vst v63  }
0x86: {  	_ =	swait.ge [sflag:s26], $0x4000  }
0x87: {  	[sflag:s26] =	ssyncset.done $0x0  }
0x88: {  	s29 =	sadd.s32 $0x80, s31;
	[sflag:s26] =	ssyncadd.s32 $0xFFFFC000  }
0x89: {  	[spmem:s2] =	stream.indirect.scatter.add.f32 [tilespmem:s23], [sflag:$0x4], $0x80, s29, s24, $0xb8;
	[tilespmem:$0x1A500] =	vst v63  }
0x8a: {  	_ =	swait.ge [sflag:s22], $0x4000  }
0x8b: {  	[sflag:s22] =	ssyncset.done $0x0  }
0x8c: {  	[sflag:s22] =	ssyncadd.s32 $0xFFFFC000  }
0x8d: {  	_ =	swait.ge [sflag:s25], $0x80  }
0x8e: {  	[sflag:s25] =	ssyncset.done $0x0  }
0x8f: {  	[sflag:s25] =	ssyncadd.s32 $0xFFFFFF80  }
0x90: {  	[tilespmem:s23], [sflag:$0x1] =	stream.indirect.gather [hbm4b:s4+s24], $0x80, s3, s24, $0xb8;
	[tilespmem:$0x1A500] =	vst v63  }
0x91: {  	_ =	swait.ge [sflag:s26], $0x4000  }
0x92: {  	[sflag:s26] =	ssyncset.done $0x0  }
0x93: {  	s31 =	simm.s32 $0x2800;
	[sflag:s26] =	ssyncadd.s32 $0xFFFFC000  }
0x94: {  	[spmem:s2] =	stream.indirect.scatter.add.f32 [tilespmem:s23], [sflag:$0x4], $0x80, s31, s24, $0xb8;
	[tilespmem:$0x1A500] =	vst v63  }
0x95: {  	_ =	swait.ge [sflag:s22], $0x4000  }
0x96: {  	[sflag:s22] =	ssyncset.done $0x0  }
0x97: {  	[sflag:s22] =	ssyncadd.s32 $0xFFFFC000  }
0x98: {  	[bflag:$0x0] =	sbarrier.arrive $0xFFFF  }
0x99: {  	[tilespmem:s23], [sflag:$0x4] =	stream.linear.gather [spmem:s7], $0x4000, $0x38;
	[tilespmem:$0x1A500] =	vst v63  }
0x9a: {  	_ =	swait.ge [sflag:s22], $0x4000  }
0x9b: {  	[sflag:s22] =	ssyncset.done $0x0  }
0x9c: {  	[sflag:s22] =	ssyncadd.s32 $0xFFFFC000  }
0x9d: {  	[hbm4b:s13+s3] =	stream.linear.scatter [tilespmem:s23], [sflag:$0x4], $0x4000, $0x38;
	[tilespmem:$0x1A500] =	vst v63  }
0x9e: {  	_ =	swait.ge [sflag:s22], $0x4000  }
0x9f: {  	[sflag:s22] =	ssyncset.done $0x0  }
0xa0: {  	[sflag:s22] =	ssyncadd.s32 $0xFFFFC000  }
0xa1: {  	[tilespmem:s23], [sflag:$0x4] =	stream.linear.gather [spmem:s8], $0x4000, $0x38;
	[tilespmem:$0x1A500] =	vst v63  }
0xa2: {  	_ =	swait.ge [sflag:s22], $0x4000  }
0xa3: {  	[sflag:s22] =	ssyncset.done $0x0  }
0xa4: {  	[sflag:s22] =	ssyncadd.s32 $0xFFFFC000  }
0xa5: {  	[hbm4b:s14+s3] =	stream.linear.scatter [tilespmem:s23], [sflag:$0x4], $0x4000, $0x38;
	[tilespmem:$0x1A500] =	vst v63  }
0xa6: {  	_ =	swait.ge [sflag:s22], $0x4000  }
0xa7: {  	[sflag:s22] =	ssyncset.done $0x0  }
0xa8: {  	[sflag:s22] =	ssyncadd.s32 $0xFFFFC000  }
0xa9: {  	[tilespmem:s23], [sflag:$0x4] =	stream.linear.gather [spmem:s9], $0x4000, $0x38;
	[tilespmem:$0x1A500] =	vst v63  }
0xaa: {  	_ =	swait.ge [sflag:s22], $0x4000  }
0xab: {  	[sflag:s22] =	ssyncset.done $0x0  }
0xac: {  	[sflag:s22] =	ssyncadd.s32 $0xFFFFC000  }
0xad: {  	[hbm4b:s15+s3] =	stream.linear.scatter [tilespmem:s23], [sflag:$0x4], $0x4000, $0x38;
	[tilespmem:$0x1A500] =	vst v63  }
0xae: {  	_ =	swait.ge [sflag:s22], $0x4000  }
0xaf: {  	[sflag:s22] =	ssyncset.done $0x0  }
0xb0: {  	[sflag:s22] =	ssyncadd.s32 $0xFFFFC000  }
0xb1: {  	[tilespmem:s23], [sflag:$0x4] =	stream.linear.gather [spmem:s10], $0x4000, $0x38;
	[tilespmem:$0x1A500] =	vst v63  }
0xb2: {  	_ =	swait.ge [sflag:s22], $0x4000  }
0xb3: {  	[sflag:s22] =	ssyncset.done $0x0  }
0xb4: {  	[sflag:s22] =	ssyncadd.s32 $0xFFFFC000  }
0xb5: {  	[hbm4b:s16+s3] =	stream.linear.scatter [tilespmem:s23], [sflag:$0x4], $0x4000, $0x38;
	[tilespmem:$0x1A500] =	vst v63  }
0xb6: {  	_ =	swait.ge [sflag:s22], $0x4000  }
0xb7: {  	[sflag:s22] =	ssyncset.done $0x0  }
0xb8: {  	[sflag:s22] =	ssyncadd.s32 $0xFFFFC000  }
0xb9: {  	[tilespmem:s23], [sflag:$0x4] =	stream.linear.gather [spmem:s11], $0x3C00, $0x38;
	[tilespmem:$0x1A500] =	vst v63  }
0xba: {  	s30 =	sadd.s32 $0x1, s30;
	_ =	swait.ge [sflag:s22], $0x3C00  }
0xbb: {  	p0 =	sne.s32 s30, s18;
	[sflag:s22] =	ssyncset.done $0x0  }
.Ltmp2:
0xbc: {  	[sflag:s22] =	ssyncadd.s32 $0xFFFFC400;
	(pc) =	sbr.rel @p0 .LBB2_1-.Ltmp2, $4  }
0xbd: {  	[hbm4b:s17+s3] =	stream.linear.scatter [tilespmem:s23], [sflag:$0x4], $0x3C00, $0x38;
	[tilespmem:$0x1A500] =	vst v63  }
0xbe: {  	_ =	swait.ge [sflag:s22], $0x3C00  }
0xbf: {  	[sflag:s22] =	ssyncset.done $0x0  }
0xc0: {  	[sflag:s22] =	ssyncadd.s32 $0xFFFFC400  }
0xc1: {  	_ =	sfence.sel $0x180000  }
0xc2: {  	[bflag:$0x0] =	sbarrier.arrive $0xFFFF  }
0xc3: {  	_ =	strace $0x90000047  }
0xc4: {  	s0 =	stileid.u32;
	[bflag:$0x2] =	sbarrier.arrive $0xFFFF  }
0xc5: {  	p0 =	sne.s32 s0, $0x0;
	s0 =	rddreg [dreg:$0x2]  }
0xc6: {  	s0 =	sadd.s32 @!p0 $0x100000, s0  }
0xc7: {  	[sflag:s0] =	ssyncadd.tile.s32 @!p0 $0x1;
	_ =	shalt  }
.Lfunc_end2:
_tile_overlayer_lowered:
.L_overlay_start_2:
0xc8: {  	(tag) =	ssettag $0x2  }
0xc9: {  	s0 =	rddreg [dreg:$0x0];
	s2 =	stileid.u32  }
0xca: {  	s1 =	rddreg [dreg:$0x1];
	p0 =	sne.s32 s2, $0x0  }
0xcb: {  	s3 =	rddreg [dreg:$0x2];
	[bflag:$0x3] =	sbarrier.arrive $0xFFFF;
	s2 =	simm.s32 @!p0 $0x1C04  }
0xcc: {  	[timem:s3], [sflag:s2] =	dma.local @!p0 [hbm:s0], s1  }
0xcd: {  	s0 =	simm.s32 @!p0 $0x4  }
0xce: {  	_ =	swait.ge @!p0 [sflag:s0], s1  }
0xcf: {  	s1 =	ssub.s32 @!p0 $0x0, s1;
	[sflag:s0] =	ssyncset.done @!p0 $0x0  }
0xd0: {  	[sflag:s0] =	ssyncadd.s32 @!p0 s1  }
0xd1: {  	[bflag:$0x3] =	sbarrier.arrive $0xFFFF  }
0xd2: {  	_ =	shalt  }

// kernel: kernel.15.cloned.1.call-start
scs
__scs_entry_jumppad:
0x0: {  	(pc) =	sbr.rel $0x88, $3  }
0x1: {  	(tag) =	ssettag $0x0;
	lr =	simm.s32 $0x1  }
0x2: {  	[smem:$0x3F98] =	sst lr;
	_ =	strace $0xD0000000  }
0x3: {  	_ = 	snop  }
0x4: {  	_ = 	snop  }
0x5: {  	_ = 	snop  }
0x6: {  	_ = 	snop  }
0x7: {  	_ = 	snop  }
__scs_overlays_trampoline_lowered:
0x8: {  	[smem:$0x3FA7] =	sst s0  }
0x9: {  	[smem:$0x3FA8] =	sst s1  }
0xa: {  	[smem:$0x3FA9] =	sst s2  }
0xb: {  	[smem:$0x3FAA] =	sst s3  }
0xc: {  	[smem:$0x3FAB] =	sst s4  }
0xd: {  	[smem:$0x3FAC] =	sst s5  }
0xe: {  	[smem:$0x3FAD] =	sst s6  }
0xf: {  	[smem:$0x3FAE] =	sst s7  }
0x10: {  	[smem:$0x3FAF] =	sst s8  }
0x11: {  	[smem:$0x3FB0] =	sst s9;
	s0 =	simm.s32 @!p0 $0x0  }
0x12: {  	s1 =	sld [smem:$0x3F96];
	s0 =	simm.s32 @p0 $0x1  }
0x13: {  	[smem:$0x3FB1] =	sst s0;
	s0 =	simm.s32 @!p1 $0x0  }
0x14: {  	s2 =	sld [smem:$0x3F95];
	s0 =	simm.s32 @p1 $0x1  }
0x15: {  	[smem:$0x3FB2] =	sst s0;
	s0 =	simm.s32 @!p2 $0x0  }
0x16: {  	s3 =	sld [smem:$0x3FDB];
	s0 =	simm.s32 @p2 $0x1  }
0x17: {  	s4 =	simm.s32 $0x1BF5;
	[smem:$0x3FB4] =	sst s0  }
0x18: {  	s0 =	sld [smem:$0x3F97];
	_ =	swait.ge [sflag:s4], $0x0  }
0x19: {  	s7 =	sld [smem:$0x3F98]  }
0x1a: {  	s8 =	sadd.s32 $0xFFFFE003, lr  }
0x1b: {  	s9 =	sadd.s32 $0xFFFFFEF7, lr;
	s5 =	simm.s32 $0xFFFFFFFF;
	p2 =	slt.u32 s8, $0xFFFFF086  }
0x1c: {  	p1 =	slt.u32 s9, $0xF7A;
	s5 =	simm.s32 @!p2 $0x0  }
0x1d: {  	s5 =	simm.s32 @p1 $0x1;
	p0 =	seq.s32 s7, s2  }
0x1e: {  	s7 =	smul.u32 @!p0 $0xF7A, s2;
	p2 =	seq.s32 @!p0 s5, $0x0  }
0x1f: {  	s9 =	smul.u32 $0xF7A, s1;
	s8 =	simm.s32 @!p0 $0x1BF5;
	p2 =	por !p2, p0  }
0x20: {  	[sflag:s8] =	ssyncset.s32 @!p0 $0xFFFFF086;
	s6 =	sadd.s32 @!p0 s3, s7;
	s7 =	simm.s32 @!p0 $0x108  }
0x21: {  	s3 =	sadd.s32 s3, s9;
	s6 =	sadd.s32 @!p0 $0x88, s6;
	s7 =	simm.s32 @p2 $0x1082  }
0x22: {  	[simem:s7], [sflag:s8] =	dma.local @!p0 [hbm:s6], $0xF7A  }
0x23: {  	s9 =	sor.u32 $0xD0000000, s2;
	s6 =	simm.s32 $0x108;
	_ =	swait.ge @!p0 [sflag:s8], $0x0  }
0x24: {  	s3 =	sadd.s32 $0x88, s3;
	s6 =	simm.s32 @!p1 $0x1082;
	[sflag:s4] =	ssyncset.s32 $0xFFFFF086  }
0x25: {  	[simem:s6], [sflag:s4] =	dma.local [hbm:s3], $0xF7A  }
0x26: {  	[smem:$0x3F98] =	sst s1;
	(tag) =	ssettag s2;
	_ =	strace s9  }
0x27: {  	s1 =	sld [smem:$0x3FA8]  }
0x28: {  	s2 =	sld [smem:$0x3FA9]  }
0x29: {  	s4 =	sld [smem:$0x3FAB]  }
0x2a: {  	p0 =	seq.s32 s5, $0x0;
	s5 =	sld [smem:$0x3FAC]  }
0x2b: {  	s6 =	sld [smem:$0x3FAD]  }
0x2c: {  	s7 =	sld [smem:$0x3FAE]  }
0x2d: {  	s3 =	simm.s32 $0x108;
	s8 =	sld [smem:$0x3FAF]  }
0x2e: {  	s3 =	simm.s32 @!p0 $0x1082;
	s9 =	sld [smem:$0x3FB0]  }
0x2f: {  	lr =	sadd.s32 s0, s3;
	s0 =	sld [smem:$0x3FA7]  }
0x30: {  	s3 =	sld [smem:$0x3FAA]  }
0x31: {  	[smem:$0x3FB3] =	sst s10  }
0x32: {  	s10 =	sld [smem:$0x3FB1];
	_ =	sdelay $0x3  }
0x33: {  	p0 =	seq.s32 s10, $0x1;
	s10 =	sld [smem:$0x3FB3];
	_ =	sdelay $0x3  }
0x34: {  	[smem:$0x3FB3] =	sst s10  }
0x35: {  	s10 =	sld [smem:$0x3FB2];
	_ =	sdelay $0x3  }
0x36: {  	p1 =	seq.s32 s10, $0x1;
	s10 =	sld [smem:$0x3FB3];
	_ =	sdelay $0x3  }
0x37: {  	[smem:$0x3FB3] =	sst s10  }
0x38: {  	s10 =	sld [smem:$0x3FB4]  }
0x39: {  	_ = 	snop;
	(pc) =	sbr.ind lr, $3  }
0x3a: {  	_ = 	snop  }
0x3b: {  	_ = 	snop  }
0x3c: {  	p2 =	seq.s32 s10, $0x1;
	s10 =	sld [smem:$0x3FB3]  }
0x3d: {  	_ =	shalt  }
0x3e: {  	_ =	shalt  }
0x3f: {  	_ =	shalt  }
0x40: {  	_ =	shalt  }
0x41: {  	_ =	shalt  }
0x42: {  	_ =	shalt  }
0x43: {  	_ =	shalt  }
0x44: {  	_ =	shalt  }
0x45: {  	_ =	shalt  }
0x46: {  	_ =	shalt  }
0x47: {  	_ =	shalt  }
0x48: {  	_ =	shalt  }
0x49: {  	_ =	shalt  }
0x4a: {  	_ =	shalt  }
0x4b: {  	_ =	shalt  }
0x4c: {  	_ =	shalt  }
0x4d: {  	_ =	shalt  }
0x4e: {  	_ =	shalt  }
0x4f: {  	_ =	shalt  }
0x50: {  	_ =	shalt  }
0x51: {  	_ =	shalt  }
0x52: {  	_ =	shalt  }
0x53: {  	_ =	shalt  }
0x54: {  	_ =	shalt  }
0x55: {  	_ =	shalt  }
0x56: {  	_ =	shalt  }
0x57: {  	_ =	shalt  }
0x58: {  	_ =	shalt  }
0x59: {  	_ =	shalt  }
0x5a: {  	_ =	shalt  }
0x5b: {  	_ =	shalt  }
0x5c: {  	_ =	shalt  }
0x5d: {  	_ =	shalt  }
0x5e: {  	_ =	shalt  }
0x5f: {  	_ =	shalt  }
0x60: {  	_ =	shalt  }
0x61: {  	_ =	shalt  }
0x62: {  	_ =	shalt  }
0x63: {  	_ =	shalt  }
0x64: {  	_ =	shalt  }
0x65: {  	_ =	shalt  }
0x66: {  	_ =	shalt  }
0x67: {  	_ =	shalt  }
0x68: {  	_ =	shalt  }
0x69: {  	_ =	shalt  }
0x6a: {  	_ =	shalt  }
0x6b: {  	_ =	shalt  }
0x6c: {  	_ =	shalt  }
0x6d: {  	_ =	shalt  }
0x6e: {  	_ =	shalt  }
0x6f: {  	_ =	shalt  }
0x70: {  	_ =	shalt  }
0x71: {  	_ =	shalt  }
0x72: {  	_ =	shalt  }
0x73: {  	_ =	shalt  }
0x74: {  	_ =	shalt  }
0x75: {  	_ =	shalt  }
0x76: {  	_ =	shalt  }
0x77: {  	_ =	shalt  }
0x78: {  	_ =	shalt  }
0x79: {  	_ =	shalt  }
0x7a: {  	_ =	shalt  }
0x7b: {  	_ =	shalt  }
0x7c: {  	_ =	shalt  }
0x7d: {  	_ =	shalt  }
0x7e: {  	_ =	shalt  }
0x7f: {  	_ =	shalt  }
0x80: {  	_ =	shalt  }
0x81: {  	_ =	shalt  }
0x82: {  	_ =	shalt  }
0x83: {  	_ =	shalt  }
0x84: {  	_ =	shalt  }
0x85: {  	_ =	shalt  }
0x86: {  	_ =	shalt  }
0x87: {  	_ =	shalt  }
.Lfunc_end0:
.L_simem_size_0:
called_computation.2_lowered:
.L_overlay_start_0:
0x88: {  	s2 =	sld [smem:$0x3FD9]  }
0x89: {  	s3 =	sld [smem:$0x3FFE];
	_ =	sdelay $0x1  }
0x8a: {  	s1 =	srdreg.scid  }
0x8b: {  	s0 =	sand.u32 $0x1, s1  }
0x8c: {  	s16 =	sshll.u32 s0, $0xA;
	s2 =	sadd.s32 s3, s2  }
0x8d: {  	s2 =	sadd.s32 s2, s16  }
0x8e: {  	[smem:$0x3FBF] =	sst s2  }
0x8f: {  	_ = 	snop  }
0x90: {  	(tm) =	ssettm $0x1  }
0x91: {  	s17 =	sld [smem:$0x3FFB];
	_ =	sdelay $0x3  }
0x92: {  	_ =	strace s17  }
0x93: {  	s2 =	sld [smem:$0x3FFC];
	_ =	sdelay $0x3  }
0x94: {  	_ =	strace s2  }
0x95: {  	s2 =	sld [smem:$0x3FFD];
	_ =	sdelay $0x3  }
0x96: {  	_ =	strace s2  }
0x97: {  	_ =	strace $0x8FFFFFFF  }
0x98: {  	s18 =	sld [smem:$0x3FDB];
	_ =	sdelay $0x1  }
0x99: {  	s19 =	simm.s32 $_scs_section_size  }
0x9a: {  	s4 =	simm.s32 $_size__tile_overlayer_lowered;
	s5 =	simm.s32 $_tile_overlayer_lowered  }
0x9b: {  	s22 =	simm.s32 $0x1BFF;
	s21 =	sshll.u32 s5, $0x1;
	s2 =	sadd.s32 s19, s18  }
0x9c: {  	s6 =	simm.s32 $0x0;
	s20 =	sshll.u32 s4, $0x1;
	s4 =	sadd.s32 s21, s2  }
0x9d: {  	[timem:s6], [sflag:s22] =	dma.local [hbm:s4], s20  }
0x9e: {  	_ =	swait.ge [sflag:s22], s20  }
0x9f: {  	s3 =	ssub.s32 $0x0, s20;
	[sflag:s22] =	ssyncset.done $0x0  }
0xa0: {  	[sflag:s22] =	ssyncadd.s32 s3;
	_ =	sdelay $0x1  }
0xa1: {  	s23 =	simm.s32 $0x1B8B  }
0xa2: {  	_ =	swait.ge [sflag:s23], $0x1  }
0xa3: {  	[sflag:s23] =	ssyncset.done $0x0  }
0xa4: {  	s25 =	simm.s32 $0x1B8E;
	s24 =	sld [smem:$0x3FFE];
	[sflag:s23] =	ssyncadd.s32 $0xFFFFFFFF  }
0xa5: {  	s26 =	simm.s32 $execute0_lowered;
	[smem:$0x3FD2] =	sst s25  }
0xa6: {  	s4 =	sshll.u32 s26, $0x1;
	_ =	strace $0x8000004C;
	[dreg:$0x1] =	wrdreg $0xFFFFFFFF  }
0xa7: {  	s28 =	simm.s32 $_size_execute0_lowered;
	s2 =	sadd.s32 s2, s4;
	[dreg:$0x0] =	wrdreg $0x0  }
0xa8: {  	s4 =	sshll.u32 s28, $0x1;
	[dreg:$0x2] =	wrdreg s2  }
0xa9: {  	[dreg:$0x3] =	wrdreg s4  }
0xaa: {  	[dreg:$0x4] =	wrdreg $0xC0  }
0xab: {  	_ =	task [dreg:s6], $0x5FFFF  }
0xac: {  	[dreg:$0x1] =	wrdreg $0xFFFFFFFF  }
0xad: {  	[dreg:$0x0] =	wrdreg $0x60  }
0xae: {  	[dreg:$0x2] =	wrdreg s24  }
0xaf: {  	[dreg:$0x3] =	wrdreg $0x69000  }
0xb0: {  	[dreg:$0x4] =	wrdreg $0x9  }
0xb1: {  	_ =	task.clear_ibuf [dreg:s6], $0x5FFFF;
	_ =	strace $0x9000004C  }
0xb2: {  	s29 =	simm.s32 $0x9;
	_ =	strace $0x8000004E  }
0xb3: {  	_ =	swait.ge [sflag:s29], $0x1  }
0xb4: {  	[sflag:s29] =	ssyncadd.s32 $0xFFFFFFFF  }
0xb5: {  	_ =	strace $0x9000004E  }
0xb6: {  	_ =	sfence  }
0xb7: {  	s30 =	sld [smem:$0x0];
	_ =	sdelay $0x2  }
0xb8: {  	s31 =	sshll.u32 s1, $0xD;
	s1 =	sshrl.u32 s1, $0x2  }
0xb9: {  	s3 =	sand.u32 $0x4000, s31;
	s1 =	sadd.s32 s1, s30  }
0xba: {  	s0 =	sor.u32 s3, s0;
	s1 =	sshll.u32 s1, $0x11  }
0xbb: {  	s0 =	sor.u32 s1, s0  }
0xbc: {  	s0 =	sadd.s32 $0x8F2B, s0  }
0xbd: {  	[sflag:s0] =	ssyncadd.remote.s32 $0x1  }
0xbe: {  	_ =	sfence.sel $0xFFFF  }
0xbf: {  	[dreg:$0x0] =	wrdreg $0xFFFFFFFF;
	(pc) =	sbr.abs _section_cstart, $3  }
0xc0: {  	[dreg:$0x1] =	wrdreg $0xFFFFFFFF  }
0xc1: {  	_ =	task.clear_ibuf [dreg:s6], $0x2FFFF;
	_ =	strace $0x9FFFFFFF  }
0xc2: {  	(tm) =	ssettm $0x7FFFFFFF  }
0xc3: {  	_ =	shalt  }
tec
execute0_lowered:
.L_overlay_start_1:
0x0: {  	(tag) =	ssettag $0x1  }
0x1: {  	s1 =	rddreg [dreg:$0x0]  }
0x2: {  	s0 =	srdreg.scid;
	s2 =	rddreg [dreg:$0x1]  }
0x3: {  	s22 =	stileid.u32;
	s3 =	simm.s32 $0x0;
	s23 =	simm.s32 $0x2900  }
0x4: {  	s24 =	simm.s32 $0x80;
	s25 =	simm.s32 $0x2;
	s28 =	simm.s32 $0x3  }
0x5: {  	s30 =	simm.s32 $0x0;
	s0 =	sand.u32 $0x1, s0;
	s9 =	smul.u32 $0x4F000, s22  }
0x6: {  	[smem:$0x7FF] =	sst s3;
	s5 =	sadd.s32 $0xC800, s1;
	s11 =	smul.u32 $0x13C00, s22  }
0x7: {  	s4 =	sshll.u32 s0, $0x4;
	_ =	strace $0x8000004D;
	s17 =	smul.u32 $0x13C000, s0  }
0x8: {  	s7 =	ssub.s32 $0x2, s0;
	s0 =	smul.u32 $0x27800, s0;
	s8 =	sor.u32 s22, s4  }
0x9: {  	s4 =	sadd.s32 $0x16600, s1;
	s10 =	sshrl.u32 s7, $0x1;
	s26 =	sshrl.u32 s9, $0x2  }
0xa: {  	s13 =	sadd.s32 $0x4000, s11;
	s14 =	sadd.s32 $0x8000, s11;
	s22 =	smul.u32 $0x2780, s22  }
0xb: {  	s16 =	sadd.s32 $0xC000, s11;
	s19 =	sadd.s32 $0x10000, s11;
	s6 =	smul.u32 $0x500, s8  }
0xc: {  	s18 =	ssub.s32 s7, s10;
	s7 =	sadd.s32 s26, s2;
	s12 =	smul.u32 $0x2780, s8  }
0xd: {  	s8 =	sadd.s32 s13, s2;
	s9 =	sadd.s32 s14, s2;
	s10 =	sadd.s32 s16, s2  }
0xe: {  	s15 =	sadd.s32 s11, s17;
	s11 =	sadd.s32 s19, s2;
	s13 =	sadd.s32 s17, s13  }
0xf: {  	s14 =	sadd.s32 s17, s14;
	s16 =	sadd.s32 s17, s16;
	s17 =	sadd.s32 s17, s19  }
0x10: {  	s26 =	simm.s32 $0x1;
	s15 =	sshrl.u32 s15, $0x3;
	s20 =	sshrl.u32 s13, $0x3  }
0x11: {  	s21 =	sshrl.u32 s14, $0x3;
	s0 =	sadd.s32 s22, s0;
	s16 =	sshrl.u32 s16, $0x3  }
0x12: {  	s17 =	sshrl.u32 s17, $0x3;
	s18 =	smax.u32 s18, $0x1;
	s22 =	simm.s32 $0x4  }
0x13: {  	s6 =	sadd.s32 s6, s1;
	s1 =	sadd.s32 $0x3DE00, s1;
	s12 =	sshrl.u32 s12, $0x3  }
0x14: {  	s29 =	sadd.s32 $0x80, s0;
	s19 =	sadd.s32 $0x100, s0;
	s6 =	sadd.s32 $0x2800, s6  }
0x15: {  	s12 =	sadd.s32 s5, s12;
	s13 =	sadd.s32 s1, s15;
	s14 =	sadd.s32 s1, s20  }
0x16: {  	s15 =	sadd.s32 s1, s21;
	s16 =	sadd.s32 s1, s16;
	s31 =	sshrl.u32 s29, $0x3  }
0x17: {  	v0 =	vimm.f32 $0.0e+00;
	s17 =	sadd.s32 s1, s17;
	[dreg:$0x3] =	wrdreg s6;
	s20 =	sadd.s32 s31, s5  }
.LBB2_1:
0x18: {  	s0 =	rddreg [dreg:$0x3];
	s1 =	simm.s32 $0x100  }
0x19: {  	[tilespmem:s1], [sflag:$0x4] =	stream.linear.gather [hbm4b:s0+s3], $0x2780, $0x38;
	[tilespmem:$0x1A500] =	vst v63  }
0x1a: {  	_ =	swait.ge [sflag:s22], $0x2780  }
0x1b: {  	[sflag:s22] =	ssyncset.done $0x0  }
0x1c: {  	s0 =	simm.s32 $0x0;
	s1 =	simm.s32 $0x200;
	[sflag:s22] =	ssyncadd.s32 $0xFFFFD880  }
.LBB2_2:
0x1d: {  	p0 =	sne.s32 s1, $0xFE00;
	[tilespmem:s0+$0x2970] =	vst v0  }
0x1e: {  	[tilespmem:s0+$0x2900] =	vst v0  }
0x1f: {  	[tilespmem:s0+$0x2910] =	vst v0  }
.Ltmp0:
0x20: {  	[tilespmem:s0+$0x2920] =	vst v0;
	(pc) =	sbr.rel @p0 .LBB2_2-.Ltmp0, $4  }
0x21: {  	[tilespmem:s0+$0x2930] =	vst v0  }
0x22: {  	[tilespmem:s0+$0x2940] =	vst v0  }
0x23: {  	[tilespmem:s0+$0x2950] =	vst v0  }
0x24: {  	[tilespmem:s0+$0x2960] =	vst v0;
	s0 =	sshra.s32 s1, $0x2;
	s1 =	sadd.s32 $0x200, s1  }
0x25: {  	[tilespmem:s0+$0x2970] =	vst v0  }
0x26: {  	[tilespmem:s0+$0x2900] =	vst v0  }
0x27: {  	[tilespmem:s0+$0x2910] =	vst v0  }
0x28: {  	[tilespmem:s0+$0x2920] =	vst v0  }
0x29: {  	[tilespmem:s0+$0x2930] =	vst v0  }
0x2a: {  	[tilespmem:s0+$0x2940] =	vst v0  }
0x2b: {  	[tilespmem:s0+$0x2950] =	vst v0  }
0x2c: {  	[tilespmem:s0+$0x2960] =	vst v0  }
0x2d: {  	[spmem:s7] =	stream.linear.scatter [tilespmem:s23], [sflag:$0x4], $0x4000, $0x38;
	[tilespmem:$0x1A500] =	vst v63  }
0x2e: {  	_ =	swait.ge [sflag:s22], $0x4000  }
0x2f: {  	[sflag:s22] =	ssyncset.done $0x0  }
0x30: {  	[sflag:s22] =	ssyncadd.s32 $0xFFFFC000  }
0x31: {  	[spmem:s8] =	stream.linear.scatter [tilespmem:s23], [sflag:$0x4], $0x4000, $0x38;
	[tilespmem:$0x1A500] =	vst v63  }
0x32: {  	_ =	swait.ge [sflag:s22], $0x4000  }
0x33: {  	[sflag:s22] =	ssyncset.done $0x0  }
0x34: {  	[sflag:s22] =	ssyncadd.s32 $0xFFFFC000  }
0x35: {  	[spmem:s9] =	stream.linear.scatter [tilespmem:s23], [sflag:$0x4], $0x4000, $0x38;
	[tilespmem:$0x1A500] =	vst v63  }
0x36: {  	_ =	swait.ge [sflag:s22], $0x4000  }
0x37: {  	[sflag:s22] =	ssyncset.done $0x0  }
0x38: {  	[sflag:s22] =	ssyncadd.s32 $0xFFFFC000  }
0x39: {  	[spmem:s10] =	stream.linear.scatter [tilespmem:s23], [sflag:$0x4], $0x4000, $0x38;
	[tilespmem:$0x1A500] =	vst v63  }
0x3a: {  	_ =	swait.ge [sflag:s22], $0x4000  }
0x3b: {  	[sflag:s22] =	ssyncset.done $0x0  }
0x3c: {  	[sflag:s22] =	ssyncadd.s32 $0xFFFFC000  }
0x3d: {  	[spmem:s11] =	stream.linear.scatter [tilespmem:s23], [sflag:$0x4], $0x3C00, $0x38;
	[tilespmem:$0x1A500] =	vst v63  }
0x3e: {  	_ =	swait.ge [sflag:s22], $0x3C00  }
0x3f: {  	[sflag:s22] =	ssyncset.done $0x0  }
0x40: {  	[sflag:s22] =	ssyncadd.s32 $0xFFFFC400  }
0x41: {  	s29 =	simm.s32 $0x0;
	[bflag:$0x0] =	sbarrier.arrive $0xFFFF  }
0x42: {  	[tilespmem:s29], [sflag:$0x2] =	stream.linear.gather [hbm4b:s12+s29], $0x80, $0x38;
	[tilespmem:$0x1A500] =	vst v63  }
0x43: {  	s1 =	sadd.s32 $0x0, s20  }
0x44: {  	[tilespmem:s24], [sflag:$0x3] =	stream.linear.gather [hbm4b:s1+s3], $0x80, $0x38;
	[tilespmem:$0x1A500] =	vst v63  }
0x45: {  	_ =	swait.ge [sflag:s25], $0x80  }
0x46: {  	[sflag:s25] =	ssyncset.done $0x0  }
0x47: {  	[sflag:s25] =	ssyncadd.s32 $0xFFFFFF80  }
0x48: {  	[tilespmem:s23], [sflag:$0x1] =	stream.indirect.gather [hbm4b:s4+s24], $0x80, s3, s24, $0xb8;
	[tilespmem:$0x1A500] =	vst v63  }
0x49: {  	_ =	swait.ge [sflag:s26], $0x4000  }
0x4a: {  	[sflag:s26] =	ssyncset.done $0x0  }
0x4b: {  	s6 =	simm.s32 $0x100;
	[sflag:s26] =	ssyncadd.s32 $0xFFFFC000  }
0x4c: {  	[spmem:s2] =	stream.indirect.scatter.add.f32 [tilespmem:s23], [sflag:$0x4], $0x80, s6, s24, $0xb8;
	[tilespmem:$0x1A500] =	vst v63  }
0x4d: {  	_ =	swait.ge [sflag:s22], $0x4000  }
0x4e: {  	s21 =	sshrl.u32 s19, $0x3;
	[sflag:s22] =	ssyncset.done $0x0  }
0x4f: {  	s0 =	sadd.s32 s5, s21;
	[sflag:s22] =	ssyncadd.s32 $0xFFFFC000  }
0x50: {  	[tilespmem:s3], [sflag:$0x2] =	stream.linear.gather [hbm4b:s0+s3], $0x80, $0x38;
	[tilespmem:$0x1A500] =	vst v63  }
0x51: {  	_ =	swait.ge [sflag:s28], $0x80  }
0x52: {  	[sflag:s28] =	ssyncset.done $0x0  }
0x53: {  	[sflag:s28] =	ssyncadd.s32 $0xFFFFFF80  }
0x54: {  	[tilespmem:s23], [sflag:$0x1] =	stream.indirect.gather [hbm4b:s4+s24], $0x80, s24, s24, $0xb8;
	[tilespmem:$0x1A500] =	vst v63  }
0x55: {  	_ =	swait.ge [sflag:s26], $0x4000  }
0x56: {  	[sflag:s26] =	ssyncset.done $0x0  }
0x57: {  	s29 =	simm.s32 $0x180;
	[sflag:s26] =	ssyncadd.s32 $0xFFFFC000  }
0x58: {  	[spmem:s2] =	stream.indirect.scatter.add.f32 [tilespmem:s23], [sflag:$0x4], $0x80, s29, s24, $0xb8;
	[tilespmem:$0x1A500] =	vst v63  }
0x59: {  	s31 =	simm.s32 $0x200;
	s21 =	simm.s32 $0x40;
	_ =	swait.ge [sflag:s22], $0x4000  }
0x5a: {  	s1 =	simm.s32 $0x20;
	s0 =	sadd.s32 $0x100, s19;
	[sflag:s22] =	ssyncset.done $0x0  }
.LBB2_4:
0x5b: {  	s29 =	sadd.s32 s1, s20  }
0x5c: {  	[sflag:s22] =	ssyncadd.s32 $0xFFFFC000;
	s1 =	smov.u32 s21;
	s6 =	sadd.s32 $0x20, s21  }
0x5d: {  	[tilespmem:s24], [sflag:$0x3] =	stream.linear.gather [hbm4b:s29+s3], $0x80, $0x38;
	[tilespmem:$0x1A500] =	vst v63  }
0x5e: {  	p0 =	sne.s32 s21, $0x4C0;
	_ =	swait.ge [sflag:s25], $0x80  }
0x5f: {  	[sflag:s25] =	ssyncset.done $0x0  }
0x60: {  	[sflag:s25] =	ssyncadd.s32 $0xFFFFFF80  }
0x61: {  	[tilespmem:s23], [sflag:$0x1] =	stream.indirect.gather [hbm4b:s4+s24], $0x80, s3, s24, $0xb8;
	[tilespmem:$0x1A500] =	vst v63  }
0x62: {  	_ =	swait.ge [sflag:s26], $0x4000  }
0x63: {  	[sflag:s26] =	ssyncset.done $0x0  }
0x64: {  	[sflag:s26] =	ssyncadd.s32 $0xFFFFC000  }
0x65: {  	[spmem:s2] =	stream.indirect.scatter.add.f32 [tilespmem:s23], [sflag:$0x4], $0x80, s31, s24, $0xb8;
	[tilespmem:$0x1A500] =	vst v63  }
0x66: {  	_ =	swait.ge [sflag:s22], $0x4000  }
0x67: {  	s21 =	sshrl.u32 s0, $0x3;
	[sflag:s22] =	ssyncset.done $0x0  }
0x68: {  	s21 =	sadd.s32 s5, s21;
	[sflag:s22] =	ssyncadd.s32 $0xFFFFC000  }
0x69: {  	[tilespmem:s3], [sflag:$0x2] =	stream.linear.gather [hbm4b:s21+s3], $0x80, $0x38;
	[tilespmem:$0x1A500] =	vst v63  }
0x6a: {  	_ =	swait.ge [sflag:s28], $0x80  }
0x6b: {  	[sflag:s28] =	ssyncset.done $0x0  }
0x6c: {  	[sflag:s28] =	ssyncadd.s32 $0xFFFFFF80  }
0x6d: {  	[tilespmem:s23], [sflag:$0x1] =	stream.indirect.gather [hbm4b:s4+s24], $0x80, s24, s24, $0xb8;
	[tilespmem:$0x1A500] =	vst v63  }
0x6e: {  	_ =	swait.ge [sflag:s26], $0x4000  }
.Ltmp1:
0x6f: {  	[sflag:s26] =	ssyncset.done $0x0;
	(pc) =	sbr.rel @p0 .LBB2_4-.Ltmp1, $4  }
0x70: {  	s21 =	sadd.s32 $0x80, s31;
	[sflag:s26] =	ssyncadd.s32 $0xFFFFC000  }
0x71: {  	[spmem:s2] =	stream.indirect.scatter.add.f32 [tilespmem:s23], [sflag:$0x4], $0x80, s21, s24, $0xb8;
	[tilespmem:$0x1A500] =	vst v63  }
0x72: {  	s0 =	sadd.s32 $0x100, s0;
	_ =	swait.ge [sflag:s22], $0x4000  }
0x73: {  	s31 =	sadd.s32 $0x100, s31;
	s21 =	smov.u32 s6;
	[sflag:s22] =	ssyncset.done $0x0  }
0x74: {  	s1 =	sadd.s32 s1, s20;
	[sflag:s22] =	ssyncadd.s32 $0xFFFFC000  }
0x75: {  	[tilespmem:s24], [sflag:$0x3] =	stream.linear.gather [hbm4b:s1+s3], $0x80, $0x38;
	[tilespmem:$0x1A500] =	vst v63  }
0x76: {  	_ =	swait.ge [sflag:s25], $0x80  }
0x77: {  	[sflag:s25] =	ssyncset.done $0x0  }
0x78: {  	[sflag:s25] =	ssyncadd.s32 $0xFFFFFF80  }
0x79: {  	[tilespmem:s23], [sflag:$0x1] =	stream.indirect.gather [hbm4b:s4+s24], $0x80, s3, s24, $0xb8;
	[tilespmem:$0x1A500] =	vst v63  }
0x7a: {  	_ =	swait.ge [sflag:s26], $0x4000  }
0x7b: {  	[sflag:s26] =	ssyncset.done $0x0  }
0x7c: {  	[sflag:s26] =	ssyncadd.s32 $0xFFFFC000  }
0x7d: {  	[spmem:s2] =	stream.indirect.scatter.add.f32 [tilespmem:s23], [sflag:$0x4], $0x80, s31, s24, $0xb8;
	[tilespmem:$0x1A500] =	vst v63  }
0x7e: {  	_ =	swait.ge [sflag:s22], $0x4000  }
0x7f: {  	s0 =	sshrl.u32 s0, $0x3;
	[sflag:s22] =	ssyncset.done $0x0  }
0x80: {  	s0 =	sadd.s32 s5, s0;
	[sflag:s22] =	ssyncadd.s32 $0xFFFFC000  }
0x81: {  	[tilespmem:s3], [sflag:$0x2] =	stream.linear.gather [hbm4b:s0+s3], $0x80, $0x38;
	[tilespmem:$0x1A500] =	vst v63  }
0x82: {  	_ =	swait.ge [sflag:s28], $0x80  }
0x83: {  	[sflag:s28] =	ssyncset.done $0x0  }
0x84: {  	[sflag:s28] =	ssyncadd.s32 $0xFFFFFF80  }
0x85: {  	[tilespmem:s23], [sflag:$0x1] =	stream.indirect.gather [hbm4b:s4+s24], $0x80, s24, s24, $0xb8;
	[tilespmem:$0x1A500] =	vst v63  }
0x86: {  	_ =	swait.ge [sflag:s26], $0x4000  }
0x87: {  	[sflag:s26] =	ssyncset.done $0x0  }
0x88: {  	s29 =	sadd.s32 $0x80, s31;
	[sflag:s26] =	ssyncadd.s32 $0xFFFFC000  }
0x89: {  	[spmem:s2] =	stream.indirect.scatter.add.f32 [tilespmem:s23], [sflag:$0x4], $0x80, s29, s24, $0xb8;
	[tilespmem:$0x1A500] =	vst v63  }
0x8a: {  	_ =	swait.ge [sflag:s22], $0x4000  }
0x8b: {  	[sflag:s22] =	ssyncset.done $0x0  }
0x8c: {  	[sflag:s22] =	ssyncadd.s32 $0xFFFFC000  }
0x8d: {  	_ =	swait.ge [sflag:s25], $0x80  }
0x8e: {  	[sflag:s25] =	ssyncset.done $0x0  }
0x8f: {  	[sflag:s25] =	ssyncadd.s32 $0xFFFFFF80  }
0x90: {  	[tilespmem:s23], [sflag:$0x1] =	stream.indirect.gather [hbm4b:s4+s24], $0x80, s3, s24, $0xb8;
	[tilespmem:$0x1A500] =	vst v63  }
0x91: {  	_ =	swait.ge [sflag:s26], $0x4000  }
0x92: {  	[sflag:s26] =	ssyncset.done $0x0  }
0x93: {  	s31 =	simm.s32 $0x2800;
	[sflag:s26] =	ssyncadd.s32 $0xFFFFC000  }
0x94: {  	[spmem:s2] =	stream.indirect.scatter.add.f32 [tilespmem:s23], [sflag:$0x4], $0x80, s31, s24, $0xb8;
	[tilespmem:$0x1A500] =	vst v63  }
0x95: {  	_ =	swait.ge [sflag:s22], $0x4000  }
0x96: {  	[sflag:s22] =	ssyncset.done $0x0  }
0x97: {  	[sflag:s22] =	ssyncadd.s32 $0xFFFFC000  }
0x98: {  	[bflag:$0x0] =	sbarrier.arrive $0xFFFF  }
0x99: {  	[tilespmem:s23], [sflag:$0x4] =	stream.linear.gather [spmem:s7], $0x4000, $0x38;
	[tilespmem:$0x1A500] =	vst v63  }
0x9a: {  	_ =	swait.ge [sflag:s22], $0x4000  }
0x9b: {  	[sflag:s22] =	ssyncset.done $0x0  }
0x9c: {  	[sflag:s22] =	ssyncadd.s32 $0xFFFFC000  }
0x9d: {  	[hbm4b:s13+s3] =	stream.linear.scatter [tilespmem:s23], [sflag:$0x4], $0x4000, $0x38;
	[tilespmem:$0x1A500] =	vst v63  }
0x9e: {  	_ =	swait.ge [sflag:s22], $0x4000  }
0x9f: {  	[sflag:s22] =	ssyncset.done $0x0  }
0xa0: {  	[sflag:s22] =	ssyncadd.s32 $0xFFFFC000  }
0xa1: {  	[tilespmem:s23], [sflag:$0x4] =	stream.linear.gather [spmem:s8], $0x4000, $0x38;
	[tilespmem:$0x1A500] =	vst v63  }
0xa2: {  	_ =	swait.ge [sflag:s22], $0x4000  }
0xa3: {  	[sflag:s22] =	ssyncset.done $0x0  }
0xa4: {  	[sflag:s22] =	ssyncadd.s32 $0xFFFFC000  }
0xa5: {  	[hbm4b:s14+s3] =	stream.linear.scatter [tilespmem:s23], [sflag:$0x4], $0x4000, $0x38;
	[tilespmem:$0x1A500] =	vst v63  }
0xa6: {  	_ =	swait.ge [sflag:s22], $0x4000  }
0xa7: {  	[sflag:s22] =	ssyncset.done $0x0  }
0xa8: {  	[sflag:s22] =	ssyncadd.s32 $0xFFFFC000  }
0xa9: {  	[tilespmem:s23], [sflag:$0x4] =	stream.linear.gather [spmem:s9], $0x4000, $0x38;
	[tilespmem:$0x1A500] =	vst v63  }
0xaa: {  	_ =	swait.ge [sflag:s22], $0x4000  }
0xab: {  	[sflag:s22] =	ssyncset.done $0x0  }
0xac: {  	[sflag:s22] =	ssyncadd.s32 $0xFFFFC000  }
0xad: {  	[hbm4b:s15+s3] =	stream.linear.scatter [tilespmem:s23], [sflag:$0x4], $0x4000, $0x38;
	[tilespmem:$0x1A500] =	vst v63  }
0xae: {  	_ =	swait.ge [sflag:s22], $0x4000  }
0xaf: {  	[sflag:s22] =	ssyncset.done $0x0  }
0xb0: {  	[sflag:s22] =	ssyncadd.s32 $0xFFFFC000  }
0xb1: {  	[tilespmem:s23], [sflag:$0x4] =	stream.linear.gather [spmem:s10], $0x4000, $0x38;
	[tilespmem:$0x1A500] =	vst v63  }
0xb2: {  	_ =	swait.ge [sflag:s22], $0x4000  }
0xb3: {  	[sflag:s22] =	ssyncset.done $0x0  }
0xb4: {  	[sflag:s22] =	ssyncadd.s32 $0xFFFFC000  }
0xb5: {  	[hbm4b:s16+s3] =	stream.linear.scatter [tilespmem:s23], [sflag:$0x4], $0x4000, $0x38;
	[tilespmem:$0x1A500] =	vst v63  }
0xb6: {  	_ =	swait.ge [sflag:s22], $0x4000  }
0xb7: {  	[sflag:s22] =	ssyncset.done $0x0  }
0xb8: {  	[sflag:s22] =	ssyncadd.s32 $0xFFFFC000  }
0xb9: {  	[tilespmem:s23], [sflag:$0x4] =	stream.linear.gather [spmem:s11], $0x3C00, $0x38;
	[tilespmem:$0x1A500] =	vst v63  }
0xba: {  	s30 =	sadd.s32 $0x1, s30;
	_ =	swait.ge [sflag:s22], $0x3C00  }
0xbb: {  	p0 =	sne.s32 s30, s18;
	[sflag:s22] =	ssyncset.done $0x0  }
.Ltmp2:
0xbc: {  	[sflag:s22] =	ssyncadd.s32 $0xFFFFC400;
	(pc) =	sbr.rel @p0 .LBB2_1-.Ltmp2, $4  }
0xbd: {  	[hbm4b:s17+s3] =	stream.linear.scatter [tilespmem:s23], [sflag:$0x4], $0x3C00, $0x38;
	[tilespmem:$0x1A500] =	vst v63  }
0xbe: {  	_ =	swait.ge [sflag:s22], $0x3C00  }
0xbf: {  	[sflag:s22] =	ssyncset.done $0x0  }
0xc0: {  	[sflag:s22] =	ssyncadd.s32 $0xFFFFC400  }
0xc1: {  	_ =	sfence.sel $0x180000  }
0xc2: {  	[bflag:$0x0] =	sbarrier.arrive $0xFFFF  }
0xc3: {  	_ =	strace $0x9000004D  }
0xc4: {  	s0 =	stileid.u32;
	[bflag:$0x2] =	sbarrier.arrive $0xFFFF  }
0xc5: {  	p0 =	sne.s32 s0, $0x0;
	s0 =	rddreg [dreg:$0x2]  }
0xc6: {  	s0 =	sadd.s32 @!p0 $0x100000, s0  }
0xc7: {  	[sflag:s0] =	ssyncadd.tile.s32 @!p0 $0x1;
	_ =	shalt  }
.Lfunc_end2:
_tile_overlayer_lowered:
.L_overlay_start_2:
0xc8: {  	(tag) =	ssettag $0x2  }
0xc9: {  	s0 =	rddreg [dreg:$0x0];
	s2 =	stileid.u32  }
0xca: {  	s1 =	rddreg [dreg:$0x1];
	p0 =	sne.s32 s2, $0x0  }
0xcb: {  	s3 =	rddreg [dreg:$0x2];
	[bflag:$0x3] =	sbarrier.arrive $0xFFFF;
	s2 =	simm.s32 @!p0 $0x1C04  }
0xcc: {  	[timem:s3], [sflag:s2] =	dma.local @!p0 [hbm:s0], s1  }
0xcd: {  	s0 =	simm.s32 @!p0 $0x4  }
0xce: {  	_ =	swait.ge @!p0 [sflag:s0], s1  }
0xcf: {  	s1 =	ssub.s32 @!p0 $0x0, s1;
	[sflag:s0] =	ssyncset.done @!p0 $0x0  }
0xd0: {  	[sflag:s0] =	ssyncadd.s32 @!p0 s1  }
0xd1: {  	[bflag:$0x3] =	sbarrier.arrive $0xFFFF  }
0xd2: {  	_ =	shalt  }

// kernel: kernel.18.cloned.1.call-start
scs
__scs_entry_jumppad:
0x0: {  	(pc) =	sbr.rel $0x88, $3  }
0x1: {  	(tag) =	ssettag $0x0;
	lr =	simm.s32 $0x1  }
0x2: {  	[smem:$0x3F98] =	sst lr;
	_ =	strace $0xD0000000  }
0x3: {  	_ = 	snop  }
0x4: {  	_ = 	snop  }
0x5: {  	_ = 	snop  }
0x6: {  	_ = 	snop  }
0x7: {  	_ = 	snop  }
__scs_overlays_trampoline_lowered:
0x8: {  	[smem:$0x3FA7] =	sst s0  }
0x9: {  	[smem:$0x3FA8] =	sst s1  }
0xa: {  	[smem:$0x3FA9] =	sst s2  }
0xb: {  	[smem:$0x3FAA] =	sst s3  }
0xc: {  	[smem:$0x3FAB] =	sst s4  }
0xd: {  	[smem:$0x3FAC] =	sst s5  }
0xe: {  	[smem:$0x3FAD] =	sst s6  }
0xf: {  	[smem:$0x3FAE] =	sst s7  }
0x10: {  	[smem:$0x3FAF] =	sst s8  }
0x11: {  	[smem:$0x3FB0] =	sst s9;
	s0 =	simm.s32 @!p0 $0x0  }
0x12: {  	s1 =	sld [smem:$0x3F96];
	s0 =	simm.s32 @p0 $0x1  }
0x13: {  	[smem:$0x3FB1] =	sst s0;
	s0 =	simm.s32 @!p1 $0x0  }
0x14: {  	s2 =	sld [smem:$0x3F95];
	s0 =	simm.s32 @p1 $0x1  }
0x15: {  	[smem:$0x3FB2] =	sst s0;
	s0 =	simm.s32 @!p2 $0x0  }
0x16: {  	s3 =	sld [smem:$0x3FDB];
	s0 =	simm.s32 @p2 $0x1  }
0x17: {  	s4 =	simm.s32 $0x1BF5;
	[smem:$0x3FB4] =	sst s0  }
0x18: {  	s0 =	sld [smem:$0x3F97];
	_ =	swait.ge [sflag:s4], $0x0  }
0x19: {  	s7 =	sld [smem:$0x3F98]  }
0x1a: {  	s8 =	sadd.s32 $0xFFFFE003, lr  }
0x1b: {  	s9 =	sadd.s32 $0xFFFFFEF7, lr;
	s5 =	simm.s32 $0xFFFFFFFF;
	p2 =	slt.u32 s8, $0xFFFFF086  }
0x1c: {  	p1 =	slt.u32 s9, $0xF7A;
	s5 =	simm.s32 @!p2 $0x0  }
0x1d: {  	s5 =	simm.s32 @p1 $0x1;
	p0 =	seq.s32 s7, s2  }
0x1e: {  	s7 =	smul.u32 @!p0 $0xF7A, s2;
	p2 =	seq.s32 @!p0 s5, $0x0  }
0x1f: {  	s9 =	smul.u32 $0xF7A, s1;
	s8 =	simm.s32 @!p0 $0x1BF5;
	p2 =	por !p2, p0  }
0x20: {  	[sflag:s8] =	ssyncset.s32 @!p0 $0xFFFFF086;
	s6 =	sadd.s32 @!p0 s3, s7;
	s7 =	simm.s32 @!p0 $0x108  }
0x21: {  	s3 =	sadd.s32 s3, s9;
	s6 =	sadd.s32 @!p0 $0x88, s6;
	s7 =	simm.s32 @p2 $0x1082  }
0x22: {  	[simem:s7], [sflag:s8] =	dma.local @!p0 [hbm:s6], $0xF7A  }
0x23: {  	s9 =	sor.u32 $0xD0000000, s2;
	s6 =	simm.s32 $0x108;
	_ =	swait.ge @!p0 [sflag:s8], $0x0  }
0x24: {  	s3 =	sadd.s32 $0x88, s3;
	s6 =	simm.s32 @!p1 $0x1082;
	[sflag:s4] =	ssyncset.s32 $0xFFFFF086  }
0x25: {  	[simem:s6], [sflag:s4] =	dma.local [hbm:s3], $0xF7A  }
0x26: {  	[smem:$0x3F98] =	sst s1;
	(tag) =	ssettag s2;
	_ =	strace s9  }
0x27: {  	s1 =	sld [smem:$0x3FA8]  }
0x28: {  	s2 =	sld [smem:$0x3FA9]  }
0x29: {  	s4 =	sld [smem:$0x3FAB]  }
0x2a: {  	p0 =	seq.s32 s5, $0x0;
	s5 =	sld [smem:$0x3FAC]  }
0x2b: {  	s6 =	sld [smem:$0x3FAD]  }
0x2c: {  	s7 =	sld [smem:$0x3FAE]  }
0x2d: {  	s3 =	simm.s32 $0x108;
	s8 =	sld [smem:$0x3FAF]  }
0x2e: {  	s3 =	simm.s32 @!p0 $0x1082;
	s9 =	sld [smem:$0x3FB0]  }
0x2f: {  	lr =	sadd.s32 s0, s3;
	s0 =	sld [smem:$0x3FA7]  }
0x30: {  	s3 =	sld [smem:$0x3FAA]  }
0x31: {  	[smem:$0x3FB3] =	sst s10  }
0x32: {  	s10 =	sld [smem:$0x3FB1];
	_ =	sdelay $0x3  }
0x33: {  	p0 =	seq.s32 s10, $0x1;
	s10 =	sld [smem:$0x3FB3];
	_ =	sdelay $0x3  }
0x34: {  	[smem:$0x3FB3] =	sst s10  }
0x35: {  	s10 =	sld [smem:$0x3FB2];
	_ =	sdelay $0x3  }
0x36: {  	p1 =	seq.s32 s10, $0x1;
	s10 =	sld [smem:$0x3FB3];
	_ =	sdelay $0x3  }
0x37: {  	[smem:$0x3FB3] =	sst s10  }
0x38: {  	s10 =	sld [smem:$0x3FB4]  }
0x39: {  	_ = 	snop;
	(pc) =	sbr.ind lr, $3  }
0x3a: {  	_ = 	snop  }
0x3b: {  	_ = 	snop  }
0x3c: {  	p2 =	seq.s32 s10, $0x1;
	s10 =	sld [smem:$0x3FB3]  }
0x3d: {  	_ =	shalt  }
0x3e: {  	_ =	shalt  }
0x3f: {  	_ =	shalt  }
0x40: {  	_ =	shalt  }
0x41: {  	_ =	shalt  }
0x42: {  	_ =	shalt  }
0x43: {  	_ =	shalt  }
0x44: {  	_ =	shalt  }
0x45: {  	_ =	shalt  }
0x46: {  	_ =	shalt  }
0x47: {  	_ =	shalt  }
0x48: {  	_ =	shalt  }
0x49: {  	_ =	shalt  }
0x4a: {  	_ =	shalt  }
0x4b: {  	_ =	shalt  }
0x4c: {  	_ =	shalt  }
0x4d: {  	_ =	shalt  }
0x4e: {  	_ =	shalt  }
0x4f: {  	_ =	shalt  }
0x50: {  	_ =	shalt  }
0x51: {  	_ =	shalt  }
0x52: {  	_ =	shalt  }
0x53: {  	_ =	shalt  }
0x54: {  	_ =	shalt  }
0x55: {  	_ =	shalt  }
0x56: {  	_ =	shalt  }
0x57: {  	_ =	shalt  }
0x58: {  	_ =	shalt  }
0x59: {  	_ =	shalt  }
0x5a: {  	_ =	shalt  }
0x5b: {  	_ =	shalt  }
0x5c: {  	_ =	shalt  }
0x5d: {  	_ =	shalt  }
0x5e: {  	_ =	shalt  }
0x5f: {  	_ =	shalt  }
0x60: {  	_ =	shalt  }
0x61: {  	_ =	shalt  }
0x62: {  	_ =	shalt  }
0x63: {  	_ =	shalt  }
0x64: {  	_ =	shalt  }
0x65: {  	_ =	shalt  }
0x66: {  	_ =	shalt  }
0x67: {  	_ =	shalt  }
0x68: {  	_ =	shalt  }
0x69: {  	_ =	shalt  }
0x6a: {  	_ =	shalt  }
0x6b: {  	_ =	shalt  }
0x6c: {  	_ =	shalt  }
0x6d: {  	_ =	shalt  }
0x6e: {  	_ =	shalt  }
0x6f: {  	_ =	shalt  }
0x70: {  	_ =	shalt  }
0x71: {  	_ =	shalt  }
0x72: {  	_ =	shalt  }
0x73: {  	_ =	shalt  }
0x74: {  	_ =	shalt  }
0x75: {  	_ =	shalt  }
0x76: {  	_ =	shalt  }
0x77: {  	_ =	shalt  }
0x78: {  	_ =	shalt  }
0x79: {  	_ =	shalt  }
0x7a: {  	_ =	shalt  }
0x7b: {  	_ =	shalt  }
0x7c: {  	_ =	shalt  }
0x7d: {  	_ =	shalt  }
0x7e: {  	_ =	shalt  }
0x7f: {  	_ =	shalt  }
0x80: {  	_ =	shalt  }
0x81: {  	_ =	shalt  }
0x82: {  	_ =	shalt  }
0x83: {  	_ =	shalt  }
0x84: {  	_ =	shalt  }
0x85: {  	_ =	shalt  }
0x86: {  	_ =	shalt  }
0x87: {  	_ =	shalt  }
.Lfunc_end0:
.L_simem_size_0:
called_computation.3_lowered:
.L_overlay_start_0:
0x88: {  	s2 =	sld [smem:$0x3FD9]  }
0x89: {  	s3 =	sld [smem:$0x3FFE];
	_ =	sdelay $0x1  }
0x8a: {  	s1 =	srdreg.scid  }
0x8b: {  	s0 =	sand.u32 $0x1, s1  }
0x8c: {  	s16 =	sshll.u32 s0, $0xA;
	s2 =	sadd.s32 s3, s2  }
0x8d: {  	s2 =	sadd.s32 s2, s16  }
0x8e: {  	[smem:$0x3FBF] =	sst s2  }
0x8f: {  	_ = 	snop  }
0x90: {  	(tm) =	ssettm $0x1  }
0x91: {  	s17 =	sld [smem:$0x3FFB];
	_ =	sdelay $0x3  }
0x92: {  	_ =	strace s17  }
0x93: {  	s2 =	sld [smem:$0x3FFC];
	_ =	sdelay $0x3  }
0x94: {  	_ =	strace s2  }
0x95: {  	s2 =	sld [smem:$0x3FFD];
	_ =	sdelay $0x3  }
0x96: {  	_ =	strace s2  }
0x97: {  	_ =	strace $0x8FFFFFFF  }
0x98: {  	s18 =	sld [smem:$0x3FDB];
	_ =	sdelay $0x1  }
0x99: {  	s19 =	simm.s32 $_scs_section_size  }
0x9a: {  	s4 =	simm.s32 $_size__tile_overlayer_lowered;
	s5 =	simm.s32 $_tile_overlayer_lowered  }
0x9b: {  	s22 =	simm.s32 $0x1BFF;
	s21 =	sshll.u32 s5, $0x1;
	s2 =	sadd.s32 s19, s18  }
0x9c: {  	s6 =	simm.s32 $0x0;
	s20 =	sshll.u32 s4, $0x1;
	s4 =	sadd.s32 s21, s2  }
0x9d: {  	[timem:s6], [sflag:s22] =	dma.local [hbm:s4], s20  }
0x9e: {  	_ =	swait.ge [sflag:s22], s20  }
0x9f: {  	s3 =	ssub.s32 $0x0, s20;
	[sflag:s22] =	ssyncset.done $0x0  }
0xa0: {  	[sflag:s22] =	ssyncadd.s32 s3;
	_ =	sdelay $0x1  }
0xa1: {  	s23 =	simm.s32 $0x1B8B  }
0xa2: {  	_ =	swait.ge [sflag:s23], $0x1  }
0xa3: {  	[sflag:s23] =	ssyncset.done $0x0  }
0xa4: {  	s25 =	simm.s32 $0x1B8E;
	s24 =	sld [smem:$0x3FFE];
	[sflag:s23] =	ssyncadd.s32 $0xFFFFFFFF  }
0xa5: {  	s26 =	simm.s32 $execute0_lowered;
	[smem:$0x3FD2] =	sst s25  }
0xa6: {  	s4 =	sshll.u32 s26, $0x1;
	_ =	strace $0x8000004F;
	[dreg:$0x1] =	wrdreg $0xFFFFFFFF  }
0xa7: {  	s28 =	simm.s32 $_size_execute0_lowered;
	s2 =	sadd.s32 s2, s4;
	[dreg:$0x0] =	wrdreg $0x0  }
0xa8: {  	s4 =	sshll.u32 s28, $0x1;
	[dreg:$0x2] =	wrdreg s2  }
0xa9: {  	[dreg:$0x3] =	wrdreg s4  }
0xaa: {  	[dreg:$0x4] =	wrdreg $0xC0  }
0xab: {  	_ =	task [dreg:s6], $0x5FFFF  }
0xac: {  	[dreg:$0x1] =	wrdreg $0xFFFFFFFF  }
0xad: {  	[dreg:$0x0] =	wrdreg $0x60  }
0xae: {  	[dreg:$0x2] =	wrdreg s24  }
0xaf: {  	[dreg:$0x3] =	wrdreg $0x9  }
0xb0: {  	_ =	task.clear_ibuf [dreg:s6], $0x4FFFF;
	_ =	strace $0x9000004F  }
0xb1: {  	s29 =	simm.s32 $0x9;
	_ =	strace $0x80000051  }
0xb2: {  	_ =	swait.ge [sflag:s29], $0x1  }
0xb3: {  	[sflag:s29] =	ssyncadd.s32 $0xFFFFFFFF  }
0xb4: {  	_ =	strace $0x90000051  }
0xb5: {  	_ =	sfence  }
0xb6: {  	s30 =	sld [smem:$0x0];
	_ =	sdelay $0x2  }
0xb7: {  	s31 =	sshll.u32 s1, $0xD;
	s1 =	sshrl.u32 s1, $0x2  }
0xb8: {  	s3 =	sand.u32 $0x4000, s31;
	s1 =	sadd.s32 s1, s30  }
0xb9: {  	s0 =	sor.u32 s3, s0;
	s1 =	sshll.u32 s1, $0x11  }
0xba: {  	s0 =	sor.u32 s1, s0  }
0xbb: {  	s0 =	sadd.s32 $0x8F2B, s0  }
0xbc: {  	[sflag:s0] =	ssyncadd.remote.s32 $0x1  }
0xbd: {  	_ =	sfence.sel $0xFFFF  }
0xbe: {  	[dreg:$0x0] =	wrdreg $0xFFFFFFFF;
	(pc) =	sbr.abs _section_cstart, $3  }
0xbf: {  	[dreg:$0x1] =	wrdreg $0xFFFFFFFF  }
0xc0: {  	_ =	task.clear_ibuf [dreg:s6], $0x2FFFF;
	_ =	strace $0x9FFFFFFF  }
0xc1: {  	(tm) =	ssettm $0x7FFFFFFF  }
tec
execute0_lowered:
.L_overlay_start_1:
0x0: {  	(tag) =	ssettag $0x1  }
0x1: {  	s4 =	rddreg [dreg:$0x0];
	s1 =	srdreg.scid  }
0x2: {  	s0 =	rddreg [dreg:$0x1];
	s2 =	simm.s32 $0x0;
	s9 =	simm.s32 $0x2  }
0x3: {  	s10 =	simm.s32 $0x1000;
	s11 =	simm.s32 $0x80;
	s12 =	simm.s32 $0x2000  }
0x4: {  	s13 =	simm.s32 $0x6000;
	s14 =	simm.s32 $0x1;
	s15 =	simm.s32 $0xA000  }
0x5: {  	s16 =	simm.s32 $0x0;
	s3 =	sand.u32 $0x1, s1;
	[smem:$0x7FF] =	sst s2  }
0x6: {  	s1 =	stileid.u32;
	s5 =	sshll.u32 s3, $0x4;
	s31 =	ssub.s32 $0x2, s3  }
0x7: {  	_ =	strace $0x80000050;
	s7 =	sor.u32 s1, s5;
	s8 =	sshrl.u32 s31, $0x1  }
0x8: {  	s3 =	sadd.s32 $0x2800, s4;
	s6 =	sshll.u32 s7, $0x9;
	s8 =	ssub.s32 s31, s8  }
0x9: {  	s7 =	smul.u32 $0xC800, s7;
	s6 =	sadd.s32 s6, s4;
	s4 =	sadd.s32 $0x2A000, s4  }
0xa: {  	s8 =	smax.u32 s8, $0x1;
	s5 =	sadd.s32 $0xDBE00, s6;
	s6 =	sadd.s32 $0xDFE00, s6  }
.LBB2_1:
0xb: {  	[tilespmem:s2], [sflag:$0x2] =	stream.linear.gather [hbm4b:s5+s2], $0xC80, $0x38;
	[tilespmem:$0xA800] =	vst v63  }
0xc: {  	_ =	swait.ge [sflag:s9], $0xC80  }
0xd: {  	[sflag:s9] =	ssyncset.done $0x0  }
0xe: {  	[sflag:s9] =	ssyncadd.s32 $0xFFFFF380  }
0xf: {  	[tilespmem:s10], [sflag:$0x2] =	stream.linear.gather [hbm4b:s6+s2], $0xC80, $0x38;
	[tilespmem:$0xA800] =	vst v63  }
0x10: {  	_ =	swait.ge [sflag:s9], $0xC80  }
0x11: {  	[sflag:s9] =	ssyncset.done $0x0  }
0x12: {  	s17 =	simm.s32 $0x0;
	[sflag:s9] =	ssyncadd.s32 $0xFFFFF380  }
.LBB2_2:
0x13: {  	s18 =	sshll.u32 s17, $0x7  }
0x14: {  	[tilespmem:s12], [sflag:$0x1] =	stream.indirect.gather [hbm4b:s3+s11], $0x80, s18, s11, $0xb8;
	[tilespmem:$0xA800] =	vst v63  }
0x15: {  	s18 =	sadd.s32 $0x1000, s18  }
0x16: {  	[tilespmem:s13], [sflag:$0x1] =	stream.indirect.gather [hbm4b:s3+s11], $0x80, s18, s11, $0xb8;
	[tilespmem:$0xA800] =	vst v63  }
0x17: {  	_ =	swait.ge [sflag:s14], $0x4000  }
0x18: {  	[sflag:s14] =	ssyncset.done $0x0  }
0x19: {  	[sflag:s14] =	ssyncadd.s32 $0xFFFFC000  }
0x1a: {  	_ =	swait.ge [sflag:s14], $0x4000  }
0x1b: {  	[sflag:s14] =	ssyncset.done $0x0  }
0x1c: {  	s18 =	simm.s32 $0x0;
	[sflag:s14] =	ssyncadd.s32 $0xFFFFC000  }
.LBB2_3:
0x1d: {  	s19 =	sshll.u32 s18, $0xB  }
0x1e: {  	v0 =	vld [tilespmem:s19+$0x2000]  }
0x1f: {  	v1 =	vld [tilespmem:s19+$0x6000]  }
0x20: {  	v2 =	vld [tilespmem:s19+$0x2010]  }
0x21: {  	v3 =	vld [tilespmem:s19+$0x6010]  }
0x22: {  	v4 =	vld [tilespmem:s19+$0x2020]  }
0x23: {  	v5 =	vld [tilespmem:s19+$0x6020]  }
0x24: {  	v6 =	vld [tilespmem:s19+$0x2030]  }
0x25: {  	v7 =	vld [tilespmem:s19+$0x6030]  }
0x26: {  	v56 =	vld [tilespmem:s19+$0x2040];
	v0 =	vmul.f32 v1, v0;
	v55 =	vmul.f32 v3, v2  }
0x27: {  	v57 =	vld [tilespmem:s19+$0x6040]  }
0x28: {  	v59 =	vld [tilespmem:s19+$0x2050];
	v58 =	vmul.f32 v5, v4;
	v0 =	vadd.f32 v55, v0  }
0x29: {  	v60 =	vld [tilespmem:s19+$0x6050]  }
0x2a: {  	v62 =	vld [tilespmem:s19+$0x2060];
	v61 =	vmul.f32 v7, v6;
	v0 =	vadd.f32 v58, v0  }
0x2b: {  	v63 =	vld [tilespmem:s19+$0x6060]  }
0x2c: {  	v9 =	vld [tilespmem:s19+$0x2070];
	v8 =	vmul.f32 v57, v56;
	v0 =	vadd.f32 v61, v0  }
0x2d: {  	v10 =	vld [tilespmem:s19+$0x6070]  }
0x2e: {  	v11 =	vmul.f32 v60, v59;
	v0 =	vadd.f32 v8, v0;
	_ =	sdelay $0x1  }
0x2f: {  	v12 =	vmul.f32 v63, v62;
	v0 =	vadd.f32 v11, v0;
	_ =	sdelay $0x1  }
0x30: {  	v13 =	vmul.f32 v10, v9;
	v0 =	vadd.f32 v12, v0;
	_ =	sdelay $0x1  }
0x31: {  	s20 =	sshll.u32 s18, $0x8;
	v0 =	vadd.f32 v13, v0  }
0x32: {  	s20 =	sand.u32 $0x3FFFFF00, s20  }
0x33: {  	[tilespmem:s20+$0xA000] =	vst v0  }
0x34: {  	v0 =	vld [tilespmem:s19+$0x2080]  }
0x35: {  	v14 =	vld [tilespmem:s19+$0x6080]  }
0x36: {  	v15 =	vld [tilespmem:s19+$0x2090]  }
0x37: {  	v16 =	vld [tilespmem:s19+$0x6090]  }
0x38: {  	v17 =	vld [tilespmem:s19+$0x20A0]  }
0x39: {  	v18 =	vld [tilespmem:s19+$0x60A0]  }
0x3a: {  	v19 =	vld [tilespmem:s19+$0x20B0]  }
0x3b: {  	v20 =	vld [tilespmem:s19+$0x60B0]  }
0x3c: {  	v22 =	vld [tilespmem:s19+$0x20C0];
	v0 =	vmul.f32 v14, v0;
	v21 =	vmul.f32 v16, v15  }
0x3d: {  	v23 =	vld [tilespmem:s19+$0x60C0]  }
0x3e: {  	v25 =	vld [tilespmem:s19+$0x20D0];
	v24 =	vmul.f32 v18, v17;
	v0 =	vadd.f32 v21, v0  }
0x3f: {  	v26 =	vld [tilespmem:s19+$0x60D0]  }
0x40: {  	v28 =	vld [tilespmem:s19+$0x20E0];
	v27 =	vmul.f32 v20, v19;
	v0 =	vadd.f32 v24, v0  }
0x41: {  	v29 =	vld [tilespmem:s19+$0x60E0]  }
0x42: {  	v31 =	vld [tilespmem:s19+$0x20F0];
	v30 =	vmul.f32 v23, v22;
	v0 =	vadd.f32 v27, v0  }
0x43: {  	v32 =	vld [tilespmem:s19+$0x60F0]  }
0x44: {  	v33 =	vmul.f32 v26, v25;
	v0 =	vadd.f32 v30, v0;
	_ =	sdelay $0x1  }
0x45: {  	v34 =	vmul.f32 v29, v28;
	v0 =	vadd.f32 v33, v0;
	_ =	sdelay $0x1  }
0x46: {  	v35 =	vmul.f32 v32, v31;
	v0 =	vadd.f32 v34, v0;
	_ =	sdelay $0x1  }
0x47: {  	v0 =	vadd.f32 v35, v0;
	_ =	sdelay $0x1  }
0x48: {  	[tilespmem:s20+$0xA010] =	vst v0  }
0x49: {  	v0 =	vld [tilespmem:s19+$0x2100]  }
0x4a: {  	v36 =	vld [tilespmem:s19+$0x6100]  }
0x4b: {  	v37 =	vld [tilespmem:s19+$0x2110]  }
0x4c: {  	v38 =	vld [tilespmem:s19+$0x6110]  }
0x4d: {  	v39 =	vld [tilespmem:s19+$0x2120]  }
0x4e: {  	v40 =	vld [tilespmem:s19+$0x6120]  }
0x4f: {  	v41 =	vld [tilespmem:s19+$0x2130]  }
0x50: {  	v42 =	vld [tilespmem:s19+$0x6130]  }
0x51: {  	v44 =	vld [tilespmem:s19+$0x2140];
	v0 =	vmul.f32 v36, v0;
	v43 =	vmul.f32 v38, v37  }
0x52: {  	v45 =	vld [tilespmem:s19+$0x6140]  }
0x53: {  	v47 =	vld [tilespmem:s19+$0x2150];
	v46 =	vmul.f32 v40, v39;
	v0 =	vadd.f32 v43, v0  }
0x54: {  	v48 =	vld [tilespmem:s19+$0x6150]  }
0x55: {  	v50 =	vld [tilespmem:s19+$0x2160];
	v49 =	vmul.f32 v42, v41;
	v0 =	vadd.f32 v46, v0  }
0x56: {  	v51 =	vld [tilespmem:s19+$0x6160]  }
0x57: {  	v53 =	vld [tilespmem:s19+$0x2170];
	v52 =	vmul.f32 v45, v44;
	v0 =	vadd.f32 v49, v0  }
0x58: {  	v54 =	vld [tilespmem:s19+$0x6170]  }
0x59: {  	v55 =	vmul.f32 v48, v47;
	v0 =	vadd.f32 v52, v0;
	_ =	sdelay $0x1  }
0x5a: {  	v56 =	vmul.f32 v51, v50;
	v0 =	vadd.f32 v55, v0;
	_ =	sdelay $0x1  }
0x5b: {  	v57 =	vmul.f32 v54, v53;
	v0 =	vadd.f32 v56, v0;
	_ =	sdelay $0x1  }
0x5c: {  	v0 =	vadd.f32 v57, v0;
	_ =	sdelay $0x1  }
0x5d: {  	[tilespmem:s20+$0xA020] =	vst v0  }
0x5e: {  	v0 =	vld [tilespmem:s19+$0x2180]  }
0x5f: {  	v58 =	vld [tilespmem:s19+$0x6180]  }
0x60: {  	v59 =	vld [tilespmem:s19+$0x2190]  }
0x61: {  	v60 =	vld [tilespmem:s19+$0x6190]  }
0x62: {  	v61 =	vld [tilespmem:s19+$0x21A0]  }
0x63: {  	v62 =	vld [tilespmem:s19+$0x61A0]  }
0x64: {  	v63 =	vld [tilespmem:s19+$0x21B0]  }
0x65: {  	v9 =	vld [tilespmem:s19+$0x61B0]  }
0x66: {  	v11 =	vld [tilespmem:s19+$0x21C0];
	v0 =	vmul.f32 v58, v0;
	v10 =	vmul.f32 v60, v59  }
0x67: {  	v12 =	vld [tilespmem:s19+$0x61C0]  }
0x68: {  	v14 =	vld [tilespmem:s19+$0x21D0];
	v13 =	vmul.f32 v62, v61;
	v0 =	vadd.f32 v10, v0  }
0x69: {  	v15 =	vld [tilespmem:s19+$0x61D0]  }
0x6a: {  	v17 =	vld [tilespmem:s19+$0x21E0];
	v16 =	vmul.f32 v9, v63;
	v0 =	vadd.f32 v13, v0  }
0x6b: {  	v18 =	vld [tilespmem:s19+$0x61E0]  }
0x6c: {  	v20 =	vld [tilespmem:s19+$0x21F0];
	v19 =	vmul.f32 v12, v11;
	v0 =	vadd.f32 v16, v0  }
0x6d: {  	v21 =	vld [tilespmem:s19+$0x61F0]  }
0x6e: {  	v22 =	vmul.f32 v15, v14;
	v0 =	vadd.f32 v19, v0;
	_ =	sdelay $0x1  }
0x6f: {  	v23 =	vmul.f32 v18, v17;
	v0 =	vadd.f32 v22, v0;
	_ =	sdelay $0x1  }
0x70: {  	v24 =	vmul.f32 v21, v20;
	v0 =	vadd.f32 v23, v0;
	_ =	sdelay $0x1  }
0x71: {  	v0 =	vadd.f32 v24, v0;
	_ =	sdelay $0x1  }
0x72: {  	[tilespmem:s20+$0xA030] =	vst v0  }
0x73: {  	v0 =	vld [tilespmem:s19+$0x2200]  }
0x74: {  	v25 =	vld [tilespmem:s19+$0x6200]  }
0x75: {  	v26 =	vld [tilespmem:s19+$0x2210]  }
0x76: {  	v27 =	vld [tilespmem:s19+$0x6210]  }
0x77: {  	v28 =	vld [tilespmem:s19+$0x2220]  }
0x78: {  	v29 =	vld [tilespmem:s19+$0x6220]  }
0x79: {  	v30 =	vld [tilespmem:s19+$0x2230]  }
0x7a: {  	v31 =	vld [tilespmem:s19+$0x6230]  }
0x7b: {  	v33 =	vld [tilespmem:s19+$0x2240];
	v0 =	vmul.f32 v25, v0;
	v32 =	vmul.f32 v27, v26  }
0x7c: {  	v34 =	vld [tilespmem:s19+$0x6240]  }
0x7d: {  	v36 =	vld [tilespmem:s19+$0x2250];
	v35 =	vmul.f32 v29, v28;
	v0 =	vadd.f32 v32, v0  }
0x7e: {  	v37 =	vld [tilespmem:s19+$0x6250]  }
0x7f: {  	v39 =	vld [tilespmem:s19+$0x2260];
	v38 =	vmul.f32 v31, v30;
	v0 =	vadd.f32 v35, v0  }
0x80: {  	v40 =	vld [tilespmem:s19+$0x6260]  }
0x81: {  	v42 =	vld [tilespmem:s19+$0x2270];
	v41 =	vmul.f32 v34, v33;
	v0 =	vadd.f32 v38, v0  }
0x82: {  	v43 =	vld [tilespmem:s19+$0x6270]  }
0x83: {  	v44 =	vmul.f32 v37, v36;
	v0 =	vadd.f32 v41, v0;
	_ =	sdelay $0x1  }
0x84: {  	v45 =	vmul.f32 v40, v39;
	v0 =	vadd.f32 v44, v0;
	_ =	sdelay $0x1  }
0x85: {  	v46 =	vmul.f32 v43, v42;
	v0 =	vadd.f32 v45, v0;
	_ =	sdelay $0x1  }
0x86: {  	v0 =	vadd.f32 v46, v0;
	_ =	sdelay $0x1  }
0x87: {  	[tilespmem:s20+$0xA040] =	vst v0  }
0x88: {  	v0 =	vld [tilespmem:s19+$0x2280]  }
0x89: {  	v47 =	vld [tilespmem:s19+$0x6280]  }
0x8a: {  	v48 =	vld [tilespmem:s19+$0x2290]  }
0x8b: {  	v49 =	vld [tilespmem:s19+$0x6290]  }
0x8c: {  	v50 =	vld [tilespmem:s19+$0x22A0]  }
0x8d: {  	v51 =	vld [tilespmem:s19+$0x62A0]  }
0x8e: {  	v52 =	vld [tilespmem:s19+$0x22B0]  }
0x8f: {  	v53 =	vld [tilespmem:s19+$0x62B0]  }
0x90: {  	v55 =	vld [tilespmem:s19+$0x22C0];
	v0 =	vmul.f32 v47, v0;
	v54 =	vmul.f32 v49, v48  }
0x91: {  	v56 =	vld [tilespmem:s19+$0x62C0]  }
0x92: {  	v58 =	vld [tilespmem:s19+$0x22D0];
	v57 =	vmul.f32 v51, v50;
	v0 =	vadd.f32 v54, v0  }
0x93: {  	v59 =	vld [tilespmem:s19+$0x62D0]  }
0x94: {  	v61 =	vld [tilespmem:s19+$0x22E0];
	v60 =	vmul.f32 v53, v52;
	v0 =	vadd.f32 v57, v0  }
0x95: {  	v62 =	vld [tilespmem:s19+$0x62E0]  }
0x96: {  	v8 =	vld [tilespmem:s19+$0x22F0];
	v63 =	vmul.f32 v56, v55;
	v0 =	vadd.f32 v60, v0  }
0x97: {  	v9 =	vld [tilespmem:s19+$0x62F0]  }
0x98: {  	v10 =	vmul.f32 v59, v58;
	v0 =	vadd.f32 v63, v0;
	_ =	sdelay $0x1  }
0x99: {  	v11 =	vmul.f32 v62, v61;
	v0 =	vadd.f32 v10, v0;
	_ =	sdelay $0x1  }
0x9a: {  	v12 =	vmul.f32 v9, v8;
	v0 =	vadd.f32 v11, v0;
	_ =	sdelay $0x1  }
0x9b: {  	v0 =	vadd.f32 v12, v0;
	_ =	sdelay $0x1  }
0x9c: {  	[tilespmem:s20+$0xA050] =	vst v0  }
0x9d: {  	v0 =	vld [tilespmem:s19+$0x2300]  }
0x9e: {  	v13 =	vld [tilespmem:s19+$0x6300]  }
0x9f: {  	v14 =	vld [tilespmem:s19+$0x2310]  }
0xa0: {  	v15 =	vld [tilespmem:s19+$0x6310]  }
0xa1: {  	v16 =	vld [tilespmem:s19+$0x2320]  }
0xa2: {  	v17 =	vld [tilespmem:s19+$0x6320]  }
0xa3: {  	v18 =	vld [tilespmem:s19+$0x2330]  }
0xa4: {  	v19 =	vld [tilespmem:s19+$0x6330]  }
0xa5: {  	v21 =	vld [tilespmem:s19+$0x2340];
	v0 =	vmul.f32 v13, v0;
	v20 =	vmul.f32 v15, v14  }
0xa6: {  	v22 =	vld [tilespmem:s19+$0x6340]  }
0xa7: {  	v24 =	vld [tilespmem:s19+$0x2350];
	v23 =	vmul.f32 v17, v16;
	v0 =	vadd.f32 v20, v0  }
0xa8: {  	v25 =	vld [tilespmem:s19+$0x6350]  }
0xa9: {  	v27 =	vld [tilespmem:s19+$0x2360];
	v26 =	vmul.f32 v19, v18;
	v0 =	vadd.f32 v23, v0  }
0xaa: {  	v28 =	vld [tilespmem:s19+$0x6360]  }
0xab: {  	v30 =	vld [tilespmem:s19+$0x2370];
	v29 =	vmul.f32 v22, v21;
	v0 =	vadd.f32 v26, v0  }
0xac: {  	v31 =	vld [tilespmem:s19+$0x6370]  }
0xad: {  	v32 =	vmul.f32 v25, v24;
	v0 =	vadd.f32 v29, v0;
	_ =	sdelay $0x1  }
0xae: {  	v33 =	vmul.f32 v28, v27;
	v0 =	vadd.f32 v32, v0;
	_ =	sdelay $0x1  }
0xaf: {  	v34 =	vmul.f32 v31, v30;
	v0 =	vadd.f32 v33, v0;
	_ =	sdelay $0x1  }
0xb0: {  	v0 =	vadd.f32 v34, v0;
	_ =	sdelay $0x1  }
0xb1: {  	[tilespmem:s20+$0xA060] =	vst v0  }
0xb2: {  	v0 =	vld [tilespmem:s19+$0x2380]  }
0xb3: {  	v35 =	vld [tilespmem:s19+$0x6380]  }
0xb4: {  	v36 =	vld [tilespmem:s19+$0x2390]  }
0xb5: {  	v37 =	vld [tilespmem:s19+$0x6390]  }
0xb6: {  	v38 =	vld [tilespmem:s19+$0x23A0]  }
0xb7: {  	v39 =	vld [tilespmem:s19+$0x63A0]  }
0xb8: {  	v40 =	vld [tilespmem:s19+$0x23B0]  }
0xb9: {  	v41 =	vld [tilespmem:s19+$0x63B0]  }
0xba: {  	v43 =	vld [tilespmem:s19+$0x23C0];
	v0 =	vmul.f32 v35, v0;
	v42 =	vmul.f32 v37, v36  }
0xbb: {  	v44 =	vld [tilespmem:s19+$0x63C0]  }
0xbc: {  	v46 =	vld [tilespmem:s19+$0x23D0];
	v45 =	vmul.f32 v39, v38;
	v0 =	vadd.f32 v42, v0  }
0xbd: {  	v47 =	vld [tilespmem:s19+$0x63D0]  }
0xbe: {  	v49 =	vld [tilespmem:s19+$0x23E0];
	v48 =	vmul.f32 v41, v40;
	v0 =	vadd.f32 v45, v0  }
0xbf: {  	v50 =	vld [tilespmem:s19+$0x63E0]  }
0xc0: {  	v52 =	vld [tilespmem:s19+$0x23F0];
	v51 =	vmul.f32 v44, v43;
	v0 =	vadd.f32 v48, v0  }
0xc1: {  	v53 =	vld [tilespmem:s19+$0x63F0]  }
0xc2: {  	v54 =	vmul.f32 v47, v46;
	v0 =	vadd.f32 v51, v0;
	_ =	sdelay $0x1  }
0xc3: {  	v55 =	vmul.f32 v50, v49;
	v0 =	vadd.f32 v54, v0;
	_ =	sdelay $0x1  }
0xc4: {  	v56 =	vmul.f32 v53, v52;
	v0 =	vadd.f32 v55, v0;
	_ =	sdelay $0x1  }
0xc5: {  	v0 =	vadd.f32 v56, v0;
	_ =	sdelay $0x1  }
0xc6: {  	[tilespmem:s20+$0xA070] =	vst v0  }
0xc7: {  	v0 =	vld [tilespmem:s19+$0x2400]  }
0xc8: {  	v57 =	vld [tilespmem:s19+$0x6400]  }
0xc9: {  	v58 =	vld [tilespmem:s19+$0x2410]  }
0xca: {  	v59 =	vld [tilespmem:s19+$0x6410]  }
0xcb: {  	v60 =	vld [tilespmem:s19+$0x2420]  }
0xcc: {  	v61 =	vld [tilespmem:s19+$0x6420]  }
0xcd: {  	v62 =	vld [tilespmem:s19+$0x2430]  }
0xce: {  	v63 =	vld [tilespmem:s19+$0x6430]  }
0xcf: {  	v9 =	vld [tilespmem:s19+$0x2440];
	v0 =	vmul.f32 v57, v0;
	v8 =	vmul.f32 v59, v58  }
0xd0: {  	v10 =	vld [tilespmem:s19+$0x6440]  }
0xd1: {  	v12 =	vld [tilespmem:s19+$0x2450];
	v11 =	vmul.f32 v61, v60;
	v0 =	vadd.f32 v8, v0  }
0xd2: {  	v13 =	vld [tilespmem:s19+$0x6450]  }
0xd3: {  	v15 =	vld [tilespmem:s19+$0x2460];
	v14 =	vmul.f32 v63, v62;
	v0 =	vadd.f32 v11, v0  }
0xd4: {  	v16 =	vld [tilespmem:s19+$0x6460]  }
0xd5: {  	v18 =	vld [tilespmem:s19+$0x2470];
	v17 =	vmul.f32 v10, v9;
	v0 =	vadd.f32 v14, v0  }
0xd6: {  	v19 =	vld [tilespmem:s19+$0x6470]  }
0xd7: {  	v20 =	vmul.f32 v13, v12;
	v0 =	vadd.f32 v17, v0;
	_ =	sdelay $0x1  }
0xd8: {  	v21 =	vmul.f32 v16, v15;
	v0 =	vadd.f32 v20, v0;
	_ =	sdelay $0x1  }
0xd9: {  	v22 =	vmul.f32 v19, v18;
	v0 =	vadd.f32 v21, v0;
	_ =	sdelay $0x1  }
0xda: {  	v0 =	vadd.f32 v22, v0;
	_ =	sdelay $0x1  }
0xdb: {  	[tilespmem:s20+$0xA080] =	vst v0  }
0xdc: {  	v0 =	vld [tilespmem:s19+$0x2480]  }
0xdd: {  	v23 =	vld [tilespmem:s19+$0x6480]  }
0xde: {  	v24 =	vld [tilespmem:s19+$0x2490]  }
0xdf: {  	v25 =	vld [tilespmem:s19+$0x6490]  }
0xe0: {  	v26 =	vld [tilespmem:s19+$0x24A0]  }
0xe1: {  	v27 =	vld [tilespmem:s19+$0x64A0]  }
0xe2: {  	v28 =	vld [tilespmem:s19+$0x24B0]  }
0xe3: {  	v29 =	vld [tilespmem:s19+$0x64B0]  }
0xe4: {  	v31 =	vld [tilespmem:s19+$0x24C0];
	v0 =	vmul.f32 v23, v0;
	v30 =	vmul.f32 v25, v24  }
0xe5: {  	v32 =	vld [tilespmem:s19+$0x64C0]  }
0xe6: {  	v34 =	vld [tilespmem:s19+$0x24D0];
	v33 =	vmul.f32 v27, v26;
	v0 =	vadd.f32 v30, v0  }
0xe7: {  	v35 =	vld [tilespmem:s19+$0x64D0]  }
0xe8: {  	v37 =	vld [tilespmem:s19+$0x24E0];
	v36 =	vmul.f32 v29, v28;
	v0 =	vadd.f32 v33, v0  }
0xe9: {  	v38 =	vld [tilespmem:s19+$0x64E0]  }
0xea: {  	v40 =	vld [tilespmem:s19+$0x24F0];
	v39 =	vmul.f32 v32, v31;
	v0 =	vadd.f32 v36, v0  }
0xeb: {  	v41 =	vld [tilespmem:s19+$0x64F0]  }
0xec: {  	v42 =	vmul.f32 v35, v34;
	v0 =	vadd.f32 v39, v0;
	_ =	sdelay $0x1  }
0xed: {  	v43 =	vmul.f32 v38, v37;
	v0 =	vadd.f32 v42, v0;
	_ =	sdelay $0x1  }
0xee: {  	v44 =	vmul.f32 v41, v40;
	v0 =	vadd.f32 v43, v0;
	_ =	sdelay $0x1  }
0xef: {  	v0 =	vadd.f32 v44, v0;
	_ =	sdelay $0x1  }
0xf0: {  	[tilespmem:s20+$0xA090] =	vst v0  }
0xf1: {  	v0 =	vld [tilespmem:s19+$0x2500]  }
0xf2: {  	v45 =	vld [tilespmem:s19+$0x6500]  }
0xf3: {  	v46 =	vld [tilespmem:s19+$0x2510]  }
0xf4: {  	v47 =	vld [tilespmem:s19+$0x6510]  }
0xf5: {  	v48 =	vld [tilespmem:s19+$0x2520]  }
0xf6: {  	v49 =	vld [tilespmem:s19+$0x6520]  }
0xf7: {  	v50 =	vld [tilespmem:s19+$0x2530]  }
0xf8: {  	v51 =	vld [tilespmem:s19+$0x6530]  }
0xf9: {  	v53 =	vld [tilespmem:s19+$0x2540];
	v0 =	vmul.f32 v45, v0;
	v52 =	vmul.f32 v47, v46  }
0xfa: {  	v54 =	vld [tilespmem:s19+$0x6540]  }
0xfb: {  	v56 =	vld [tilespmem:s19+$0x2550];
	v55 =	vmul.f32 v49, v48;
	v0 =	vadd.f32 v52, v0  }
0xfc: {  	v57 =	vld [tilespmem:s19+$0x6550]  }
0xfd: {  	v59 =	vld [tilespmem:s19+$0x2560];
	v58 =	vmul.f32 v51, v50;
	v0 =	vadd.f32 v55, v0  }
0xfe: {  	v60 =	vld [tilespmem:s19+$0x6560]  }
0xff: {  	v62 =	vld [tilespmem:s19+$0x2570];
	v61 =	vmul.f32 v54, v53;
	v0 =	vadd.f32 v58, v0  }
0x100: {  	v63 =	vld [tilespmem:s19+$0x6570]  }
0x101: {  	v5 =	vmul.f32 v57, v56;
	v0 =	vadd.f32 v61, v0;
	_ =	sdelay $0x1  }
0x102: {  	v8 =	vmul.f32 v60, v59;
	v0 =	vadd.f32 v5, v0;
	_ =	sdelay $0x1  }
0x103: {  	v9 =	vmul.f32 v63, v62;
	v0 =	vadd.f32 v8, v0;
	_ =	sdelay $0x1  }
0x104: {  	v0 =	vadd.f32 v9, v0;
	_ =	sdelay $0x1  }
0x105: {  	[tilespmem:s20+$0xA0A0] =	vst v0  }
0x106: {  	v0 =	vld [tilespmem:s19+$0x2580]  }
0x107: {  	v10 =	vld [tilespmem:s19+$0x6580]  }
0x108: {  	v11 =	vld [tilespmem:s19+$0x2590]  }
0x109: {  	v12 =	vld [tilespmem:s19+$0x6590]  }
0x10a: {  	v13 =	vld [tilespmem:s19+$0x25A0]  }
0x10b: {  	v14 =	vld [tilespmem:s19+$0x65A0]  }
0x10c: {  	v15 =	vld [tilespmem:s19+$0x25B0]  }
0x10d: {  	v16 =	vld [tilespmem:s19+$0x65B0]  }
0x10e: {  	v18 =	vld [tilespmem:s19+$0x25C0];
	v0 =	vmul.f32 v10, v0;
	v17 =	vmul.f32 v12, v11  }
0x10f: {  	v19 =	vld [tilespmem:s19+$0x65C0]  }
0x110: {  	v21 =	vld [tilespmem:s19+$0x25D0];
	v20 =	vmul.f32 v14, v13;
	v0 =	vadd.f32 v17, v0  }
0x111: {  	v22 =	vld [tilespmem:s19+$0x65D0]  }
0x112: {  	v24 =	vld [tilespmem:s19+$0x25E0];
	v23 =	vmul.f32 v16, v15;
	v0 =	vadd.f32 v20, v0  }
0x113: {  	v25 =	vld [tilespmem:s19+$0x65E0]  }
0x114: {  	v27 =	vld [tilespmem:s19+$0x25F0];
	v26 =	vmul.f32 v19, v18;
	v0 =	vadd.f32 v23, v0  }
0x115: {  	v28 =	vld [tilespmem:s19+$0x65F0]  }
0x116: {  	v29 =	vmul.f32 v22, v21;
	v0 =	vadd.f32 v26, v0;
	_ =	sdelay $0x1  }
0x117: {  	v30 =	vmul.f32 v25, v24;
	v0 =	vadd.f32 v29, v0;
	_ =	sdelay $0x1  }
0x118: {  	v31 =	vmul.f32 v28, v27;
	v0 =	vadd.f32 v30, v0;
	_ =	sdelay $0x1  }
0x119: {  	v0 =	vadd.f32 v31, v0;
	_ =	sdelay $0x1  }
0x11a: {  	[tilespmem:s20+$0xA0B0] =	vst v0  }
0x11b: {  	v0 =	vld [tilespmem:s19+$0x2600]  }
0x11c: {  	v32 =	vld [tilespmem:s19+$0x6600]  }
0x11d: {  	v33 =	vld [tilespmem:s19+$0x2610]  }
0x11e: {  	v34 =	vld [tilespmem:s19+$0x6610]  }
0x11f: {  	v35 =	vld [tilespmem:s19+$0x2620]  }
0x120: {  	v36 =	vld [tilespmem:s19+$0x6620]  }
0x121: {  	v37 =	vld [tilespmem:s19+$0x2630]  }
0x122: {  	v38 =	vld [tilespmem:s19+$0x6630]  }
0x123: {  	v40 =	vld [tilespmem:s19+$0x2640];
	v0 =	vmul.f32 v32, v0;
	v39 =	vmul.f32 v34, v33  }
0x124: {  	v41 =	vld [tilespmem:s19+$0x6640]  }
0x125: {  	v43 =	vld [tilespmem:s19+$0x2650];
	v42 =	vmul.f32 v36, v35;
	v0 =	vadd.f32 v39, v0  }
0x126: {  	v44 =	vld [tilespmem:s19+$0x6650]  }
0x127: {  	v46 =	vld [tilespmem:s19+$0x2660];
	v45 =	vmul.f32 v38, v37;
	v0 =	vadd.f32 v42, v0  }
0x128: {  	v47 =	vld [tilespmem:s19+$0x6660]  }
0x129: {  	v49 =	vld [tilespmem:s19+$0x2670];
	v48 =	vmul.f32 v41, v40;
	v0 =	vadd.f32 v45, v0  }
0x12a: {  	v50 =	vld [tilespmem:s19+$0x6670]  }
0x12b: {  	v51 =	vmul.f32 v44, v43;
	v0 =	vadd.f32 v48, v0;
	_ =	sdelay $0x1  }
0x12c: {  	v52 =	vmul.f32 v47, v46;
	v0 =	vadd.f32 v51, v0;
	_ =	sdelay $0x1  }
0x12d: {  	v53 =	vmul.f32 v50, v49;
	v0 =	vadd.f32 v52, v0;
	_ =	sdelay $0x1  }
0x12e: {  	v0 =	vadd.f32 v53, v0;
	_ =	sdelay $0x1  }
0x12f: {  	[tilespmem:s20+$0xA0C0] =	vst v0  }
0x130: {  	v0 =	vld [tilespmem:s19+$0x2680]  }
0x131: {  	v54 =	vld [tilespmem:s19+$0x6680]  }
0x132: {  	v55 =	vld [tilespmem:s19+$0x2690]  }
0x133: {  	v56 =	vld [tilespmem:s19+$0x6690]  }
0x134: {  	v57 =	vld [tilespmem:s19+$0x26A0]  }
0x135: {  	v58 =	vld [tilespmem:s19+$0x66A0]  }
0x136: {  	v59 =	vld [tilespmem:s19+$0x26B0]  }
0x137: {  	v60 =	vld [tilespmem:s19+$0x66B0]  }
0x138: {  	v62 =	vld [tilespmem:s19+$0x26C0];
	v0 =	vmul.f32 v54, v0;
	v61 =	vmul.f32 v56, v55  }
0x139: {  	v63 =	vld [tilespmem:s19+$0x66C0]  }
0x13a: {  	v9 =	vld [tilespmem:s19+$0x26D0];
	v8 =	vmul.f32 v58, v57;
	v0 =	vadd.f32 v61, v0  }
0x13b: {  	v10 =	vld [tilespmem:s19+$0x66D0]  }
0x13c: {  	v12 =	vld [tilespmem:s19+$0x26E0];
	v11 =	vmul.f32 v60, v59;
	v0 =	vadd.f32 v8, v0  }
0x13d: {  	v13 =	vld [tilespmem:s19+$0x66E0]  }
0x13e: {  	v15 =	vld [tilespmem:s19+$0x26F0];
	v14 =	vmul.f32 v63, v62;
	v0 =	vadd.f32 v11, v0  }
0x13f: {  	v16 =	vld [tilespmem:s19+$0x66F0]  }
0x140: {  	v17 =	vmul.f32 v10, v9;
	v0 =	vadd.f32 v14, v0;
	_ =	sdelay $0x1  }
0x141: {  	v18 =	vmul.f32 v13, v12;
	v0 =	vadd.f32 v17, v0;
	_ =	sdelay $0x1  }
0x142: {  	v19 =	vmul.f32 v16, v15;
	v0 =	vadd.f32 v18, v0;
	_ =	sdelay $0x1  }
0x143: {  	v0 =	vadd.f32 v19, v0;
	_ =	sdelay $0x1  }
0x144: {  	[tilespmem:s20+$0xA0D0] =	vst v0  }
0x145: {  	v0 =	vld [tilespmem:s19+$0x2700]  }
0x146: {  	v20 =	vld [tilespmem:s19+$0x6700]  }
0x147: {  	v21 =	vld [tilespmem:s19+$0x2710]  }
0x148: {  	v22 =	vld [tilespmem:s19+$0x6710]  }
0x149: {  	v23 =	vld [tilespmem:s19+$0x2720]  }
0x14a: {  	v24 =	vld [tilespmem:s19+$0x6720]  }
0x14b: {  	v25 =	vld [tilespmem:s19+$0x2730]  }
0x14c: {  	v26 =	vld [tilespmem:s19+$0x6730]  }
0x14d: {  	v28 =	vld [tilespmem:s19+$0x2740];
	v0 =	vmul.f32 v20, v0;
	v27 =	vmul.f32 v22, v21  }
0x14e: {  	v29 =	vld [tilespmem:s19+$0x6740]  }
0x14f: {  	v31 =	vld [tilespmem:s19+$0x2750];
	v30 =	vmul.f32 v24, v23;
	v0 =	vadd.f32 v27, v0  }
0x150: {  	v32 =	vld [tilespmem:s19+$0x6750]  }
0x151: {  	v34 =	vld [tilespmem:s19+$0x2760];
	v33 =	vmul.f32 v26, v25;
	v0 =	vadd.f32 v30, v0  }
0x152: {  	v35 =	vld [tilespmem:s19+$0x6760]  }
0x153: {  	v37 =	vld [tilespmem:s19+$0x2770];
	v36 =	vmul.f32 v29, v28;
	v0 =	vadd.f32 v33, v0  }
0x154: {  	v38 =	vld [tilespmem:s19+$0x6770]  }
0x155: {  	v39 =	vmul.f32 v32, v31;
	v0 =	vadd.f32 v36, v0;
	_ =	sdelay $0x1  }
0x156: {  	v40 =	vmul.f32 v35, v34;
	v0 =	vadd.f32 v39, v0;
	_ =	sdelay $0x1  }
0x157: {  	v41 =	vmul.f32 v38, v37;
	v0 =	vadd.f32 v40, v0;
	_ =	sdelay $0x1  }
0x158: {  	v0 =	vadd.f32 v41, v0;
	_ =	sdelay $0x1  }
0x159: {  	[tilespmem:s20+$0xA0E0] =	vst v0  }
0x15a: {  	v0 =	vld [tilespmem:s19+$0x2780]  }
0x15b: {  	v42 =	vld [tilespmem:s19+$0x6780]  }
0x15c: {  	v43 =	vld [tilespmem:s19+$0x2790]  }
0x15d: {  	v44 =	vld [tilespmem:s19+$0x6790]  }
0x15e: {  	v45 =	vld [tilespmem:s19+$0x27A0]  }
0x15f: {  	v46 =	vld [tilespmem:s19+$0x67A0]  }
0x160: {  	v47 =	vld [tilespmem:s19+$0x27B0]  }
0x161: {  	v48 =	vld [tilespmem:s19+$0x67B0]  }
0x162: {  	v50 =	vld [tilespmem:s19+$0x27C0];
	v0 =	vmul.f32 v42, v0;
	v49 =	vmul.f32 v44, v43  }
0x163: {  	v51 =	vld [tilespmem:s19+$0x67C0]  }
0x164: {  	v53 =	vld [tilespmem:s19+$0x27D0];
	v52 =	vmul.f32 v46, v45;
	v0 =	vadd.f32 v49, v0  }
0x165: {  	v54 =	vld [tilespmem:s19+$0x67D0]  }
0x166: {  	v56 =	vld [tilespmem:s19+$0x27E0];
	v55 =	vmul.f32 v48, v47;
	v0 =	vadd.f32 v52, v0  }
0x167: {  	v57 =	vld [tilespmem:s19+$0x67E0]  }
0x168: {  	v59 =	vld [tilespmem:s19+$0x27F0];
	v58 =	vmul.f32 v51, v50;
	v0 =	vadd.f32 v55, v0  }
0x169: {  	v60 =	vld [tilespmem:s19+$0x67F0]  }
0x16a: {  	v61 =	vmul.f32 v54, v53;
	v0 =	vadd.f32 v58, v0;
	_ =	sdelay $0x1  }
0x16b: {  	v62 =	vmul.f32 v57, v56;
	v0 =	vadd.f32 v61, v0  }
0x16c: {  	p0 =	sne.s32 s18, $0x7  }
.Ltmp0:
0x16d: {  	v63 =	vmul.f32 v60, v59;
	v0 =	vadd.f32 v62, v0;
	(pc) =	sbr.rel @p0 .LBB2_3-.Ltmp0, $3  }
0x16e: {  	_ = 	snop  }
0x16f: {  	v0 =	vadd.f32 v63, v0;
	_ =	sdelay $0x1  }
0x170: {  	s18 =	sadd.s32 $0x1, s18;
	[tilespmem:s20+$0xA0F0] =	vst v0  }
0x171: {  	s18 =	sshll.u32 s17, $0xB  }
0x172: {  	s17 =	sadd.s32 $0x1, s17;
	s18 =	sadd.s32 s7, s18  }
0x173: {  	p0 =	sne.s32 s17, $0x19;
	s18 =	sshrl.u32 s18, $0x3  }
.Ltmp1:
0x174: {  	s18 =	sadd.s32 s4, s18;
	(pc) =	sbr.rel @p0 .LBB2_2-.Ltmp1, $4  }
0x175: {  	[hbm4b:s18+s2] =	stream.linear.scatter [tilespmem:s15], [sflag:$0x2], $0x800, $0x38;
	[tilespmem:$0xA800] =	vst v63  }
0x176: {  	_ =	swait.ge [sflag:s9], $0x800  }
0x177: {  	[sflag:s9] =	ssyncset.done $0x0  }
0x178: {  	[sflag:s9] =	ssyncadd.s32 $0xFFFFF800  }
0x179: {  	s16 =	sadd.s32 $0x1, s16  }
0x17a: {  	p0 =	sne.s32 s16, s8  }
.Ltmp2:
0x17b: {  	_ = 	snop;
	(pc) =	sbr.rel @p0 .LBB2_1-.Ltmp2, $1  }
0x17c: {  	_ =	sdelay $0x3  }
0x17d: {  	_ =	sfence.sel $0x180000  }
0x17e: {  	[bflag:$0x0] =	sbarrier.arrive $0xFFFF  }
0x17f: {  	p0 =	sne.s32 s1, $0x0;
	_ =	strace $0x90000050  }
0x180: {  	s0 =	sadd.s32 @!p0 $0x100000, s0;
	[bflag:$0x2] =	sbarrier.arrive $0xFFFF  }
0x181: {  	[sflag:s0] =	ssyncadd.tile.s32 @!p0 $0x1;
	_ =	shalt  }
.Lfunc_end2:
_tile_overlayer_lowered:
.L_overlay_start_2:
0x182: {  	(tag) =	ssettag $0x2  }
0x183: {  	s0 =	rddreg [dreg:$0x0];
	s2 =	stileid.u32  }
0x184: {  	s1 =	rddreg [dreg:$0x1];
	p0 =	sne.s32 s2, $0x0  }
0x185: {  	s3 =	rddreg [dreg:$0x2];
	[bflag:$0x3] =	sbarrier.arrive $0xFFFF;
	s2 =	simm.s32 @!p0 $0x1C02  }
0x186: {  	[timem:s3], [sflag:s2] =	dma.local @!p0 [hbm:s0], s1  }
0x187: {  	s0 =	simm.s32 @!p0 $0x2  }
0x188: {  	_ =	swait.ge @!p0 [sflag:s0], s1  }
0x189: {  	s1 =	ssub.s32 @!p0 $0x0, s1;
	[sflag:s0] =	ssyncset.done @!p0 $0x0  }
0x18a: {  	[sflag:s0] =	ssyncadd.s32 @!p0 s1  }
0x18b: {  	[bflag:$0x3] =	sbarrier.arrive $0xFFFF  }
0x18c: {  	_ =	shalt  }

// kernel: kernel.9.cloned.1.call-start
scs
__scs_entry_jumppad:
0x0: {  	(pc) =	sbr.rel $0x88, $3  }
0x1: {  	(tag) =	ssettag $0x0;
	lr =	simm.s32 $0x1  }
0x2: {  	[smem:$0x3F98] =	sst lr;
	_ =	strace $0xD0000000  }
0x3: {  	_ = 	snop  }
0x4: {  	_ = 	snop  }
0x5: {  	_ = 	snop  }
0x6: {  	_ = 	snop  }
0x7: {  	_ = 	snop  }
__scs_overlays_trampoline_lowered:
0x8: {  	[smem:$0x3FA7] =	sst s0  }
0x9: {  	[smem:$0x3FA8] =	sst s1  }
0xa: {  	[smem:$0x3FA9] =	sst s2  }
0xb: {  	[smem:$0x3FAA] =	sst s3  }
0xc: {  	[smem:$0x3FAB] =	sst s4  }
0xd: {  	[smem:$0x3FAC] =	sst s5  }
0xe: {  	[smem:$0x3FAD] =	sst s6  }
0xf: {  	[smem:$0x3FAE] =	sst s7  }
0x10: {  	[smem:$0x3FAF] =	sst s8  }
0x11: {  	[smem:$0x3FB0] =	sst s9;
	s0 =	simm.s32 @!p0 $0x0  }
0x12: {  	s1 =	sld [smem:$0x3F96];
	s0 =	simm.s32 @p0 $0x1  }
0x13: {  	[smem:$0x3FB1] =	sst s0;
	s0 =	simm.s32 @!p1 $0x0  }
0x14: {  	s2 =	sld [smem:$0x3F95];
	s0 =	simm.s32 @p1 $0x1  }
0x15: {  	[smem:$0x3FB2] =	sst s0;
	s0 =	simm.s32 @!p2 $0x0  }
0x16: {  	s3 =	sld [smem:$0x3FDB];
	s0 =	simm.s32 @p2 $0x1  }
0x17: {  	s4 =	simm.s32 $0x1BF5;
	[smem:$0x3FB4] =	sst s0  }
0x18: {  	s0 =	sld [smem:$0x3F97];
	_ =	swait.ge [sflag:s4], $0x0  }
0x19: {  	s7 =	sld [smem:$0x3F98]  }
0x1a: {  	s8 =	sadd.s32 $0xFFFFE003, lr  }
0x1b: {  	s9 =	sadd.s32 $0xFFFFFEF7, lr;
	s5 =	simm.s32 $0xFFFFFFFF;
	p2 =	slt.u32 s8, $0xFFFFF086  }
0x1c: {  	p1 =	slt.u32 s9, $0xF7A;
	s5 =	simm.s32 @!p2 $0x0  }
0x1d: {  	s5 =	simm.s32 @p1 $0x1;
	p0 =	seq.s32 s7, s2  }
0x1e: {  	s7 =	smul.u32 @!p0 $0xF7A, s2;
	p2 =	seq.s32 @!p0 s5, $0x0  }
0x1f: {  	s9 =	smul.u32 $0xF7A, s1;
	s8 =	simm.s32 @!p0 $0x1BF5;
	p2 =	por !p2, p0  }
0x20: {  	[sflag:s8] =	ssyncset.s32 @!p0 $0xFFFFF086;
	s6 =	sadd.s32 @!p0 s3, s7;
	s7 =	simm.s32 @!p0 $0x108  }
0x21: {  	s3 =	sadd.s32 s3, s9;
	s6 =	sadd.s32 @!p0 $0x88, s6;
	s7 =	simm.s32 @p2 $0x1082  }
0x22: {  	[simem:s7], [sflag:s8] =	dma.local @!p0 [hbm:s6], $0xF7A  }
0x23: {  	s9 =	sor.u32 $0xD0000000, s2;
	s6 =	simm.s32 $0x108;
	_ =	swait.ge @!p0 [sflag:s8], $0x0  }
0x24: {  	s3 =	sadd.s32 $0x88, s3;
	s6 =	simm.s32 @!p1 $0x1082;
	[sflag:s4] =	ssyncset.s32 $0xFFFFF086  }
0x25: {  	[simem:s6], [sflag:s4] =	dma.local [hbm:s3], $0xF7A  }
0x26: {  	[smem:$0x3F98] =	sst s1;
	(tag) =	ssettag s2;
	_ =	strace s9  }
0x27: {  	s1 =	sld [smem:$0x3FA8]  }
0x28: {  	s2 =	sld [smem:$0x3FA9]  }
0x29: {  	s4 =	sld [smem:$0x3FAB]  }
0x2a: {  	p0 =	seq.s32 s5, $0x0;
	s5 =	sld [smem:$0x3FAC]  }
0x2b: {  	s6 =	sld [smem:$0x3FAD]  }
0x2c: {  	s7 =	sld [smem:$0x3FAE]  }
0x2d: {  	s3 =	simm.s32 $0x108;
	s8 =	sld [smem:$0x3FAF]  }
0x2e: {  	s3 =	simm.s32 @!p0 $0x1082;
	s9 =	sld [smem:$0x3FB0]  }
0x2f: {  	lr =	sadd.s32 s0, s3;
	s0 =	sld [smem:$0x3FA7]  }
0x30: {  	s3 =	sld [smem:$0x3FAA]  }
0x31: {  	[smem:$0x3FB3] =	sst s10  }
0x32: {  	s10 =	sld [smem:$0x3FB1];
	_ =	sdelay $0x3  }
0x33: {  	p0 =	seq.s32 s10, $0x1;
	s10 =	sld [smem:$0x3FB3];
	_ =	sdelay $0x3  }
0x34: {  	[smem:$0x3FB3] =	sst s10  }
0x35: {  	s10 =	sld [smem:$0x3FB2];
	_ =	sdelay $0x3  }
0x36: {  	p1 =	seq.s32 s10, $0x1;
	s10 =	sld [smem:$0x3FB3];
	_ =	sdelay $0x3  }
0x37: {  	[smem:$0x3FB3] =	sst s10  }
0x38: {  	s10 =	sld [smem:$0x3FB4]  }
0x39: {  	_ = 	snop;
	(pc) =	sbr.ind lr, $3  }
0x3a: {  	_ = 	snop  }
0x3b: {  	_ = 	snop  }
0x3c: {  	p2 =	seq.s32 s10, $0x1;
	s10 =	sld [smem:$0x3FB3]  }
0x3d: {  	_ =	shalt  }
0x3e: {  	_ =	shalt  }
0x3f: {  	_ =	shalt  }
0x40: {  	_ =	shalt  }
0x41: {  	_ =	shalt  }
0x42: {  	_ =	shalt  }
0x43: {  	_ =	shalt  }
0x44: {  	_ =	shalt  }
0x45: {  	_ =	shalt  }
0x46: {  	_ =	shalt  }
0x47: {  	_ =	shalt  }
0x48: {  	_ =	shalt  }
0x49: {  	_ =	shalt  }
0x4a: {  	_ =	shalt  }
0x4b: {  	_ =	shalt  }
0x4c: {  	_ =	shalt  }
0x4d: {  	_ =	shalt  }
0x4e: {  	_ =	shalt  }
0x4f: {  	_ =	shalt  }
0x50: {  	_ =	shalt  }
0x51: {  	_ =	shalt  }
0x52: {  	_ =	shalt  }
0x53: {  	_ =	shalt  }
0x54: {  	_ =	shalt  }
0x55: {  	_ =	shalt  }
0x56: {  	_ =	shalt  }
0x57: {  	_ =	shalt  }
0x58: {  	_ =	shalt  }
0x59: {  	_ =	shalt  }
0x5a: {  	_ =	shalt  }
0x5b: {  	_ =	shalt  }
0x5c: {  	_ =	shalt  }
0x5d: {  	_ =	shalt  }
0x5e: {  	_ =	shalt  }
0x5f: {  	_ =	shalt  }
0x60: {  	_ =	shalt  }
0x61: {  	_ =	shalt  }
0x62: {  	_ =	shalt  }
0x63: {  	_ =	shalt  }
0x64: {  	_ =	shalt  }
0x65: {  	_ =	shalt  }
0x66: {  	_ =	shalt  }
0x67: {  	_ =	shalt  }
0x68: {  	_ =	shalt  }
0x69: {  	_ =	shalt  }
0x6a: {  	_ =	shalt  }
0x6b: {  	_ =	shalt  }
0x6c: {  	_ =	shalt  }
0x6d: {  	_ =	shalt  }
0x6e: {  	_ =	shalt  }
0x6f: {  	_ =	shalt  }
0x70: {  	_ =	shalt  }
0x71: {  	_ =	shalt  }
0x72: {  	_ =	shalt  }
0x73: {  	_ =	shalt  }
0x74: {  	_ =	shalt  }
0x75: {  	_ =	shalt  }
0x76: {  	_ =	shalt  }
0x77: {  	_ =	shalt  }
0x78: {  	_ =	shalt  }
0x79: {  	_ =	shalt  }
0x7a: {  	_ =	shalt  }
0x7b: {  	_ =	shalt  }
0x7c: {  	_ =	shalt  }
0x7d: {  	_ =	shalt  }
0x7e: {  	_ =	shalt  }
0x7f: {  	_ =	shalt  }
0x80: {  	_ =	shalt  }
0x81: {  	_ =	shalt  }
0x82: {  	_ =	shalt  }
0x83: {  	_ =	shalt  }
0x84: {  	_ =	shalt  }
0x85: {  	_ =	shalt  }
0x86: {  	_ =	shalt  }
0x87: {  	_ =	shalt  }
.Lfunc_end0:
.L_simem_size_0:
called_computation_lowered:
.L_overlay_start_0:
0x88: {  	s2 =	sld [smem:$0x3FD9]  }
0x89: {  	s3 =	sld [smem:$0x3FFE];
	_ =	sdelay $0x1  }
0x8a: {  	s1 =	srdreg.scid  }
0x8b: {  	s0 =	sand.u32 $0x1, s1  }
0x8c: {  	s17 =	sshll.u32 s0, $0xA;
	s2 =	sadd.s32 s3, s2  }
0x8d: {  	s2 =	sadd.s32 s2, s17  }
0x8e: {  	[smem:$0x3FBF] =	sst s2  }
0x8f: {  	_ = 	snop  }
0x90: {  	(tm) =	ssettm $0x1  }
0x91: {  	s18 =	sld [smem:$0x3FFB];
	_ =	sdelay $0x3  }
0x92: {  	_ =	strace s18  }
0x93: {  	s2 =	sld [smem:$0x3FFC];
	_ =	sdelay $0x3  }
0x94: {  	_ =	strace s2  }
0x95: {  	s2 =	sld [smem:$0x3FFD];
	_ =	sdelay $0x3  }
0x96: {  	_ =	strace s2  }
0x97: {  	_ =	strace $0x8FFFFFFF  }
0x98: {  	s19 =	sld [smem:$0x3FDB];
	_ =	sdelay $0x1  }
0x99: {  	s20 =	simm.s32 $_scs_section_size  }
0x9a: {  	s4 =	simm.s32 $_size__tile_overlayer_lowered;
	s5 =	simm.s32 $_tile_overlayer_lowered  }
0x9b: {  	s6 =	simm.s32 $0x1BFF;
	s21 =	sshll.u32 s5, $0x1;
	s3 =	sadd.s32 s20, s19  }
0x9c: {  	s22 =	simm.s32 $0x0;
	s4 =	sshll.u32 s4, $0x1;
	s5 =	sadd.s32 s21, s3  }
0x9d: {  	[timem:s22], [sflag:s6] =	dma.local [hbm:s5], s4  }
0x9e: {  	_ =	swait.ge [sflag:s6], s4  }
0x9f: {  	s4 =	ssub.s32 $0x0, s4;
	[sflag:s6] =	ssyncset.done $0x0  }
0xa0: {  	[sflag:s6] =	ssyncadd.s32 s4;
	_ =	sdelay $0x1  }
0xa1: {  	s23 =	simm.s32 $0x1B8B  }
0xa2: {  	_ =	swait.ge [sflag:s23], $0x1  }
0xa3: {  	[sflag:s23] =	ssyncset.done $0x0  }
0xa4: {  	[sflag:s23] =	ssyncadd.s32 $0xFFFFFFFF  }
0xa5: {  	s4 =	sld [smem:$0x0]  }
0xa6: {  	s5 =	sand.u32 $0xFFFFFFFE, s1  }
0xa7: {  	p0 =	sne.s32 s1, s5  }
0xa8: {  	s5 =	sshll.u32 @p0 s5, $0xE  }
0xa9: {  	s5 =	sadd.s32 @p0 $0x11B8D, s5;
	s6 =	sshll.u32 @p0 s4, $0x11  }
0xaa: {  	s5 =	sor.u32 @p0 s6, s5  }
0xab: {  	[sflag:s5] =	ssyncadd.remote.s32 @p0 $0x1;
	_ =	sdelay $0x1  }
0xac: {  	s5 =	simm.s32 @p0 $0x1B8D  }
0xad: {  	_ =	swait.eq @p0 [sflag:s5], $0x1  }
0xae: {  	[sflag:s5] =	ssyncadd.s32 @p0 $0xFFFFFFFF  }
0xaf: {  	s6 =	sshll.u32 @!p0 s1, $0xE  }
0xb0: {  	s6 =	sor.u32 @!p0 $0x4000, s6;
	s5 =	simm.s32 @!p0 $0x1B8D  }
0xb1: {  	s4 =	sshll.u32 @!p0 s4, $0x11;
	s6 =	sadd.s32 @!p0 $0x11B8D, s6;
	_ =	swait.eq @!p0 [sflag:s5], $0x1  }
0xb2: {  	s4 =	sor.u32 @!p0 s4, s6;
	[sflag:s5] =	ssyncadd.s32 @!p0 $0xFFFFFFFF  }
0xb3: {  	s25 =	simm.s32 $0x1B8E;
	s24 =	sld [smem:$0x3FFE];
	[sflag:s4] =	ssyncadd.remote.s32 @!p0 $0x1  }
0xb4: {  	s26 =	simm.s32 $execute0_lowered;
	[smem:$0x3FD2] =	sst s25  }
0xb5: {  	s5 =	sshll.u32 s26, $0x1;
	_ =	strace $0x80000049;
	[dreg:$0x1] =	wrdreg $0xFFFFFFFF  }
0xb6: {  	s28 =	simm.s32 $_size_execute0_lowered;
	s3 =	sadd.s32 s3, s5;
	[dreg:$0x0] =	wrdreg $0x0  }
0xb7: {  	s5 =	sshll.u32 s28, $0x1;
	[dreg:$0x2] =	wrdreg s3  }
0xb8: {  	[dreg:$0x3] =	wrdreg s5  }
0xb9: {  	[dreg:$0x4] =	wrdreg $0xC0  }
0xba: {  	_ =	task [dreg:s22], $0x5FFFF  }
0xbb: {  	[dreg:$0x1] =	wrdreg $0xFFFFFFFF  }
0xbc: {  	[dreg:$0x0] =	wrdreg $0x60  }
0xbd: {  	[dreg:$0x2] =	wrdreg s24  }
0xbe: {  	[dreg:$0x3] =	wrdreg $0x68000  }
0xbf: {  	[dreg:$0x4] =	wrdreg $0x9  }
0xc0: {  	_ =	task.clear_ibuf [dreg:s22], $0x5FFFF;
	_ =	strace $0x90000049  }
0xc1: {  	s29 =	simm.s32 $0x9;
	_ =	strace $0x8000004B  }
0xc2: {  	_ =	swait.ge [sflag:s29], $0x1  }
0xc3: {  	[sflag:s29] =	ssyncadd.s32 $0xFFFFFFFF  }
0xc4: {  	_ =	strace $0x9000004B  }
0xc5: {  	_ =	sfence  }
0xc6: {  	s30 =	sld [smem:$0x0];
	_ =	sdelay $0x2  }
0xc7: {  	s31 =	sshll.u32 s1, $0xD;
	s1 =	sshrl.u32 s1, $0x2  }
0xc8: {  	s4 =	sand.u32 $0x4000, s31;
	s1 =	sadd.s32 s1, s30  }
0xc9: {  	s0 =	sor.u32 s4, s0;
	s1 =	sshll.u32 s1, $0x11  }
0xca: {  	s0 =	sor.u32 s1, s0  }
0xcb: {  	s0 =	sadd.s32 $0x8F2B, s0  }
0xcc: {  	[sflag:s0] =	ssyncadd.remote.s32 $0x1  }
0xcd: {  	_ =	sfence.sel $0xFFFF  }
0xce: {  	[dreg:$0x0] =	wrdreg $0xFFFFFFFF;
	(pc) =	sbr.abs _section_cstart, $3  }
0xcf: {  	[dreg:$0x1] =	wrdreg $0xFFFFFFFF  }
0xd0: {  	_ =	task.clear_ibuf [dreg:s22], $0x2FFFF;
	_ =	strace $0x9FFFFFFF  }
0xd1: {  	(tm) =	ssettm $0x7FFFFFFF  }
tec
execute0_lowered:
.L_overlay_start_1:
0x0: {  	(tag) =	ssettag $0x1  }
0x1: {  	s4 =	rddreg [dreg:$0x0]  }
0x2: {  	s0 =	srdreg.scid;
	s2 =	rddreg [dreg:$0x1]  }
0x3: {  	s1 =	stileid.u32;
	s3 =	simm.s32 $0x0;
	s19 =	simm.s32 $0x0  }
0x4: {  	s6 =	sand.u32 $0x1, s0;
	s0 =	rddreg [dreg:$0x2];
	s8 =	smul.u32 $0x4F000, s1  }
0x5: {  	[smem:$0x7FF] =	sst s3;
	s14 =	sadd.s32 $0x8CE00, s4;
	s9 =	smul.u32 $0x13C00, s1  }
0x6: {  	s5 =	sshll.u32 s6, $0x4;
	_ =	strace $0x8000004A;
	s7 =	ssub.s32 $0x2, s6  }
0x7: {  	s12 =	smul.u32 $0x13C000, s6;
	s5 =	sor.u32 s1, s5;
	s28 =	sshrl.u32 s7, $0x1  }
0x8: {  	s29 =	sshrl.u32 s8, $0x2;
	s10 =	sadd.s32 $0x4000, s9;
	s13 =	sadd.s32 $0x8000, s9  }
0x9: {  	s16 =	sadd.s32 $0xC000, s9;
	s17 =	sadd.s32 $0x10000, s9;
	s5 =	smul.u32 $0x500, s5  }
0xa: {  	s15 =	ssub.s32 s7, s28;
	s6 =	sadd.s32 s10, s2;
	s7 =	sadd.s32 s13, s2  }
0xb: {  	s8 =	sadd.s32 s16, s2;
	s11 =	sadd.s32 s9, s12;
	s18 =	sadd.s32 s12, s10  }
0xc: {  	s9 =	sadd.s32 s17, s2;
	s13 =	sadd.s32 s12, s13;
	s16 =	sadd.s32 s12, s16  }
0xd: {  	s17 =	sadd.s32 s12, s17;
	s11 =	sshrl.u32 s11, $0x3;
	s30 =	sshrl.u32 s18, $0x3  }
0xe: {  	s13 =	sshrl.u32 s13, $0x3;
	s16 =	sshrl.u32 s16, $0x3;
	s31 =	sshrl.u32 s17, $0x3  }
0xf: {  	s15 =	smax.u32 s15, $0x1;
	s17 =	simm.s32 $0x2800;
	s18 =	simm.s32 $0x80  }
0x10: {  	s5 =	sadd.s32 s5, s4;
	s10 =	sadd.s32 s14, s11;
	s11 =	sadd.s32 s14, s30  }
0x11: {  	s12 =	sadd.s32 s14, s13;
	s13 =	sadd.s32 s14, s16;
	s14 =	sadd.s32 s14, s31  }
0x12: {  	v0 =	vimm.f32 $0.0e+00;
	v1 =	vimm.f32 $1.000000000e+00;
	s16 =	simm.s32 $0x1;
	s4 =	sadd.s32 $0x2800, s5;
	s5 =	sadd.s32 s29, s2  }
.LBB2_1:
0x13: {  	[tilespmem:s3], [sflag:$0x1] =	stream.linear.gather [hbm4b:s4+s3], $0x2780, $0x38;
	[tilespmem:$0x1A400] =	vst v63  }
0x14: {  	_ =	swait.ge [sflag:s16], $0x2780  }
0x15: {  	[sflag:s16] =	ssyncset.done $0x0  }
0x16: {  	s20 =	simm.s32 $0x0;
	s21 =	simm.s32 $0x200;
	[sflag:s16] =	ssyncadd.s32 $0xFFFFD880  }
.LBB2_2:
0x17: {  	p0 =	sne.s32 s21, $0xFE00;
	[tilespmem:s20+$0x2870] =	vst v0  }
0x18: {  	[tilespmem:s20+$0x2800] =	vst v0  }
0x19: {  	[tilespmem:s20+$0x2810] =	vst v0  }
.Ltmp0:
0x1a: {  	[tilespmem:s20+$0x2820] =	vst v0;
	(pc) =	sbr.rel @p0 .LBB2_2-.Ltmp0, $4  }
0x1b: {  	[tilespmem:s20+$0x2830] =	vst v0  }
0x1c: {  	[tilespmem:s20+$0x2840] =	vst v0  }
0x1d: {  	[tilespmem:s20+$0x2850] =	vst v0  }
0x1e: {  	[tilespmem:s20+$0x2860] =	vst v0;
	s20 =	sshra.s32 s21, $0x2;
	s21 =	sadd.s32 $0x200, s21  }
0x1f: {  	[tilespmem:s20+$0x2870] =	vst v0  }
0x20: {  	[tilespmem:s20+$0x2800] =	vst v0  }
0x21: {  	[tilespmem:s20+$0x2810] =	vst v0  }
0x22: {  	[tilespmem:s20+$0x2820] =	vst v0  }
0x23: {  	[tilespmem:s20+$0x2830] =	vst v0  }
0x24: {  	[tilespmem:s20+$0x2840] =	vst v0  }
0x25: {  	[tilespmem:s20+$0x2850] =	vst v0  }
0x26: {  	[tilespmem:s20+$0x2860] =	vst v0  }
0x27: {  	[spmem:s5] =	stream.linear.scatter [tilespmem:s17], [sflag:$0x1], $0x4000, $0x38;
	[tilespmem:$0x1A400] =	vst v63  }
0x28: {  	_ =	swait.ge [sflag:s16], $0x4000  }
0x29: {  	[sflag:s16] =	ssyncset.done $0x0  }
0x2a: {  	[sflag:s16] =	ssyncadd.s32 $0xFFFFC000  }
0x2b: {  	[spmem:s6] =	stream.linear.scatter [tilespmem:s17], [sflag:$0x1], $0x4000, $0x38;
	[tilespmem:$0x1A400] =	vst v63  }
0x2c: {  	_ =	swait.ge [sflag:s16], $0x4000  }
0x2d: {  	[sflag:s16] =	ssyncset.done $0x0  }
0x2e: {  	[sflag:s16] =	ssyncadd.s32 $0xFFFFC000  }
0x2f: {  	[spmem:s7] =	stream.linear.scatter [tilespmem:s17], [sflag:$0x1], $0x4000, $0x38;
	[tilespmem:$0x1A400] =	vst v63  }
0x30: {  	_ =	swait.ge [sflag:s16], $0x4000  }
0x31: {  	[sflag:s16] =	ssyncset.done $0x0  }
0x32: {  	[sflag:s16] =	ssyncadd.s32 $0xFFFFC000  }
0x33: {  	[spmem:s8] =	stream.linear.scatter [tilespmem:s17], [sflag:$0x1], $0x4000, $0x38;
	[tilespmem:$0x1A400] =	vst v63  }
0x34: {  	_ =	swait.ge [sflag:s16], $0x4000  }
0x35: {  	[sflag:s16] =	ssyncset.done $0x0  }
0x36: {  	[sflag:s16] =	ssyncadd.s32 $0xFFFFC000  }
0x37: {  	[spmem:s9] =	stream.linear.scatter [tilespmem:s17], [sflag:$0x1], $0x3C00, $0x38;
	[tilespmem:$0x1A400] =	vst v63  }
0x38: {  	_ =	swait.ge [sflag:s16], $0x3C00  }
0x39: {  	[sflag:s16] =	ssyncset.done $0x0  }
0x3a: {  	s20 =	simm.s32 $0x0;
	s21 =	simm.s32 $0x200;
	[sflag:s16] =	ssyncadd.s32 $0xFFFFC400  }
.LBB2_4:
0x3b: {  	p0 =	sne.s32 s21, $0xFE00;
	[tilespmem:s20+$0x2870] =	vst v1  }
0x3c: {  	[tilespmem:s20+$0x2800] =	vst v1  }
0x3d: {  	[tilespmem:s20+$0x2810] =	vst v1  }
.Ltmp1:
0x3e: {  	[tilespmem:s20+$0x2820] =	vst v1;
	(pc) =	sbr.rel @p0 .LBB2_4-.Ltmp1, $4  }
0x3f: {  	[tilespmem:s20+$0x2830] =	vst v1  }
0x40: {  	[tilespmem:s20+$0x2840] =	vst v1  }
0x41: {  	[tilespmem:s20+$0x2850] =	vst v1  }
0x42: {  	[tilespmem:s20+$0x2860] =	vst v1;
	s20 =	sshra.s32 s21, $0x2;
	s21 =	sadd.s32 $0x200, s21  }
0x43: {  	[tilespmem:s20+$0x2870] =	vst v1  }
0x44: {  	[tilespmem:s20+$0x2800] =	vst v1  }
0x45: {  	[tilespmem:s20+$0x2810] =	vst v1  }
0x46: {  	[tilespmem:s20+$0x2820] =	vst v1  }
0x47: {  	[tilespmem:s20+$0x2830] =	vst v1  }
0x48: {  	[tilespmem:s20+$0x2840] =	vst v1  }
0x49: {  	[tilespmem:s20+$0x2850] =	vst v1  }
0x4a: {  	[tilespmem:s20+$0x2860] =	vst v1  }
0x4b: {  	s31 =	simm.s32 $0x0;
	[bflag:$0x0] =	sbarrier.arrive $0xFFFF  }
0x4c: {  	[spmem:s2] =	stream.indirect.scatter.add.f32 [tilespmem:s17], [sflag:$0x1], $0x80, s31, s18, $0xb8;
	[tilespmem:$0x1A400] =	vst v63  }
0x4d: {  	_ =	swait.ge [sflag:s16], $0x4000  }
0x4e: {  	s20 =	simm.s32 $0x200;
	[sflag:s16] =	ssyncset.done $0x0  }
.LBB2_6:
0x4f: {  	s21 =	sshra.s32 s20, $0x2;
	[sflag:s16] =	ssyncadd.s32 $0xFFFFC000;
	p0 =	sne.s32 s20, $0x9C00  }
0x50: {  	[spmem:s2] =	stream.indirect.scatter.add.f32 [tilespmem:s17], [sflag:$0x1], $0x80, s21, s18, $0xb8;
	[tilespmem:$0x1A400] =	vst v63  }
.Ltmp2:
0x51: {  	_ = 	snop;
	(pc) =	sbr.rel @p0 .LBB2_6-.Ltmp2, $4  }
0x52: {  	_ = 	snop  }
0x53: {  	s20 =	sadd.s32 $0x200, s20  }
0x54: {  	_ =	swait.ge [sflag:s16], $0x4000  }
0x55: {  	[sflag:s16] =	ssyncset.done $0x0  }
0x56: {  	[sflag:s16] =	ssyncadd.s32 $0xFFFFC000  }
0x57: {  	[bflag:$0x0] =	sbarrier.arrive $0xFFFF  }
0x58: {  	[tilespmem:s17], [sflag:$0x1] =	stream.linear.gather [spmem:s5], $0x4000, $0x38;
	[tilespmem:$0x1A400] =	vst v63  }
0x59: {  	_ =	swait.ge [sflag:s16], $0x4000  }
0x5a: {  	[sflag:s16] =	ssyncset.done $0x0  }
0x5b: {  	[sflag:s16] =	ssyncadd.s32 $0xFFFFC000  }
0x5c: {  	[hbm4b:s10+s3] =	stream.linear.scatter [tilespmem:s17], [sflag:$0x1], $0x4000, $0x38;
	[tilespmem:$0x1A400] =	vst v63  }
0x5d: {  	_ =	swait.ge [sflag:s16], $0x4000  }
0x5e: {  	[sflag:s16] =	ssyncset.done $0x0  }
0x5f: {  	[sflag:s16] =	ssyncadd.s32 $0xFFFFC000  }
0x60: {  	[tilespmem:s17], [sflag:$0x1] =	stream.linear.gather [spmem:s6], $0x4000, $0x38;
	[tilespmem:$0x1A400] =	vst v63  }
0x61: {  	_ =	swait.ge [sflag:s16], $0x4000  }
0x62: {  	[sflag:s16] =	ssyncset.done $0x0  }
0x63: {  	[sflag:s16] =	ssyncadd.s32 $0xFFFFC000  }
0x64: {  	[hbm4b:s11+s3] =	stream.linear.scatter [tilespmem:s17], [sflag:$0x1], $0x4000, $0x38;
	[tilespmem:$0x1A400] =	vst v63  }
0x65: {  	_ =	swait.ge [sflag:s16], $0x4000  }
0x66: {  	[sflag:s16] =	ssyncset.done $0x0  }
0x67: {  	[sflag:s16] =	ssyncadd.s32 $0xFFFFC000  }
0x68: {  	[tilespmem:s17], [sflag:$0x1] =	stream.linear.gather [spmem:s7], $0x4000, $0x38;
	[tilespmem:$0x1A400] =	vst v63  }
0x69: {  	_ =	swait.ge [sflag:s16], $0x4000  }
0x6a: {  	[sflag:s16] =	ssyncset.done $0x0  }
0x6b: {  	[sflag:s16] =	ssyncadd.s32 $0xFFFFC000  }
0x6c: {  	[hbm4b:s12+s3] =	stream.linear.scatter [tilespmem:s17], [sflag:$0x1], $0x4000, $0x38;
	[tilespmem:$0x1A400] =	vst v63  }
0x6d: {  	_ =	swait.ge [sflag:s16], $0x4000  }
0x6e: {  	[sflag:s16] =	ssyncset.done $0x0  }
0x6f: {  	[sflag:s16] =	ssyncadd.s32 $0xFFFFC000  }
0x70: {  	[tilespmem:s17], [sflag:$0x1] =	stream.linear.gather [spmem:s8], $0x4000, $0x38;
	[tilespmem:$0x1A400] =	vst v63  }
0x71: {  	_ =	swait.ge [sflag:s16], $0x4000  }
0x72: {  	[sflag:s16] =	ssyncset.done $0x0  }
0x73: {  	[sflag:s16] =	ssyncadd.s32 $0xFFFFC000  }
0x74: {  	[hbm4b:s13+s3] =	stream.linear.scatter [tilespmem:s17], [sflag:$0x1], $0x4000, $0x38;
	[tilespmem:$0x1A400] =	vst v63  }
0x75: {  	_ =	swait.ge [sflag:s16], $0x4000  }
0x76: {  	[sflag:s16] =	ssyncset.done $0x0  }
0x77: {  	[sflag:s16] =	ssyncadd.s32 $0xFFFFC000  }
0x78: {  	[tilespmem:s17], [sflag:$0x1] =	stream.linear.gather [spmem:s9], $0x3C00, $0x38;
	[tilespmem:$0x1A400] =	vst v63  }
0x79: {  	s19 =	sadd.s32 $0x1, s19;
	_ =	swait.ge [sflag:s16], $0x3C00  }
0x7a: {  	p0 =	sne.s32 s19, s15;
	[sflag:s16] =	ssyncset.done $0x0  }
.Ltmp3:
0x7b: {  	[sflag:s16] =	ssyncadd.s32 $0xFFFFC400;
	(pc) =	sbr.rel @p0 .LBB2_1-.Ltmp3, $4  }
0x7c: {  	[hbm4b:s14+s3] =	stream.linear.scatter [tilespmem:s17], [sflag:$0x1], $0x3C00, $0x38;
	[tilespmem:$0x1A400] =	vst v63  }
0x7d: {  	_ =	swait.ge [sflag:s16], $0x3C00  }
0x7e: {  	[sflag:s16] =	ssyncset.done $0x0  }
0x7f: {  	[sflag:s16] =	ssyncadd.s32 $0xFFFFC400  }
0x80: {  	_ =	sfence.sel $0x180000  }
0x81: {  	[bflag:$0x0] =	sbarrier.arrive $0xFFFF  }
0x82: {  	p0 =	sne.s32 s1, $0x0;
	_ =	strace $0x9000004A  }
0x83: {  	s0 =	sadd.s32 @!p0 $0x100000, s0;
	[bflag:$0x2] =	sbarrier.arrive $0xFFFF  }
0x84: {  	[sflag:s0] =	ssyncadd.tile.s32 @!p0 $0x1;
	_ =	shalt  }
.Lfunc_end2:
_tile_overlayer_lowered:
.L_overlay_start_2:
0x85: {  	(tag) =	ssettag $0x2  }
0x86: {  	s0 =	rddreg [dreg:$0x0];
	s2 =	stileid.u32  }
0x87: {  	s1 =	rddreg [dreg:$0x1];
	p0 =	sne.s32 s2, $0x0  }
0x88: {  	s3 =	rddreg [dreg:$0x2];
	[bflag:$0x3] =	sbarrier.arrive $0xFFFF;
	s2 =	simm.s32 @!p0 $0x1C01  }
0x89: {  	[timem:s3], [sflag:s2] =	dma.local @!p0 [hbm:s0], s1  }
0x8a: {  	s0 =	simm.s32 @!p0 $0x1  }
0x8b: {  	_ =	swait.ge @!p0 [sflag:s0], s1  }
0x8c: {  	s1 =	ssub.s32 @!p0 $0x0, s1;
	[sflag:s0] =	ssyncset.done @!p0 $0x0  }
0x8d: {  	[sflag:s0] =	ssyncadd.s32 @!p0 s1  }
0x8e: {  	[bflag:$0x3] =	sbarrier.arrive $0xFFFF  }
0x8f: {  	_ =	shalt  }

</sc_bundles>
